<compile_context>
chip_gen: v7x
topology: tpu7x:2x2x1
jax: 0.10.2.dev20260603
libtpu: 0.0.44.dev20260713+nightly
codegen_flags: <defaults>
</compile_context>

<pallas_src>
import functools

import jax
import jax.numpy as jnp
from jax import lax
from jax.experimental import pallas as pl
from jax.experimental.pallas import tpu as pltpu
from jax.experimental.pallas import tpu_sc as plsc

N = 10000
E = 320000
FIN = 128
HID = 128
OUT = 64

NC = 2
NS = 16
NW = NC * NS
CHUNK = 128
EDGES_PER_TILE = E // NW
NCHUNK = 80
EP_TILE = NCHUNK * CHUNK
EP = EP_TILE * NW
NPAD = 10112
ROWS_PER_TILE = NPAD // NS


def _sc_mesh():
    return plsc.VectorSubcoreMesh(
        core_axis_name="c", subcore_axis_name="s", num_cores=NC, num_subcores=NS)



def _deg_body(cx_hbm, cy_hbm, ones_hbm, zeros_hbm, out_hbm, idx_v, ones_v, acc, sem):
    c = lax.axis_index("c")
    s = lax.axis_index("s")
    wid = c * NS + s

    @pl.when(s == 0)
    def _zero():
        pltpu.sync_copy(zeros_hbm, acc)

    pltpu.sync_copy(ones_hbm, ones_v)
    plsc.subcore_barrier()
    for col_hbm in (cx_hbm, cy_hbm):
        pltpu.sync_copy(col_hbm.at[wid], idx_v)

        def fire(j, carry):
            pltpu.async_copy(ones_v, acc.at[idx_v.at[j]], sem, add=True)
            return carry

        lax.fori_loop(0, NCHUNK, fire, 0)

        def drain(j, carry):
            pltpu.make_async_copy(ones_v, acc.at[idx_v.at[0]], sem).wait()
            return carry

        lax.fori_loop(0, NCHUNK, drain, 0)
    plsc.subcore_barrier()

    @pl.when(s == 0)
    def _out():
        pltpu.sync_copy(acc, out_hbm.at[c, 0])


def _sc_degrees(cx, cy, ones, zeros):
    return pl.kernel(
        _deg_body,
        out_type=jax.ShapeDtypeStruct((NC, 1, 2 * NPAD), jnp.float32),
        mesh=_sc_mesh(),
        scratch_types=[
            pltpu.VMEM((NCHUNK, CHUNK), jnp.int32),
            pltpu.VMEM((CHUNK,), jnp.float32),
            pltpu.VMEM_SHARED((2 * NPAD,), jnp.float32),
            pltpu.SemaphoreType.DMA,
        ],
    )(cx, cy, ones, zeros)


GCH = 16
NGRP = NCHUNK // GCH


def _scatter_body(d, u_hbm, row_hbm, col_hbm, zeros_hbm, out_hbm,
                  rslot, cidx, buf, acc, gsem0, gsem1, rsem):
    c = lax.axis_index("c")
    s = lax.axis_index("s")
    wid = c * NS + s
    pltpu.sync_copy(zeros_hbm.at[pl.ds(s * ROWS_PER_TILE, ROWS_PER_TILE)],
                    acc.at[pl.ds(s * ROWS_PER_TILE, ROWS_PER_TILE)])
    pltpu.sync_copy(col_hbm.at[wid], cidx)
    pltpu.sync_copy(row_hbm.at[wid, pl.ds(0, GCH)], rslot.at[0])
    plsc.subcore_barrier()

    gsems = (gsem0, gsem1)

    def grp(g, carry):
        @pl.when(g > 0)
        def _wait_idx():
            pltpu.make_async_copy(row_hbm.at[wid, pl.ds(0, GCH)],
                                  rslot.at[0], rsem).wait()

        @pl.when(g < NGRP - 1)
        def _fetch_idx():
            pltpu.async_copy(row_hbm.at[wid, pl.ds((g + 1) * GCH, GCH)],
                             rslot.at[(g + 1) % 2], rsem)

        sg = g % 2
        pltpu.async_copy(u_hbm.at[rslot.at[sg, 0]], buf.at[0], gsem0)
        pltpu.async_copy(u_hbm.at[rslot.at[sg, 1]], buf.at[1], gsem1)

        def pair(p, c2):
            for b in (0, 1):
                k = 2 * p + b
                jj = g * GCH + k
                pltpu.make_async_copy(u_hbm.at[rslot.at[0, 0]],
                                      buf.at[b], gsems[b]).wait()
                pltpu.sync_copy(buf.at[b], acc.at[cidx.at[jj]], add=True)

                @pl.when(k < GCH - 2)
                def _nx():
                    pltpu.async_copy(u_hbm.at[rslot.at[sg, k + 2]],
                                     buf.at[b], gsems[b])

            return c2

        lax.fori_loop(0, GCH // 2, pair, 0)
        return carry

    lax.fori_loop(0, NGRP, grp, 0)
    plsc.subcore_barrier()
    pltpu.sync_copy(acc.at[pl.ds(s * ROWS_PER_TILE, ROWS_PER_TILE)],
                    out_hbm.at[c, pl.ds(s * ROWS_PER_TILE, ROWS_PER_TILE)])


def _sc_scatter(u, rowi, coli, zeros, d):
    return pl.kernel(
        functools.partial(_scatter_body, d),
        out_type=jax.ShapeDtypeStruct((NC, NPAD, d), jnp.float32),
        mesh=_sc_mesh(),
        scratch_types=[
            pltpu.VMEM((2, GCH, CHUNK), jnp.int32),
            pltpu.VMEM((NCHUNK, CHUNK), jnp.int32),
            pltpu.VMEM((2, CHUNK, d), jnp.float32),
            pltpu.VMEM_SHARED((NPAD, d), jnp.float32),
            pltpu.SemaphoreType.DMA,
            pltpu.SemaphoreType.DMA,
            pltpu.SemaphoreType.DMA,
        ],
    )(u, rowi, coli, zeros)



BLK = 1000


def _dinv_kernel(deg_ref, o_ref):
    d = deg_ref[0, :] + deg_ref[1, :] + 1.0
    o_ref[0, :] = lax.rsqrt(d)


def _tc_dinv(degs):
    return pl.pallas_call(
        _dinv_kernel,
        out_shape=jax.ShapeDtypeStruct((1, 2 * NPAD), jnp.float32),
    )(degs)


def _first_kernel(x_ref, w_ref, dv_ref, o_ref):
    h = jnp.dot(x_ref[...], w_ref[...], preferred_element_type=jnp.float32)
    o_ref[...] = h * dv_ref[...]


def _tc_first(x, W, dv):
    m = x.shape[1]
    k = W.shape[1]
    return pl.pallas_call(
        _first_kernel,
        grid=(N // BLK,),
        in_specs=[
            pl.BlockSpec((BLK, m), lambda i: (i, 0)),
            pl.BlockSpec((m, k), lambda i: (0, 0)),
            pl.BlockSpec((BLK, 1), lambda i: (i, 0)),
        ],
        out_specs=pl.BlockSpec((BLK, k), lambda i: (i, 0)),
        out_shape=jax.ShapeDtypeStruct((N, k), jnp.float32),
    )(x, W, dv)


def _mid_kernel(p0_ref, p1_ref, u_ref, dv_ref, b_ref, w_ref, o_ref):
    z = (p0_ref[...] + p1_ref[...] + u_ref[...]) * dv_ref[...] + b_ref[...]
    a = jnp.maximum(z, 0.0)
    o_ref[...] = jnp.dot(a, w_ref[...], preferred_element_type=jnp.float32) * dv_ref[...]


def _tc_mid(p0, p1, u, dv, b, W):
    m = u.shape[1]
    k = W.shape[1]
    return pl.pallas_call(
        _mid_kernel,
        grid=(N // BLK,),
        in_specs=[
            pl.BlockSpec((BLK, m), lambda i: (i, 0)),
            pl.BlockSpec((BLK, m), lambda i: (i, 0)),
            pl.BlockSpec((BLK, m), lambda i: (i, 0)),
            pl.BlockSpec((BLK, 1), lambda i: (i, 0)),
            pl.BlockSpec((1, m), lambda i: (0, 0)),
            pl.BlockSpec((m, k), lambda i: (0, 0)),
        ],
        out_specs=pl.BlockSpec((BLK, k), lambda i: (i, 0)),
        out_shape=jax.ShapeDtypeStruct((N, k), jnp.float32),
    )(p0, p1, u, dv, b, W)


def _last_kernel(p0_ref, p1_ref, u_ref, dv_ref, b_ref, o_ref):
    o_ref[...] = (p0_ref[...] + p1_ref[...] + u_ref[...]) * dv_ref[...] + b_ref[...]


def _tc_last(p0, p1, u, dv, b):
    m = u.shape[1]
    return pl.pallas_call(
        _last_kernel,
        grid=(N // BLK,),
        in_specs=[
            pl.BlockSpec((BLK, m), lambda i: (i, 0)),
            pl.BlockSpec((BLK, m), lambda i: (i, 0)),
            pl.BlockSpec((BLK, m), lambda i: (i, 0)),
            pl.BlockSpec((BLK, 1), lambda i: (i, 0)),
            pl.BlockSpec((1, m), lambda i: (0, 0)),
        ],
        out_specs=pl.BlockSpec((BLK, m), lambda i: (i, 0)),
        out_shape=jax.ShapeDtypeStruct((N, m), jnp.float32),
    )(p0, p1, u, dv, b)



def _pad_edges(edge_index):
    per = E // NW
    padn = EP_TILE - per
    row = edge_index[0].reshape(NW, per)
    col = edge_index[1].reshape(NW, per)
    prow = jnp.broadcast_to(jnp.arange(padn, dtype=jnp.int32) % CHUNK, (NW, padn))
    pcol = jnp.broadcast_to(
        N + (jnp.arange(padn, dtype=jnp.int32) % (NPAD - N)), (NW, padn))
    rowp = jnp.concatenate([row, prow], axis=1).reshape(NW, NCHUNK, CHUNK)
    colp = jnp.concatenate([col, pcol], axis=1).reshape(NW, NCHUNK, CHUNK)
    return rowp, colp


def _two_branches(x, rx, cx, dvx, Wx, y, ry, cy, dvy, Wy, z128):
    (W1x, b1x, W2x, b2x, W3x, b3x) = Wx
    (W1y, b1y, W2y, b2y, W3y, b3y) = Wy
    W3xp = jnp.pad(W3x, ((0, 0), (0, HID - OUT)))
    b3xp = jnp.pad(b3x, (0, HID - OUT)).reshape(1, HID)
    W3yp = jnp.pad(W3y, ((0, 0), (0, HID - OUT)))
    b3yp = jnp.pad(b3y, (0, HID - OUT)).reshape(1, HID)

    u1x = _tc_first(x, W1x, dvx)
    S1x = _sc_scatter(u1x, rx, cx, z128, HID)
    u1y = _tc_first(y, W1y, dvy)
    S1y = _sc_scatter(u1y, ry, cy, z128, HID)
    u2x = _tc_mid(S1x[0, :N], S1x[1, :N], u1x, dvx, b1x.reshape(1, HID), W2x)
    S2x = _sc_scatter(u2x, rx, cx, z128, HID)
    u2y = _tc_mid(S1y[0, :N], S1y[1, :N], u1y, dvy, b1y.reshape(1, HID), W2y)
    S2y = _sc_scatter(u2y, ry, cy, z128, HID)
    u3x = _tc_mid(S2x[0, :N], S2x[1, :N], u2x, dvx, b2x.reshape(1, HID), W3xp)
    S3x = _sc_scatter(u3x, rx, cx, z128, HID)
    u3y = _tc_mid(S2y[0, :N], S2y[1, :N], u2y, dvy, b2y.reshape(1, HID), W3yp)
    S3y = _sc_scatter(u3y, ry, cy, z128, HID)
    xo = _tc_last(S3x[0, :N], S3x[1, :N], u3x, dvx, b3xp)
    yo = _tc_last(S3y[0, :N], S3y[1, :N], u3y, dvy, b3yp)
    return xo[:, :OUT], yo[:, :OUT]


def kernel(x_data_matrix, y_data_matrix, x_edge_index, y_edge_index,
           W1x, b1x, W2x, b2x, W3x, b3x,
           W1y, b1y, W2y, b2y, W3y, b3y):
    rx, cx = _pad_edges(x_edge_index)
    ry, cy = _pad_edges(y_edge_index)
    ones = jnp.ones((CHUNK,), jnp.float32)
    z2n = jnp.zeros((2 * NPAD,), jnp.float32)
    z128 = jnp.zeros((NPAD, HID), jnp.float32)

    degs = _sc_degrees(cx, cy + NPAD, ones, z2n).reshape(NC, 2 * NPAD)
    dinv = _tc_dinv(degs)[0]
    dvx = dinv[:N].reshape(N, 1)
    dvy = dinv[NPAD:NPAD + N].reshape(N, 1)

    xo, yo = _two_branches(
        x_data_matrix, rx, cx, dvx, (W1x, b1x, W2x, b2x, W3x, b3x),
        y_data_matrix, ry, cy, dvy, (W1y, b1y, W2y, b2y, W3y, b3y), z128)
    return (xo, yo)

# --- scband reference (transcript-rebuilt; emitter-appended) ---
"""Pipeline reference for scband-encoder-gcn3-75265006895440 (READ-ONLY COPY).

The authoritative reference and input builder live on the scoring server;
editing this copy changes nothing except your own understanding.
"""

import jax, jax.numpy as jnp
import numpy as np

N = 10000
E = 320000
FIN = 128
HID = 128
OUT = 64


def gcn_conv(x, edge_index, W, b):
    n = x.shape[0]
    loops = jnp.arange(n, dtype=edge_index.dtype)
    row = jnp.concatenate([edge_index[0], loops])
    col = jnp.concatenate([edge_index[1], loops])
    deg = jnp.zeros((n,), dtype=x.dtype).at[col].add(1.0)
    dinv = jnp.where(deg > 0, 1.0 / jnp.sqrt(deg), 0.0)
    norm = dinv[row] * dinv[col]
    h = x @ W
    msg = h[row] * norm[:, None]
    out = jnp.zeros((n, W.shape[1]), dtype=x.dtype).at[col].add(msg)
    return out + b


def setup_inputs(seed: int = 0):
    key = jax.random.key(seed)
    ks = jax.random.split(key, 20)
    d = {}
    d['x_data_matrix'] = jax.random.normal(ks[0], (N, FIN), dtype=jnp.float32)
    d['y_data_matrix'] = jax.random.normal(ks[1], (N, FIN), dtype=jnp.float32)
    d['x_edge_index'] = jax.random.randint(ks[2], (2, E), 0, N, dtype=jnp.int32)
    d['y_edge_index'] = jax.random.randint(ks[3], (2, E), 0, N, dtype=jnp.int32)
    d['W1x'] = jax.random.normal(ks[4], (FIN, HID), dtype=jnp.float32) * 0.05
    d['b1x'] = jnp.zeros((HID,), dtype=jnp.float32)
    d['W2x'] = jax.random.normal(ks[5], (HID, HID), dtype=jnp.float32) * 0.05
    d['b2x'] = jnp.zeros((HID,), dtype=jnp.float32)
    d['W3x'] = jax.random.normal(ks[6], (HID, OUT), dtype=jnp.float32) * 0.05
    d['b3x'] = jnp.zeros((OUT,), dtype=jnp.float32)
    d['W1y'] = jax.random.normal(ks[7], (FIN, HID), dtype=jnp.float32) * 0.05
    d['b1y'] = jnp.zeros((HID,), dtype=jnp.float32)
    d['W2y'] = jax.random.normal(ks[8], (HID, HID), dtype=jnp.float32) * 0.05
    d['b2y'] = jnp.zeros((HID,), dtype=jnp.float32)
    d['W3y'] = jax.random.normal(ks[9], (HID, OUT), dtype=jnp.float32) * 0.05
    d['b3y'] = jnp.zeros((OUT,), dtype=jnp.float32)
    return d


def reference(x_data_matrix, y_data_matrix, x_edge_index, y_edge_index,
              W1x, b1x, W2x, b2x, W3x, b3x,
              W1y, b1y, W2y, b2y, W3y, b3y):
    # x / LNC branch (dropout is identity at inference)
    h = jax.nn.relu(gcn_conv(x_data_matrix, x_edge_index, W1x, b1x))
    h = jax.nn.relu(gcn_conv(h, x_edge_index, W2x, b2x))
    xo = gcn_conv(h, x_edge_index, W3x, b3x)
    # y / PCG branch
    g = jax.nn.relu(gcn_conv(y_data_matrix, y_edge_index, W1y, b1y))
    g = jax.nn.relu(gcn_conv(g, y_edge_index, W2y, b2y))
    yo = gcn_conv(g, y_edge_index, W3y, b3y)
    return (xo, yo)

if __name__ == "__main__":
    import jax
    _d = setup_inputs()
    print(jax.jit(kernel)(*tuple(_d.values())))

</pallas_src>

<mosaic_0001>
#map = affine_map<(d0, d1) -> (0, 0)>
#map1 = affine_map<(d0, d1) -> (0, 0, 0)>
module attributes {stable_mosaic.version = 14 : i64} {
  func.func @_scatter_body(%arg0: i32, %arg1: i32, %arg2: memref<10000x128xf32, #tpu.memory_space<hbm>>, %arg3: memref<32x80x128xi32, #tpu.memory_space<hbm>>, %arg4: memref<32x80x128xi32, #tpu.memory_space<hbm>>, %arg5: memref<10112x128xf32, #tpu.memory_space<hbm>>, %arg6: memref<2x10112x128xf32, #tpu.memory_space<hbm>>, %arg7: memref<2x16x128xi32, #tpu.memory_space<vmem>>, %arg8: memref<80x128xi32, #tpu.memory_space<vmem>>, %arg9: memref<2x128x128xf32, #tpu.memory_space<vmem>>, %arg10: memref<10112x128xf32, #tpu.memory_space<vmem_shared>>, %arg11: memref<!tpu.dma_semaphore, #tpu.memory_space<semaphore_mem>>, %arg12: memref<!tpu.dma_semaphore, #tpu.memory_space<semaphore_mem>>, %arg13: memref<!tpu.dma_semaphore, #tpu.memory_space<semaphore_mem>>) attributes {dimension_semantics = [#tpu.dimension_semantics<core_parallel>, #tpu.dimension_semantics<subcore_parallel>], iteration_bounds = array<i64: 2, 16>, scalar_prefetch = 0 : i64, scratch_operands = 7 : i64, tpu.core_type = #tpu.core_type<sc_vector_subcore>, window_params = [{transform_indices = #map}, {transform_indices = #map1}, {transform_indices = #map1}, {transform_indices = #map}, {transform_indices = #map1}]} {
    %mul3A = arith.constant 16 : i32
    %mul3A_0 = arith.muli %arg0, %mul3A : i32
    %add3A = arith.addi %mul3A_0, %arg1 : i32
    %mul3A_1 = arith.constant 632 : i32
    %mul3A_2 = arith.muli %arg1, %mul3A_1 : i32
    %mul3A_3 = arith.constant 632 : i32
    %mul3A_4 = arith.muli %arg1, %mul3A_3 : i32
    "tpu.region"() ({
      %run_scoped3A_15 = tpu.sem_alloc : memref<!tpu.dma_semaphore, #tpu.memory_space<semaphore_mem>>
      %dma_start3A = arith.constant 0 : i32
      %dma_start3A_16 = tpu.memref_slice %arg10[%mul3A_4, %dma_start3A] : memref<10112x128xf32, #tpu.memory_space<vmem_shared>> -> memref<632x128xf32, #tpu.memory_space<vmem_shared>>
      %dma_start3A_17 = arith.constant 0 : i32
      %dma_start3A_18 = tpu.memref_slice %arg5[%mul3A_2, %dma_start3A_17] : memref<10112x128xf32, #tpu.memory_space<hbm>> -> memref<632x128xf32, #tpu.memory_space<hbm>>
      tpu.enqueue_dma source(%dma_start3A_18 : memref<632x128xf32, #tpu.memory_space<hbm>>) target(%dma_start3A_16 : memref<632x128xf32, #tpu.memory_space<vmem_shared>>) target_semaphore(%run_scoped3A_15 : memref<!tpu.dma_semaphore, #tpu.memory_space<semaphore_mem>>)
      %dma_wait3A = arith.constant 0 : i32
      %dma_wait3A_19 = tpu.memref_slice %arg10[%mul3A_4, %dma_wait3A] : memref<10112x128xf32, #tpu.memory_space<vmem_shared>> -> memref<632x128xf32, #tpu.memory_space<vmem_shared>>
      %dma_wait3A_20 = arith.constant 0 : i32
      %dma_wait3A_21 = tpu.memref_slice %arg5[%mul3A_2, %dma_wait3A_20] : memref<10112x128xf32, #tpu.memory_space<hbm>> -> memref<632x128xf32, #tpu.memory_space<hbm>>
      tpu.wait_dma2 semaphore(%run_scoped3A_15 : memref<!tpu.dma_semaphore, #tpu.memory_space<semaphore_mem>>) src(%dma_wait3A_21 : memref<632x128xf32, #tpu.memory_space<hbm>>) dst(%dma_wait3A_19 : memref<632x128xf32, #tpu.memory_space<vmem_shared>>)
      tpu.yield
    }) : () -> ()
    "tpu.region"() ({
      %run_scoped3A_15 = tpu.sem_alloc : memref<!tpu.dma_semaphore, #tpu.memory_space<semaphore_mem>>
      %dma_start3A = arith.constant 0 : i32
      %dma_start3A_16 = arith.constant 0 : i32
      %dma_start3A_17 = tpu.memref_slice %arg4[%add3A, %dma_start3A, %dma_start3A_16] : memref<32x80x128xi32, #tpu.memory_space<hbm>> -> memref<1x80x128xi32, #tpu.memory_space<hbm>>
      %dma_start3A_18 = tpu.memref_squeeze %dma_start3A_17 : memref<1x80x128xi32, #tpu.memory_space<hbm>> -> memref<80x128xi32, #tpu.memory_space<hbm>>
      %dma_start3A_19 = arith.constant 0 : i32
      %dma_start3A_20 = arith.constant 0 : i32
      %dma_start3A_21 = tpu.memref_slice %arg4[%add3A, %dma_start3A_19, %dma_start3A_20] : memref<32x80x128xi32, #tpu.memory_space<hbm>> -> memref<1x80x128xi32, #tpu.memory_space<hbm>>
      %dma_start3A_22 = tpu.memref_squeeze %dma_start3A_21 : memref<1x80x128xi32, #tpu.memory_space<hbm>> -> memref<80x128xi32, #tpu.memory_space<hbm>>
      tpu.enqueue_dma source(%dma_start3A_22 : memref<80x128xi32, #tpu.memory_space<hbm>>) target(%arg8 : memref<80x128xi32, #tpu.memory_space<vmem>>) target_semaphore(%run_scoped3A_15 : memref<!tpu.dma_semaphore, #tpu.memory_space<semaphore_mem>>)
      %dma_wait3A = arith.constant 0 : i32
      %dma_wait3A_23 = arith.constant 0 : i32
      %dma_wait3A_24 = tpu.memref_slice %arg4[%add3A, %dma_wait3A, %dma_wait3A_23] : memref<32x80x128xi32, #tpu.memory_space<hbm>> -> memref<1x80x128xi32, #tpu.memory_space<hbm>>
      %dma_wait3A_25 = tpu.memref_squeeze %dma_wait3A_24 : memref<1x80x128xi32, #tpu.memory_space<hbm>> -> memref<80x128xi32, #tpu.memory_space<hbm>>
      %dma_wait3A_26 = arith.constant 0 : i32
      %dma_wait3A_27 = arith.constant 0 : i32
      %dma_wait3A_28 = tpu.memref_slice %arg4[%add3A, %dma_wait3A_26, %dma_wait3A_27] : memref<32x80x128xi32, #tpu.memory_space<hbm>> -> memref<1x80x128xi32, #tpu.memory_space<hbm>>
      %dma_wait3A_29 = tpu.memref_squeeze %dma_wait3A_28 : memref<1x80x128xi32, #tpu.memory_space<hbm>> -> memref<80x128xi32, #tpu.memory_space<hbm>>
      tpu.wait_dma2 semaphore(%run_scoped3A_15 : memref<!tpu.dma_semaphore, #tpu.memory_space<semaphore_mem>>) src(%dma_wait3A_29 : memref<80x128xi32, #tpu.memory_space<hbm>>) dst(%arg8 : memref<80x128xi32, #tpu.memory_space<vmem>>)
      tpu.yield
    }) : () -> ()
    %run_scoped3A = arith.constant 0 : i32
    "tpu.region"() ({
      %run_scoped3A_15 = tpu.sem_alloc : memref<!tpu.dma_semaphore, #tpu.memory_space<semaphore_mem>>
      %dma_start3A = arith.constant 0 : i32
      %dma_start3A_16 = arith.constant 0 : i32
      %dma_start3A_17 = tpu.memref_slice %arg7[%run_scoped3A, %dma_start3A, %dma_start3A_16] : memref<2x16x128xi32, #tpu.memory_space<vmem>> -> memref<1x16x128xi32, #tpu.memory_space<vmem>>
      %dma_start3A_18 = tpu.memref_squeeze %dma_start3A_17 : memref<1x16x128xi32, #tpu.memory_space<vmem>> -> memref<16x128xi32, #tpu.memory_space<vmem>>
      %dma_start3A_19 = arith.constant 0 : i32
      %dma_start3A_20 = arith.constant 0 : i32
      %dma_start3A_21 = tpu.memref_slice %arg3[%add3A, %dma_start3A_19, %dma_start3A_20] : memref<32x80x128xi32, #tpu.memory_space<hbm>> -> memref<1x16x128xi32, #tpu.memory_space<hbm>>
      %dma_start3A_22 = tpu.memref_squeeze %dma_start3A_21 : memref<1x16x128xi32, #tpu.memory_space<hbm>> -> memref<16x128xi32, #tpu.memory_space<hbm>>
      %dma_start3A_23 = arith.constant 0 : i32
      %dma_start3A_24 = arith.constant 0 : i32
      %dma_start3A_25 = tpu.memref_slice %arg7[%run_scoped3A, %dma_start3A_23, %dma_start3A_24] : memref<2x16x128xi32, #tpu.memory_space<vmem>> -> memref<1x16x128xi32, #tpu.memory_space<vmem>>
      %dma_start3A_26 = tpu.memref_squeeze %dma_start3A_25 : memref<1x16x128xi32, #tpu.memory_space<vmem>> -> memref<16x128xi32, #tpu.memory_space<vmem>>
      %dma_start3A_27 = arith.constant 0 : i32
      %dma_start3A_28 = arith.constant 0 : i32
      %dma_start3A_29 = tpu.memref_slice %arg3[%add3A, %dma_start3A_27, %dma_start3A_28] : memref<32x80x128xi32, #tpu.memory_space<hbm>> -> memref<1x16x128xi32, #tpu.memory_space<hbm>>
      %dma_start3A_30 = tpu.memref_squeeze %dma_start3A_29 : memref<1x16x128xi32, #tpu.memory_space<hbm>> -> memref<16x128xi32, #tpu.memory_space<hbm>>
      tpu.enqueue_dma source(%dma_start3A_30 : memref<16x128xi32, #tpu.memory_space<hbm>>) target(%dma_start3A_26 : memref<16x128xi32, #tpu.memory_space<vmem>>) target_semaphore(%run_scoped3A_15 : memref<!tpu.dma_semaphore, #tpu.memory_space<semaphore_mem>>)
      %dma_wait3A = arith.constant 0 : i32
      %dma_wait3A_31 = arith.constant 0 : i32
      %dma_wait3A_32 = tpu.memref_slice %arg7[%run_scoped3A, %dma_wait3A, %dma_wait3A_31] : memref<2x16x128xi32, #tpu.memory_space<vmem>> -> memref<1x16x128xi32, #tpu.memory_space<vmem>>
      %dma_wait3A_33 = tpu.memref_squeeze %dma_wait3A_32 : memref<1x16x128xi32, #tpu.memory_space<vmem>> -> memref<16x128xi32, #tpu.memory_space<vmem>>
      %dma_wait3A_34 = arith.constant 0 : i32
      %dma_wait3A_35 = arith.constant 0 : i32
      %dma_wait3A_36 = tpu.memref_slice %arg3[%add3A, %dma_wait3A_34, %dma_wait3A_35] : memref<32x80x128xi32, #tpu.memory_space<hbm>> -> memref<1x16x128xi32, #tpu.memory_space<hbm>>
      %dma_wait3A_37 = tpu.memref_squeeze %dma_wait3A_36 : memref<1x16x128xi32, #tpu.memory_space<hbm>> -> memref<16x128xi32, #tpu.memory_space<hbm>>
      %dma_wait3A_38 = arith.constant 0 : i32
      %dma_wait3A_39 = arith.constant 0 : i32
      %dma_wait3A_40 = tpu.memref_slice %arg7[%run_scoped3A, %dma_wait3A_38, %dma_wait3A_39] : memref<2x16x128xi32, #tpu.memory_space<vmem>> -> memref<1x16x128xi32, #tpu.memory_space<vmem>>
      %dma_wait3A_41 = tpu.memref_squeeze %dma_wait3A_40 : memref<1x16x128xi32, #tpu.memory_space<vmem>> -> memref<16x128xi32, #tpu.memory_space<vmem>>
      %dma_wait3A_42 = arith.constant 0 : i32
      %dma_wait3A_43 = arith.constant 0 : i32
      %dma_wait3A_44 = tpu.memref_slice %arg3[%add3A, %dma_wait3A_42, %dma_wait3A_43] : memref<32x80x128xi32, #tpu.memory_space<hbm>> -> memref<1x16x128xi32, #tpu.memory_space<hbm>>
      %dma_wait3A_45 = tpu.memref_squeeze %dma_wait3A_44 : memref<1x16x128xi32, #tpu.memory_space<hbm>> -> memref<16x128xi32, #tpu.memory_space<hbm>>
      tpu.wait_dma2 semaphore(%run_scoped3A_15 : memref<!tpu.dma_semaphore, #tpu.memory_space<semaphore_mem>>) src(%dma_wait3A_45 : memref<16x128xi32, #tpu.memory_space<hbm>>) dst(%dma_wait3A_41 : memref<16x128xi32, #tpu.memory_space<vmem>>)
      tpu.yield
    }) : () -> ()
    %barrier3A = arith.constant 0 : index
    tpu.barrier barrier_id(%barrier3A)
    %scan3A = arith.constant 0 : i32
    %scan3A_5 = arith.constant 0 : i32
    %scan3A_6 = arith.constant 5 : i32
    %scan3A_7 = arith.addi %scan3A_5, %scan3A_6 : i32
    %scan3A_8 = arith.constant 1 : i32
    scf.for %scan3A_15 = %scan3A_5 to %scan3A_7 step %scan3A_8  : i32 {
      %gt3A = arith.constant 0 : i32
      %gt3A_16 = arith.cmpi sgt, %scan3A_15, %gt3A : i32
      %convert_element_type3A = arith.extui %gt3A_16 : i1 to i32
      %cond3A = arith.constant 0 : i32
      %cond3A_17 = arith.cmpi ne, %convert_element_type3A, %cond3A : i32
      scf.if %cond3A_17 {
        %dma_wait3A = arith.constant 0 : i32
        %dma_wait3A_61 = arith.constant 0 : i32
        %dma_wait3A_62 = arith.constant 0 : i32
        %dma_wait3A_63 = tpu.memref_slice %arg7[%dma_wait3A, %dma_wait3A_61, %dma_wait3A_62] : memref<2x16x128xi32, #tpu.memory_space<vmem>> -> memref<1x16x128xi32, #tpu.memory_space<vmem>>
        %dma_wait3A_64 = tpu.memref_squeeze %dma_wait3A_63 : memref<1x16x128xi32, #tpu.memory_space<vmem>> -> memref<16x128xi32, #tpu.memory_space<vmem>>
        %dma_wait3A_65 = arith.constant 0 : i32
        %dma_wait3A_66 = arith.constant 0 : i32
        %dma_wait3A_67 = tpu.memref_slice %arg3[%add3A, %dma_wait3A_65, %dma_wait3A_66] : memref<32x80x128xi32, #tpu.memory_space<hbm>> -> memref<1x16x128xi32, #tpu.memory_space<hbm>>
        %dma_wait3A_68 = tpu.memref_squeeze %dma_wait3A_67 : memref<1x16x128xi32, #tpu.memory_space<hbm>> -> memref<16x128xi32, #tpu.memory_space<hbm>>
        %dma_wait3A_69 = arith.constant 0 : i32
        %dma_wait3A_70 = arith.constant 0 : i32
        %dma_wait3A_71 = tpu.memref_slice %arg7[%dma_wait3A, %dma_wait3A_69, %dma_wait3A_70] : memref<2x16x128xi32, #tpu.memory_space<vmem>> -> memref<1x16x128xi32, #tpu.memory_space<vmem>>
        %dma_wait3A_72 = tpu.memref_squeeze %dma_wait3A_71 : memref<1x16x128xi32, #tpu.memory_space<vmem>> -> memref<16x128xi32, #tpu.memory_space<vmem>>
        %dma_wait3A_73 = arith.constant 0 : i32
        %dma_wait3A_74 = arith.constant 0 : i32
        %dma_wait3A_75 = tpu.memref_slice %arg3[%add3A, %dma_wait3A_73, %dma_wait3A_74] : memref<32x80x128xi32, #tpu.memory_space<hbm>> -> memref<1x16x128xi32, #tpu.memory_space<hbm>>
        %dma_wait3A_76 = tpu.memref_squeeze %dma_wait3A_75 : memref<1x16x128xi32, #tpu.memory_space<hbm>> -> memref<16x128xi32, #tpu.memory_space<hbm>>
        tpu.wait_dma2 semaphore(%arg13 : memref<!tpu.dma_semaphore, #tpu.memory_space<semaphore_mem>>) src(%dma_wait3A_76 : memref<16x128xi32, #tpu.memory_space<hbm>>) dst(%dma_wait3A_72 : memref<16x128xi32, #tpu.memory_space<vmem>>)
      } else {
      }
      %lt3A = arith.constant 4 : i32
      %lt3A_18 = arith.cmpi slt, %scan3A_15, %lt3A : i32
      %convert_element_type3A_19 = arith.extui %lt3A_18 : i1 to i32
      %cond3A_20 = arith.constant 0 : i32
      %cond3A_21 = arith.cmpi ne, %convert_element_type3A_19, %cond3A_20 : i32
      scf.if %cond3A_21 {
        %add3A_61 = arith.constant 1 : i32
        %add3A_62 = arith.addi %scan3A_15, %add3A_61 : i32
        %mul3A_63 = arith.constant 16 : i32
        %mul3A_64 = arith.muli %add3A_62, %mul3A_63 : i32
        %add3A_65 = arith.constant 1 : i32
        %add3A_66 = arith.addi %scan3A_15, %add3A_65 : i32
        %jit3A_67 = arith.constant 2 : i32
        %eq3A_68 = arith.constant 0 : i32
        %eq3A_69 = arith.cmpi eq, %jit3A_67, %eq3A_68 : i32
        %jit3A_70 = arith.constant 1 : i32
        %select_n3A_71 = arith.select %eq3A_69, %jit3A_70, %jit3A_67 : i32
        %rem3A_72 = arith.remsi %add3A_66, %select_n3A_71 : i32
        %ne3A_73 = arith.constant 0 : i32
        %ne3A_74 = arith.cmpi ne, %rem3A_72, %ne3A_73 : i32
        %lt3A_75 = arith.constant 0 : i32
        %lt3A_76 = arith.cmpi slt, %rem3A_72, %lt3A_75 : i32
        %lt3A_77 = arith.constant 0 : i32
        %lt3A_78 = arith.cmpi slt, %select_n3A_71, %lt3A_77 : i32
        %ne3A_79 = arith.xori %lt3A_76, %lt3A_78 : i1
        %and3A_80 = arith.andi %ne3A_79, %ne3A_74 : i1
        %add3A_81 = arith.addi %rem3A_72, %select_n3A_71 : i32
        %select_n3A_82 = arith.select %and3A_80, %add3A_81, %rem3A_72 : i32
        %dma_start3A_83 = arith.constant 0 : i32
        %dma_start3A_84 = arith.constant 0 : i32
        %dma_start3A_85 = tpu.memref_slice %arg7[%select_n3A_82, %dma_start3A_83, %dma_start3A_84] : memref<2x16x128xi32, #tpu.memory_space<vmem>> -> memref<1x16x128xi32, #tpu.memory_space<vmem>>
        %dma_start3A_86 = tpu.memref_squeeze %dma_start3A_85 : memref<1x16x128xi32, #tpu.memory_space<vmem>> -> memref<16x128xi32, #tpu.memory_space<vmem>>
        %dma_start3A_87 = arith.constant 0 : i32
        %dma_start3A_88 = tpu.memref_slice %arg3[%add3A, %mul3A_64, %dma_start3A_87] : memref<32x80x128xi32, #tpu.memory_space<hbm>> -> memref<1x16x128xi32, #tpu.memory_space<hbm>>
        %dma_start3A_89 = tpu.memref_squeeze %dma_start3A_88 : memref<1x16x128xi32, #tpu.memory_space<hbm>> -> memref<16x128xi32, #tpu.memory_space<hbm>>
        %dma_start3A_90 = arith.constant 0 : i32
        %dma_start3A_91 = arith.constant 0 : i32
        %dma_start3A_92 = tpu.memref_slice %arg7[%select_n3A_82, %dma_start3A_90, %dma_start3A_91] : memref<2x16x128xi32, #tpu.memory_space<vmem>> -> memref<1x16x128xi32, #tpu.memory_space<vmem>>
        %dma_start3A_93 = tpu.memref_squeeze %dma_start3A_92 : memref<1x16x128xi32, #tpu.memory_space<vmem>> -> memref<16x128xi32, #tpu.memory_space<vmem>>
        %dma_start3A_94 = arith.constant 0 : i32
        %dma_start3A_95 = tpu.memref_slice %arg3[%add3A, %mul3A_64, %dma_start3A_94] : memref<32x80x128xi32, #tpu.memory_space<hbm>> -> memref<1x16x128xi32, #tpu.memory_space<hbm>>
        %dma_start3A_96 = tpu.memref_squeeze %dma_start3A_95 : memref<1x16x128xi32, #tpu.memory_space<hbm>> -> memref<16x128xi32, #tpu.memory_space<hbm>>
        tpu.enqueue_dma source(%dma_start3A_96 : memref<16x128xi32, #tpu.memory_space<hbm>>) target(%dma_start3A_93 : memref<16x128xi32, #tpu.memory_space<vmem>>) target_semaphore(%arg13 : memref<!tpu.dma_semaphore, #tpu.memory_space<semaphore_mem>>)
      } else {
      }
      %jit3A = arith.constant 2 : i32
      %eq3A = arith.constant 0 : i32
      %eq3A_22 = arith.cmpi eq, %jit3A, %eq3A : i32
      %jit3A_23 = arith.constant 1 : i32
      %select_n3A = arith.select %eq3A_22, %jit3A_23, %jit3A : i32
      %rem3A = arith.remsi %scan3A_15, %select_n3A : i32
      %ne3A = arith.constant 0 : i32
      %ne3A_24 = arith.cmpi ne, %rem3A, %ne3A : i32
      %lt3A_25 = arith.constant 0 : i32
      %lt3A_26 = arith.cmpi slt, %rem3A, %lt3A_25 : i32
      %lt3A_27 = arith.constant 0 : i32
      %lt3A_28 = arith.cmpi slt, %select_n3A, %lt3A_27 : i32
      %ne3A_29 = arith.xori %lt3A_26, %lt3A_28 : i1
      %and3A = arith.andi %ne3A_29, %ne3A_24 : i1
      %add3A_30 = arith.addi %rem3A, %select_n3A : i32
      %select_n3A_31 = arith.select %and3A, %add3A_30, %rem3A : i32
      %dma_start3A = arith.constant 0 : i32
      %dma_start3A_32 = arith.constant 0 : i32
      %dma_start3A_33 = arith.constant 0 : i32
      %dma_start3A_34 = arith.constant 0 : i32
      %dma_start3A_35 = tpu.memref_slice %arg9[%dma_start3A_32, %dma_start3A_33, %dma_start3A_34] : memref<2x128x128xf32, #tpu.memory_space<vmem>> -> memref<1x128x128xf32, #tpu.memory_space<vmem>>
      %dma_start3A_36 = tpu.memref_squeeze %dma_start3A_35 : memref<1x128x128xf32, #tpu.memory_space<vmem>> -> memref<128x128xf32, #tpu.memory_space<vmem>>
      %dma_start3A_37 = arith.constant 0 : i32
      %dma_start3A_38 = tpu.memref_slice %arg7[%select_n3A_31, %dma_start3A, %dma_start3A_37] : memref<2x16x128xi32, #tpu.memory_space<vmem>> -> memref<1x1x128xi32, #tpu.memory_space<vmem>>
      %dma_start3A_39 = tpu.memref_squeeze %dma_start3A_38 : memref<1x1x128xi32, #tpu.memory_space<vmem>> -> memref<128xi32, #tpu.memory_space<vmem>>
      %dma_start3A_40 = arith.constant 0 : i32
      %dma_start3A_41 = arith.constant 0 : i32
      %dma_start3A_42 = tpu.memref_slice %arg2[%dma_start3A_40, %dma_start3A_41] : memref<10000x128xf32, #tpu.memory_space<hbm>> -> memref<10000x128xf32, #tpu.memory_space<hbm>>
      tpu.enqueue_indirect_dma source(%dma_start3A_42 : memref<10000x128xf32, #tpu.memory_space<hbm>>) target(%dma_start3A_36 : memref<128x128xf32, #tpu.memory_space<vmem>>) offsets(%dma_start3A_39 : memref<128xi32, #tpu.memory_space<vmem>>) semaphore(%arg11 : memref<!tpu.dma_semaphore, #tpu.memory_space<semaphore_mem>>)
      %dma_start3A_43 = arith.constant 1 : i32
      %dma_start3A_44 = arith.constant 1 : i32
      %dma_start3A_45 = arith.constant 0 : i32
      %dma_start3A_46 = arith.constant 0 : i32
      %dma_start3A_47 = tpu.memref_slice %arg9[%dma_start3A_44, %dma_start3A_45, %dma_start3A_46] : memref<2x128x128xf32, #tpu.memory_space<vmem>> -> memref<1x128x128xf32, #tpu.memory_space<vmem>>
      %dma_start3A_48 = tpu.memref_squeeze %dma_start3A_47 : memref<1x128x128xf32, #tpu.memory_space<vmem>> -> memref<128x128xf32, #tpu.memory_space<vmem>>
      %dma_start3A_49 = arith.constant 0 : i32
      %dma_start3A_50 = tpu.memref_slice %arg7[%select_n3A_31, %dma_start3A_43, %dma_start3A_49] : memref<2x16x128xi32, #tpu.memory_space<vmem>> -> memref<1x1x128xi32, #tpu.memory_space<vmem>>
      %dma_start3A_51 = tpu.memref_squeeze %dma_start3A_50 : memref<1x1x128xi32, #tpu.memory_space<vmem>> -> memref<128xi32, #tpu.memory_space<vmem>>
      %dma_start3A_52 = arith.constant 0 : i32
      %dma_start3A_53 = arith.constant 0 : i32
      %dma_start3A_54 = tpu.memref_slice %arg2[%dma_start3A_52, %dma_start3A_53] : memref<10000x128xf32, #tpu.memory_space<hbm>> -> memref<10000x128xf32, #tpu.memory_space<hbm>>
      tpu.enqueue_indirect_dma source(%dma_start3A_54 : memref<10000x128xf32, #tpu.memory_space<hbm>>) target(%dma_start3A_48 : memref<128x128xf32, #tpu.memory_space<vmem>>) offsets(%dma_start3A_51 : memref<128xi32, #tpu.memory_space<vmem>>) semaphore(%arg12 : memref<!tpu.dma_semaphore, #tpu.memory_space<semaphore_mem>>)
      %scan3A_55 = arith.constant 0 : i32
      %scan3A_56 = arith.constant 0 : i32
      %scan3A_57 = arith.constant 8 : i32
      %scan3A_58 = arith.addi %scan3A_56, %scan3A_57 : i32
      %scan3A_59 = arith.constant 1 : i32
      scf.for %scan3A_61 = %scan3A_56 to %scan3A_58 step %scan3A_59  : i32 {
        %mul3A_62 = arith.constant 2 : i32
        %mul3A_63 = arith.muli %mul3A_62, %scan3A_61 : i32
        %add3A_64 = arith.constant 0 : i32
        %add3A_65 = arith.addi %mul3A_63, %add3A_64 : i32
        %mul3A_66 = arith.constant 16 : i32
        %mul3A_67 = arith.muli %scan3A_15, %mul3A_66 : i32
        %add3A_68 = arith.addi %mul3A_67, %add3A_65 : i32
        %dma_wait3A = arith.constant 0 : i32
        %dma_wait3A_69 = arith.constant 0 : i32
        %dma_wait3A_70 = arith.constant 0 : i32
        %dma_wait3A_71 = arith.constant 0 : i32
        %dma_wait3A_72 = arith.constant 0 : i32
        %dma_wait3A_73 = tpu.memref_slice %arg9[%dma_wait3A_70, %dma_wait3A_71, %dma_wait3A_72] : memref<2x128x128xf32, #tpu.memory_space<vmem>> -> memref<1x128x128xf32, #tpu.memory_space<vmem>>
        %dma_wait3A_74 = tpu.memref_squeeze %dma_wait3A_73 : memref<1x128x128xf32, #tpu.memory_space<vmem>> -> memref<128x128xf32, #tpu.memory_space<vmem>>
        %dma_wait3A_75 = arith.constant 0 : i32
        %dma_wait3A_76 = tpu.memref_slice %arg7[%dma_wait3A, %dma_wait3A_69, %dma_wait3A_75] : memref<2x16x128xi32, #tpu.memory_space<vmem>> -> memref<1x1x128xi32, #tpu.memory_space<vmem>>
        %dma_wait3A_77 = tpu.memref_squeeze %dma_wait3A_76 : memref<1x1x128xi32, #tpu.memory_space<vmem>> -> memref<128xi32, #tpu.memory_space<vmem>>
        %dma_wait3A_78 = arith.constant 0 : i32
        %dma_wait3A_79 = arith.constant 0 : i32
        %dma_wait3A_80 = tpu.memref_slice %arg2[%dma_wait3A_78, %dma_wait3A_79] : memref<10000x128xf32, #tpu.memory_space<hbm>> -> memref<10000x128xf32, #tpu.memory_space<hbm>>
        tpu.wait_indirect_dma semaphore(%arg11 : memref<!tpu.dma_semaphore, #tpu.memory_space<semaphore_mem>>) src(%dma_wait3A_80 : memref<10000x128xf32, #tpu.memory_space<hbm>>) dst(%dma_wait3A_74 : memref<128x128xf32, #tpu.memory_space<vmem>>)
        %run_scoped3A_81 = arith.constant 0 : i32
        "tpu.region"() ({
          %run_scoped3A_113 = tpu.sem_alloc : memref<!tpu.dma_semaphore, #tpu.memory_space<semaphore_mem>>
          %dma_start3A_114 = arith.constant 0 : i32
          %dma_start3A_115 = arith.constant 0 : i32
          %dma_start3A_116 = tpu.memref_slice %arg9[%run_scoped3A_81, %dma_start3A_114, %dma_start3A_115] : memref<2x128x128xf32, #tpu.memory_space<vmem>> -> memref<1x128x128xf32, #tpu.memory_space<vmem>>
          %dma_start3A_117 = tpu.memref_squeeze %dma_start3A_116 : memref<1x128x128xf32, #tpu.memory_space<vmem>> -> memref<128x128xf32, #tpu.memory_space<vmem>>
          %dma_start3A_118 = arith.constant 0 : i32
          %dma_start3A_119 = tpu.memref_slice %arg8[%add3A_68, %dma_start3A_118] : memref<80x128xi32, #tpu.memory_space<vmem>> -> memref<1x128xi32, #tpu.memory_space<vmem>>
          %dma_start3A_120 = tpu.memref_squeeze %dma_start3A_119 : memref<1x128xi32, #tpu.memory_space<vmem>> -> memref<128xi32, #tpu.memory_space<vmem>>
          %dma_start3A_121 = arith.constant 0 : i32
          %dma_start3A_122 = arith.constant 0 : i32
          %dma_start3A_123 = tpu.memref_slice %arg10[%dma_start3A_121, %dma_start3A_122] : memref<10112x128xf32, #tpu.memory_space<vmem_shared>> -> memref<10112x128xf32, #tpu.memory_space<vmem_shared>>
          tpu.enqueue_indirect_dma source(%dma_start3A_117 : memref<128x128xf32, #tpu.memory_space<vmem>>) target(%dma_start3A_123 : memref<10112x128xf32, #tpu.memory_space<vmem_shared>>) offsets(%dma_start3A_120 : memref<128xi32, #tpu.memory_space<vmem>>) semaphore(%run_scoped3A_113 : memref<!tpu.dma_semaphore, #tpu.memory_space<semaphore_mem>>) {add = true}
          %dma_wait3A_124 = arith.constant 0 : i32
          %dma_wait3A_125 = arith.constant 0 : i32
          %dma_wait3A_126 = tpu.memref_slice %arg9[%run_scoped3A_81, %dma_wait3A_124, %dma_wait3A_125] : memref<2x128x128xf32, #tpu.memory_space<vmem>> -> memref<1x128x128xf32, #tpu.memory_space<vmem>>
          %dma_wait3A_127 = tpu.memref_squeeze %dma_wait3A_126 : memref<1x128x128xf32, #tpu.memory_space<vmem>> -> memref<128x128xf32, #tpu.memory_space<vmem>>
          %dma_wait3A_128 = arith.constant 0 : i32
          %dma_wait3A_129 = tpu.memref_slice %arg8[%add3A_68, %dma_wait3A_128] : memref<80x128xi32, #tpu.memory_space<vmem>> -> memref<1x128xi32, #tpu.memory_space<vmem>>
          %dma_wait3A_130 = tpu.memref_squeeze %dma_wait3A_129 : memref<1x128xi32, #tpu.memory_space<vmem>> -> memref<128xi32, #tpu.memory_space<vmem>>
          %dma_wait3A_131 = arith.constant 0 : i32
          %dma_wait3A_132 = arith.constant 0 : i32
          %dma_wait3A_133 = tpu.memref_slice %arg10[%dma_wait3A_131, %dma_wait3A_132] : memref<10112x128xf32, #tpu.memory_space<vmem_shared>> -> memref<10112x128xf32, #tpu.memory_space<vmem_shared>>
          tpu.wait_indirect_dma semaphore(%run_scoped3A_113 : memref<!tpu.dma_semaphore, #tpu.memory_space<semaphore_mem>>) src(%dma_wait3A_127 : memref<128x128xf32, #tpu.memory_space<vmem>>) dst(%dma_wait3A_133 : memref<10112x128xf32, #tpu.memory_space<vmem_shared>>)
          tpu.yield
        }) : () -> ()
        %lt3A_82 = arith.constant 14 : i32
        %lt3A_83 = arith.cmpi slt, %add3A_65, %lt3A_82 : i32
        %convert_element_type3A_84 = arith.extui %lt3A_83 : i1 to i32
        %cond3A_85 = arith.constant 0 : i32
        %cond3A_86 = arith.cmpi ne, %convert_element_type3A_84, %cond3A_85 : i32
        scf.if %cond3A_86 {
          %add3A_113 = arith.constant 2 : i32
          %add3A_114 = arith.addi %add3A_65, %add3A_113 : i32
          %dma_start3A_115 = arith.constant 0 : i32
          %dma_start3A_116 = arith.constant 0 : i32
          %dma_start3A_117 = arith.constant 0 : i32
          %dma_start3A_118 = tpu.memref_slice %arg9[%dma_start3A_115, %dma_start3A_116, %dma_start3A_117] : memref<2x128x128xf32, #tpu.memory_space<vmem>> -> memref<1x128x128xf32, #tpu.memory_space<vmem>>
          %dma_start3A_119 = tpu.memref_squeeze %dma_start3A_118 : memref<1x128x128xf32, #tpu.memory_space<vmem>> -> memref<128x128xf32, #tpu.memory_space<vmem>>
          %dma_start3A_120 = arith.constant 0 : i32
          %dma_start3A_121 = tpu.memref_slice %arg7[%select_n3A_31, %add3A_114, %dma_start3A_120] : memref<2x16x128xi32, #tpu.memory_space<vmem>> -> memref<1x1x128xi32, #tpu.memory_space<vmem>>
          %dma_start3A_122 = tpu.memref_squeeze %dma_start3A_121 : memref<1x1x128xi32, #tpu.memory_space<vmem>> -> memref<128xi32, #tpu.memory_space<vmem>>
          %dma_start3A_123 = arith.constant 0 : i32
          %dma_start3A_124 = arith.constant 0 : i32
          %dma_start3A_125 = tpu.memref_slice %arg2[%dma_start3A_123, %dma_start3A_124] : memref<10000x128xf32, #tpu.memory_space<hbm>> -> memref<10000x128xf32, #tpu.memory_space<hbm>>
          tpu.enqueue_indirect_dma source(%dma_start3A_125 : memref<10000x128xf32, #tpu.memory_space<hbm>>) target(%dma_start3A_119 : memref<128x128xf32, #tpu.memory_space<vmem>>) offsets(%dma_start3A_122 : memref<128xi32, #tpu.memory_space<vmem>>) semaphore(%arg11 : memref<!tpu.dma_semaphore, #tpu.memory_space<semaphore_mem>>)
        } else {
        }
        %mul3A_87 = arith.constant 2 : i32
        %mul3A_88 = arith.muli %mul3A_87, %scan3A_61 : i32
        %add3A_89 = arith.constant 1 : i32
        %add3A_90 = arith.addi %mul3A_88, %add3A_89 : i32
        %mul3A_91 = arith.constant 16 : i32
        %mul3A_92 = arith.muli %scan3A_15, %mul3A_91 : i32
        %add3A_93 = arith.addi %mul3A_92, %add3A_90 : i32
        %dma_wait3A_94 = arith.constant 0 : i32
        %dma_wait3A_95 = arith.constant 0 : i32
        %dma_wait3A_96 = arith.constant 1 : i32
        %dma_wait3A_97 = arith.constant 0 : i32
        %dma_wait3A_98 = arith.constant 0 : i32
        %dma_wait3A_99 = tpu.memref_slice %arg9[%dma_wait3A_96, %dma_wait3A_97, %dma_wait3A_98] : memref<2x128x128xf32, #tpu.memory_space<vmem>> -> memref<1x128x128xf32, #tpu.memory_space<vmem>>
        %dma_wait3A_100 = tpu.memref_squeeze %dma_wait3A_99 : memref<1x128x128xf32, #tpu.memory_space<vmem>> -> memref<128x128xf32, #tpu.memory_space<vmem>>
        %dma_wait3A_101 = arith.constant 0 : i32
        %dma_wait3A_102 = tpu.memref_slice %arg7[%dma_wait3A_94, %dma_wait3A_95, %dma_wait3A_101] : memref<2x16x128xi32, #tpu.memory_space<vmem>> -> memref<1x1x128xi32, #tpu.memory_space<vmem>>
        %dma_wait3A_103 = tpu.memref_squeeze %dma_wait3A_102 : memref<1x1x128xi32, #tpu.memory_space<vmem>> -> memref<128xi32, #tpu.memory_space<vmem>>
        %dma_wait3A_104 = arith.constant 0 : i32
        %dma_wait3A_105 = arith.constant 0 : i32
        %dma_wait3A_106 = tpu.memref_slice %arg2[%dma_wait3A_104, %dma_wait3A_105] : memref<10000x128xf32, #tpu.memory_space<hbm>> -> memref<10000x128xf32, #tpu.memory_space<hbm>>
        tpu.wait_indirect_dma semaphore(%arg12 : memref<!tpu.dma_semaphore, #tpu.memory_space<semaphore_mem>>) src(%dma_wait3A_106 : memref<10000x128xf32, #tpu.memory_space<hbm>>) dst(%dma_wait3A_100 : memref<128x128xf32, #tpu.memory_space<vmem>>)
        %run_scoped3A_107 = arith.constant 1 : i32
        "tpu.region"() ({
          %run_scoped3A_113 = tpu.sem_alloc : memref<!tpu.dma_semaphore, #tpu.memory_space<semaphore_mem>>
          %dma_start3A_114 = arith.constant 0 : i32
          %dma_start3A_115 = arith.constant 0 : i32
          %dma_start3A_116 = tpu.memref_slice %arg9[%run_scoped3A_107, %dma_start3A_114, %dma_start3A_115] : memref<2x128x128xf32, #tpu.memory_space<vmem>> -> memref<1x128x128xf32, #tpu.memory_space<vmem>>
          %dma_start3A_117 = tpu.memref_squeeze %dma_start3A_116 : memref<1x128x128xf32, #tpu.memory_space<vmem>> -> memref<128x128xf32, #tpu.memory_space<vmem>>
          %dma_start3A_118 = arith.constant 0 : i32
          %dma_start3A_119 = tpu.memref_slice %arg8[%add3A_93, %dma_start3A_118] : memref<80x128xi32, #tpu.memory_space<vmem>> -> memref<1x128xi32, #tpu.memory_space<vmem>>
          %dma_start3A_120 = tpu.memref_squeeze %dma_start3A_119 : memref<1x128xi32, #tpu.memory_space<vmem>> -> memref<128xi32, #tpu.memory_space<vmem>>
          %dma_start3A_121 = arith.constant 0 : i32
          %dma_start3A_122 = arith.constant 0 : i32
          %dma_start3A_123 = tpu.memref_slice %arg10[%dma_start3A_121, %dma_start3A_122] : memref<10112x128xf32, #tpu.memory_space<vmem_shared>> -> memref<10112x128xf32, #tpu.memory_space<vmem_shared>>
          tpu.enqueue_indirect_dma source(%dma_start3A_117 : memref<128x128xf32, #tpu.memory_space<vmem>>) target(%dma_start3A_123 : memref<10112x128xf32, #tpu.memory_space<vmem_shared>>) offsets(%dma_start3A_120 : memref<128xi32, #tpu.memory_space<vmem>>) semaphore(%run_scoped3A_113 : memref<!tpu.dma_semaphore, #tpu.memory_space<semaphore_mem>>) {add = true}
          %dma_wait3A_124 = arith.constant 0 : i32
          %dma_wait3A_125 = arith.constant 0 : i32
          %dma_wait3A_126 = tpu.memref_slice %arg9[%run_scoped3A_107, %dma_wait3A_124, %dma_wait3A_125] : memref<2x128x128xf32, #tpu.memory_space<vmem>> -> memref<1x128x128xf32, #tpu.memory_space<vmem>>
          %dma_wait3A_127 = tpu.memref_squeeze %dma_wait3A_126 : memref<1x128x128xf32, #tpu.memory_space<vmem>> -> memref<128x128xf32, #tpu.memory_space<vmem>>
          %dma_wait3A_128 = arith.constant 0 : i32
          %dma_wait3A_129 = tpu.memref_slice %arg8[%add3A_93, %dma_wait3A_128] : memref<80x128xi32, #tpu.memory_space<vmem>> -> memref<1x128xi32, #tpu.memory_space<vmem>>
          %dma_wait3A_130 = tpu.memref_squeeze %dma_wait3A_129 : memref<1x128xi32, #tpu.memory_space<vmem>> -> memref<128xi32, #tpu.memory_space<vmem>>
          %dma_wait3A_131 = arith.constant 0 : i32
          %dma_wait3A_132 = arith.constant 0 : i32
          %dma_wait3A_133 = tpu.memref_slice %arg10[%dma_wait3A_131, %dma_wait3A_132] : memref<10112x128xf32, #tpu.memory_space<vmem_shared>> -> memref<10112x128xf32, #tpu.memory_space<vmem_shared>>
          tpu.wait_indirect_dma semaphore(%run_scoped3A_113 : memref<!tpu.dma_semaphore, #tpu.memory_space<semaphore_mem>>) src(%dma_wait3A_127 : memref<128x128xf32, #tpu.memory_space<vmem>>) dst(%dma_wait3A_133 : memref<10112x128xf32, #tpu.memory_space<vmem_shared>>)
          tpu.yield
        }) : () -> ()
        %lt3A_108 = arith.constant 14 : i32
        %lt3A_109 = arith.cmpi slt, %add3A_90, %lt3A_108 : i32
        %convert_element_type3A_110 = arith.extui %lt3A_109 : i1 to i32
        %cond3A_111 = arith.constant 0 : i32
        %cond3A_112 = arith.cmpi ne, %convert_element_type3A_110, %cond3A_111 : i32
        scf.if %cond3A_112 {
          %add3A_113 = arith.constant 2 : i32
          %add3A_114 = arith.addi %add3A_90, %add3A_113 : i32
          %dma_start3A_115 = arith.constant 1 : i32
          %dma_start3A_116 = arith.constant 0 : i32
          %dma_start3A_117 = arith.constant 0 : i32
          %dma_start3A_118 = tpu.memref_slice %arg9[%dma_start3A_115, %dma_start3A_116, %dma_start3A_117] : memref<2x128x128xf32, #tpu.memory_space<vmem>> -> memref<1x128x128xf32, #tpu.memory_space<vmem>>
          %dma_start3A_119 = tpu.memref_squeeze %dma_start3A_118 : memref<1x128x128xf32, #tpu.memory_space<vmem>> -> memref<128x128xf32, #tpu.memory_space<vmem>>
          %dma_start3A_120 = arith.constant 0 : i32
          %dma_start3A_121 = tpu.memref_slice %arg7[%select_n3A_31, %add3A_114, %dma_start3A_120] : memref<2x16x128xi32, #tpu.memory_space<vmem>> -> memref<1x1x128xi32, #tpu.memory_space<vmem>>
          %dma_start3A_122 = tpu.memref_squeeze %dma_start3A_121 : memref<1x1x128xi32, #tpu.memory_space<vmem>> -> memref<128xi32, #tpu.memory_space<vmem>>
          %dma_start3A_123 = arith.constant 0 : i32
          %dma_start3A_124 = arith.constant 0 : i32
          %dma_start3A_125 = tpu.memref_slice %arg2[%dma_start3A_123, %dma_start3A_124] : memref<10000x128xf32, #tpu.memory_space<hbm>> -> memref<10000x128xf32, #tpu.memory_space<hbm>>
          tpu.enqueue_indirect_dma source(%dma_start3A_125 : memref<10000x128xf32, #tpu.memory_space<hbm>>) target(%dma_start3A_119 : memref<128x128xf32, #tpu.memory_space<vmem>>) offsets(%dma_start3A_122 : memref<128xi32, #tpu.memory_space<vmem>>) semaphore(%arg12 : memref<!tpu.dma_semaphore, #tpu.memory_space<semaphore_mem>>)
        } else {
        }
      }
      %scan3A_60 = arith.constant 8 : i32
    }
    %scan3A_9 = arith.constant 5 : i32
    %barrier3A_10 = arith.constant 0 : index
    tpu.barrier barrier_id(%barrier3A_10)
    %mul3A_11 = arith.constant 632 : i32
    %mul3A_12 = arith.muli %arg1, %mul3A_11 : i32
    %mul3A_13 = arith.constant 632 : i32
    %mul3A_14 = arith.muli %arg1, %mul3A_13 : i32
    "tpu.region"() ({
      %run_scoped3A_15 = tpu.sem_alloc : memref<!tpu.dma_semaphore, #tpu.memory_space<semaphore_mem>>
      %dma_start3A = arith.constant 0 : i32
      %dma_start3A_16 = tpu.memref_slice %arg6[%arg0, %mul3A_14, %dma_start3A] : memref<2x10112x128xf32, #tpu.memory_space<hbm>> -> memref<1x632x128xf32, #tpu.memory_space<hbm>>
      %dma_start3A_17 = tpu.memref_squeeze %dma_start3A_16 : memref<1x632x128xf32, #tpu.memory_space<hbm>> -> memref<632x128xf32, #tpu.memory_space<hbm>>
      %dma_start3A_18 = arith.constant 0 : i32
      %dma_start3A_19 = tpu.memref_slice %arg10[%mul3A_12, %dma_start3A_18] : memref<10112x128xf32, #tpu.memory_space<vmem_shared>> -> memref<632x128xf32, #tpu.memory_space<vmem_shared>>
      tpu.enqueue_dma source(%dma_start3A_19 : memref<632x128xf32, #tpu.memory_space<vmem_shared>>) target(%dma_start3A_17 : memref<632x128xf32, #tpu.memory_space<hbm>>) target_semaphore(%run_scoped3A_15 : memref<!tpu.dma_semaphore, #tpu.memory_space<semaphore_mem>>)
      %dma_wait3A = arith.constant 0 : i32
      %dma_wait3A_20 = tpu.memref_slice %arg6[%arg0, %mul3A_14, %dma_wait3A] : memref<2x10112x128xf32, #tpu.memory_space<hbm>> -> memref<1x632x128xf32, #tpu.memory_space<hbm>>
      %dma_wait3A_21 = tpu.memref_squeeze %dma_wait3A_20 : memref<1x632x128xf32, #tpu.memory_space<hbm>> -> memref<632x128xf32, #tpu.memory_space<hbm>>
      %dma_wait3A_22 = arith.constant 0 : i32
      %dma_wait3A_23 = tpu.memref_slice %arg10[%mul3A_12, %dma_wait3A_22] : memref<10112x128xf32, #tpu.memory_space<vmem_shared>> -> memref<632x128xf32, #tpu.memory_space<vmem_shared>>
      tpu.wait_dma2 semaphore(%run_scoped3A_15 : memref<!tpu.dma_semaphore, #tpu.memory_space<semaphore_mem>>) src(%dma_wait3A_23 : memref<632x128xf32, #tpu.memory_space<vmem_shared>>) dst(%dma_wait3A_21 : memref<632x128xf32, #tpu.memory_space<hbm>>)
      tpu.yield
    }) : () -> ()
    return
  }
}

#map = affine_map<(d0, d1) -> (0, 0, 0)>
#map1 = affine_map<(d0, d1) -> (0)>
module attributes {stable_mosaic.version = 14 : i64} {
  func.func @_deg_body(%arg0: i32, %arg1: i32, %arg2: memref<32x80x128xi32, #tpu.memory_space<hbm>>, %arg3: memref<32x80x128xi32, #tpu.memory_space<hbm>>, %arg4: memref<128xf32, #tpu.memory_space<hbm>>, %arg5: memref<20224xf32, #tpu.memory_space<hbm>>, %arg6: memref<2x1x20224xf32, #tpu.memory_space<hbm>>, %arg7: memref<80x128xi32, #tpu.memory_space<vmem>>, %arg8: memref<128xf32, #tpu.memory_space<vmem>>, %arg9: memref<20224xf32, #tpu.memory_space<vmem_shared>>, %arg10: memref<!tpu.dma_semaphore, #tpu.memory_space<semaphore_mem>>) attributes {dimension_semantics = [#tpu.dimension_semantics<core_parallel>, #tpu.dimension_semantics<subcore_parallel>], iteration_bounds = array<i64: 2, 16>, scalar_prefetch = 0 : i64, scratch_operands = 4 : i64, tpu.core_type = #tpu.core_type<sc_vector_subcore>, window_params = [{transform_indices = #map}, {transform_indices = #map}, {transform_indices = #map1}, {transform_indices = #map1}, {transform_indices = #map}]} {
    %mul3A = arith.constant 16 : i32
    %mul3A_0 = arith.muli %arg0, %mul3A : i32
    %add3A = arith.addi %mul3A_0, %arg1 : i32
    %eq3A = arith.constant 0 : i32
    %eq3A_1 = arith.cmpi eq, %arg1, %eq3A : i32
    %convert_element_type3A = arith.extui %eq3A_1 : i1 to i32
    %cond3A = arith.constant 0 : i32
    %cond3A_2 = arith.cmpi ne, %convert_element_type3A, %cond3A : i32
    scf.if %cond3A_2 {
      "tpu.region"() ({
        %run_scoped3A = tpu.sem_alloc : memref<!tpu.dma_semaphore, #tpu.memory_space<semaphore_mem>>
        tpu.enqueue_dma source(%arg5 : memref<20224xf32, #tpu.memory_space<hbm>>) target(%arg9 : memref<20224xf32, #tpu.memory_space<vmem_shared>>) target_semaphore(%run_scoped3A : memref<!tpu.dma_semaphore, #tpu.memory_space<semaphore_mem>>)
        tpu.wait_dma2 semaphore(%run_scoped3A : memref<!tpu.dma_semaphore, #tpu.memory_space<semaphore_mem>>) src(%arg5 : memref<20224xf32, #tpu.memory_space<hbm>>) dst(%arg9 : memref<20224xf32, #tpu.memory_space<vmem_shared>>)
        tpu.yield
      }) : () -> ()
    } else {
    }
    "tpu.region"() ({
      %run_scoped3A = tpu.sem_alloc : memref<!tpu.dma_semaphore, #tpu.memory_space<semaphore_mem>>
      tpu.enqueue_dma source(%arg4 : memref<128xf32, #tpu.memory_space<hbm>>) target(%arg8 : memref<128xf32, #tpu.memory_space<vmem>>) target_semaphore(%run_scoped3A : memref<!tpu.dma_semaphore, #tpu.memory_space<semaphore_mem>>)
      tpu.wait_dma2 semaphore(%run_scoped3A : memref<!tpu.dma_semaphore, #tpu.memory_space<semaphore_mem>>) src(%arg4 : memref<128xf32, #tpu.memory_space<hbm>>) dst(%arg8 : memref<128xf32, #tpu.memory_space<vmem>>)
      tpu.yield
    }) : () -> ()
    %barrier3A = arith.constant 0 : index
    tpu.barrier barrier_id(%barrier3A)
    "tpu.region"() ({
      %run_scoped3A = tpu.sem_alloc : memref<!tpu.dma_semaphore, #tpu.memory_space<semaphore_mem>>
      %dma_start3A = arith.constant 0 : i32
      %dma_start3A_32 = arith.constant 0 : i32
      %dma_start3A_33 = tpu.memref_slice %arg2[%add3A, %dma_start3A, %dma_start3A_32] : memref<32x80x128xi32, #tpu.memory_space<hbm>> -> memref<1x80x128xi32, #tpu.memory_space<hbm>>
      %dma_start3A_34 = tpu.memref_squeeze %dma_start3A_33 : memref<1x80x128xi32, #tpu.memory_space<hbm>> -> memref<80x128xi32, #tpu.memory_space<hbm>>
      %dma_start3A_35 = arith.constant 0 : i32
      %dma_start3A_36 = arith.constant 0 : i32
      %dma_start3A_37 = tpu.memref_slice %arg2[%add3A, %dma_start3A_35, %dma_start3A_36] : memref<32x80x128xi32, #tpu.memory_space<hbm>> -> memref<1x80x128xi32, #tpu.memory_space<hbm>>
      %dma_start3A_38 = tpu.memref_squeeze %dma_start3A_37 : memref<1x80x128xi32, #tpu.memory_space<hbm>> -> memref<80x128xi32, #tpu.memory_space<hbm>>
      tpu.enqueue_dma source(%dma_start3A_38 : memref<80x128xi32, #tpu.memory_space<hbm>>) target(%arg7 : memref<80x128xi32, #tpu.memory_space<vmem>>) target_semaphore(%run_scoped3A : memref<!tpu.dma_semaphore, #tpu.memory_space<semaphore_mem>>)
      %dma_wait3A = arith.constant 0 : i32
      %dma_wait3A_39 = arith.constant 0 : i32
      %dma_wait3A_40 = tpu.memref_slice %arg2[%add3A, %dma_wait3A, %dma_wait3A_39] : memref<32x80x128xi32, #tpu.memory_space<hbm>> -> memref<1x80x128xi32, #tpu.memory_space<hbm>>
      %dma_wait3A_41 = tpu.memref_squeeze %dma_wait3A_40 : memref<1x80x128xi32, #tpu.memory_space<hbm>> -> memref<80x128xi32, #tpu.memory_space<hbm>>
      %dma_wait3A_42 = arith.constant 0 : i32
      %dma_wait3A_43 = arith.constant 0 : i32
      %dma_wait3A_44 = tpu.memref_slice %arg2[%add3A, %dma_wait3A_42, %dma_wait3A_43] : memref<32x80x128xi32, #tpu.memory_space<hbm>> -> memref<1x80x128xi32, #tpu.memory_space<hbm>>
      %dma_wait3A_45 = tpu.memref_squeeze %dma_wait3A_44 : memref<1x80x128xi32, #tpu.memory_space<hbm>> -> memref<80x128xi32, #tpu.memory_space<hbm>>
      tpu.wait_dma2 semaphore(%run_scoped3A : memref<!tpu.dma_semaphore, #tpu.memory_space<semaphore_mem>>) src(%dma_wait3A_45 : memref<80x128xi32, #tpu.memory_space<hbm>>) dst(%arg7 : memref<80x128xi32, #tpu.memory_space<vmem>>)
      tpu.yield
    }) : () -> ()
    %scan3A = arith.constant 0 : i32
    %scan3A_3 = arith.constant 0 : i32
    %scan3A_4 = arith.constant 80 : i32
    %scan3A_5 = arith.addi %scan3A_3, %scan3A_4 : i32
    %scan3A_6 = arith.constant 1 : i32
    scf.for %scan3A_32 = %scan3A_3 to %scan3A_5 step %scan3A_6  : i32 {
      %dma_start3A = arith.constant 0 : i32
      %dma_start3A_33 = tpu.memref_slice %arg7[%scan3A_32, %dma_start3A] : memref<80x128xi32, #tpu.memory_space<vmem>> -> memref<1x128xi32, #tpu.memory_space<vmem>>
      %dma_start3A_34 = tpu.memref_squeeze %dma_start3A_33 : memref<1x128xi32, #tpu.memory_space<vmem>> -> memref<128xi32, #tpu.memory_space<vmem>>
      %dma_start3A_35 = arith.constant 0 : i32
      %dma_start3A_36 = tpu.memref_slice %arg9[%dma_start3A_35] : memref<20224xf32, #tpu.memory_space<vmem_shared>> -> memref<20224xf32, #tpu.memory_space<vmem_shared>>
      tpu.enqueue_indirect_dma source(%arg8 : memref<128xf32, #tpu.memory_space<vmem>>) target(%dma_start3A_36 : memref<20224xf32, #tpu.memory_space<vmem_shared>>) offsets(%dma_start3A_34 : memref<128xi32, #tpu.memory_space<vmem>>) semaphore(%arg10 : memref<!tpu.dma_semaphore, #tpu.memory_space<semaphore_mem>>) {add = true}
    }
    %scan3A_7 = arith.constant 80 : i32
    %scan3A_8 = arith.constant 0 : i32
    %scan3A_9 = arith.constant 0 : i32
    %scan3A_10 = arith.constant 80 : i32
    %scan3A_11 = arith.addi %scan3A_9, %scan3A_10 : i32
    %scan3A_12 = arith.constant 1 : i32
    scf.for %scan3A_32 = %scan3A_9 to %scan3A_11 step %scan3A_12  : i32 {
      %dma_wait3A = arith.constant 0 : i32
      %dma_wait3A_33 = arith.constant 0 : i32
      %dma_wait3A_34 = tpu.memref_slice %arg7[%dma_wait3A, %dma_wait3A_33] : memref<80x128xi32, #tpu.memory_space<vmem>> -> memref<1x128xi32, #tpu.memory_space<vmem>>
      %dma_wait3A_35 = tpu.memref_squeeze %dma_wait3A_34 : memref<1x128xi32, #tpu.memory_space<vmem>> -> memref<128xi32, #tpu.memory_space<vmem>>
      %dma_wait3A_36 = arith.constant 0 : i32
      %dma_wait3A_37 = tpu.memref_slice %arg9[%dma_wait3A_36] : memref<20224xf32, #tpu.memory_space<vmem_shared>> -> memref<20224xf32, #tpu.memory_space<vmem_shared>>
      tpu.wait_indirect_dma semaphore(%arg10 : memref<!tpu.dma_semaphore, #tpu.memory_space<semaphore_mem>>) src(%arg8 : memref<128xf32, #tpu.memory_space<vmem>>) dst(%dma_wait3A_37 : memref<20224xf32, #tpu.memory_space<vmem_shared>>)
    }
    %scan3A_13 = arith.constant 80 : i32
    "tpu.region"() ({
      %run_scoped3A = tpu.sem_alloc : memref<!tpu.dma_semaphore, #tpu.memory_space<semaphore_mem>>
      %dma_start3A = arith.constant 0 : i32
      %dma_start3A_32 = arith.constant 0 : i32
      %dma_start3A_33 = tpu.memref_slice %arg3[%add3A, %dma_start3A, %dma_start3A_32] : memref<32x80x128xi32, #tpu.memory_space<hbm>> -> memref<1x80x128xi32, #tpu.memory_space<hbm>>
      %dma_start3A_34 = tpu.memref_squeeze %dma_start3A_33 : memref<1x80x128xi32, #tpu.memory_space<hbm>> -> memref<80x128xi32, #tpu.memory_space<hbm>>
      %dma_start3A_35 = arith.constant 0 : i32
      %dma_start3A_36 = arith.constant 0 : i32
      %dma_start3A_37 = tpu.memref_slice %arg3[%add3A, %dma_start3A_35, %dma_start3A_36] : memref<32x80x128xi32, #tpu.memory_space<hbm>> -> memref<1x80x128xi32, #tpu.memory_space<hbm>>
      %dma_start3A_38 = tpu.memref_squeeze %dma_start3A_37 : memref<1x80x128xi32, #tpu.memory_space<hbm>> -> memref<80x128xi32, #tpu.memory_space<hbm>>
      tpu.enqueue_dma source(%dma_start3A_38 : memref<80x128xi32, #tpu.memory_space<hbm>>) target(%arg7 : memref<80x128xi32, #tpu.memory_space<vmem>>) target_semaphore(%run_scoped3A : memref<!tpu.dma_semaphore, #tpu.memory_space<semaphore_mem>>)
      %dma_wait3A = arith.constant 0 : i32
      %dma_wait3A_39 = arith.constant 0 : i32
      %dma_wait3A_40 = tpu.memref_slice %arg3[%add3A, %dma_wait3A, %dma_wait3A_39] : memref<32x80x128xi32, #tpu.memory_space<hbm>> -> memref<1x80x128xi32, #tpu.memory_space<hbm>>
      %dma_wait3A_41 = tpu.memref_squeeze %dma_wait3A_40 : memref<1x80x128xi32, #tpu.memory_space<hbm>> -> memref<80x128xi32, #tpu.memory_space<hbm>>
      %dma_wait3A_42 = arith.constant 0 : i32
      %dma_wait3A_43 = arith.constant 0 : i32
      %dma_wait3A_44 = tpu.memref_slice %arg3[%add3A, %dma_wait3A_42, %dma_wait3A_43] : memref<32x80x128xi32, #tpu.memory_space<hbm>> -> memref<1x80x128xi32, #tpu.memory_space<hbm>>
      %dma_wait3A_45 = tpu.memref_squeeze %dma_wait3A_44 : memref<1x80x128xi32, #tpu.memory_space<hbm>> -> memref<80x128xi32, #tpu.memory_space<hbm>>
      tpu.wait_dma2 semaphore(%run_scoped3A : memref<!tpu.dma_semaphore, #tpu.memory_space<semaphore_mem>>) src(%dma_wait3A_45 : memref<80x128xi32, #tpu.memory_space<hbm>>) dst(%arg7 : memref<80x128xi32, #tpu.memory_space<vmem>>)
      tpu.yield
    }) : () -> ()
    %scan3A_14 = arith.constant 0 : i32
    %scan3A_15 = arith.constant 0 : i32
    %scan3A_16 = arith.constant 80 : i32
    %scan3A_17 = arith.addi %scan3A_15, %scan3A_16 : i32
    %scan3A_18 = arith.constant 1 : i32
    scf.for %scan3A_32 = %scan3A_15 to %scan3A_17 step %scan3A_18  : i32 {
      %dma_start3A = arith.constant 0 : i32
      %dma_start3A_33 = tpu.memref_slice %arg7[%scan3A_32, %dma_start3A] : memref<80x128xi32, #tpu.memory_space<vmem>> -> memref<1x128xi32, #tpu.memory_space<vmem>>
      %dma_start3A_34 = tpu.memref_squeeze %dma_start3A_33 : memref<1x128xi32, #tpu.memory_space<vmem>> -> memref<128xi32, #tpu.memory_space<vmem>>
      %dma_start3A_35 = arith.constant 0 : i32
      %dma_start3A_36 = tpu.memref_slice %arg9[%dma_start3A_35] : memref<20224xf32, #tpu.memory_space<vmem_shared>> -> memref<20224xf32, #tpu.memory_space<vmem_shared>>
      tpu.enqueue_indirect_dma source(%arg8 : memref<128xf32, #tpu.memory_space<vmem>>) target(%dma_start3A_36 : memref<20224xf32, #tpu.memory_space<vmem_shared>>) offsets(%dma_start3A_34 : memref<128xi32, #tpu.memory_space<vmem>>) semaphore(%arg10 : memref<!tpu.dma_semaphore, #tpu.memory_space<semaphore_mem>>) {add = true}
    }
    %scan3A_19 = arith.constant 80 : i32
    %scan3A_20 = arith.constant 0 : i32
    %scan3A_21 = arith.constant 0 : i32
    %scan3A_22 = arith.constant 80 : i32
    %scan3A_23 = arith.addi %scan3A_21, %scan3A_22 : i32
    %scan3A_24 = arith.constant 1 : i32
    scf.for %scan3A_32 = %scan3A_21 to %scan3A_23 step %scan3A_24  : i32 {
      %dma_wait3A = arith.constant 0 : i32
      %dma_wait3A_33 = arith.constant 0 : i32
      %dma_wait3A_34 = tpu.memref_slice %arg7[%dma_wait3A, %dma_wait3A_33] : memref<80x128xi32, #tpu.memory_space<vmem>> -> memref<1x128xi32, #tpu.memory_space<vmem>>
      %dma_wait3A_35 = tpu.memref_squeeze %dma_wait3A_34 : memref<1x128xi32, #tpu.memory_space<vmem>> -> memref<128xi32, #tpu.memory_space<vmem>>
      %dma_wait3A_36 = arith.constant 0 : i32
      %dma_wait3A_37 = tpu.memref_slice %arg9[%dma_wait3A_36] : memref<20224xf32, #tpu.memory_space<vmem_shared>> -> memref<20224xf32, #tpu.memory_space<vmem_shared>>
      tpu.wait_indirect_dma semaphore(%arg10 : memref<!tpu.dma_semaphore, #tpu.memory_space<semaphore_mem>>) src(%arg8 : memref<128xf32, #tpu.memory_space<vmem>>) dst(%dma_wait3A_37 : memref<20224xf32, #tpu.memory_space<vmem_shared>>)
    }
    %scan3A_25 = arith.constant 80 : i32
    %barrier3A_26 = arith.constant 0 : index
    tpu.barrier barrier_id(%barrier3A_26)
    %eq3A_27 = arith.constant 0 : i32
    %eq3A_28 = arith.cmpi eq, %arg1, %eq3A_27 : i32
    %convert_element_type3A_29 = arith.extui %eq3A_28 : i1 to i32
    %cond3A_30 = arith.constant 0 : i32
    %cond3A_31 = arith.cmpi ne, %convert_element_type3A_29, %cond3A_30 : i32
    scf.if %cond3A_31 {
      %run_scoped3A = arith.constant 0 : i32
      "tpu.region"() ({
        %run_scoped3A_32 = tpu.sem_alloc : memref<!tpu.dma_semaphore, #tpu.memory_space<semaphore_mem>>
        %dma_start3A = arith.constant 0 : i32
        %dma_start3A_33 = tpu.memref_slice %arg6[%arg0, %run_scoped3A, %dma_start3A] : memref<2x1x20224xf32, #tpu.memory_space<hbm>> -> memref<1x1x20224xf32, #tpu.memory_space<hbm>>
        %dma_start3A_34 = tpu.memref_squeeze %dma_start3A_33 : memref<1x1x20224xf32, #tpu.memory_space<hbm>> -> memref<20224xf32, #tpu.memory_space<hbm>>
        tpu.enqueue_dma source(%arg9 : memref<20224xf32, #tpu.memory_space<vmem_shared>>) target(%dma_start3A_34 : memref<20224xf32, #tpu.memory_space<hbm>>) target_semaphore(%run_scoped3A_32 : memref<!tpu.dma_semaphore, #tpu.memory_space<semaphore_mem>>)
        %dma_wait3A = arith.constant 0 : i32
        %dma_wait3A_35 = tpu.memref_slice %arg6[%arg0, %run_scoped3A, %dma_wait3A] : memref<2x1x20224xf32, #tpu.memory_space<hbm>> -> memref<1x1x20224xf32, #tpu.memory_space<hbm>>
        %dma_wait3A_36 = tpu.memref_squeeze %dma_wait3A_35 : memref<1x1x20224xf32, #tpu.memory_space<hbm>> -> memref<20224xf32, #tpu.memory_space<hbm>>
        tpu.wait_dma2 semaphore(%run_scoped3A_32 : memref<!tpu.dma_semaphore, #tpu.memory_space<semaphore_mem>>) src(%arg9 : memref<20224xf32, #tpu.memory_space<vmem_shared>>) dst(%dma_wait3A_36 : memref<20224xf32, #tpu.memory_space<hbm>>)
        tpu.yield
      }) : () -> ()
    } else {
    }
    return
  }
}

#map = affine_map<(d0, d1) -> (0, 0)>
#map1 = affine_map<(d0, d1) -> (0, 0, 0)>
module attributes {stable_mosaic.version = 14 : i64} {
  func.func @_scatter_body(%arg0: i32, %arg1: i32, %arg2: memref<10000x128xf32, #tpu.memory_space<hbm>>, %arg3: memref<32x80x128xi32, #tpu.memory_space<hbm>>, %arg4: memref<32x80x128xi32, #tpu.memory_space<hbm>>, %arg5: memref<10112x128xf32, #tpu.memory_space<hbm>>, %arg6: memref<2x10112x128xf32, #tpu.memory_space<hbm>>, %arg7: memref<2x16x128xi32, #tpu.memory_space<vmem>>, %arg8: memref<80x128xi32, #tpu.memory_space<vmem>>, %arg9: memref<2x128x128xf32, #tpu.memory_space<vmem>>, %arg10: memref<10112x128xf32, #tpu.memory_space<vmem_shared>>, %arg11: memref<!tpu.dma_semaphore, #tpu.memory_space<semaphore_mem>>, %arg12: memref<!tpu.dma_semaphore, #tpu.memory_space<semaphore_mem>>, %arg13: memref<!tpu.dma_semaphore, #tpu.memory_space<semaphore_mem>>) attributes {dimension_semantics = [#tpu.dimension_semantics<core_parallel>, #tpu.dimension_semantics<subcore_parallel>], iteration_bounds = array<i64: 2, 16>, scalar_prefetch = 0 : i64, scratch_operands = 7 : i64, tpu.core_type = #tpu.core_type<sc_vector_subcore>, window_params = [{transform_indices = #map}, {transform_indices = #map1}, {transform_indices = #map1}, {transform_indices = #map}, {transform_indices = #map1}]} {
    %mul3A = arith.constant 16 : i32
    %mul3A_0 = arith.muli %arg0, %mul3A : i32
    %add3A = arith.addi %mul3A_0, %arg1 : i32
    %mul3A_1 = arith.constant 632 : i32
    %mul3A_2 = arith.muli %arg1, %mul3A_1 : i32
    %mul3A_3 = arith.constant 632 : i32
    %mul3A_4 = arith.muli %arg1, %mul3A_3 : i32
    "tpu.region"() ({
      %run_scoped3A_15 = tpu.sem_alloc : memref<!tpu.dma_semaphore, #tpu.memory_space<semaphore_mem>>
      %dma_start3A = arith.constant 0 : i32
      %dma_start3A_16 = tpu.memref_slice %arg10[%mul3A_4, %dma_start3A] : memref<10112x128xf32, #tpu.memory_space<vmem_shared>> -> memref<632x128xf32, #tpu.memory_space<vmem_shared>>
      %dma_start3A_17 = arith.constant 0 : i32
      %dma_start3A_18 = tpu.memref_slice %arg5[%mul3A_2, %dma_start3A_17] : memref<10112x128xf32, #tpu.memory_space<hbm>> -> memref<632x128xf32, #tpu.memory_space<hbm>>
      tpu.enqueue_dma source(%dma_start3A_18 : memref<632x128xf32, #tpu.memory_space<hbm>>) target(%dma_start3A_16 : memref<632x128xf32, #tpu.memory_space<vmem_shared>>) target_semaphore(%run_scoped3A_15 : memref<!tpu.dma_semaphore, #tpu.memory_space<semaphore_mem>>)
      %dma_wait3A = arith.constant 0 : i32
      %dma_wait3A_19 = tpu.memref_slice %arg10[%mul3A_4, %dma_wait3A] : memref<10112x128xf32, #tpu.memory_space<vmem_shared>> -> memref<632x128xf32, #tpu.memory_space<vmem_shared>>
      %dma_wait3A_20 = arith.constant 0 : i32
      %dma_wait3A_21 = tpu.memref_slice %arg5[%mul3A_2, %dma_wait3A_20] : memref<10112x128xf32, #tpu.memory_space<hbm>> -> memref<632x128xf32, #tpu.memory_space<hbm>>
      tpu.wait_dma2 semaphore(%run_scoped3A_15 : memref<!tpu.dma_semaphore, #tpu.memory_space<semaphore_mem>>) src(%dma_wait3A_21 : memref<632x128xf32, #tpu.memory_space<hbm>>) dst(%dma_wait3A_19 : memref<632x128xf32, #tpu.memory_space<vmem_shared>>)
      tpu.yield
    }) : () -> ()
    "tpu.region"() ({
      %run_scoped3A_15 = tpu.sem_alloc : memref<!tpu.dma_semaphore, #tpu.memory_space<semaphore_mem>>
      %dma_start3A = arith.constant 0 : i32
      %dma_start3A_16 = arith.constant 0 : i32
      %dma_start3A_17 = tpu.memref_slice %arg4[%add3A, %dma_start3A, %dma_start3A_16] : memref<32x80x128xi32, #tpu.memory_space<hbm>> -> memref<1x80x128xi32, #tpu.memory_space<hbm>>
      %dma_start3A_18 = tpu.memref_squeeze %dma_start3A_17 : memref<1x80x128xi32, #tpu.memory_space<hbm>> -> memref<80x128xi32, #tpu.memory_space<hbm>>
      %dma_start3A_19 = arith.constant 0 : i32
      %dma_start3A_20 = arith.constant 0 : i32
      %dma_start3A_21 = tpu.memref_slice %arg4[%add3A, %dma_start3A_19, %dma_start3A_20] : memref<32x80x128xi32, #tpu.memory_space<hbm>> -> memref<1x80x128xi32, #tpu.memory_space<hbm>>
      %dma_start3A_22 = tpu.memref_squeeze %dma_start3A_21 : memref<1x80x128xi32, #tpu.memory_space<hbm>> -> memref<80x128xi32, #tpu.memory_space<hbm>>
      tpu.enqueue_dma source(%dma_start3A_22 : memref<80x128xi32, #tpu.memory_space<hbm>>) target(%arg8 : memref<80x128xi32, #tpu.memory_space<vmem>>) target_semaphore(%run_scoped3A_15 : memref<!tpu.dma_semaphore, #tpu.memory_space<semaphore_mem>>)
      %dma_wait3A = arith.constant 0 : i32
      %dma_wait3A_23 = arith.constant 0 : i32
      %dma_wait3A_24 = tpu.memref_slice %arg4[%add3A, %dma_wait3A, %dma_wait3A_23] : memref<32x80x128xi32, #tpu.memory_space<hbm>> -> memref<1x80x128xi32, #tpu.memory_space<hbm>>
      %dma_wait3A_25 = tpu.memref_squeeze %dma_wait3A_24 : memref<1x80x128xi32, #tpu.memory_space<hbm>> -> memref<80x128xi32, #tpu.memory_space<hbm>>
      %dma_wait3A_26 = arith.constant 0 : i32
      %dma_wait3A_27 = arith.constant 0 : i32
      %dma_wait3A_28 = tpu.memref_slice %arg4[%add3A, %dma_wait3A_26, %dma_wait3A_27] : memref<32x80x128xi32, #tpu.memory_space<hbm>> -> memref<1x80x128xi32, #tpu.memory_space<hbm>>
      %dma_wait3A_29 = tpu.memref_squeeze %dma_wait3A_28 : memref<1x80x128xi32, #tpu.memory_space<hbm>> -> memref<80x128xi32, #tpu.memory_space<hbm>>
      tpu.wait_dma2 semaphore(%run_scoped3A_15 : memref<!tpu.dma_semaphore, #tpu.memory_space<semaphore_mem>>) src(%dma_wait3A_29 : memref<80x128xi32, #tpu.memory_space<hbm>>) dst(%arg8 : memref<80x128xi32, #tpu.memory_space<vmem>>)
      tpu.yield
    }) : () -> ()
    %run_scoped3A = arith.constant 0 : i32
    "tpu.region"() ({
      %run_scoped3A_15 = tpu.sem_alloc : memref<!tpu.dma_semaphore, #tpu.memory_space<semaphore_mem>>
      %dma_start3A = arith.constant 0 : i32
      %dma_start3A_16 = arith.constant 0 : i32
      %dma_start3A_17 = tpu.memref_slice %arg7[%run_scoped3A, %dma_start3A, %dma_start3A_16] : memref<2x16x128xi32, #tpu.memory_space<vmem>> -> memref<1x16x128xi32, #tpu.memory_space<vmem>>
      %dma_start3A_18 = tpu.memref_squeeze %dma_start3A_17 : memref<1x16x128xi32, #tpu.memory_space<vmem>> -> memref<16x128xi32, #tpu.memory_space<vmem>>
      %dma_start3A_19 = arith.constant 0 : i32
      %dma_start3A_20 = arith.constant 0 : i32
      %dma_start3A_21 = tpu.memref_slice %arg3[%add3A, %dma_start3A_19, %dma_start3A_20] : memref<32x80x128xi32, #tpu.memory_space<hbm>> -> memref<1x16x128xi32, #tpu.memory_space<hbm>>
      %dma_start3A_22 = tpu.memref_squeeze %dma_start3A_21 : memref<1x16x128xi32, #tpu.memory_space<hbm>> -> memref<16x128xi32, #tpu.memory_space<hbm>>
      %dma_start3A_23 = arith.constant 0 : i32
      %dma_start3A_24 = arith.constant 0 : i32
      %dma_start3A_25 = tpu.memref_slice %arg7[%run_scoped3A, %dma_start3A_23, %dma_start3A_24] : memref<2x16x128xi32, #tpu.memory_space<vmem>> -> memref<1x16x128xi32, #tpu.memory_space<vmem>>
      %dma_start3A_26 = tpu.memref_squeeze %dma_start3A_25 : memref<1x16x128xi32, #tpu.memory_space<vmem>> -> memref<16x128xi32, #tpu.memory_space<vmem>>
      %dma_start3A_27 = arith.constant 0 : i32
      %dma_start3A_28 = arith.constant 0 : i32
      %dma_start3A_29 = tpu.memref_slice %arg3[%add3A, %dma_start3A_27, %dma_start3A_28] : memref<32x80x128xi32, #tpu.memory_space<hbm>> -> memref<1x16x128xi32, #tpu.memory_space<hbm>>
      %dma_start3A_30 = tpu.memref_squeeze %dma_start3A_29 : memref<1x16x128xi32, #tpu.memory_space<hbm>> -> memref<16x128xi32, #tpu.memory_space<hbm>>
      tpu.enqueue_dma source(%dma_start3A_30 : memref<16x128xi32, #tpu.memory_space<hbm>>) target(%dma_start3A_26 : memref<16x128xi32, #tpu.memory_space<vmem>>) target_semaphore(%run_scoped3A_15 : memref<!tpu.dma_semaphore, #tpu.memory_space<semaphore_mem>>)
      %dma_wait3A = arith.constant 0 : i32
      %dma_wait3A_31 = arith.constant 0 : i32
      %dma_wait3A_32 = tpu.memref_slice %arg7[%run_scoped3A, %dma_wait3A, %dma_wait3A_31] : memref<2x16x128xi32, #tpu.memory_space<vmem>> -> memref<1x16x128xi32, #tpu.memory_space<vmem>>
      %dma_wait3A_33 = tpu.memref_squeeze %dma_wait3A_32 : memref<1x16x128xi32, #tpu.memory_space<vmem>> -> memref<16x128xi32, #tpu.memory_space<vmem>>
      %dma_wait3A_34 = arith.constant 0 : i32
      %dma_wait3A_35 = arith.constant 0 : i32
      %dma_wait3A_36 = tpu.memref_slice %arg3[%add3A, %dma_wait3A_34, %dma_wait3A_35] : memref<32x80x128xi32, #tpu.memory_space<hbm>> -> memref<1x16x128xi32, #tpu.memory_space<hbm>>
      %dma_wait3A_37 = tpu.memref_squeeze %dma_wait3A_36 : memref<1x16x128xi32, #tpu.memory_space<hbm>> -> memref<16x128xi32, #tpu.memory_space<hbm>>
      %dma_wait3A_38 = arith.constant 0 : i32
      %dma_wait3A_39 = arith.constant 0 : i32
      %dma_wait3A_40 = tpu.memref_slice %arg7[%run_scoped3A, %dma_wait3A_38, %dma_wait3A_39] : memref<2x16x128xi32, #tpu.memory_space<vmem>> -> memref<1x16x128xi32, #tpu.memory_space<vmem>>
      %dma_wait3A_41 = tpu.memref_squeeze %dma_wait3A_40 : memref<1x16x128xi32, #tpu.memory_space<vmem>> -> memref<16x128xi32, #tpu.memory_space<vmem>>
      %dma_wait3A_42 = arith.constant 0 : i32
      %dma_wait3A_43 = arith.constant 0 : i32
      %dma_wait3A_44 = tpu.memref_slice %arg3[%add3A, %dma_wait3A_42, %dma_wait3A_43] : memref<32x80x128xi32, #tpu.memory_space<hbm>> -> memref<1x16x128xi32, #tpu.memory_space<hbm>>
      %dma_wait3A_45 = tpu.memref_squeeze %dma_wait3A_44 : memref<1x16x128xi32, #tpu.memory_space<hbm>> -> memref<16x128xi32, #tpu.memory_space<hbm>>
      tpu.wait_dma2 semaphore(%run_scoped3A_15 : memref<!tpu.dma_semaphore, #tpu.memory_space<semaphore_mem>>) src(%dma_wait3A_45 : memref<16x128xi32, #tpu.memory_space<hbm>>) dst(%dma_wait3A_41 : memref<16x128xi32, #tpu.memory_space<vmem>>)
      tpu.yield
    }) : () -> ()
    %barrier3A = arith.constant 0 : index
    tpu.barrier barrier_id(%barrier3A)
    %scan3A = arith.constant 0 : i32
    %scan3A_5 = arith.constant 0 : i32
    %scan3A_6 = arith.constant 5 : i32
    %scan3A_7 = arith.addi %scan3A_5, %scan3A_6 : i32
    %scan3A_8 = arith.constant 1 : i32
    scf.for %scan3A_15 = %scan3A_5 to %scan3A_7 step %scan3A_8  : i32 {
      %gt3A = arith.constant 0 : i32
      %gt3A_16 = arith.cmpi sgt, %scan3A_15, %gt3A : i32
      %convert_element_type3A = arith.extui %gt3A_16 : i1 to i32
      %cond3A = arith.constant 0 : i32
      %cond3A_17 = arith.cmpi ne, %convert_element_type3A, %cond3A : i32
      scf.if %cond3A_17 {
        %dma_wait3A = arith.constant 0 : i32
        %dma_wait3A_61 = arith.constant 0 : i32
        %dma_wait3A_62 = arith.constant 0 : i32
        %dma_wait3A_63 = tpu.memref_slice %arg7[%dma_wait3A, %dma_wait3A_61, %dma_wait3A_62] : memref<2x16x128xi32, #tpu.memory_space<vmem>> -> memref<1x16x128xi32, #tpu.memory_space<vmem>>
        %dma_wait3A_64 = tpu.memref_squeeze %dma_wait3A_63 : memref<1x16x128xi32, #tpu.memory_space<vmem>> -> memref<16x128xi32, #tpu.memory_space<vmem>>
        %dma_wait3A_65 = arith.constant 0 : i32
        %dma_wait3A_66 = arith.constant 0 : i32
        %dma_wait3A_67 = tpu.memref_slice %arg3[%add3A, %dma_wait3A_65, %dma_wait3A_66] : memref<32x80x128xi32, #tpu.memory_space<hbm>> -> memref<1x16x128xi32, #tpu.memory_space<hbm>>
        %dma_wait3A_68 = tpu.memref_squeeze %dma_wait3A_67 : memref<1x16x128xi32, #tpu.memory_space<hbm>> -> memref<16x128xi32, #tpu.memory_space<hbm>>
        %dma_wait3A_69 = arith.constant 0 : i32
        %dma_wait3A_70 = arith.constant 0 : i32
        %dma_wait3A_71 = tpu.memref_slice %arg7[%dma_wait3A, %dma_wait3A_69, %dma_wait3A_70] : memref<2x16x128xi32, #tpu.memory_space<vmem>> -> memref<1x16x128xi32, #tpu.memory_space<vmem>>
        %dma_wait3A_72 = tpu.memref_squeeze %dma_wait3A_71 : memref<1x16x128xi32, #tpu.memory_space<vmem>> -> memref<16x128xi32, #tpu.memory_space<vmem>>
        %dma_wait3A_73 = arith.constant 0 : i32
        %dma_wait3A_74 = arith.constant 0 : i32
        %dma_wait3A_75 = tpu.memref_slice %arg3[%add3A, %dma_wait3A_73, %dma_wait3A_74] : memref<32x80x128xi32, #tpu.memory_space<hbm>> -> memref<1x16x128xi32, #tpu.memory_space<hbm>>
        %dma_wait3A_76 = tpu.memref_squeeze %dma_wait3A_75 : memref<1x16x128xi32, #tpu.memory_space<hbm>> -> memref<16x128xi32, #tpu.memory_space<hbm>>
        tpu.wait_dma2 semaphore(%arg13 : memref<!tpu.dma_semaphore, #tpu.memory_space<semaphore_mem>>) src(%dma_wait3A_76 : memref<16x128xi32, #tpu.memory_space<hbm>>) dst(%dma_wait3A_72 : memref<16x128xi32, #tpu.memory_space<vmem>>)
      } else {
      }
      %lt3A = arith.constant 4 : i32
      %lt3A_18 = arith.cmpi slt, %scan3A_15, %lt3A : i32
      %convert_element_type3A_19 = arith.extui %lt3A_18 : i1 to i32
      %cond3A_20 = arith.constant 0 : i32
      %cond3A_21 = arith.cmpi ne, %convert_element_type3A_19, %cond3A_20 : i32
      scf.if %cond3A_21 {
        %add3A_61 = arith.constant 1 : i32
        %add3A_62 = arith.addi %scan3A_15, %add3A_61 : i32
        %mul3A_63 = arith.constant 16 : i32
        %mul3A_64 = arith.muli %add3A_62, %mul3A_63 : i32
        %add3A_65 = arith.constant 1 : i32
        %add3A_66 = arith.addi %scan3A_15, %add3A_65 : i32
        %jit3A_67 = arith.constant 2 : i32
        %eq3A_68 = arith.constant 0 : i32
        %eq3A_69 = arith.cmpi eq, %jit3A_67, %eq3A_68 : i32
        %jit3A_70 = arith.constant 1 : i32
        %select_n3A_71 = arith.select %eq3A_69, %jit3A_70, %jit3A_67 : i32
        %rem3A_72 = arith.remsi %add3A_66, %select_n3A_71 : i32
        %ne3A_73 = arith.constant 0 : i32
        %ne3A_74 = arith.cmpi ne, %rem3A_72, %ne3A_73 : i32
        %lt3A_75 = arith.constant 0 : i32
        %lt3A_76 = arith.cmpi slt, %rem3A_72, %lt3A_75 : i32
        %lt3A_77 = arith.constant 0 : i32
        %lt3A_78 = arith.cmpi slt, %select_n3A_71, %lt3A_77 : i32
        %ne3A_79 = arith.xori %lt3A_76, %lt3A_78 : i1
        %and3A_80 = arith.andi %ne3A_79, %ne3A_74 : i1
        %add3A_81 = arith.addi %rem3A_72, %select_n3A_71 : i32
        %select_n3A_82 = arith.select %and3A_80, %add3A_81, %rem3A_72 : i32
        %dma_start3A_83 = arith.constant 0 : i32
        %dma_start3A_84 = arith.constant 0 : i32
        %dma_start3A_85 = tpu.memref_slice %arg7[%select_n3A_82, %dma_start3A_83, %dma_start3A_84] : memref<2x16x128xi32, #tpu.memory_space<vmem>> -> memref<1x16x128xi32, #tpu.memory_space<vmem>>
        %dma_start3A_86 = tpu.memref_squeeze %dma_start3A_85 : memref<1x16x128xi32, #tpu.memory_space<vmem>> -> memref<16x128xi32, #tpu.memory_space<vmem>>
        %dma_start3A_87 = arith.constant 0 : i32
        %dma_start3A_88 = tpu.memref_slice %arg3[%add3A, %mul3A_64, %dma_start3A_87] : memref<32x80x128xi32, #tpu.memory_space<hbm>> -> memref<1x16x128xi32, #tpu.memory_space<hbm>>
        %dma_start3A_89 = tpu.memref_squeeze %dma_start3A_88 : memref<1x16x128xi32, #tpu.memory_space<hbm>> -> memref<16x128xi32, #tpu.memory_space<hbm>>
        %dma_start3A_90 = arith.constant 0 : i32
        %dma_start3A_91 = arith.constant 0 : i32
        %dma_start3A_92 = tpu.memref_slice %arg7[%select_n3A_82, %dma_start3A_90, %dma_start3A_91] : memref<2x16x128xi32, #tpu.memory_space<vmem>> -> memref<1x16x128xi32, #tpu.memory_space<vmem>>
        %dma_start3A_93 = tpu.memref_squeeze %dma_start3A_92 : memref<1x16x128xi32, #tpu.memory_space<vmem>> -> memref<16x128xi32, #tpu.memory_space<vmem>>
        %dma_start3A_94 = arith.constant 0 : i32
        %dma_start3A_95 = tpu.memref_slice %arg3[%add3A, %mul3A_64, %dma_start3A_94] : memref<32x80x128xi32, #tpu.memory_space<hbm>> -> memref<1x16x128xi32, #tpu.memory_space<hbm>>
        %dma_start3A_96 = tpu.memref_squeeze %dma_start3A_95 : memref<1x16x128xi32, #tpu.memory_space<hbm>> -> memref<16x128xi32, #tpu.memory_space<hbm>>
        tpu.enqueue_dma source(%dma_start3A_96 : memref<16x128xi32, #tpu.memory_space<hbm>>) target(%dma_start3A_93 : memref<16x128xi32, #tpu.memory_space<vmem>>) target_semaphore(%arg13 : memref<!tpu.dma_semaphore, #tpu.memory_space<semaphore_mem>>)
      } else {
      }
      %jit3A = arith.constant 2 : i32
      %eq3A = arith.constant 0 : i32
      %eq3A_22 = arith.cmpi eq, %jit3A, %eq3A : i32
      %jit3A_23 = arith.constant 1 : i32
      %select_n3A = arith.select %eq3A_22, %jit3A_23, %jit3A : i32
      %rem3A = arith.remsi %scan3A_15, %select_n3A : i32
      %ne3A = arith.constant 0 : i32
      %ne3A_24 = arith.cmpi ne, %rem3A, %ne3A : i32
      %lt3A_25 = arith.constant 0 : i32
      %lt3A_26 = arith.cmpi slt, %rem3A, %lt3A_25 : i32
      %lt3A_27 = arith.constant 0 : i32
      %lt3A_28 = arith.cmpi slt, %select_n3A, %lt3A_27 : i32
      %ne3A_29 = arith.xori %lt3A_26, %lt3A_28 : i1
      %and3A = arith.andi %ne3A_29, %ne3A_24 : i1
      %add3A_30 = arith.addi %rem3A, %select_n3A : i32
      %select_n3A_31 = arith.select %and3A, %add3A_30, %rem3A : i32
      %dma_start3A = arith.constant 0 : i32
      %dma_start3A_32 = arith.constant 0 : i32
      %dma_start3A_33 = arith.constant 0 : i32
      %dma_start3A_34 = arith.constant 0 : i32
      %dma_start3A_35 = tpu.memref_slice %arg9[%dma_start3A_32, %dma_start3A_33, %dma_start3A_34] : memref<2x128x128xf32, #tpu.memory_space<vmem>> -> memref<1x128x128xf32, #tpu.memory_space<vmem>>
      %dma_start3A_36 = tpu.memref_squeeze %dma_start3A_35 : memref<1x128x128xf32, #tpu.memory_space<vmem>> -> memref<128x128xf32, #tpu.memory_space<vmem>>
      %dma_start3A_37 = arith.constant 0 : i32
      %dma_start3A_38 = tpu.memref_slice %arg7[%select_n3A_31, %dma_start3A, %dma_start3A_37] : memref<2x16x128xi32, #tpu.memory_space<vmem>> -> memref<1x1x128xi32, #tpu.memory_space<vmem>>
      %dma_start3A_39 = tpu.memref_squeeze %dma_start3A_38 : memref<1x1x128xi32, #tpu.memory_space<vmem>> -> memref<128xi32, #tpu.memory_space<vmem>>
      %dma_start3A_40 = arith.constant 0 : i32
      %dma_start3A_41 = arith.constant 0 : i32
      %dma_start3A_42 = tpu.memref_slice %arg2[%dma_start3A_40, %dma_start3A_41] : memref<10000x128xf32, #tpu.memory_space<hbm>> -> memref<10000x128xf32, #tpu.memory_space<hbm>>
      tpu.enqueue_indirect_dma source(%dma_start3A_42 : memref<10000x128xf32, #tpu.memory_space<hbm>>) target(%dma_start3A_36 : memref<128x128xf32, #tpu.memory_space<vmem>>) offsets(%dma_start3A_39 : memref<128xi32, #tpu.memory_space<vmem>>) semaphore(%arg11 : memref<!tpu.dma_semaphore, #tpu.memory_space<semaphore_mem>>)
      %dma_start3A_43 = arith.constant 1 : i32
      %dma_start3A_44 = arith.constant 1 : i32
      %dma_start3A_45 = arith.constant 0 : i32
      %dma_start3A_46 = arith.constant 0 : i32
      %dma_start3A_47 = tpu.memref_slice %arg9[%dma_start3A_44, %dma_start3A_45, %dma_start3A_46] : memref<2x128x128xf32, #tpu.memory_space<vmem>> -> memref<1x128x128xf32, #tpu.memory_space<vmem>>
      %dma_start3A_48 = tpu.memref_squeeze %dma_start3A_47 : memref<1x128x128xf32, #tpu.memory_space<vmem>> -> memref<128x128xf32, #tpu.memory_space<vmem>>
      %dma_start3A_49 = arith.constant 0 : i32
      %dma_start3A_50 = tpu.memref_slice %arg7[%select_n3A_31, %dma_start3A_43, %dma_start3A_49] : memref<2x16x128xi32, #tpu.memory_space<vmem>> -> memref<1x1x128xi32, #tpu.memory_space<vmem>>
      %dma_start3A_51 = tpu.memref_squeeze %dma_start3A_50 : memref<1x1x128xi32, #tpu.memory_space<vmem>> -> memref<128xi32, #tpu.memory_space<vmem>>
      %dma_start3A_52 = arith.constant 0 : i32
      %dma_start3A_53 = arith.constant 0 : i32
      %dma_start3A_54 = tpu.memref_slice %arg2[%dma_start3A_52, %dma_start3A_53] : memref<10000x128xf32, #tpu.memory_space<hbm>> -> memref<10000x128xf32, #tpu.memory_space<hbm>>
      tpu.enqueue_indirect_dma source(%dma_start3A_54 : memref<10000x128xf32, #tpu.memory_space<hbm>>) target(%dma_start3A_48 : memref<128x128xf32, #tpu.memory_space<vmem>>) offsets(%dma_start3A_51 : memref<128xi32, #tpu.memory_space<vmem>>) semaphore(%arg12 : memref<!tpu.dma_semaphore, #tpu.memory_space<semaphore_mem>>)
      %scan3A_55 = arith.constant 0 : i32
      %scan3A_56 = arith.constant 0 : i32
      %scan3A_57 = arith.constant 8 : i32
      %scan3A_58 = arith.addi %scan3A_56, %scan3A_57 : i32
      %scan3A_59 = arith.constant 1 : i32
      scf.for %scan3A_61 = %scan3A_56 to %scan3A_58 step %scan3A_59  : i32 {
        %mul3A_62 = arith.constant 2 : i32
        %mul3A_63 = arith.muli %mul3A_62, %scan3A_61 : i32
        %add3A_64 = arith.constant 0 : i32
        %add3A_65 = arith.addi %mul3A_63, %add3A_64 : i32
        %mul3A_66 = arith.constant 16 : i32
        %mul3A_67 = arith.muli %scan3A_15, %mul3A_66 : i32
        %add3A_68 = arith.addi %mul3A_67, %add3A_65 : i32
        %dma_wait3A = arith.constant 0 : i32
        %dma_wait3A_69 = arith.constant 0 : i32
        %dma_wait3A_70 = arith.constant 0 : i32
        %dma_wait3A_71 = arith.constant 0 : i32
        %dma_wait3A_72 = arith.constant 0 : i32
        %dma_wait3A_73 = tpu.memref_slice %arg9[%dma_wait3A_70, %dma_wait3A_71, %dma_wait3A_72] : memref<2x128x128xf32, #tpu.memory_space<vmem>> -> memref<1x128x128xf32, #tpu.memory_space<vmem>>
        %dma_wait3A_74 = tpu.memref_squeeze %dma_wait3A_73 : memref<1x128x128xf32, #tpu.memory_space<vmem>> -> memref<128x128xf32, #tpu.memory_space<vmem>>
        %dma_wait3A_75 = arith.constant 0 : i32
        %dma_wait3A_76 = tpu.memref_slice %arg7[%dma_wait3A, %dma_wait3A_69, %dma_wait3A_75] : memref<2x16x128xi32, #tpu.memory_space<vmem>> -> memref<1x1x128xi32, #tpu.memory_space<vmem>>
        %dma_wait3A_77 = tpu.memref_squeeze %dma_wait3A_76 : memref<1x1x128xi32, #tpu.memory_space<vmem>> -> memref<128xi32, #tpu.memory_space<vmem>>
        %dma_wait3A_78 = arith.constant 0 : i32
        %dma_wait3A_79 = arith.constant 0 : i32
        %dma_wait3A_80 = tpu.memref_slice %arg2[%dma_wait3A_78, %dma_wait3A_79] : memref<10000x128xf32, #tpu.memory_space<hbm>> -> memref<10000x128xf32, #tpu.memory_space<hbm>>
        tpu.wait_indirect_dma semaphore(%arg11 : memref<!tpu.dma_semaphore, #tpu.memory_space<semaphore_mem>>) src(%dma_wait3A_80 : memref<10000x128xf32, #tpu.memory_space<hbm>>) dst(%dma_wait3A_74 : memref<128x128xf32, #tpu.memory_space<vmem>>)
        %run_scoped3A_81 = arith.constant 0 : i32
        "tpu.region"() ({
          %run_scoped3A_113 = tpu.sem_alloc : memref<!tpu.dma_semaphore, #tpu.memory_space<semaphore_mem>>
          %dma_start3A_114 = arith.constant 0 : i32
          %dma_start3A_115 = arith.constant 0 : i32
          %dma_start3A_116 = tpu.memref_slice %arg9[%run_scoped3A_81, %dma_start3A_114, %dma_start3A_115] : memref<2x128x128xf32, #tpu.memory_space<vmem>> -> memref<1x128x128xf32, #tpu.memory_space<vmem>>
          %dma_start3A_117 = tpu.memref_squeeze %dma_start3A_116 : memref<1x128x128xf32, #tpu.memory_space<vmem>> -> memref<128x128xf32, #tpu.memory_space<vmem>>
          %dma_start3A_118 = arith.constant 0 : i32
          %dma_start3A_119 = tpu.memref_slice %arg8[%add3A_68, %dma_start3A_118] : memref<80x128xi32, #tpu.memory_space<vmem>> -> memref<1x128xi32, #tpu.memory_space<vmem>>
          %dma_start3A_120 = tpu.memref_squeeze %dma_start3A_119 : memref<1x128xi32, #tpu.memory_space<vmem>> -> memref<128xi32, #tpu.memory_space<vmem>>
          %dma_start3A_121 = arith.constant 0 : i32
          %dma_start3A_122 = arith.constant 0 : i32
          %dma_start3A_123 = tpu.memref_slice %arg10[%dma_start3A_121, %dma_start3A_122] : memref<10112x128xf32, #tpu.memory_space<vmem_shared>> -> memref<10112x128xf32, #tpu.memory_space<vmem_shared>>
          tpu.enqueue_indirect_dma source(%dma_start3A_117 : memref<128x128xf32, #tpu.memory_space<vmem>>) target(%dma_start3A_123 : memref<10112x128xf32, #tpu.memory_space<vmem_shared>>) offsets(%dma_start3A_120 : memref<128xi32, #tpu.memory_space<vmem>>) semaphore(%run_scoped3A_113 : memref<!tpu.dma_semaphore, #tpu.memory_space<semaphore_mem>>) {add = true}
          %dma_wait3A_124 = arith.constant 0 : i32
          %dma_wait3A_125 = arith.constant 0 : i32
          %dma_wait3A_126 = tpu.memref_slice %arg9[%run_scoped3A_81, %dma_wait3A_124, %dma_wait3A_125] : memref<2x128x128xf32, #tpu.memory_space<vmem>> -> memref<1x128x128xf32, #tpu.memory_space<vmem>>
          %dma_wait3A_127 = tpu.memref_squeeze %dma_wait3A_126 : memref<1x128x128xf32, #tpu.memory_space<vmem>> -> memref<128x128xf32, #tpu.memory_space<vmem>>
          %dma_wait3A_128 = arith.constant 0 : i32
          %dma_wait3A_129 = tpu.memref_slice %arg8[%add3A_68, %dma_wait3A_128] : memref<80x128xi32, #tpu.memory_space<vmem>> -> memref<1x128xi32, #tpu.memory_space<vmem>>
          %dma_wait3A_130 = tpu.memref_squeeze %dma_wait3A_129 : memref<1x128xi32, #tpu.memory_space<vmem>> -> memref<128xi32, #tpu.memory_space<vmem>>
          %dma_wait3A_131 = arith.constant 0 : i32
          %dma_wait3A_132 = arith.constant 0 : i32
          %dma_wait3A_133 = tpu.memref_slice %arg10[%dma_wait3A_131, %dma_wait3A_132] : memref<10112x128xf32, #tpu.memory_space<vmem_shared>> -> memref<10112x128xf32, #tpu.memory_space<vmem_shared>>
          tpu.wait_indirect_dma semaphore(%run_scoped3A_113 : memref<!tpu.dma_semaphore, #tpu.memory_space<semaphore_mem>>) src(%dma_wait3A_127 : memref<128x128xf32, #tpu.memory_space<vmem>>) dst(%dma_wait3A_133 : memref<10112x128xf32, #tpu.memory_space<vmem_shared>>)
          tpu.yield
        }) : () -> ()
        %lt3A_82 = arith.constant 14 : i32
        %lt3A_83 = arith.cmpi slt, %add3A_65, %lt3A_82 : i32
        %convert_element_type3A_84 = arith.extui %lt3A_83 : i1 to i32
        %cond3A_85 = arith.constant 0 : i32
        %cond3A_86 = arith.cmpi ne, %convert_element_type3A_84, %cond3A_85 : i32
        scf.if %cond3A_86 {
          %add3A_113 = arith.constant 2 : i32
          %add3A_114 = arith.addi %add3A_65, %add3A_113 : i32
          %dma_start3A_115 = arith.constant 0 : i32
          %dma_start3A_116 = arith.constant 0 : i32
          %dma_start3A_117 = arith.constant 0 : i32
          %dma_start3A_118 = tpu.memref_slice %arg9[%dma_start3A_115, %dma_start3A_116, %dma_start3A_117] : memref<2x128x128xf32, #tpu.memory_space<vmem>> -> memref<1x128x128xf32, #tpu.memory_space<vmem>>
          %dma_start3A_119 = tpu.memref_squeeze %dma_start3A_118 : memref<1x128x128xf32, #tpu.memory_space<vmem>> -> memref<128x128xf32, #tpu.memory_space<vmem>>
          %dma_start3A_120 = arith.constant 0 : i32
          %dma_start3A_121 = tpu.memref_slice %arg7[%select_n3A_31, %add3A_114, %dma_start3A_120] : memref<2x16x128xi32, #tpu.memory_space<vmem>> -> memref<1x1x128xi32, #tpu.memory_space<vmem>>
          %dma_start3A_122 = tpu.memref_squeeze %dma_start3A_121 : memref<1x1x128xi32, #tpu.memory_space<vmem>> -> memref<128xi32, #tpu.memory_space<vmem>>
          %dma_start3A_123 = arith.constant 0 : i32
          %dma_start3A_124 = arith.constant 0 : i32
          %dma_start3A_125 = tpu.memref_slice %arg2[%dma_start3A_123, %dma_start3A_124] : memref<10000x128xf32, #tpu.memory_space<hbm>> -> memref<10000x128xf32, #tpu.memory_space<hbm>>
          tpu.enqueue_indirect_dma source(%dma_start3A_125 : memref<10000x128xf32, #tpu.memory_space<hbm>>) target(%dma_start3A_119 : memref<128x128xf32, #tpu.memory_space<vmem>>) offsets(%dma_start3A_122 : memref<128xi32, #tpu.memory_space<vmem>>) semaphore(%arg11 : memref<!tpu.dma_semaphore, #tpu.memory_space<semaphore_mem>>)
        } else {
        }
        %mul3A_87 = arith.constant 2 : i32
        %mul3A_88 = arith.muli %mul3A_87, %scan3A_61 : i32
        %add3A_89 = arith.constant 1 : i32
        %add3A_90 = arith.addi %mul3A_88, %add3A_89 : i32
        %mul3A_91 = arith.constant 16 : i32
        %mul3A_92 = arith.muli %scan3A_15, %mul3A_91 : i32
        %add3A_93 = arith.addi %mul3A_92, %add3A_90 : i32
        %dma_wait3A_94 = arith.constant 0 : i32
        %dma_wait3A_95 = arith.constant 0 : i32
        %dma_wait3A_96 = arith.constant 1 : i32
        %dma_wait3A_97 = arith.constant 0 : i32
        %dma_wait3A_98 = arith.constant 0 : i32
        %dma_wait3A_99 = tpu.memref_slice %arg9[%dma_wait3A_96, %dma_wait3A_97, %dma_wait3A_98] : memref<2x128x128xf32, #tpu.memory_space<vmem>> -> memref<1x128x128xf32, #tpu.memory_space<vmem>>
        %dma_wait3A_100 = tpu.memref_squeeze %dma_wait3A_99 : memref<1x128x128xf32, #tpu.memory_space<vmem>> -> memref<128x128xf32, #tpu.memory_space<vmem>>
        %dma_wait3A_101 = arith.constant 0 : i32
        %dma_wait3A_102 = tpu.memref_slice %arg7[%dma_wait3A_94, %dma_wait3A_95, %dma_wait3A_101] : memref<2x16x128xi32, #tpu.memory_space<vmem>> -> memref<1x1x128xi32, #tpu.memory_space<vmem>>
        %dma_wait3A_103 = tpu.memref_squeeze %dma_wait3A_102 : memref<1x1x128xi32, #tpu.memory_space<vmem>> -> memref<128xi32, #tpu.memory_space<vmem>>
        %dma_wait3A_104 = arith.constant 0 : i32
        %dma_wait3A_105 = arith.constant 0 : i32
        %dma_wait3A_106 = tpu.memref_slice %arg2[%dma_wait3A_104, %dma_wait3A_105] : memref<10000x128xf32, #tpu.memory_space<hbm>> -> memref<10000x128xf32, #tpu.memory_space<hbm>>
        tpu.wait_indirect_dma semaphore(%arg12 : memref<!tpu.dma_semaphore, #tpu.memory_space<semaphore_mem>>) src(%dma_wait3A_106 : memref<10000x128xf32, #tpu.memory_space<hbm>>) dst(%dma_wait3A_100 : memref<128x128xf32, #tpu.memory_space<vmem>>)
        %run_scoped3A_107 = arith.constant 1 : i32
        "tpu.region"() ({
          %run_scoped3A_113 = tpu.sem_alloc : memref<!tpu.dma_semaphore, #tpu.memory_space<semaphore_mem>>
          %dma_start3A_114 = arith.constant 0 : i32
          %dma_start3A_115 = arith.constant 0 : i32
          %dma_start3A_116 = tpu.memref_slice %arg9[%run_scoped3A_107, %dma_start3A_114, %dma_start3A_115] : memref<2x128x128xf32, #tpu.memory_space<vmem>> -> memref<1x128x128xf32, #tpu.memory_space<vmem>>
          %dma_start3A_117 = tpu.memref_squeeze %dma_start3A_116 : memref<1x128x128xf32, #tpu.memory_space<vmem>> -> memref<128x128xf32, #tpu.memory_space<vmem>>
          %dma_start3A_118 = arith.constant 0 : i32
          %dma_start3A_119 = tpu.memref_slice %arg8[%add3A_93, %dma_start3A_118] : memref<80x128xi32, #tpu.memory_space<vmem>> -> memref<1x128xi32, #tpu.memory_space<vmem>>
          %dma_start3A_120 = tpu.memref_squeeze %dma_start3A_119 : memref<1x128xi32, #tpu.memory_space<vmem>> -> memref<128xi32, #tpu.memory_space<vmem>>
          %dma_start3A_121 = arith.constant 0 : i32
          %dma_start3A_122 = arith.constant 0 : i32
          %dma_start3A_123 = tpu.memref_slice %arg10[%dma_start3A_121, %dma_start3A_122] : memref<10112x128xf32, #tpu.memory_space<vmem_shared>> -> memref<10112x128xf32, #tpu.memory_space<vmem_shared>>
          tpu.enqueue_indirect_dma source(%dma_start3A_117 : memref<128x128xf32, #tpu.memory_space<vmem>>) target(%dma_start3A_123 : memref<10112x128xf32, #tpu.memory_space<vmem_shared>>) offsets(%dma_start3A_120 : memref<128xi32, #tpu.memory_space<vmem>>) semaphore(%run_scoped3A_113 : memref<!tpu.dma_semaphore, #tpu.memory_space<semaphore_mem>>) {add = true}
          %dma_wait3A_124 = arith.constant 0 : i32
          %dma_wait3A_125 = arith.constant 0 : i32
          %dma_wait3A_126 = tpu.memref_slice %arg9[%run_scoped3A_107, %dma_wait3A_124, %dma_wait3A_125] : memref<2x128x128xf32, #tpu.memory_space<vmem>> -> memref<1x128x128xf32, #tpu.memory_space<vmem>>
          %dma_wait3A_127 = tpu.memref_squeeze %dma_wait3A_126 : memref<1x128x128xf32, #tpu.memory_space<vmem>> -> memref<128x128xf32, #tpu.memory_space<vmem>>
          %dma_wait3A_128 = arith.constant 0 : i32
          %dma_wait3A_129 = tpu.memref_slice %arg8[%add3A_93, %dma_wait3A_128] : memref<80x128xi32, #tpu.memory_space<vmem>> -> memref<1x128xi32, #tpu.memory_space<vmem>>
          %dma_wait3A_130 = tpu.memref_squeeze %dma_wait3A_129 : memref<1x128xi32, #tpu.memory_space<vmem>> -> memref<128xi32, #tpu.memory_space<vmem>>
          %dma_wait3A_131 = arith.constant 0 : i32
          %dma_wait3A_132 = arith.constant 0 : i32
          %dma_wait3A_133 = tpu.memref_slice %arg10[%dma_wait3A_131, %dma_wait3A_132] : memref<10112x128xf32, #tpu.memory_space<vmem_shared>> -> memref<10112x128xf32, #tpu.memory_space<vmem_shared>>
          tpu.wait_indirect_dma semaphore(%run_scoped3A_113 : memref<!tpu.dma_semaphore, #tpu.memory_space<semaphore_mem>>) src(%dma_wait3A_127 : memref<128x128xf32, #tpu.memory_space<vmem>>) dst(%dma_wait3A_133 : memref<10112x128xf32, #tpu.memory_space<vmem_shared>>)
          tpu.yield
        }) : () -> ()
        %lt3A_108 = arith.constant 14 : i32
        %lt3A_109 = arith.cmpi slt, %add3A_90, %lt3A_108 : i32
        %convert_element_type3A_110 = arith.extui %lt3A_109 : i1 to i32
        %cond3A_111 = arith.constant 0 : i32
        %cond3A_112 = arith.cmpi ne, %convert_element_type3A_110, %cond3A_111 : i32
        scf.if %cond3A_112 {
          %add3A_113 = arith.constant 2 : i32
          %add3A_114 = arith.addi %add3A_90, %add3A_113 : i32
          %dma_start3A_115 = arith.constant 1 : i32
          %dma_start3A_116 = arith.constant 0 : i32
          %dma_start3A_117 = arith.constant 0 : i32
          %dma_start3A_118 = tpu.memref_slice %arg9[%dma_start3A_115, %dma_start3A_116, %dma_start3A_117] : memref<2x128x128xf32, #tpu.memory_space<vmem>> -> memref<1x128x128xf32, #tpu.memory_space<vmem>>
          %dma_start3A_119 = tpu.memref_squeeze %dma_start3A_118 : memref<1x128x128xf32, #tpu.memory_space<vmem>> -> memref<128x128xf32, #tpu.memory_space<vmem>>
          %dma_start3A_120 = arith.constant 0 : i32
          %dma_start3A_121 = tpu.memref_slice %arg7[%select_n3A_31, %add3A_114, %dma_start3A_120] : memref<2x16x128xi32, #tpu.memory_space<vmem>> -> memref<1x1x128xi32, #tpu.memory_space<vmem>>
          %dma_start3A_122 = tpu.memref_squeeze %dma_start3A_121 : memref<1x1x128xi32, #tpu.memory_space<vmem>> -> memref<128xi32, #tpu.memory_space<vmem>>
          %dma_start3A_123 = arith.constant 0 : i32
          %dma_start3A_124 = arith.constant 0 : i32
          %dma_start3A_125 = tpu.memref_slice %arg2[%dma_start3A_123, %dma_start3A_124] : memref<10000x128xf32, #tpu.memory_space<hbm>> -> memref<10000x128xf32, #tpu.memory_space<hbm>>
          tpu.enqueue_indirect_dma source(%dma_start3A_125 : memref<10000x128xf32, #tpu.memory_space<hbm>>) target(%dma_start3A_119 : memref<128x128xf32, #tpu.memory_space<vmem>>) offsets(%dma_start3A_122 : memref<128xi32, #tpu.memory_space<vmem>>) semaphore(%arg12 : memref<!tpu.dma_semaphore, #tpu.memory_space<semaphore_mem>>)
        } else {
        }
      }
      %scan3A_60 = arith.constant 8 : i32
    }
    %scan3A_9 = arith.constant 5 : i32
    %barrier3A_10 = arith.constant 0 : index
    tpu.barrier barrier_id(%barrier3A_10)
    %mul3A_11 = arith.constant 632 : i32
    %mul3A_12 = arith.muli %arg1, %mul3A_11 : i32
    %mul3A_13 = arith.constant 632 : i32
    %mul3A_14 = arith.muli %arg1, %mul3A_13 : i32
    "tpu.region"() ({
      %run_scoped3A_15 = tpu.sem_alloc : memref<!tpu.dma_semaphore, #tpu.memory_space<semaphore_mem>>
      %dma_start3A = arith.constant 0 : i32
      %dma_start3A_16 = tpu.memref_slice %arg6[%arg0, %mul3A_14, %dma_start3A] : memref<2x10112x128xf32, #tpu.memory_space<hbm>> -> memref<1x632x128xf32, #tpu.memory_space<hbm>>
      %dma_start3A_17 = tpu.memref_squeeze %dma_start3A_16 : memref<1x632x128xf32, #tpu.memory_space<hbm>> -> memref<632x128xf32, #tpu.memory_space<hbm>>
      %dma_start3A_18 = arith.constant 0 : i32
      %dma_start3A_19 = tpu.memref_slice %arg10[%mul3A_12, %dma_start3A_18] : memref<10112x128xf32, #tpu.memory_space<vmem_shared>> -> memref<632x128xf32, #tpu.memory_space<vmem_shared>>
      tpu.enqueue_dma source(%dma_start3A_19 : memref<632x128xf32, #tpu.memory_space<vmem_shared>>) target(%dma_start3A_17 : memref<632x128xf32, #tpu.memory_space<hbm>>) target_semaphore(%run_scoped3A_15 : memref<!tpu.dma_semaphore, #tpu.memory_space<semaphore_mem>>)
      %dma_wait3A = arith.constant 0 : i32
      %dma_wait3A_20 = tpu.memref_slice %arg6[%arg0, %mul3A_14, %dma_wait3A] : memref<2x10112x128xf32, #tpu.memory_space<hbm>> -> memref<1x632x128xf32, #tpu.memory_space<hbm>>
      %dma_wait3A_21 = tpu.memref_squeeze %dma_wait3A_20 : memref<1x632x128xf32, #tpu.memory_space<hbm>> -> memref<632x128xf32, #tpu.memory_space<hbm>>
      %dma_wait3A_22 = arith.constant 0 : i32
      %dma_wait3A_23 = tpu.memref_slice %arg10[%mul3A_12, %dma_wait3A_22] : memref<10112x128xf32, #tpu.memory_space<vmem_shared>> -> memref<632x128xf32, #tpu.memory_space<vmem_shared>>
      tpu.wait_dma2 semaphore(%run_scoped3A_15 : memref<!tpu.dma_semaphore, #tpu.memory_space<semaphore_mem>>) src(%dma_wait3A_23 : memref<632x128xf32, #tpu.memory_space<vmem_shared>>) dst(%dma_wait3A_21 : memref<632x128xf32, #tpu.memory_space<hbm>>)
      tpu.yield
    }) : () -> ()
    return
  }
}

#map = affine_map<(d0, d1) -> (0, 0)>
#map1 = affine_map<(d0, d1) -> (0, 0, 0)>
module attributes {stable_mosaic.version = 14 : i64} {
  func.func @_scatter_body(%arg0: i32, %arg1: i32, %arg2: memref<10000x128xf32, #tpu.memory_space<hbm>>, %arg3: memref<32x80x128xi32, #tpu.memory_space<hbm>>, %arg4: memref<32x80x128xi32, #tpu.memory_space<hbm>>, %arg5: memref<10112x128xf32, #tpu.memory_space<hbm>>, %arg6: memref<2x10112x128xf32, #tpu.memory_space<hbm>>, %arg7: memref<2x16x128xi32, #tpu.memory_space<vmem>>, %arg8: memref<80x128xi32, #tpu.memory_space<vmem>>, %arg9: memref<2x128x128xf32, #tpu.memory_space<vmem>>, %arg10: memref<10112x128xf32, #tpu.memory_space<vmem_shared>>, %arg11: memref<!tpu.dma_semaphore, #tpu.memory_space<semaphore_mem>>, %arg12: memref<!tpu.dma_semaphore, #tpu.memory_space<semaphore_mem>>, %arg13: memref<!tpu.dma_semaphore, #tpu.memory_space<semaphore_mem>>) attributes {dimension_semantics = [#tpu.dimension_semantics<core_parallel>, #tpu.dimension_semantics<subcore_parallel>], iteration_bounds = array<i64: 2, 16>, scalar_prefetch = 0 : i64, scratch_operands = 7 : i64, tpu.core_type = #tpu.core_type<sc_vector_subcore>, window_params = [{transform_indices = #map}, {transform_indices = #map1}, {transform_indices = #map1}, {transform_indices = #map}, {transform_indices = #map1}]} {
    %mul3A = arith.constant 16 : i32
    %mul3A_0 = arith.muli %arg0, %mul3A : i32
    %add3A = arith.addi %mul3A_0, %arg1 : i32
    %mul3A_1 = arith.constant 632 : i32
    %mul3A_2 = arith.muli %arg1, %mul3A_1 : i32
    %mul3A_3 = arith.constant 632 : i32
    %mul3A_4 = arith.muli %arg1, %mul3A_3 : i32
    "tpu.region"() ({
      %run_scoped3A_15 = tpu.sem_alloc : memref<!tpu.dma_semaphore, #tpu.memory_space<semaphore_mem>>
      %dma_start3A = arith.constant 0 : i32
      %dma_start3A_16 = tpu.memref_slice %arg10[%mul3A_4, %dma_start3A] : memref<10112x128xf32, #tpu.memory_space<vmem_shared>> -> memref<632x128xf32, #tpu.memory_space<vmem_shared>>
      %dma_start3A_17 = arith.constant 0 : i32
      %dma_start3A_18 = tpu.memref_slice %arg5[%mul3A_2, %dma_start3A_17] : memref<10112x128xf32, #tpu.memory_space<hbm>> -> memref<632x128xf32, #tpu.memory_space<hbm>>
      tpu.enqueue_dma source(%dma_start3A_18 : memref<632x128xf32, #tpu.memory_space<hbm>>) target(%dma_start3A_16 : memref<632x128xf32, #tpu.memory_space<vmem_shared>>) target_semaphore(%run_scoped3A_15 : memref<!tpu.dma_semaphore, #tpu.memory_space<semaphore_mem>>)
      %dma_wait3A = arith.constant 0 : i32
      %dma_wait3A_19 = tpu.memref_slice %arg10[%mul3A_4, %dma_wait3A] : memref<10112x128xf32, #tpu.memory_space<vmem_shared>> -> memref<632x128xf32, #tpu.memory_space<vmem_shared>>
      %dma_wait3A_20 = arith.constant 0 : i32
      %dma_wait3A_21 = tpu.memref_slice %arg5[%mul3A_2, %dma_wait3A_20] : memref<10112x128xf32, #tpu.memory_space<hbm>> -> memref<632x128xf32, #tpu.memory_space<hbm>>
      tpu.wait_dma2 semaphore(%run_scoped3A_15 : memref<!tpu.dma_semaphore, #tpu.memory_space<semaphore_mem>>) src(%dma_wait3A_21 : memref<632x128xf32, #tpu.memory_space<hbm>>) dst(%dma_wait3A_19 : memref<632x128xf32, #tpu.memory_space<vmem_shared>>)
      tpu.yield
    }) : () -> ()
    "tpu.region"() ({
      %run_scoped3A_15 = tpu.sem_alloc : memref<!tpu.dma_semaphore, #tpu.memory_space<semaphore_mem>>
      %dma_start3A = arith.constant 0 : i32
      %dma_start3A_16 = arith.constant 0 : i32
      %dma_start3A_17 = tpu.memref_slice %arg4[%add3A, %dma_start3A, %dma_start3A_16] : memref<32x80x128xi32, #tpu.memory_space<hbm>> -> memref<1x80x128xi32, #tpu.memory_space<hbm>>
      %dma_start3A_18 = tpu.memref_squeeze %dma_start3A_17 : memref<1x80x128xi32, #tpu.memory_space<hbm>> -> memref<80x128xi32, #tpu.memory_space<hbm>>
      %dma_start3A_19 = arith.constant 0 : i32
      %dma_start3A_20 = arith.constant 0 : i32
      %dma_start3A_21 = tpu.memref_slice %arg4[%add3A, %dma_start3A_19, %dma_start3A_20] : memref<32x80x128xi32, #tpu.memory_space<hbm>> -> memref<1x80x128xi32, #tpu.memory_space<hbm>>
      %dma_start3A_22 = tpu.memref_squeeze %dma_start3A_21 : memref<1x80x128xi32, #tpu.memory_space<hbm>> -> memref<80x128xi32, #tpu.memory_space<hbm>>
      tpu.enqueue_dma source(%dma_start3A_22 : memref<80x128xi32, #tpu.memory_space<hbm>>) target(%arg8 : memref<80x128xi32, #tpu.memory_space<vmem>>) target_semaphore(%run_scoped3A_15 : memref<!tpu.dma_semaphore, #tpu.memory_space<semaphore_mem>>)
      %dma_wait3A = arith.constant 0 : i32
      %dma_wait3A_23 = arith.constant 0 : i32
      %dma_wait3A_24 = tpu.memref_slice %arg4[%add3A, %dma_wait3A, %dma_wait3A_23] : memref<32x80x128xi32, #tpu.memory_space<hbm>> -> memref<1x80x128xi32, #tpu.memory_space<hbm>>
      %dma_wait3A_25 = tpu.memref_squeeze %dma_wait3A_24 : memref<1x80x128xi32, #tpu.memory_space<hbm>> -> memref<80x128xi32, #tpu.memory_space<hbm>>
      %dma_wait3A_26 = arith.constant 0 : i32
      %dma_wait3A_27 = arith.constant 0 : i32
      %dma_wait3A_28 = tpu.memref_slice %arg4[%add3A, %dma_wait3A_26, %dma_wait3A_27] : memref<32x80x128xi32, #tpu.memory_space<hbm>> -> memref<1x80x128xi32, #tpu.memory_space<hbm>>
      %dma_wait3A_29 = tpu.memref_squeeze %dma_wait3A_28 : memref<1x80x128xi32, #tpu.memory_space<hbm>> -> memref<80x128xi32, #tpu.memory_space<hbm>>
      tpu.wait_dma2 semaphore(%run_scoped3A_15 : memref<!tpu.dma_semaphore, #tpu.memory_space<semaphore_mem>>) src(%dma_wait3A_29 : memref<80x128xi32, #tpu.memory_space<hbm>>) dst(%arg8 : memref<80x128xi32, #tpu.memory_space<vmem>>)
      tpu.yield
    }) : () -> ()
    %run_scoped3A = arith.constant 0 : i32
    "tpu.region"() ({
      %run_scoped3A_15 = tpu.sem_alloc : memref<!tpu.dma_semaphore, #tpu.memory_space<semaphore_mem>>
      %dma_start3A = arith.constant 0 : i32
      %dma_start3A_16 = arith.constant 0 : i32
      %dma_start3A_17 = tpu.memref_slice %arg7[%run_scoped3A, %dma_start3A, %dma_start3A_16] : memref<2x16x128xi32, #tpu.memory_space<vmem>> -> memref<1x16x128xi32, #tpu.memory_space<vmem>>
      %dma_start3A_18 = tpu.memref_squeeze %dma_start3A_17 : memref<1x16x128xi32, #tpu.memory_space<vmem>> -> memref<16x128xi32, #tpu.memory_space<vmem>>
      %dma_start3A_19 = arith.constant 0 : i32
      %dma_start3A_20 = arith.constant 0 : i32
      %dma_start3A_21 = tpu.memref_slice %arg3[%add3A, %dma_start3A_19, %dma_start3A_20] : memref<32x80x128xi32, #tpu.memory_space<hbm>> -> memref<1x16x128xi32, #tpu.memory_space<hbm>>
      %dma_start3A_22 = tpu.memref_squeeze %dma_start3A_21 : memref<1x16x128xi32, #tpu.memory_space<hbm>> -> memref<16x128xi32, #tpu.memory_space<hbm>>
      %dma_start3A_23 = arith.constant 0 : i32
      %dma_start3A_24 = arith.constant 0 : i32
      %dma_start3A_25 = tpu.memref_slice %arg7[%run_scoped3A, %dma_start3A_23, %dma_start3A_24] : memref<2x16x128xi32, #tpu.memory_space<vmem>> -> memref<1x16x128xi32, #tpu.memory_space<vmem>>
      %dma_start3A_26 = tpu.memref_squeeze %dma_start3A_25 : memref<1x16x128xi32, #tpu.memory_space<vmem>> -> memref<16x128xi32, #tpu.memory_space<vmem>>
      %dma_start3A_27 = arith.constant 0 : i32
      %dma_start3A_28 = arith.constant 0 : i32
      %dma_start3A_29 = tpu.memref_slice %arg3[%add3A, %dma_start3A_27, %dma_start3A_28] : memref<32x80x128xi32, #tpu.memory_space<hbm>> -> memref<1x16x128xi32, #tpu.memory_space<hbm>>
      %dma_start3A_30 = tpu.memref_squeeze %dma_start3A_29 : memref<1x16x128xi32, #tpu.memory_space<hbm>> -> memref<16x128xi32, #tpu.memory_space<hbm>>
      tpu.enqueue_dma source(%dma_start3A_30 : memref<16x128xi32, #tpu.memory_space<hbm>>) target(%dma_start3A_26 : memref<16x128xi32, #tpu.memory_space<vmem>>) target_semaphore(%run_scoped3A_15 : memref<!tpu.dma_semaphore, #tpu.memory_space<semaphore_mem>>)
      %dma_wait3A = arith.constant 0 : i32
      %dma_wait3A_31 = arith.constant 0 : i32
      %dma_wait3A_32 = tpu.memref_slice %arg7[%run_scoped3A, %dma_wait3A, %dma_wait3A_31] : memref<2x16x128xi32, #tpu.memory_space<vmem>> -> memref<1x16x128xi32, #tpu.memory_space<vmem>>
      %dma_wait3A_33 = tpu.memref_squeeze %dma_wait3A_32 : memref<1x16x128xi32, #tpu.memory_space<vmem>> -> memref<16x128xi32, #tpu.memory_space<vmem>>
      %dma_wait3A_34 = arith.constant 0 : i32
      %dma_wait3A_35 = arith.constant 0 : i32
      %dma_wait3A_36 = tpu.memref_slice %arg3[%add3A, %dma_wait3A_34, %dma_wait3A_35] : memref<32x80x128xi32, #tpu.memory_space<hbm>> -> memref<1x16x128xi32, #tpu.memory_space<hbm>>
      %dma_wait3A_37 = tpu.memref_squeeze %dma_wait3A_36 : memref<1x16x128xi32, #tpu.memory_space<hbm>> -> memref<16x128xi32, #tpu.memory_space<hbm>>
      %dma_wait3A_38 = arith.constant 0 : i32
      %dma_wait3A_39 = arith.constant 0 : i32
      %dma_wait3A_40 = tpu.memref_slice %arg7[%run_scoped3A, %dma_wait3A_38, %dma_wait3A_39] : memref<2x16x128xi32, #tpu.memory_space<vmem>> -> memref<1x16x128xi32, #tpu.memory_space<vmem>>
      %dma_wait3A_41 = tpu.memref_squeeze %dma_wait3A_40 : memref<1x16x128xi32, #tpu.memory_space<vmem>> -> memref<16x128xi32, #tpu.memory_space<vmem>>
      %dma_wait3A_42 = arith.constant 0 : i32
      %dma_wait3A_43 = arith.constant 0 : i32
      %dma_wait3A_44 = tpu.memref_slice %arg3[%add3A, %dma_wait3A_42, %dma_wait3A_43] : memref<32x80x128xi32, #tpu.memory_space<hbm>> -> memref<1x16x128xi32, #tpu.memory_space<hbm>>
      %dma_wait3A_45 = tpu.memref_squeeze %dma_wait3A_44 : memref<1x16x128xi32, #tpu.memory_space<hbm>> -> memref<16x128xi32, #tpu.memory_space<hbm>>
      tpu.wait_dma2 semaphore(%run_scoped3A_15 : memref<!tpu.dma_semaphore, #tpu.memory_space<semaphore_mem>>) src(%dma_wait3A_45 : memref<16x128xi32, #tpu.memory_space<hbm>>) dst(%dma_wait3A_41 : memref<16x128xi32, #tpu.memory_space<vmem>>)
      tpu.yield
    }) : () -> ()
    %barrier3A = arith.constant 0 : index
    tpu.barrier barrier_id(%barrier3A)
    %scan3A = arith.constant 0 : i32
    %scan3A_5 = arith.constant 0 : i32
    %scan3A_6 = arith.constant 5 : i32
    %scan3A_7 = arith.addi %scan3A_5, %scan3A_6 : i32
    %scan3A_8 = arith.constant 1 : i32
    scf.for %scan3A_15 = %scan3A_5 to %scan3A_7 step %scan3A_8  : i32 {
      %gt3A = arith.constant 0 : i32
      %gt3A_16 = arith.cmpi sgt, %scan3A_15, %gt3A : i32
      %convert_element_type3A = arith.extui %gt3A_16 : i1 to i32
      %cond3A = arith.constant 0 : i32
      %cond3A_17 = arith.cmpi ne, %convert_element_type3A, %cond3A : i32
      scf.if %cond3A_17 {
        %dma_wait3A = arith.constant 0 : i32
        %dma_wait3A_61 = arith.constant 0 : i32
        %dma_wait3A_62 = arith.constant 0 : i32
        %dma_wait3A_63 = tpu.memref_slice %arg7[%dma_wait3A, %dma_wait3A_61, %dma_wait3A_62] : memref<2x16x128xi32, #tpu.memory_space<vmem>> -> memref<1x16x128xi32, #tpu.memory_space<vmem>>
        %dma_wait3A_64 = tpu.memref_squeeze %dma_wait3A_63 : memref<1x16x128xi32, #tpu.memory_space<vmem>> -> memref<16x128xi32, #tpu.memory_space<vmem>>
        %dma_wait3A_65 = arith.constant 0 : i32
        %dma_wait3A_66 = arith.constant 0 : i32
        %dma_wait3A_67 = tpu.memref_slice %arg3[%add3A, %dma_wait3A_65, %dma_wait3A_66] : memref<32x80x128xi32, #tpu.memory_space<hbm>> -> memref<1x16x128xi32, #tpu.memory_space<hbm>>
        %dma_wait3A_68 = tpu.memref_squeeze %dma_wait3A_67 : memref<1x16x128xi32, #tpu.memory_space<hbm>> -> memref<16x128xi32, #tpu.memory_space<hbm>>
        %dma_wait3A_69 = arith.constant 0 : i32
        %dma_wait3A_70 = arith.constant 0 : i32
        %dma_wait3A_71 = tpu.memref_slice %arg7[%dma_wait3A, %dma_wait3A_69, %dma_wait3A_70] : memref<2x16x128xi32, #tpu.memory_space<vmem>> -> memref<1x16x128xi32, #tpu.memory_space<vmem>>
        %dma_wait3A_72 = tpu.memref_squeeze %dma_wait3A_71 : memref<1x16x128xi32, #tpu.memory_space<vmem>> -> memref<16x128xi32, #tpu.memory_space<vmem>>
        %dma_wait3A_73 = arith.constant 0 : i32
        %dma_wait3A_74 = arith.constant 0 : i32
        %dma_wait3A_75 = tpu.memref_slice %arg3[%add3A, %dma_wait3A_73, %dma_wait3A_74] : memref<32x80x128xi32, #tpu.memory_space<hbm>> -> memref<1x16x128xi32, #tpu.memory_space<hbm>>
        %dma_wait3A_76 = tpu.memref_squeeze %dma_wait3A_75 : memref<1x16x128xi32, #tpu.memory_space<hbm>> -> memref<16x128xi32, #tpu.memory_space<hbm>>
        tpu.wait_dma2 semaphore(%arg13 : memref<!tpu.dma_semaphore, #tpu.memory_space<semaphore_mem>>) src(%dma_wait3A_76 : memref<16x128xi32, #tpu.memory_space<hbm>>) dst(%dma_wait3A_72 : memref<16x128xi32, #tpu.memory_space<vmem>>)
      } else {
      }
      %lt3A = arith.constant 4 : i32
      %lt3A_18 = arith.cmpi slt, %scan3A_15, %lt3A : i32
      %convert_element_type3A_19 = arith.extui %lt3A_18 : i1 to i32
      %cond3A_20 = arith.constant 0 : i32
      %cond3A_21 = arith.cmpi ne, %convert_element_type3A_19, %cond3A_20 : i32
      scf.if %cond3A_21 {
        %add3A_61 = arith.constant 1 : i32
        %add3A_62 = arith.addi %scan3A_15, %add3A_61 : i32
        %mul3A_63 = arith.constant 16 : i32
        %mul3A_64 = arith.muli %add3A_62, %mul3A_63 : i32
        %add3A_65 = arith.constant 1 : i32
        %add3A_66 = arith.addi %scan3A_15, %add3A_65 : i32
        %jit3A_67 = arith.constant 2 : i32
        %eq3A_68 = arith.constant 0 : i32
        %eq3A_69 = arith.cmpi eq, %jit3A_67, %eq3A_68 : i32
        %jit3A_70 = arith.constant 1 : i32
        %select_n3A_71 = arith.select %eq3A_69, %jit3A_70, %jit3A_67 : i32
        %rem3A_72 = arith.remsi %add3A_66, %select_n3A_71 : i32
        %ne3A_73 = arith.constant 0 : i32
        %ne3A_74 = arith.cmpi ne, %rem3A_72, %ne3A_73 : i32
        %lt3A_75 = arith.constant 0 : i32
        %lt3A_76 = arith.cmpi slt, %rem3A_72, %lt3A_75 : i32
        %lt3A_77 = arith.constant 0 : i32
        %lt3A_78 = arith.cmpi slt, %select_n3A_71, %lt3A_77 : i32
        %ne3A_79 = arith.xori %lt3A_76, %lt3A_78 : i1
        %and3A_80 = arith.andi %ne3A_79, %ne3A_74 : i1
        %add3A_81 = arith.addi %rem3A_72, %select_n3A_71 : i32
        %select_n3A_82 = arith.select %and3A_80, %add3A_81, %rem3A_72 : i32
        %dma_start3A_83 = arith.constant 0 : i32
        %dma_start3A_84 = arith.constant 0 : i32
        %dma_start3A_85 = tpu.memref_slice %arg7[%select_n3A_82, %dma_start3A_83, %dma_start3A_84] : memref<2x16x128xi32, #tpu.memory_space<vmem>> -> memref<1x16x128xi32, #tpu.memory_space<vmem>>
        %dma_start3A_86 = tpu.memref_squeeze %dma_start3A_85 : memref<1x16x128xi32, #tpu.memory_space<vmem>> -> memref<16x128xi32, #tpu.memory_space<vmem>>
        %dma_start3A_87 = arith.constant 0 : i32
        %dma_start3A_88 = tpu.memref_slice %arg3[%add3A, %mul3A_64, %dma_start3A_87] : memref<32x80x128xi32, #tpu.memory_space<hbm>> -> memref<1x16x128xi32, #tpu.memory_space<hbm>>
        %dma_start3A_89 = tpu.memref_squeeze %dma_start3A_88 : memref<1x16x128xi32, #tpu.memory_space<hbm>> -> memref<16x128xi32, #tpu.memory_space<hbm>>
        %dma_start3A_90 = arith.constant 0 : i32
        %dma_start3A_91 = arith.constant 0 : i32
        %dma_start3A_92 = tpu.memref_slice %arg7[%select_n3A_82, %dma_start3A_90, %dma_start3A_91] : memref<2x16x128xi32, #tpu.memory_space<vmem>> -> memref<1x16x128xi32, #tpu.memory_space<vmem>>
        %dma_start3A_93 = tpu.memref_squeeze %dma_start3A_92 : memref<1x16x128xi32, #tpu.memory_space<vmem>> -> memref<16x128xi32, #tpu.memory_space<vmem>>
        %dma_start3A_94 = arith.constant 0 : i32
        %dma_start3A_95 = tpu.memref_slice %arg3[%add3A, %mul3A_64, %dma_start3A_94] : memref<32x80x128xi32, #tpu.memory_space<hbm>> -> memref<1x16x128xi32, #tpu.memory_space<hbm>>
        %dma_start3A_96 = tpu.memref_squeeze %dma_start3A_95 : memref<1x16x128xi32, #tpu.memory_space<hbm>> -> memref<16x128xi32, #tpu.memory_space<hbm>>
        tpu.enqueue_dma source(%dma_start3A_96 : memref<16x128xi32, #tpu.memory_space<hbm>>) target(%dma_start3A_93 : memref<16x128xi32, #tpu.memory_space<vmem>>) target_semaphore(%arg13 : memref<!tpu.dma_semaphore, #tpu.memory_space<semaphore_mem>>)
      } else {
      }
      %jit3A = arith.constant 2 : i32
      %eq3A = arith.constant 0 : i32
      %eq3A_22 = arith.cmpi eq, %jit3A, %eq3A : i32
      %jit3A_23 = arith.constant 1 : i32
      %select_n3A = arith.select %eq3A_22, %jit3A_23, %jit3A : i32
      %rem3A = arith.remsi %scan3A_15, %select_n3A : i32
      %ne3A = arith.constant 0 : i32
      %ne3A_24 = arith.cmpi ne, %rem3A, %ne3A : i32
      %lt3A_25 = arith.constant 0 : i32
      %lt3A_26 = arith.cmpi slt, %rem3A, %lt3A_25 : i32
      %lt3A_27 = arith.constant 0 : i32
      %lt3A_28 = arith.cmpi slt, %select_n3A, %lt3A_27 : i32
      %ne3A_29 = arith.xori %lt3A_26, %lt3A_28 : i1
      %and3A = arith.andi %ne3A_29, %ne3A_24 : i1
      %add3A_30 = arith.addi %rem3A, %select_n3A : i32
      %select_n3A_31 = arith.select %and3A, %add3A_30, %rem3A : i32
      %dma_start3A = arith.constant 0 : i32
      %dma_start3A_32 = arith.constant 0 : i32
      %dma_start3A_33 = arith.constant 0 : i32
      %dma_start3A_34 = arith.constant 0 : i32
      %dma_start3A_35 = tpu.memref_slice %arg9[%dma_start3A_32, %dma_start3A_33, %dma_start3A_34] : memref<2x128x128xf32, #tpu.memory_space<vmem>> -> memref<1x128x128xf32, #tpu.memory_space<vmem>>
      %dma_start3A_36 = tpu.memref_squeeze %dma_start3A_35 : memref<1x128x128xf32, #tpu.memory_space<vmem>> -> memref<128x128xf32, #tpu.memory_space<vmem>>
      %dma_start3A_37 = arith.constant 0 : i32
      %dma_start3A_38 = tpu.memref_slice %arg7[%select_n3A_31, %dma_start3A, %dma_start3A_37] : memref<2x16x128xi32, #tpu.memory_space<vmem>> -> memref<1x1x128xi32, #tpu.memory_space<vmem>>
      %dma_start3A_39 = tpu.memref_squeeze %dma_start3A_38 : memref<1x1x128xi32, #tpu.memory_space<vmem>> -> memref<128xi32, #tpu.memory_space<vmem>>
      %dma_start3A_40 = arith.constant 0 : i32
      %dma_start3A_41 = arith.constant 0 : i32
      %dma_start3A_42 = tpu.memref_slice %arg2[%dma_start3A_40, %dma_start3A_41] : memref<10000x128xf32, #tpu.memory_space<hbm>> -> memref<10000x128xf32, #tpu.memory_space<hbm>>
      tpu.enqueue_indirect_dma source(%dma_start3A_42 : memref<10000x128xf32, #tpu.memory_space<hbm>>) target(%dma_start3A_36 : memref<128x128xf32, #tpu.memory_space<vmem>>) offsets(%dma_start3A_39 : memref<128xi32, #tpu.memory_space<vmem>>) semaphore(%arg11 : memref<!tpu.dma_semaphore, #tpu.memory_space<semaphore_mem>>)
      %dma_start3A_43 = arith.constant 1 : i32
      %dma_start3A_44 = arith.constant 1 : i32
      %dma_start3A_45 = arith.constant 0 : i32
      %dma_start3A_46 = arith.constant 0 : i32
      %dma_start3A_47 = tpu.memref_slice %arg9[%dma_start3A_44, %dma_start3A_45, %dma_start3A_46] : memref<2x128x128xf32, #tpu.memory_space<vmem>> -> memref<1x128x128xf32, #tpu.memory_space<vmem>>
      %dma_start3A_48 = tpu.memref_squeeze %dma_start3A_47 : memref<1x128x128xf32, #tpu.memory_space<vmem>> -> memref<128x128xf32, #tpu.memory_space<vmem>>
      %dma_start3A_49 = arith.constant 0 : i32
      %dma_start3A_50 = tpu.memref_slice %arg7[%select_n3A_31, %dma_start3A_43, %dma_start3A_49] : memref<2x16x128xi32, #tpu.memory_space<vmem>> -> memref<1x1x128xi32, #tpu.memory_space<vmem>>
      %dma_start3A_51 = tpu.memref_squeeze %dma_start3A_50 : memref<1x1x128xi32, #tpu.memory_space<vmem>> -> memref<128xi32, #tpu.memory_space<vmem>>
      %dma_start3A_52 = arith.constant 0 : i32
      %dma_start3A_53 = arith.constant 0 : i32
      %dma_start3A_54 = tpu.memref_slice %arg2[%dma_start3A_52, %dma_start3A_53] : memref<10000x128xf32, #tpu.memory_space<hbm>> -> memref<10000x128xf32, #tpu.memory_space<hbm>>
      tpu.enqueue_indirect_dma source(%dma_start3A_54 : memref<10000x128xf32, #tpu.memory_space<hbm>>) target(%dma_start3A_48 : memref<128x128xf32, #tpu.memory_space<vmem>>) offsets(%dma_start3A_51 : memref<128xi32, #tpu.memory_space<vmem>>) semaphore(%arg12 : memref<!tpu.dma_semaphore, #tpu.memory_space<semaphore_mem>>)
      %scan3A_55 = arith.constant 0 : i32
      %scan3A_56 = arith.constant 0 : i32
      %scan3A_57 = arith.constant 8 : i32
      %scan3A_58 = arith.addi %scan3A_56, %scan3A_57 : i32
      %scan3A_59 = arith.constant 1 : i32
      scf.for %scan3A_61 = %scan3A_56 to %scan3A_58 step %scan3A_59  : i32 {
        %mul3A_62 = arith.constant 2 : i32
        %mul3A_63 = arith.muli %mul3A_62, %scan3A_61 : i32
        %add3A_64 = arith.constant 0 : i32
        %add3A_65 = arith.addi %mul3A_63, %add3A_64 : i32
        %mul3A_66 = arith.constant 16 : i32
        %mul3A_67 = arith.muli %scan3A_15, %mul3A_66 : i32
        %add3A_68 = arith.addi %mul3A_67, %add3A_65 : i32
        %dma_wait3A = arith.constant 0 : i32
        %dma_wait3A_69 = arith.constant 0 : i32
        %dma_wait3A_70 = arith.constant 0 : i32
        %dma_wait3A_71 = arith.constant 0 : i32
        %dma_wait3A_72 = arith.constant 0 : i32
        %dma_wait3A_73 = tpu.memref_slice %arg9[%dma_wait3A_70, %dma_wait3A_71, %dma_wait3A_72] : memref<2x128x128xf32, #tpu.memory_space<vmem>> -> memref<1x128x128xf32, #tpu.memory_space<vmem>>
        %dma_wait3A_74 = tpu.memref_squeeze %dma_wait3A_73 : memref<1x128x128xf32, #tpu.memory_space<vmem>> -> memref<128x128xf32, #tpu.memory_space<vmem>>
        %dma_wait3A_75 = arith.constant 0 : i32
        %dma_wait3A_76 = tpu.memref_slice %arg7[%dma_wait3A, %dma_wait3A_69, %dma_wait3A_75] : memref<2x16x128xi32, #tpu.memory_space<vmem>> -> memref<1x1x128xi32, #tpu.memory_space<vmem>>
        %dma_wait3A_77 = tpu.memref_squeeze %dma_wait3A_76 : memref<1x1x128xi32, #tpu.memory_space<vmem>> -> memref<128xi32, #tpu.memory_space<vmem>>
        %dma_wait3A_78 = arith.constant 0 : i32
        %dma_wait3A_79 = arith.constant 0 : i32
        %dma_wait3A_80 = tpu.memref_slice %arg2[%dma_wait3A_78, %dma_wait3A_79] : memref<10000x128xf32, #tpu.memory_space<hbm>> -> memref<10000x128xf32, #tpu.memory_space<hbm>>
        tpu.wait_indirect_dma semaphore(%arg11 : memref<!tpu.dma_semaphore, #tpu.memory_space<semaphore_mem>>) src(%dma_wait3A_80 : memref<10000x128xf32, #tpu.memory_space<hbm>>) dst(%dma_wait3A_74 : memref<128x128xf32, #tpu.memory_space<vmem>>)
        %run_scoped3A_81 = arith.constant 0 : i32
        "tpu.region"() ({
          %run_scoped3A_113 = tpu.sem_alloc : memref<!tpu.dma_semaphore, #tpu.memory_space<semaphore_mem>>
          %dma_start3A_114 = arith.constant 0 : i32
          %dma_start3A_115 = arith.constant 0 : i32
          %dma_start3A_116 = tpu.memref_slice %arg9[%run_scoped3A_81, %dma_start3A_114, %dma_start3A_115] : memref<2x128x128xf32, #tpu.memory_space<vmem>> -> memref<1x128x128xf32, #tpu.memory_space<vmem>>
          %dma_start3A_117 = tpu.memref_squeeze %dma_start3A_116 : memref<1x128x128xf32, #tpu.memory_space<vmem>> -> memref<128x128xf32, #tpu.memory_space<vmem>>
          %dma_start3A_118 = arith.constant 0 : i32
          %dma_start3A_119 = tpu.memref_slice %arg8[%add3A_68, %dma_start3A_118] : memref<80x128xi32, #tpu.memory_space<vmem>> -> memref<1x128xi32, #tpu.memory_space<vmem>>
          %dma_start3A_120 = tpu.memref_squeeze %dma_start3A_119 : memref<1x128xi32, #tpu.memory_space<vmem>> -> memref<128xi32, #tpu.memory_space<vmem>>
          %dma_start3A_121 = arith.constant 0 : i32
          %dma_start3A_122 = arith.constant 0 : i32
          %dma_start3A_123 = tpu.memref_slice %arg10[%dma_start3A_121, %dma_start3A_122] : memref<10112x128xf32, #tpu.memory_space<vmem_shared>> -> memref<10112x128xf32, #tpu.memory_space<vmem_shared>>
          tpu.enqueue_indirect_dma source(%dma_start3A_117 : memref<128x128xf32, #tpu.memory_space<vmem>>) target(%dma_start3A_123 : memref<10112x128xf32, #tpu.memory_space<vmem_shared>>) offsets(%dma_start3A_120 : memref<128xi32, #tpu.memory_space<vmem>>) semaphore(%run_scoped3A_113 : memref<!tpu.dma_semaphore, #tpu.memory_space<semaphore_mem>>) {add = true}
          %dma_wait3A_124 = arith.constant 0 : i32
          %dma_wait3A_125 = arith.constant 0 : i32
          %dma_wait3A_126 = tpu.memref_slice %arg9[%run_scoped3A_81, %dma_wait3A_124, %dma_wait3A_125] : memref<2x128x128xf32, #tpu.memory_space<vmem>> -> memref<1x128x128xf32, #tpu.memory_space<vmem>>
          %dma_wait3A_127 = tpu.memref_squeeze %dma_wait3A_126 : memref<1x128x128xf32, #tpu.memory_space<vmem>> -> memref<128x128xf32, #tpu.memory_space<vmem>>
          %dma_wait3A_128 = arith.constant 0 : i32
          %dma_wait3A_129 = tpu.memref_slice %arg8[%add3A_68, %dma_wait3A_128] : memref<80x128xi32, #tpu.memory_space<vmem>> -> memref<1x128xi32, #tpu.memory_space<vmem>>
          %dma_wait3A_130 = tpu.memref_squeeze %dma_wait3A_129 : memref<1x128xi32, #tpu.memory_space<vmem>> -> memref<128xi32, #tpu.memory_space<vmem>>
          %dma_wait3A_131 = arith.constant 0 : i32
          %dma_wait3A_132 = arith.constant 0 : i32
          %dma_wait3A_133 = tpu.memref_slice %arg10[%dma_wait3A_131, %dma_wait3A_132] : memref<10112x128xf32, #tpu.memory_space<vmem_shared>> -> memref<10112x128xf32, #tpu.memory_space<vmem_shared>>
          tpu.wait_indirect_dma semaphore(%run_scoped3A_113 : memref<!tpu.dma_semaphore, #tpu.memory_space<semaphore_mem>>) src(%dma_wait3A_127 : memref<128x128xf32, #tpu.memory_space<vmem>>) dst(%dma_wait3A_133 : memref<10112x128xf32, #tpu.memory_space<vmem_shared>>)
          tpu.yield
        }) : () -> ()
        %lt3A_82 = arith.constant 14 : i32
        %lt3A_83 = arith.cmpi slt, %add3A_65, %lt3A_82 : i32
        %convert_element_type3A_84 = arith.extui %lt3A_83 : i1 to i32
        %cond3A_85 = arith.constant 0 : i32
        %cond3A_86 = arith.cmpi ne, %convert_element_type3A_84, %cond3A_85 : i32
        scf.if %cond3A_86 {
          %add3A_113 = arith.constant 2 : i32
          %add3A_114 = arith.addi %add3A_65, %add3A_113 : i32
          %dma_start3A_115 = arith.constant 0 : i32
          %dma_start3A_116 = arith.constant 0 : i32
          %dma_start3A_117 = arith.constant 0 : i32
          %dma_start3A_118 = tpu.memref_slice %arg9[%dma_start3A_115, %dma_start3A_116, %dma_start3A_117] : memref<2x128x128xf32, #tpu.memory_space<vmem>> -> memref<1x128x128xf32, #tpu.memory_space<vmem>>
          %dma_start3A_119 = tpu.memref_squeeze %dma_start3A_118 : memref<1x128x128xf32, #tpu.memory_space<vmem>> -> memref<128x128xf32, #tpu.memory_space<vmem>>
          %dma_start3A_120 = arith.constant 0 : i32
          %dma_start3A_121 = tpu.memref_slice %arg7[%select_n3A_31, %add3A_114, %dma_start3A_120] : memref<2x16x128xi32, #tpu.memory_space<vmem>> -> memref<1x1x128xi32, #tpu.memory_space<vmem>>
          %dma_start3A_122 = tpu.memref_squeeze %dma_start3A_121 : memref<1x1x128xi32, #tpu.memory_space<vmem>> -> memref<128xi32, #tpu.memory_space<vmem>>
          %dma_start3A_123 = arith.constant 0 : i32
          %dma_start3A_124 = arith.constant 0 : i32
          %dma_start3A_125 = tpu.memref_slice %arg2[%dma_start3A_123, %dma_start3A_124] : memref<10000x128xf32, #tpu.memory_space<hbm>> -> memref<10000x128xf32, #tpu.memory_space<hbm>>
          tpu.enqueue_indirect_dma source(%dma_start3A_125 : memref<10000x128xf32, #tpu.memory_space<hbm>>) target(%dma_start3A_119 : memref<128x128xf32, #tpu.memory_space<vmem>>) offsets(%dma_start3A_122 : memref<128xi32, #tpu.memory_space<vmem>>) semaphore(%arg11 : memref<!tpu.dma_semaphore, #tpu.memory_space<semaphore_mem>>)
        } else {
        }
        %mul3A_87 = arith.constant 2 : i32
        %mul3A_88 = arith.muli %mul3A_87, %scan3A_61 : i32
        %add3A_89 = arith.constant 1 : i32
        %add3A_90 = arith.addi %mul3A_88, %add3A_89 : i32
        %mul3A_91 = arith.constant 16 : i32
        %mul3A_92 = arith.muli %scan3A_15, %mul3A_91 : i32
        %add3A_93 = arith.addi %mul3A_92, %add3A_90 : i32
        %dma_wait3A_94 = arith.constant 0 : i32
        %dma_wait3A_95 = arith.constant 0 : i32
        %dma_wait3A_96 = arith.constant 1 : i32
        %dma_wait3A_97 = arith.constant 0 : i32
        %dma_wait3A_98 = arith.constant 0 : i32
        %dma_wait3A_99 = tpu.memref_slice %arg9[%dma_wait3A_96, %dma_wait3A_97, %dma_wait3A_98] : memref<2x128x128xf32, #tpu.memory_space<vmem>> -> memref<1x128x128xf32, #tpu.memory_space<vmem>>
        %dma_wait3A_100 = tpu.memref_squeeze %dma_wait3A_99 : memref<1x128x128xf32, #tpu.memory_space<vmem>> -> memref<128x128xf32, #tpu.memory_space<vmem>>
        %dma_wait3A_101 = arith.constant 0 : i32
        %dma_wait3A_102 = tpu.memref_slice %arg7[%dma_wait3A_94, %dma_wait3A_95, %dma_wait3A_101] : memref<2x16x128xi32, #tpu.memory_space<vmem>> -> memref<1x1x128xi32, #tpu.memory_space<vmem>>
        %dma_wait3A_103 = tpu.memref_squeeze %dma_wait3A_102 : memref<1x1x128xi32, #tpu.memory_space<vmem>> -> memref<128xi32, #tpu.memory_space<vmem>>
        %dma_wait3A_104 = arith.constant 0 : i32
        %dma_wait3A_105 = arith.constant 0 : i32
        %dma_wait3A_106 = tpu.memref_slice %arg2[%dma_wait3A_104, %dma_wait3A_105] : memref<10000x128xf32, #tpu.memory_space<hbm>> -> memref<10000x128xf32, #tpu.memory_space<hbm>>
        tpu.wait_indirect_dma semaphore(%arg12 : memref<!tpu.dma_semaphore, #tpu.memory_space<semaphore_mem>>) src(%dma_wait3A_106 : memref<10000x128xf32, #tpu.memory_space<hbm>>) dst(%dma_wait3A_100 : memref<128x128xf32, #tpu.memory_space<vmem>>)
        %run_scoped3A_107 = arith.constant 1 : i32
        "tpu.region"() ({
          %run_scoped3A_113 = tpu.sem_alloc : memref<!tpu.dma_semaphore, #tpu.memory_space<semaphore_mem>>
          %dma_start3A_114 = arith.constant 0 : i32
          %dma_start3A_115 = arith.constant 0 : i32
          %dma_start3A_116 = tpu.memref_slice %arg9[%run_scoped3A_107, %dma_start3A_114, %dma_start3A_115] : memref<2x128x128xf32, #tpu.memory_space<vmem>> -> memref<1x128x128xf32, #tpu.memory_space<vmem>>
          %dma_start3A_117 = tpu.memref_squeeze %dma_start3A_116 : memref<1x128x128xf32, #tpu.memory_space<vmem>> -> memref<128x128xf32, #tpu.memory_space<vmem>>
          %dma_start3A_118 = arith.constant 0 : i32
          %dma_start3A_119 = tpu.memref_slice %arg8[%add3A_93, %dma_start3A_118] : memref<80x128xi32, #tpu.memory_space<vmem>> -> memref<1x128xi32, #tpu.memory_space<vmem>>
          %dma_start3A_120 = tpu.memref_squeeze %dma_start3A_119 : memref<1x128xi32, #tpu.memory_space<vmem>> -> memref<128xi32, #tpu.memory_space<vmem>>
          %dma_start3A_121 = arith.constant 0 : i32
          %dma_start3A_122 = arith.constant 0 : i32
          %dma_start3A_123 = tpu.memref_slice %arg10[%dma_start3A_121, %dma_start3A_122] : memref<10112x128xf32, #tpu.memory_space<vmem_shared>> -> memref<10112x128xf32, #tpu.memory_space<vmem_shared>>
          tpu.enqueue_indirect_dma source(%dma_start3A_117 : memref<128x128xf32, #tpu.memory_space<vmem>>) target(%dma_start3A_123 : memref<10112x128xf32, #tpu.memory_space<vmem_shared>>) offsets(%dma_start3A_120 : memref<128xi32, #tpu.memory_space<vmem>>) semaphore(%run_scoped3A_113 : memref<!tpu.dma_semaphore, #tpu.memory_space<semaphore_mem>>) {add = true}
          %dma_wait3A_124 = arith.constant 0 : i32
          %dma_wait3A_125 = arith.constant 0 : i32
          %dma_wait3A_126 = tpu.memref_slice %arg9[%run_scoped3A_107, %dma_wait3A_124, %dma_wait3A_125] : memref<2x128x128xf32, #tpu.memory_space<vmem>> -> memref<1x128x128xf32, #tpu.memory_space<vmem>>
          %dma_wait3A_127 = tpu.memref_squeeze %dma_wait3A_126 : memref<1x128x128xf32, #tpu.memory_space<vmem>> -> memref<128x128xf32, #tpu.memory_space<vmem>>
          %dma_wait3A_128 = arith.constant 0 : i32
          %dma_wait3A_129 = tpu.memref_slice %arg8[%add3A_93, %dma_wait3A_128] : memref<80x128xi32, #tpu.memory_space<vmem>> -> memref<1x128xi32, #tpu.memory_space<vmem>>
          %dma_wait3A_130 = tpu.memref_squeeze %dma_wait3A_129 : memref<1x128xi32, #tpu.memory_space<vmem>> -> memref<128xi32, #tpu.memory_space<vmem>>
          %dma_wait3A_131 = arith.constant 0 : i32
          %dma_wait3A_132 = arith.constant 0 : i32
          %dma_wait3A_133 = tpu.memref_slice %arg10[%dma_wait3A_131, %dma_wait3A_132] : memref<10112x128xf32, #tpu.memory_space<vmem_shared>> -> memref<10112x128xf32, #tpu.memory_space<vmem_shared>>
          tpu.wait_indirect_dma semaphore(%run_scoped3A_113 : memref<!tpu.dma_semaphore, #tpu.memory_space<semaphore_mem>>) src(%dma_wait3A_127 : memref<128x128xf32, #tpu.memory_space<vmem>>) dst(%dma_wait3A_133 : memref<10112x128xf32, #tpu.memory_space<vmem_shared>>)
          tpu.yield
        }) : () -> ()
        %lt3A_108 = arith.constant 14 : i32
        %lt3A_109 = arith.cmpi slt, %add3A_90, %lt3A_108 : i32
        %convert_element_type3A_110 = arith.extui %lt3A_109 : i1 to i32
        %cond3A_111 = arith.constant 0 : i32
        %cond3A_112 = arith.cmpi ne, %convert_element_type3A_110, %cond3A_111 : i32
        scf.if %cond3A_112 {
          %add3A_113 = arith.constant 2 : i32
          %add3A_114 = arith.addi %add3A_90, %add3A_113 : i32
          %dma_start3A_115 = arith.constant 1 : i32
          %dma_start3A_116 = arith.constant 0 : i32
          %dma_start3A_117 = arith.constant 0 : i32
          %dma_start3A_118 = tpu.memref_slice %arg9[%dma_start3A_115, %dma_start3A_116, %dma_start3A_117] : memref<2x128x128xf32, #tpu.memory_space<vmem>> -> memref<1x128x128xf32, #tpu.memory_space<vmem>>
          %dma_start3A_119 = tpu.memref_squeeze %dma_start3A_118 : memref<1x128x128xf32, #tpu.memory_space<vmem>> -> memref<128x128xf32, #tpu.memory_space<vmem>>
          %dma_start3A_120 = arith.constant 0 : i32
          %dma_start3A_121 = tpu.memref_slice %arg7[%select_n3A_31, %add3A_114, %dma_start3A_120] : memref<2x16x128xi32, #tpu.memory_space<vmem>> -> memref<1x1x128xi32, #tpu.memory_space<vmem>>
          %dma_start3A_122 = tpu.memref_squeeze %dma_start3A_121 : memref<1x1x128xi32, #tpu.memory_space<vmem>> -> memref<128xi32, #tpu.memory_space<vmem>>
          %dma_start3A_123 = arith.constant 0 : i32
          %dma_start3A_124 = arith.constant 0 : i32
          %dma_start3A_125 = tpu.memref_slice %arg2[%dma_start3A_123, %dma_start3A_124] : memref<10000x128xf32, #tpu.memory_space<hbm>> -> memref<10000x128xf32, #tpu.memory_space<hbm>>
          tpu.enqueue_indirect_dma source(%dma_start3A_125 : memref<10000x128xf32, #tpu.memory_space<hbm>>) target(%dma_start3A_119 : memref<128x128xf32, #tpu.memory_space<vmem>>) offsets(%dma_start3A_122 : memref<128xi32, #tpu.memory_space<vmem>>) semaphore(%arg12 : memref<!tpu.dma_semaphore, #tpu.memory_space<semaphore_mem>>)
        } else {
        }
      }
      %scan3A_60 = arith.constant 8 : i32
    }
    %scan3A_9 = arith.constant 5 : i32
    %barrier3A_10 = arith.constant 0 : index
    tpu.barrier barrier_id(%barrier3A_10)
    %mul3A_11 = arith.constant 632 : i32
    %mul3A_12 = arith.muli %arg1, %mul3A_11 : i32
    %mul3A_13 = arith.constant 632 : i32
    %mul3A_14 = arith.muli %arg1, %mul3A_13 : i32
    "tpu.region"() ({
      %run_scoped3A_15 = tpu.sem_alloc : memref<!tpu.dma_semaphore, #tpu.memory_space<semaphore_mem>>
      %dma_start3A = arith.constant 0 : i32
      %dma_start3A_16 = tpu.memref_slice %arg6[%arg0, %mul3A_14, %dma_start3A] : memref<2x10112x128xf32, #tpu.memory_space<hbm>> -> memref<1x632x128xf32, #tpu.memory_space<hbm>>
      %dma_start3A_17 = tpu.memref_squeeze %dma_start3A_16 : memref<1x632x128xf32, #tpu.memory_space<hbm>> -> memref<632x128xf32, #tpu.memory_space<hbm>>
      %dma_start3A_18 = arith.constant 0 : i32
      %dma_start3A_19 = tpu.memref_slice %arg10[%mul3A_12, %dma_start3A_18] : memref<10112x128xf32, #tpu.memory_space<vmem_shared>> -> memref<632x128xf32, #tpu.memory_space<vmem_shared>>
      tpu.enqueue_dma source(%dma_start3A_19 : memref<632x128xf32, #tpu.memory_space<vmem_shared>>) target(%dma_start3A_17 : memref<632x128xf32, #tpu.memory_space<hbm>>) target_semaphore(%run_scoped3A_15 : memref<!tpu.dma_semaphore, #tpu.memory_space<semaphore_mem>>)
      %dma_wait3A = arith.constant 0 : i32
      %dma_wait3A_20 = tpu.memref_slice %arg6[%arg0, %mul3A_14, %dma_wait3A] : memref<2x10112x128xf32, #tpu.memory_space<hbm>> -> memref<1x632x128xf32, #tpu.memory_space<hbm>>
      %dma_wait3A_21 = tpu.memref_squeeze %dma_wait3A_20 : memref<1x632x128xf32, #tpu.memory_space<hbm>> -> memref<632x128xf32, #tpu.memory_space<hbm>>
      %dma_wait3A_22 = arith.constant 0 : i32
      %dma_wait3A_23 = tpu.memref_slice %arg10[%mul3A_12, %dma_wait3A_22] : memref<10112x128xf32, #tpu.memory_space<vmem_shared>> -> memref<632x128xf32, #tpu.memory_space<vmem_shared>>
      tpu.wait_dma2 semaphore(%run_scoped3A_15 : memref<!tpu.dma_semaphore, #tpu.memory_space<semaphore_mem>>) src(%dma_wait3A_23 : memref<632x128xf32, #tpu.memory_space<vmem_shared>>) dst(%dma_wait3A_21 : memref<632x128xf32, #tpu.memory_space<hbm>>)
      tpu.yield
    }) : () -> ()
    return
  }
}

#map = affine_map<(d0, d1) -> (0, 0)>
#map1 = affine_map<(d0, d1) -> (0, 0, 0)>
module attributes {stable_mosaic.version = 14 : i64} {
  func.func @_scatter_body(%arg0: i32, %arg1: i32, %arg2: memref<10000x128xf32, #tpu.memory_space<hbm>>, %arg3: memref<32x80x128xi32, #tpu.memory_space<hbm>>, %arg4: memref<32x80x128xi32, #tpu.memory_space<hbm>>, %arg5: memref<10112x128xf32, #tpu.memory_space<hbm>>, %arg6: memref<2x10112x128xf32, #tpu.memory_space<hbm>>, %arg7: memref<2x16x128xi32, #tpu.memory_space<vmem>>, %arg8: memref<80x128xi32, #tpu.memory_space<vmem>>, %arg9: memref<2x128x128xf32, #tpu.memory_space<vmem>>, %arg10: memref<10112x128xf32, #tpu.memory_space<vmem_shared>>, %arg11: memref<!tpu.dma_semaphore, #tpu.memory_space<semaphore_mem>>, %arg12: memref<!tpu.dma_semaphore, #tpu.memory_space<semaphore_mem>>, %arg13: memref<!tpu.dma_semaphore, #tpu.memory_space<semaphore_mem>>) attributes {dimension_semantics = [#tpu.dimension_semantics<core_parallel>, #tpu.dimension_semantics<subcore_parallel>], iteration_bounds = array<i64: 2, 16>, scalar_prefetch = 0 : i64, scratch_operands = 7 : i64, tpu.core_type = #tpu.core_type<sc_vector_subcore>, window_params = [{transform_indices = #map}, {transform_indices = #map1}, {transform_indices = #map1}, {transform_indices = #map}, {transform_indices = #map1}]} {
    %mul3A = arith.constant 16 : i32
    %mul3A_0 = arith.muli %arg0, %mul3A : i32
    %add3A = arith.addi %mul3A_0, %arg1 : i32
    %mul3A_1 = arith.constant 632 : i32
    %mul3A_2 = arith.muli %arg1, %mul3A_1 : i32
    %mul3A_3 = arith.constant 632 : i32
    %mul3A_4 = arith.muli %arg1, %mul3A_3 : i32
    "tpu.region"() ({
      %run_scoped3A_15 = tpu.sem_alloc : memref<!tpu.dma_semaphore, #tpu.memory_space<semaphore_mem>>
      %dma_start3A = arith.constant 0 : i32
      %dma_start3A_16 = tpu.memref_slice %arg10[%mul3A_4, %dma_start3A] : memref<10112x128xf32, #tpu.memory_space<vmem_shared>> -> memref<632x128xf32, #tpu.memory_space<vmem_shared>>
      %dma_start3A_17 = arith.constant 0 : i32
      %dma_start3A_18 = tpu.memref_slice %arg5[%mul3A_2, %dma_start3A_17] : memref<10112x128xf32, #tpu.memory_space<hbm>> -> memref<632x128xf32, #tpu.memory_space<hbm>>
      tpu.enqueue_dma source(%dma_start3A_18 : memref<632x128xf32, #tpu.memory_space<hbm>>) target(%dma_start3A_16 : memref<632x128xf32, #tpu.memory_space<vmem_shared>>) target_semaphore(%run_scoped3A_15 : memref<!tpu.dma_semaphore, #tpu.memory_space<semaphore_mem>>)
      %dma_wait3A = arith.constant 0 : i32
      %dma_wait3A_19 = tpu.memref_slice %arg10[%mul3A_4, %dma_wait3A] : memref<10112x128xf32, #tpu.memory_space<vmem_shared>> -> memref<632x128xf32, #tpu.memory_space<vmem_shared>>
      %dma_wait3A_20 = arith.constant 0 : i32
      %dma_wait3A_21 = tpu.memref_slice %arg5[%mul3A_2, %dma_wait3A_20] : memref<10112x128xf32, #tpu.memory_space<hbm>> -> memref<632x128xf32, #tpu.memory_space<hbm>>
      tpu.wait_dma2 semaphore(%run_scoped3A_15 : memref<!tpu.dma_semaphore, #tpu.memory_space<semaphore_mem>>) src(%dma_wait3A_21 : memref<632x128xf32, #tpu.memory_space<hbm>>) dst(%dma_wait3A_19 : memref<632x128xf32, #tpu.memory_space<vmem_shared>>)
      tpu.yield
    }) : () -> ()
    "tpu.region"() ({
      %run_scoped3A_15 = tpu.sem_alloc : memref<!tpu.dma_semaphore, #tpu.memory_space<semaphore_mem>>
      %dma_start3A = arith.constant 0 : i32
      %dma_start3A_16 = arith.constant 0 : i32
      %dma_start3A_17 = tpu.memref_slice %arg4[%add3A, %dma_start3A, %dma_start3A_16] : memref<32x80x128xi32, #tpu.memory_space<hbm>> -> memref<1x80x128xi32, #tpu.memory_space<hbm>>
      %dma_start3A_18 = tpu.memref_squeeze %dma_start3A_17 : memref<1x80x128xi32, #tpu.memory_space<hbm>> -> memref<80x128xi32, #tpu.memory_space<hbm>>
      %dma_start3A_19 = arith.constant 0 : i32
      %dma_start3A_20 = arith.constant 0 : i32
      %dma_start3A_21 = tpu.memref_slice %arg4[%add3A, %dma_start3A_19, %dma_start3A_20] : memref<32x80x128xi32, #tpu.memory_space<hbm>> -> memref<1x80x128xi32, #tpu.memory_space<hbm>>
      %dma_start3A_22 = tpu.memref_squeeze %dma_start3A_21 : memref<1x80x128xi32, #tpu.memory_space<hbm>> -> memref<80x128xi32, #tpu.memory_space<hbm>>
      tpu.enqueue_dma source(%dma_start3A_22 : memref<80x128xi32, #tpu.memory_space<hbm>>) target(%arg8 : memref<80x128xi32, #tpu.memory_space<vmem>>) target_semaphore(%run_scoped3A_15 : memref<!tpu.dma_semaphore, #tpu.memory_space<semaphore_mem>>)
      %dma_wait3A = arith.constant 0 : i32
      %dma_wait3A_23 = arith.constant 0 : i32
      %dma_wait3A_24 = tpu.memref_slice %arg4[%add3A, %dma_wait3A, %dma_wait3A_23] : memref<32x80x128xi32, #tpu.memory_space<hbm>> -> memref<1x80x128xi32, #tpu.memory_space<hbm>>
      %dma_wait3A_25 = tpu.memref_squeeze %dma_wait3A_24 : memref<1x80x128xi32, #tpu.memory_space<hbm>> -> memref<80x128xi32, #tpu.memory_space<hbm>>
      %dma_wait3A_26 = arith.constant 0 : i32
      %dma_wait3A_27 = arith.constant 0 : i32
      %dma_wait3A_28 = tpu.memref_slice %arg4[%add3A, %dma_wait3A_26, %dma_wait3A_27] : memref<32x80x128xi32, #tpu.memory_space<hbm>> -> memref<1x80x128xi32, #tpu.memory_space<hbm>>
      %dma_wait3A_29 = tpu.memref_squeeze %dma_wait3A_28 : memref<1x80x128xi32, #tpu.memory_space<hbm>> -> memref<80x128xi32, #tpu.memory_space<hbm>>
      tpu.wait_dma2 semaphore(%run_scoped3A_15 : memref<!tpu.dma_semaphore, #tpu.memory_space<semaphore_mem>>) src(%dma_wait3A_29 : memref<80x128xi32, #tpu.memory_space<hbm>>) dst(%arg8 : memref<80x128xi32, #tpu.memory_space<vmem>>)
      tpu.yield
    }) : () -> ()
    %run_scoped3A = arith.constant 0 : i32
    "tpu.region"() ({
      %run_scoped3A_15 = tpu.sem_alloc : memref<!tpu.dma_semaphore, #tpu.memory_space<semaphore_mem>>
      %dma_start3A = arith.constant 0 : i32
      %dma_start3A_16 = arith.constant 0 : i32
      %dma_start3A_17 = tpu.memref_slice %arg7[%run_scoped3A, %dma_start3A, %dma_start3A_16] : memref<2x16x128xi32, #tpu.memory_space<vmem>> -> memref<1x16x128xi32, #tpu.memory_space<vmem>>
      %dma_start3A_18 = tpu.memref_squeeze %dma_start3A_17 : memref<1x16x128xi32, #tpu.memory_space<vmem>> -> memref<16x128xi32, #tpu.memory_space<vmem>>
      %dma_start3A_19 = arith.constant 0 : i32
      %dma_start3A_20 = arith.constant 0 : i32
      %dma_start3A_21 = tpu.memref_slice %arg3[%add3A, %dma_start3A_19, %dma_start3A_20] : memref<32x80x128xi32, #tpu.memory_space<hbm>> -> memref<1x16x128xi32, #tpu.memory_space<hbm>>
      %dma_start3A_22 = tpu.memref_squeeze %dma_start3A_21 : memref<1x16x128xi32, #tpu.memory_space<hbm>> -> memref<16x128xi32, #tpu.memory_space<hbm>>
      %dma_start3A_23 = arith.constant 0 : i32
      %dma_start3A_24 = arith.constant 0 : i32
      %dma_start3A_25 = tpu.memref_slice %arg7[%run_scoped3A, %dma_start3A_23, %dma_start3A_24] : memref<2x16x128xi32, #tpu.memory_space<vmem>> -> memref<1x16x128xi32, #tpu.memory_space<vmem>>
      %dma_start3A_26 = tpu.memref_squeeze %dma_start3A_25 : memref<1x16x128xi32, #tpu.memory_space<vmem>> -> memref<16x128xi32, #tpu.memory_space<vmem>>
      %dma_start3A_27 = arith.constant 0 : i32
      %dma_start3A_28 = arith.constant 0 : i32
      %dma_start3A_29 = tpu.memref_slice %arg3[%add3A, %dma_start3A_27, %dma_start3A_28] : memref<32x80x128xi32, #tpu.memory_space<hbm>> -> memref<1x16x128xi32, #tpu.memory_space<hbm>>
      %dma_start3A_30 = tpu.memref_squeeze %dma_start3A_29 : memref<1x16x128xi32, #tpu.memory_space<hbm>> -> memref<16x128xi32, #tpu.memory_space<hbm>>
      tpu.enqueue_dma source(%dma_start3A_30 : memref<16x128xi32, #tpu.memory_space<hbm>>) target(%dma_start3A_26 : memref<16x128xi32, #tpu.memory_space<vmem>>) target_semaphore(%run_scoped3A_15 : memref<!tpu.dma_semaphore, #tpu.memory_space<semaphore_mem>>)
      %dma_wait3A = arith.constant 0 : i32
      %dma_wait3A_31 = arith.constant 0 : i32
      %dma_wait3A_32 = tpu.memref_slice %arg7[%run_scoped3A, %dma_wait3A, %dma_wait3A_31] : memref<2x16x128xi32, #tpu.memory_space<vmem>> -> memref<1x16x128xi32, #tpu.memory_space<vmem>>
      %dma_wait3A_33 = tpu.memref_squeeze %dma_wait3A_32 : memref<1x16x128xi32, #tpu.memory_space<vmem>> -> memref<16x128xi32, #tpu.memory_space<vmem>>
      %dma_wait3A_34 = arith.constant 0 : i32
      %dma_wait3A_35 = arith.constant 0 : i32
      %dma_wait3A_36 = tpu.memref_slice %arg3[%add3A, %dma_wait3A_34, %dma_wait3A_35] : memref<32x80x128xi32, #tpu.memory_space<hbm>> -> memref<1x16x128xi32, #tpu.memory_space<hbm>>
      %dma_wait3A_37 = tpu.memref_squeeze %dma_wait3A_36 : memref<1x16x128xi32, #tpu.memory_space<hbm>> -> memref<16x128xi32, #tpu.memory_space<hbm>>
      %dma_wait3A_38 = arith.constant 0 : i32
      %dma_wait3A_39 = arith.constant 0 : i32
      %dma_wait3A_40 = tpu.memref_slice %arg7[%run_scoped3A, %dma_wait3A_38, %dma_wait3A_39] : memref<2x16x128xi32, #tpu.memory_space<vmem>> -> memref<1x16x128xi32, #tpu.memory_space<vmem>>
      %dma_wait3A_41 = tpu.memref_squeeze %dma_wait3A_40 : memref<1x16x128xi32, #tpu.memory_space<vmem>> -> memref<16x128xi32, #tpu.memory_space<vmem>>
      %dma_wait3A_42 = arith.constant 0 : i32
      %dma_wait3A_43 = arith.constant 0 : i32
      %dma_wait3A_44 = tpu.memref_slice %arg3[%add3A, %dma_wait3A_42, %dma_wait3A_43] : memref<32x80x128xi32, #tpu.memory_space<hbm>> -> memref<1x16x128xi32, #tpu.memory_space<hbm>>
      %dma_wait3A_45 = tpu.memref_squeeze %dma_wait3A_44 : memref<1x16x128xi32, #tpu.memory_space<hbm>> -> memref<16x128xi32, #tpu.memory_space<hbm>>
      tpu.wait_dma2 semaphore(%run_scoped3A_15 : memref<!tpu.dma_semaphore, #tpu.memory_space<semaphore_mem>>) src(%dma_wait3A_45 : memref<16x128xi32, #tpu.memory_space<hbm>>) dst(%dma_wait3A_41 : memref<16x128xi32, #tpu.memory_space<vmem>>)
      tpu.yield
    }) : () -> ()
    %barrier3A = arith.constant 0 : index
    tpu.barrier barrier_id(%barrier3A)
    %scan3A = arith.constant 0 : i32
    %scan3A_5 = arith.constant 0 : i32
    %scan3A_6 = arith.constant 5 : i32
    %scan3A_7 = arith.addi %scan3A_5, %scan3A_6 : i32
    %scan3A_8 = arith.constant 1 : i32
    scf.for %scan3A_15 = %scan3A_5 to %scan3A_7 step %scan3A_8  : i32 {
      %gt3A = arith.constant 0 : i32
      %gt3A_16 = arith.cmpi sgt, %scan3A_15, %gt3A : i32
      %convert_element_type3A = arith.extui %gt3A_16 : i1 to i32
      %cond3A = arith.constant 0 : i32
      %cond3A_17 = arith.cmpi ne, %convert_element_type3A, %cond3A : i32
      scf.if %cond3A_17 {
        %dma_wait3A = arith.constant 0 : i32
        %dma_wait3A_61 = arith.constant 0 : i32
        %dma_wait3A_62 = arith.constant 0 : i32
        %dma_wait3A_63 = tpu.memref_slice %arg7[%dma_wait3A, %dma_wait3A_61, %dma_wait3A_62] : memref<2x16x128xi32, #tpu.memory_space<vmem>> -> memref<1x16x128xi32, #tpu.memory_space<vmem>>
        %dma_wait3A_64 = tpu.memref_squeeze %dma_wait3A_63 : memref<1x16x128xi32, #tpu.memory_space<vmem>> -> memref<16x128xi32, #tpu.memory_space<vmem>>
        %dma_wait3A_65 = arith.constant 0 : i32
        %dma_wait3A_66 = arith.constant 0 : i32
        %dma_wait3A_67 = tpu.memref_slice %arg3[%add3A, %dma_wait3A_65, %dma_wait3A_66] : memref<32x80x128xi32, #tpu.memory_space<hbm>> -> memref<1x16x128xi32, #tpu.memory_space<hbm>>
        %dma_wait3A_68 = tpu.memref_squeeze %dma_wait3A_67 : memref<1x16x128xi32, #tpu.memory_space<hbm>> -> memref<16x128xi32, #tpu.memory_space<hbm>>
        %dma_wait3A_69 = arith.constant 0 : i32
        %dma_wait3A_70 = arith.constant 0 : i32
        %dma_wait3A_71 = tpu.memref_slice %arg7[%dma_wait3A, %dma_wait3A_69, %dma_wait3A_70] : memref<2x16x128xi32, #tpu.memory_space<vmem>> -> memref<1x16x128xi32, #tpu.memory_space<vmem>>
        %dma_wait3A_72 = tpu.memref_squeeze %dma_wait3A_71 : memref<1x16x128xi32, #tpu.memory_space<vmem>> -> memref<16x128xi32, #tpu.memory_space<vmem>>
        %dma_wait3A_73 = arith.constant 0 : i32
        %dma_wait3A_74 = arith.constant 0 : i32
        %dma_wait3A_75 = tpu.memref_slice %arg3[%add3A, %dma_wait3A_73, %dma_wait3A_74] : memref<32x80x128xi32, #tpu.memory_space<hbm>> -> memref<1x16x128xi32, #tpu.memory_space<hbm>>
        %dma_wait3A_76 = tpu.memref_squeeze %dma_wait3A_75 : memref<1x16x128xi32, #tpu.memory_space<hbm>> -> memref<16x128xi32, #tpu.memory_space<hbm>>
        tpu.wait_dma2 semaphore(%arg13 : memref<!tpu.dma_semaphore, #tpu.memory_space<semaphore_mem>>) src(%dma_wait3A_76 : memref<16x128xi32, #tpu.memory_space<hbm>>) dst(%dma_wait3A_72 : memref<16x128xi32, #tpu.memory_space<vmem>>)
      } else {
      }
      %lt3A = arith.constant 4 : i32
      %lt3A_18 = arith.cmpi slt, %scan3A_15, %lt3A : i32
      %convert_element_type3A_19 = arith.extui %lt3A_18 : i1 to i32
      %cond3A_20 = arith.constant 0 : i32
      %cond3A_21 = arith.cmpi ne, %convert_element_type3A_19, %cond3A_20 : i32
      scf.if %cond3A_21 {
        %add3A_61 = arith.constant 1 : i32
        %add3A_62 = arith.addi %scan3A_15, %add3A_61 : i32
        %mul3A_63 = arith.constant 16 : i32
        %mul3A_64 = arith.muli %add3A_62, %mul3A_63 : i32
        %add3A_65 = arith.constant 1 : i32
        %add3A_66 = arith.addi %scan3A_15, %add3A_65 : i32
        %jit3A_67 = arith.constant 2 : i32
        %eq3A_68 = arith.constant 0 : i32
        %eq3A_69 = arith.cmpi eq, %jit3A_67, %eq3A_68 : i32
        %jit3A_70 = arith.constant 1 : i32
        %select_n3A_71 = arith.select %eq3A_69, %jit3A_70, %jit3A_67 : i32
        %rem3A_72 = arith.remsi %add3A_66, %select_n3A_71 : i32
        %ne3A_73 = arith.constant 0 : i32
        %ne3A_74 = arith.cmpi ne, %rem3A_72, %ne3A_73 : i32
        %lt3A_75 = arith.constant 0 : i32
        %lt3A_76 = arith.cmpi slt, %rem3A_72, %lt3A_75 : i32
        %lt3A_77 = arith.constant 0 : i32
        %lt3A_78 = arith.cmpi slt, %select_n3A_71, %lt3A_77 : i32
        %ne3A_79 = arith.xori %lt3A_76, %lt3A_78 : i1
        %and3A_80 = arith.andi %ne3A_79, %ne3A_74 : i1
        %add3A_81 = arith.addi %rem3A_72, %select_n3A_71 : i32
        %select_n3A_82 = arith.select %and3A_80, %add3A_81, %rem3A_72 : i32
        %dma_start3A_83 = arith.constant 0 : i32
        %dma_start3A_84 = arith.constant 0 : i32
        %dma_start3A_85 = tpu.memref_slice %arg7[%select_n3A_82, %dma_start3A_83, %dma_start3A_84] : memref<2x16x128xi32, #tpu.memory_space<vmem>> -> memref<1x16x128xi32, #tpu.memory_space<vmem>>
        %dma_start3A_86 = tpu.memref_squeeze %dma_start3A_85 : memref<1x16x128xi32, #tpu.memory_space<vmem>> -> memref<16x128xi32, #tpu.memory_space<vmem>>
        %dma_start3A_87 = arith.constant 0 : i32
        %dma_start3A_88 = tpu.memref_slice %arg3[%add3A, %mul3A_64, %dma_start3A_87] : memref<32x80x128xi32, #tpu.memory_space<hbm>> -> memref<1x16x128xi32, #tpu.memory_space<hbm>>
        %dma_start3A_89 = tpu.memref_squeeze %dma_start3A_88 : memref<1x16x128xi32, #tpu.memory_space<hbm>> -> memref<16x128xi32, #tpu.memory_space<hbm>>
        %dma_start3A_90 = arith.constant 0 : i32
        %dma_start3A_91 = arith.constant 0 : i32
        %dma_start3A_92 = tpu.memref_slice %arg7[%select_n3A_82, %dma_start3A_90, %dma_start3A_91] : memref<2x16x128xi32, #tpu.memory_space<vmem>> -> memref<1x16x128xi32, #tpu.memory_space<vmem>>
        %dma_start3A_93 = tpu.memref_squeeze %dma_start3A_92 : memref<1x16x128xi32, #tpu.memory_space<vmem>> -> memref<16x128xi32, #tpu.memory_space<vmem>>
        %dma_start3A_94 = arith.constant 0 : i32
        %dma_start3A_95 = tpu.memref_slice %arg3[%add3A, %mul3A_64, %dma_start3A_94] : memref<32x80x128xi32, #tpu.memory_space<hbm>> -> memref<1x16x128xi32, #tpu.memory_space<hbm>>
        %dma_start3A_96 = tpu.memref_squeeze %dma_start3A_95 : memref<1x16x128xi32, #tpu.memory_space<hbm>> -> memref<16x128xi32, #tpu.memory_space<hbm>>
        tpu.enqueue_dma source(%dma_start3A_96 : memref<16x128xi32, #tpu.memory_space<hbm>>) target(%dma_start3A_93 : memref<16x128xi32, #tpu.memory_space<vmem>>) target_semaphore(%arg13 : memref<!tpu.dma_semaphore, #tpu.memory_space<semaphore_mem>>)
      } else {
      }
      %jit3A = arith.constant 2 : i32
      %eq3A = arith.constant 0 : i32
      %eq3A_22 = arith.cmpi eq, %jit3A, %eq3A : i32
      %jit3A_23 = arith.constant 1 : i32
      %select_n3A = arith.select %eq3A_22, %jit3A_23, %jit3A : i32
      %rem3A = arith.remsi %scan3A_15, %select_n3A : i32
      %ne3A = arith.constant 0 : i32
      %ne3A_24 = arith.cmpi ne, %rem3A, %ne3A : i32
      %lt3A_25 = arith.constant 0 : i32
      %lt3A_26 = arith.cmpi slt, %rem3A, %lt3A_25 : i32
      %lt3A_27 = arith.constant 0 : i32
      %lt3A_28 = arith.cmpi slt, %select_n3A, %lt3A_27 : i32
      %ne3A_29 = arith.xori %lt3A_26, %lt3A_28 : i1
      %and3A = arith.andi %ne3A_29, %ne3A_24 : i1
      %add3A_30 = arith.addi %rem3A, %select_n3A : i32
      %select_n3A_31 = arith.select %and3A, %add3A_30, %rem3A : i32
      %dma_start3A = arith.constant 0 : i32
      %dma_start3A_32 = arith.constant 0 : i32
      %dma_start3A_33 = arith.constant 0 : i32
      %dma_start3A_34 = arith.constant 0 : i32
      %dma_start3A_35 = tpu.memref_slice %arg9[%dma_start3A_32, %dma_start3A_33, %dma_start3A_34] : memref<2x128x128xf32, #tpu.memory_space<vmem>> -> memref<1x128x128xf32, #tpu.memory_space<vmem>>
      %dma_start3A_36 = tpu.memref_squeeze %dma_start3A_35 : memref<1x128x128xf32, #tpu.memory_space<vmem>> -> memref<128x128xf32, #tpu.memory_space<vmem>>
      %dma_start3A_37 = arith.constant 0 : i32
      %dma_start3A_38 = tpu.memref_slice %arg7[%select_n3A_31, %dma_start3A, %dma_start3A_37] : memref<2x16x128xi32, #tpu.memory_space<vmem>> -> memref<1x1x128xi32, #tpu.memory_space<vmem>>
      %dma_start3A_39 = tpu.memref_squeeze %dma_start3A_38 : memref<1x1x128xi32, #tpu.memory_space<vmem>> -> memref<128xi32, #tpu.memory_space<vmem>>
      %dma_start3A_40 = arith.constant 0 : i32
      %dma_start3A_41 = arith.constant 0 : i32
      %dma_start3A_42 = tpu.memref_slice %arg2[%dma_start3A_40, %dma_start3A_41] : memref<10000x128xf32, #tpu.memory_space<hbm>> -> memref<10000x128xf32, #tpu.memory_space<hbm>>
      tpu.enqueue_indirect_dma source(%dma_start3A_42 : memref<10000x128xf32, #tpu.memory_space<hbm>>) target(%dma_start3A_36 : memref<128x128xf32, #tpu.memory_space<vmem>>) offsets(%dma_start3A_39 : memref<128xi32, #tpu.memory_space<vmem>>) semaphore(%arg11 : memref<!tpu.dma_semaphore, #tpu.memory_space<semaphore_mem>>)
      %dma_start3A_43 = arith.constant 1 : i32
      %dma_start3A_44 = arith.constant 1 : i32
      %dma_start3A_45 = arith.constant 0 : i32
      %dma_start3A_46 = arith.constant 0 : i32
      %dma_start3A_47 = tpu.memref_slice %arg9[%dma_start3A_44, %dma_start3A_45, %dma_start3A_46] : memref<2x128x128xf32, #tpu.memory_space<vmem>> -> memref<1x128x128xf32, #tpu.memory_space<vmem>>
      %dma_start3A_48 = tpu.memref_squeeze %dma_start3A_47 : memref<1x128x128xf32, #tpu.memory_space<vmem>> -> memref<128x128xf32, #tpu.memory_space<vmem>>
      %dma_start3A_49 = arith.constant 0 : i32
      %dma_start3A_50 = tpu.memref_slice %arg7[%select_n3A_31, %dma_start3A_43, %dma_start3A_49] : memref<2x16x128xi32, #tpu.memory_space<vmem>> -> memref<1x1x128xi32, #tpu.memory_space<vmem>>
      %dma_start3A_51 = tpu.memref_squeeze %dma_start3A_50 : memref<1x1x128xi32, #tpu.memory_space<vmem>> -> memref<128xi32, #tpu.memory_space<vmem>>
      %dma_start3A_52 = arith.constant 0 : i32
      %dma_start3A_53 = arith.constant 0 : i32
      %dma_start3A_54 = tpu.memref_slice %arg2[%dma_start3A_52, %dma_start3A_53] : memref<10000x128xf32, #tpu.memory_space<hbm>> -> memref<10000x128xf32, #tpu.memory_space<hbm>>
      tpu.enqueue_indirect_dma source(%dma_start3A_54 : memref<10000x128xf32, #tpu.memory_space<hbm>>) target(%dma_start3A_48 : memref<128x128xf32, #tpu.memory_space<vmem>>) offsets(%dma_start3A_51 : memref<128xi32, #tpu.memory_space<vmem>>) semaphore(%arg12 : memref<!tpu.dma_semaphore, #tpu.memory_space<semaphore_mem>>)
      %scan3A_55 = arith.constant 0 : i32
      %scan3A_56 = arith.constant 0 : i32
      %scan3A_57 = arith.constant 8 : i32
      %scan3A_58 = arith.addi %scan3A_56, %scan3A_57 : i32
      %scan3A_59 = arith.constant 1 : i32
      scf.for %scan3A_61 = %scan3A_56 to %scan3A_58 step %scan3A_59  : i32 {
        %mul3A_62 = arith.constant 2 : i32
        %mul3A_63 = arith.muli %mul3A_62, %scan3A_61 : i32
        %add3A_64 = arith.constant 0 : i32
        %add3A_65 = arith.addi %mul3A_63, %add3A_64 : i32
        %mul3A_66 = arith.constant 16 : i32
        %mul3A_67 = arith.muli %scan3A_15, %mul3A_66 : i32
        %add3A_68 = arith.addi %mul3A_67, %add3A_65 : i32
        %dma_wait3A = arith.constant 0 : i32
        %dma_wait3A_69 = arith.constant 0 : i32
        %dma_wait3A_70 = arith.constant 0 : i32
        %dma_wait3A_71 = arith.constant 0 : i32
        %dma_wait3A_72 = arith.constant 0 : i32
        %dma_wait3A_73 = tpu.memref_slice %arg9[%dma_wait3A_70, %dma_wait3A_71, %dma_wait3A_72] : memref<2x128x128xf32, #tpu.memory_space<vmem>> -> memref<1x128x128xf32, #tpu.memory_space<vmem>>
        %dma_wait3A_74 = tpu.memref_squeeze %dma_wait3A_73 : memref<1x128x128xf32, #tpu.memory_space<vmem>> -> memref<128x128xf32, #tpu.memory_space<vmem>>
        %dma_wait3A_75 = arith.constant 0 : i32
        %dma_wait3A_76 = tpu.memref_slice %arg7[%dma_wait3A, %dma_wait3A_69, %dma_wait3A_75] : memref<2x16x128xi32, #tpu.memory_space<vmem>> -> memref<1x1x128xi32, #tpu.memory_space<vmem>>
        %dma_wait3A_77 = tpu.memref_squeeze %dma_wait3A_76 : memref<1x1x128xi32, #tpu.memory_space<vmem>> -> memref<128xi32, #tpu.memory_space<vmem>>
        %dma_wait3A_78 = arith.constant 0 : i32
        %dma_wait3A_79 = arith.constant 0 : i32
        %dma_wait3A_80 = tpu.memref_slice %arg2[%dma_wait3A_78, %dma_wait3A_79] : memref<10000x128xf32, #tpu.memory_space<hbm>> -> memref<10000x128xf32, #tpu.memory_space<hbm>>
        tpu.wait_indirect_dma semaphore(%arg11 : memref<!tpu.dma_semaphore, #tpu.memory_space<semaphore_mem>>) src(%dma_wait3A_80 : memref<10000x128xf32, #tpu.memory_space<hbm>>) dst(%dma_wait3A_74 : memref<128x128xf32, #tpu.memory_space<vmem>>)
        %run_scoped3A_81 = arith.constant 0 : i32
        "tpu.region"() ({
          %run_scoped3A_113 = tpu.sem_alloc : memref<!tpu.dma_semaphore, #tpu.memory_space<semaphore_mem>>
          %dma_start3A_114 = arith.constant 0 : i32
          %dma_start3A_115 = arith.constant 0 : i32
          %dma_start3A_116 = tpu.memref_slice %arg9[%run_scoped3A_81, %dma_start3A_114, %dma_start3A_115] : memref<2x128x128xf32, #tpu.memory_space<vmem>> -> memref<1x128x128xf32, #tpu.memory_space<vmem>>
          %dma_start3A_117 = tpu.memref_squeeze %dma_start3A_116 : memref<1x128x128xf32, #tpu.memory_space<vmem>> -> memref<128x128xf32, #tpu.memory_space<vmem>>
          %dma_start3A_118 = arith.constant 0 : i32
          %dma_start3A_119 = tpu.memref_slice %arg8[%add3A_68, %dma_start3A_118] : memref<80x128xi32, #tpu.memory_space<vmem>> -> memref<1x128xi32, #tpu.memory_space<vmem>>
          %dma_start3A_120 = tpu.memref_squeeze %dma_start3A_119 : memref<1x128xi32, #tpu.memory_space<vmem>> -> memref<128xi32, #tpu.memory_space<vmem>>
          %dma_start3A_121 = arith.constant 0 : i32
          %dma_start3A_122 = arith.constant 0 : i32
          %dma_start3A_123 = tpu.memref_slice %arg10[%dma_start3A_121, %dma_start3A_122] : memref<10112x128xf32, #tpu.memory_space<vmem_shared>> -> memref<10112x128xf32, #tpu.memory_space<vmem_shared>>
          tpu.enqueue_indirect_dma source(%dma_start3A_117 : memref<128x128xf32, #tpu.memory_space<vmem>>) target(%dma_start3A_123 : memref<10112x128xf32, #tpu.memory_space<vmem_shared>>) offsets(%dma_start3A_120 : memref<128xi32, #tpu.memory_space<vmem>>) semaphore(%run_scoped3A_113 : memref<!tpu.dma_semaphore, #tpu.memory_space<semaphore_mem>>) {add = true}
          %dma_wait3A_124 = arith.constant 0 : i32
          %dma_wait3A_125 = arith.constant 0 : i32
          %dma_wait3A_126 = tpu.memref_slice %arg9[%run_scoped3A_81, %dma_wait3A_124, %dma_wait3A_125] : memref<2x128x128xf32, #tpu.memory_space<vmem>> -> memref<1x128x128xf32, #tpu.memory_space<vmem>>
          %dma_wait3A_127 = tpu.memref_squeeze %dma_wait3A_126 : memref<1x128x128xf32, #tpu.memory_space<vmem>> -> memref<128x128xf32, #tpu.memory_space<vmem>>
          %dma_wait3A_128 = arith.constant 0 : i32
          %dma_wait3A_129 = tpu.memref_slice %arg8[%add3A_68, %dma_wait3A_128] : memref<80x128xi32, #tpu.memory_space<vmem>> -> memref<1x128xi32, #tpu.memory_space<vmem>>
          %dma_wait3A_130 = tpu.memref_squeeze %dma_wait3A_129 : memref<1x128xi32, #tpu.memory_space<vmem>> -> memref<128xi32, #tpu.memory_space<vmem>>
          %dma_wait3A_131 = arith.constant 0 : i32
          %dma_wait3A_132 = arith.constant 0 : i32
          %dma_wait3A_133 = tpu.memref_slice %arg10[%dma_wait3A_131, %dma_wait3A_132] : memref<10112x128xf32, #tpu.memory_space<vmem_shared>> -> memref<10112x128xf32, #tpu.memory_space<vmem_shared>>
          tpu.wait_indirect_dma semaphore(%run_scoped3A_113 : memref<!tpu.dma_semaphore, #tpu.memory_space<semaphore_mem>>) src(%dma_wait3A_127 : memref<128x128xf32, #tpu.memory_space<vmem>>) dst(%dma_wait3A_133 : memref<10112x128xf32, #tpu.memory_space<vmem_shared>>)
          tpu.yield
        }) : () -> ()
        %lt3A_82 = arith.constant 14 : i32
        %lt3A_83 = arith.cmpi slt, %add3A_65, %lt3A_82 : i32
        %convert_element_type3A_84 = arith.extui %lt3A_83 : i1 to i32
        %cond3A_85 = arith.constant 0 : i32
        %cond3A_86 = arith.cmpi ne, %convert_element_type3A_84, %cond3A_85 : i32
        scf.if %cond3A_86 {
          %add3A_113 = arith.constant 2 : i32
          %add3A_114 = arith.addi %add3A_65, %add3A_113 : i32
          %dma_start3A_115 = arith.constant 0 : i32
          %dma_start3A_116 = arith.constant 0 : i32
          %dma_start3A_117 = arith.constant 0 : i32
          %dma_start3A_118 = tpu.memref_slice %arg9[%dma_start3A_115, %dma_start3A_116, %dma_start3A_117] : memref<2x128x128xf32, #tpu.memory_space<vmem>> -> memref<1x128x128xf32, #tpu.memory_space<vmem>>
          %dma_start3A_119 = tpu.memref_squeeze %dma_start3A_118 : memref<1x128x128xf32, #tpu.memory_space<vmem>> -> memref<128x128xf32, #tpu.memory_space<vmem>>
          %dma_start3A_120 = arith.constant 0 : i32
          %dma_start3A_121 = tpu.memref_slice %arg7[%select_n3A_31, %add3A_114, %dma_start3A_120] : memref<2x16x128xi32, #tpu.memory_space<vmem>> -> memref<1x1x128xi32, #tpu.memory_space<vmem>>
          %dma_start3A_122 = tpu.memref_squeeze %dma_start3A_121 : memref<1x1x128xi32, #tpu.memory_space<vmem>> -> memref<128xi32, #tpu.memory_space<vmem>>
          %dma_start3A_123 = arith.constant 0 : i32
          %dma_start3A_124 = arith.constant 0 : i32
          %dma_start3A_125 = tpu.memref_slice %arg2[%dma_start3A_123, %dma_start3A_124] : memref<10000x128xf32, #tpu.memory_space<hbm>> -> memref<10000x128xf32, #tpu.memory_space<hbm>>
          tpu.enqueue_indirect_dma source(%dma_start3A_125 : memref<10000x128xf32, #tpu.memory_space<hbm>>) target(%dma_start3A_119 : memref<128x128xf32, #tpu.memory_space<vmem>>) offsets(%dma_start3A_122 : memref<128xi32, #tpu.memory_space<vmem>>) semaphore(%arg11 : memref<!tpu.dma_semaphore, #tpu.memory_space<semaphore_mem>>)
        } else {
        }
        %mul3A_87 = arith.constant 2 : i32
        %mul3A_88 = arith.muli %mul3A_87, %scan3A_61 : i32
        %add3A_89 = arith.constant 1 : i32
        %add3A_90 = arith.addi %mul3A_88, %add3A_89 : i32
        %mul3A_91 = arith.constant 16 : i32
        %mul3A_92 = arith.muli %scan3A_15, %mul3A_91 : i32
        %add3A_93 = arith.addi %mul3A_92, %add3A_90 : i32
        %dma_wait3A_94 = arith.constant 0 : i32
        %dma_wait3A_95 = arith.constant 0 : i32
        %dma_wait3A_96 = arith.constant 1 : i32
        %dma_wait3A_97 = arith.constant 0 : i32
        %dma_wait3A_98 = arith.constant 0 : i32
        %dma_wait3A_99 = tpu.memref_slice %arg9[%dma_wait3A_96, %dma_wait3A_97, %dma_wait3A_98] : memref<2x128x128xf32, #tpu.memory_space<vmem>> -> memref<1x128x128xf32, #tpu.memory_space<vmem>>
        %dma_wait3A_100 = tpu.memref_squeeze %dma_wait3A_99 : memref<1x128x128xf32, #tpu.memory_space<vmem>> -> memref<128x128xf32, #tpu.memory_space<vmem>>
        %dma_wait3A_101 = arith.constant 0 : i32
        %dma_wait3A_102 = tpu.memref_slice %arg7[%dma_wait3A_94, %dma_wait3A_95, %dma_wait3A_101] : memref<2x16x128xi32, #tpu.memory_space<vmem>> -> memref<1x1x128xi32, #tpu.memory_space<vmem>>
        %dma_wait3A_103 = tpu.memref_squeeze %dma_wait3A_102 : memref<1x1x128xi32, #tpu.memory_space<vmem>> -> memref<128xi32, #tpu.memory_space<vmem>>
        %dma_wait3A_104 = arith.constant 0 : i32
        %dma_wait3A_105 = arith.constant 0 : i32
        %dma_wait3A_106 = tpu.memref_slice %arg2[%dma_wait3A_104, %dma_wait3A_105] : memref<10000x128xf32, #tpu.memory_space<hbm>> -> memref<10000x128xf32, #tpu.memory_space<hbm>>
        tpu.wait_indirect_dma semaphore(%arg12 : memref<!tpu.dma_semaphore, #tpu.memory_space<semaphore_mem>>) src(%dma_wait3A_106 : memref<10000x128xf32, #tpu.memory_space<hbm>>) dst(%dma_wait3A_100 : memref<128x128xf32, #tpu.memory_space<vmem>>)
        %run_scoped3A_107 = arith.constant 1 : i32
        "tpu.region"() ({
          %run_scoped3A_113 = tpu.sem_alloc : memref<!tpu.dma_semaphore, #tpu.memory_space<semaphore_mem>>
          %dma_start3A_114 = arith.constant 0 : i32
          %dma_start3A_115 = arith.constant 0 : i32
          %dma_start3A_116 = tpu.memref_slice %arg9[%run_scoped3A_107, %dma_start3A_114, %dma_start3A_115] : memref<2x128x128xf32, #tpu.memory_space<vmem>> -> memref<1x128x128xf32, #tpu.memory_space<vmem>>
          %dma_start3A_117 = tpu.memref_squeeze %dma_start3A_116 : memref<1x128x128xf32, #tpu.memory_space<vmem>> -> memref<128x128xf32, #tpu.memory_space<vmem>>
          %dma_start3A_118 = arith.constant 0 : i32
          %dma_start3A_119 = tpu.memref_slice %arg8[%add3A_93, %dma_start3A_118] : memref<80x128xi32, #tpu.memory_space<vmem>> -> memref<1x128xi32, #tpu.memory_space<vmem>>
          %dma_start3A_120 = tpu.memref_squeeze %dma_start3A_119 : memref<1x128xi32, #tpu.memory_space<vmem>> -> memref<128xi32, #tpu.memory_space<vmem>>
          %dma_start3A_121 = arith.constant 0 : i32
          %dma_start3A_122 = arith.constant 0 : i32
          %dma_start3A_123 = tpu.memref_slice %arg10[%dma_start3A_121, %dma_start3A_122] : memref<10112x128xf32, #tpu.memory_space<vmem_shared>> -> memref<10112x128xf32, #tpu.memory_space<vmem_shared>>
          tpu.enqueue_indirect_dma source(%dma_start3A_117 : memref<128x128xf32, #tpu.memory_space<vmem>>) target(%dma_start3A_123 : memref<10112x128xf32, #tpu.memory_space<vmem_shared>>) offsets(%dma_start3A_120 : memref<128xi32, #tpu.memory_space<vmem>>) semaphore(%run_scoped3A_113 : memref<!tpu.dma_semaphore, #tpu.memory_space<semaphore_mem>>) {add = true}
          %dma_wait3A_124 = arith.constant 0 : i32
          %dma_wait3A_125 = arith.constant 0 : i32
          %dma_wait3A_126 = tpu.memref_slice %arg9[%run_scoped3A_107, %dma_wait3A_124, %dma_wait3A_125] : memref<2x128x128xf32, #tpu.memory_space<vmem>> -> memref<1x128x128xf32, #tpu.memory_space<vmem>>
          %dma_wait3A_127 = tpu.memref_squeeze %dma_wait3A_126 : memref<1x128x128xf32, #tpu.memory_space<vmem>> -> memref<128x128xf32, #tpu.memory_space<vmem>>
          %dma_wait3A_128 = arith.constant 0 : i32
          %dma_wait3A_129 = tpu.memref_slice %arg8[%add3A_93, %dma_wait3A_128] : memref<80x128xi32, #tpu.memory_space<vmem>> -> memref<1x128xi32, #tpu.memory_space<vmem>>
          %dma_wait3A_130 = tpu.memref_squeeze %dma_wait3A_129 : memref<1x128xi32, #tpu.memory_space<vmem>> -> memref<128xi32, #tpu.memory_space<vmem>>
          %dma_wait3A_131 = arith.constant 0 : i32
          %dma_wait3A_132 = arith.constant 0 : i32
          %dma_wait3A_133 = tpu.memref_slice %arg10[%dma_wait3A_131, %dma_wait3A_132] : memref<10112x128xf32, #tpu.memory_space<vmem_shared>> -> memref<10112x128xf32, #tpu.memory_space<vmem_shared>>
          tpu.wait_indirect_dma semaphore(%run_scoped3A_113 : memref<!tpu.dma_semaphore, #tpu.memory_space<semaphore_mem>>) src(%dma_wait3A_127 : memref<128x128xf32, #tpu.memory_space<vmem>>) dst(%dma_wait3A_133 : memref<10112x128xf32, #tpu.memory_space<vmem_shared>>)
          tpu.yield
        }) : () -> ()
        %lt3A_108 = arith.constant 14 : i32
        %lt3A_109 = arith.cmpi slt, %add3A_90, %lt3A_108 : i32
        %convert_element_type3A_110 = arith.extui %lt3A_109 : i1 to i32
        %cond3A_111 = arith.constant 0 : i32
        %cond3A_112 = arith.cmpi ne, %convert_element_type3A_110, %cond3A_111 : i32
        scf.if %cond3A_112 {
          %add3A_113 = arith.constant 2 : i32
          %add3A_114 = arith.addi %add3A_90, %add3A_113 : i32
          %dma_start3A_115 = arith.constant 1 : i32
          %dma_start3A_116 = arith.constant 0 : i32
          %dma_start3A_117 = arith.constant 0 : i32
          %dma_start3A_118 = tpu.memref_slice %arg9[%dma_start3A_115, %dma_start3A_116, %dma_start3A_117] : memref<2x128x128xf32, #tpu.memory_space<vmem>> -> memref<1x128x128xf32, #tpu.memory_space<vmem>>
          %dma_start3A_119 = tpu.memref_squeeze %dma_start3A_118 : memref<1x128x128xf32, #tpu.memory_space<vmem>> -> memref<128x128xf32, #tpu.memory_space<vmem>>
          %dma_start3A_120 = arith.constant 0 : i32
          %dma_start3A_121 = tpu.memref_slice %arg7[%select_n3A_31, %add3A_114, %dma_start3A_120] : memref<2x16x128xi32, #tpu.memory_space<vmem>> -> memref<1x1x128xi32, #tpu.memory_space<vmem>>
          %dma_start3A_122 = tpu.memref_squeeze %dma_start3A_121 : memref<1x1x128xi32, #tpu.memory_space<vmem>> -> memref<128xi32, #tpu.memory_space<vmem>>
          %dma_start3A_123 = arith.constant 0 : i32
          %dma_start3A_124 = arith.constant 0 : i32
          %dma_start3A_125 = tpu.memref_slice %arg2[%dma_start3A_123, %dma_start3A_124] : memref<10000x128xf32, #tpu.memory_space<hbm>> -> memref<10000x128xf32, #tpu.memory_space<hbm>>
          tpu.enqueue_indirect_dma source(%dma_start3A_125 : memref<10000x128xf32, #tpu.memory_space<hbm>>) target(%dma_start3A_119 : memref<128x128xf32, #tpu.memory_space<vmem>>) offsets(%dma_start3A_122 : memref<128xi32, #tpu.memory_space<vmem>>) semaphore(%arg12 : memref<!tpu.dma_semaphore, #tpu.memory_space<semaphore_mem>>)
        } else {
        }
      }
      %scan3A_60 = arith.constant 8 : i32
    }
    %scan3A_9 = arith.constant 5 : i32
    %barrier3A_10 = arith.constant 0 : index
    tpu.barrier barrier_id(%barrier3A_10)
    %mul3A_11 = arith.constant 632 : i32
    %mul3A_12 = arith.muli %arg1, %mul3A_11 : i32
    %mul3A_13 = arith.constant 632 : i32
    %mul3A_14 = arith.muli %arg1, %mul3A_13 : i32
    "tpu.region"() ({
      %run_scoped3A_15 = tpu.sem_alloc : memref<!tpu.dma_semaphore, #tpu.memory_space<semaphore_mem>>
      %dma_start3A = arith.constant 0 : i32
      %dma_start3A_16 = tpu.memref_slice %arg6[%arg0, %mul3A_14, %dma_start3A] : memref<2x10112x128xf32, #tpu.memory_space<hbm>> -> memref<1x632x128xf32, #tpu.memory_space<hbm>>
      %dma_start3A_17 = tpu.memref_squeeze %dma_start3A_16 : memref<1x632x128xf32, #tpu.memory_space<hbm>> -> memref<632x128xf32, #tpu.memory_space<hbm>>
      %dma_start3A_18 = arith.constant 0 : i32
      %dma_start3A_19 = tpu.memref_slice %arg10[%mul3A_12, %dma_start3A_18] : memref<10112x128xf32, #tpu.memory_space<vmem_shared>> -> memref<632x128xf32, #tpu.memory_space<vmem_shared>>
      tpu.enqueue_dma source(%dma_start3A_19 : memref<632x128xf32, #tpu.memory_space<vmem_shared>>) target(%dma_start3A_17 : memref<632x128xf32, #tpu.memory_space<hbm>>) target_semaphore(%run_scoped3A_15 : memref<!tpu.dma_semaphore, #tpu.memory_space<semaphore_mem>>)
      %dma_wait3A = arith.constant 0 : i32
      %dma_wait3A_20 = tpu.memref_slice %arg6[%arg0, %mul3A_14, %dma_wait3A] : memref<2x10112x128xf32, #tpu.memory_space<hbm>> -> memref<1x632x128xf32, #tpu.memory_space<hbm>>
      %dma_wait3A_21 = tpu.memref_squeeze %dma_wait3A_20 : memref<1x632x128xf32, #tpu.memory_space<hbm>> -> memref<632x128xf32, #tpu.memory_space<hbm>>
      %dma_wait3A_22 = arith.constant 0 : i32
      %dma_wait3A_23 = tpu.memref_slice %arg10[%mul3A_12, %dma_wait3A_22] : memref<10112x128xf32, #tpu.memory_space<vmem_shared>> -> memref<632x128xf32, #tpu.memory_space<vmem_shared>>
      tpu.wait_dma2 semaphore(%run_scoped3A_15 : memref<!tpu.dma_semaphore, #tpu.memory_space<semaphore_mem>>) src(%dma_wait3A_23 : memref<632x128xf32, #tpu.memory_space<vmem_shared>>) dst(%dma_wait3A_21 : memref<632x128xf32, #tpu.memory_space<hbm>>)
      tpu.yield
    }) : () -> ()
    return
  }
}

#map = affine_map<(d0, d1) -> (0, 0)>
#map1 = affine_map<(d0, d1) -> (0, 0, 0)>
module attributes {stable_mosaic.version = 14 : i64} {
  func.func @_scatter_body(%arg0: i32, %arg1: i32, %arg2: memref<10000x128xf32, #tpu.memory_space<hbm>>, %arg3: memref<32x80x128xi32, #tpu.memory_space<hbm>>, %arg4: memref<32x80x128xi32, #tpu.memory_space<hbm>>, %arg5: memref<10112x128xf32, #tpu.memory_space<hbm>>, %arg6: memref<2x10112x128xf32, #tpu.memory_space<hbm>>, %arg7: memref<2x16x128xi32, #tpu.memory_space<vmem>>, %arg8: memref<80x128xi32, #tpu.memory_space<vmem>>, %arg9: memref<2x128x128xf32, #tpu.memory_space<vmem>>, %arg10: memref<10112x128xf32, #tpu.memory_space<vmem_shared>>, %arg11: memref<!tpu.dma_semaphore, #tpu.memory_space<semaphore_mem>>, %arg12: memref<!tpu.dma_semaphore, #tpu.memory_space<semaphore_mem>>, %arg13: memref<!tpu.dma_semaphore, #tpu.memory_space<semaphore_mem>>) attributes {dimension_semantics = [#tpu.dimension_semantics<core_parallel>, #tpu.dimension_semantics<subcore_parallel>], iteration_bounds = array<i64: 2, 16>, scalar_prefetch = 0 : i64, scratch_operands = 7 : i64, tpu.core_type = #tpu.core_type<sc_vector_subcore>, window_params = [{transform_indices = #map}, {transform_indices = #map1}, {transform_indices = #map1}, {transform_indices = #map}, {transform_indices = #map1}]} {
    %mul3A = arith.constant 16 : i32
    %mul3A_0 = arith.muli %arg0, %mul3A : i32
    %add3A = arith.addi %mul3A_0, %arg1 : i32
    %mul3A_1 = arith.constant 632 : i32
    %mul3A_2 = arith.muli %arg1, %mul3A_1 : i32
    %mul3A_3 = arith.constant 632 : i32
    %mul3A_4 = arith.muli %arg1, %mul3A_3 : i32
    "tpu.region"() ({
      %run_scoped3A_15 = tpu.sem_alloc : memref<!tpu.dma_semaphore, #tpu.memory_space<semaphore_mem>>
      %dma_start3A = arith.constant 0 : i32
      %dma_start3A_16 = tpu.memref_slice %arg10[%mul3A_4, %dma_start3A] : memref<10112x128xf32, #tpu.memory_space<vmem_shared>> -> memref<632x128xf32, #tpu.memory_space<vmem_shared>>
      %dma_start3A_17 = arith.constant 0 : i32
      %dma_start3A_18 = tpu.memref_slice %arg5[%mul3A_2, %dma_start3A_17] : memref<10112x128xf32, #tpu.memory_space<hbm>> -> memref<632x128xf32, #tpu.memory_space<hbm>>
      tpu.enqueue_dma source(%dma_start3A_18 : memref<632x128xf32, #tpu.memory_space<hbm>>) target(%dma_start3A_16 : memref<632x128xf32, #tpu.memory_space<vmem_shared>>) target_semaphore(%run_scoped3A_15 : memref<!tpu.dma_semaphore, #tpu.memory_space<semaphore_mem>>)
      %dma_wait3A = arith.constant 0 : i32
      %dma_wait3A_19 = tpu.memref_slice %arg10[%mul3A_4, %dma_wait3A] : memref<10112x128xf32, #tpu.memory_space<vmem_shared>> -> memref<632x128xf32, #tpu.memory_space<vmem_shared>>
      %dma_wait3A_20 = arith.constant 0 : i32
      %dma_wait3A_21 = tpu.memref_slice %arg5[%mul3A_2, %dma_wait3A_20] : memref<10112x128xf32, #tpu.memory_space<hbm>> -> memref<632x128xf32, #tpu.memory_space<hbm>>
      tpu.wait_dma2 semaphore(%run_scoped3A_15 : memref<!tpu.dma_semaphore, #tpu.memory_space<semaphore_mem>>) src(%dma_wait3A_21 : memref<632x128xf32, #tpu.memory_space<hbm>>) dst(%dma_wait3A_19 : memref<632x128xf32, #tpu.memory_space<vmem_shared>>)
      tpu.yield
    }) : () -> ()
    "tpu.region"() ({
      %run_scoped3A_15 = tpu.sem_alloc : memref<!tpu.dma_semaphore, #tpu.memory_space<semaphore_mem>>
      %dma_start3A = arith.constant 0 : i32
      %dma_start3A_16 = arith.constant 0 : i32
      %dma_start3A_17 = tpu.memref_slice %arg4[%add3A, %dma_start3A, %dma_start3A_16] : memref<32x80x128xi32, #tpu.memory_space<hbm>> -> memref<1x80x128xi32, #tpu.memory_space<hbm>>
      %dma_start3A_18 = tpu.memref_squeeze %dma_start3A_17 : memref<1x80x128xi32, #tpu.memory_space<hbm>> -> memref<80x128xi32, #tpu.memory_space<hbm>>
      %dma_start3A_19 = arith.constant 0 : i32
      %dma_start3A_20 = arith.constant 0 : i32
      %dma_start3A_21 = tpu.memref_slice %arg4[%add3A, %dma_start3A_19, %dma_start3A_20] : memref<32x80x128xi32, #tpu.memory_space<hbm>> -> memref<1x80x128xi32, #tpu.memory_space<hbm>>
      %dma_start3A_22 = tpu.memref_squeeze %dma_start3A_21 : memref<1x80x128xi32, #tpu.memory_space<hbm>> -> memref<80x128xi32, #tpu.memory_space<hbm>>
      tpu.enqueue_dma source(%dma_start3A_22 : memref<80x128xi32, #tpu.memory_space<hbm>>) target(%arg8 : memref<80x128xi32, #tpu.memory_space<vmem>>) target_semaphore(%run_scoped3A_15 : memref<!tpu.dma_semaphore, #tpu.memory_space<semaphore_mem>>)
      %dma_wait3A = arith.constant 0 : i32
      %dma_wait3A_23 = arith.constant 0 : i32
      %dma_wait3A_24 = tpu.memref_slice %arg4[%add3A, %dma_wait3A, %dma_wait3A_23] : memref<32x80x128xi32, #tpu.memory_space<hbm>> -> memref<1x80x128xi32, #tpu.memory_space<hbm>>
      %dma_wait3A_25 = tpu.memref_squeeze %dma_wait3A_24 : memref<1x80x128xi32, #tpu.memory_space<hbm>> -> memref<80x128xi32, #tpu.memory_space<hbm>>
      %dma_wait3A_26 = arith.constant 0 : i32
      %dma_wait3A_27 = arith.constant 0 : i32
      %dma_wait3A_28 = tpu.memref_slice %arg4[%add3A, %dma_wait3A_26, %dma_wait3A_27] : memref<32x80x128xi32, #tpu.memory_space<hbm>> -> memref<1x80x128xi32, #tpu.memory_space<hbm>>
      %dma_wait3A_29 = tpu.memref_squeeze %dma_wait3A_28 : memref<1x80x128xi32, #tpu.memory_space<hbm>> -> memref<80x128xi32, #tpu.memory_space<hbm>>
      tpu.wait_dma2 semaphore(%run_scoped3A_15 : memref<!tpu.dma_semaphore, #tpu.memory_space<semaphore_mem>>) src(%dma_wait3A_29 : memref<80x128xi32, #tpu.memory_space<hbm>>) dst(%arg8 : memref<80x128xi32, #tpu.memory_space<vmem>>)
      tpu.yield
    }) : () -> ()
    %run_scoped3A = arith.constant 0 : i32
    "tpu.region"() ({
      %run_scoped3A_15 = tpu.sem_alloc : memref<!tpu.dma_semaphore, #tpu.memory_space<semaphore_mem>>
      %dma_start3A = arith.constant 0 : i32
      %dma_start3A_16 = arith.constant 0 : i32
      %dma_start3A_17 = tpu.memref_slice %arg7[%run_scoped3A, %dma_start3A, %dma_start3A_16] : memref<2x16x128xi32, #tpu.memory_space<vmem>> -> memref<1x16x128xi32, #tpu.memory_space<vmem>>
      %dma_start3A_18 = tpu.memref_squeeze %dma_start3A_17 : memref<1x16x128xi32, #tpu.memory_space<vmem>> -> memref<16x128xi32, #tpu.memory_space<vmem>>
      %dma_start3A_19 = arith.constant 0 : i32
      %dma_start3A_20 = arith.constant 0 : i32
      %dma_start3A_21 = tpu.memref_slice %arg3[%add3A, %dma_start3A_19, %dma_start3A_20] : memref<32x80x128xi32, #tpu.memory_space<hbm>> -> memref<1x16x128xi32, #tpu.memory_space<hbm>>
      %dma_start3A_22 = tpu.memref_squeeze %dma_start3A_21 : memref<1x16x128xi32, #tpu.memory_space<hbm>> -> memref<16x128xi32, #tpu.memory_space<hbm>>
      %dma_start3A_23 = arith.constant 0 : i32
      %dma_start3A_24 = arith.constant 0 : i32
      %dma_start3A_25 = tpu.memref_slice %arg7[%run_scoped3A, %dma_start3A_23, %dma_start3A_24] : memref<2x16x128xi32, #tpu.memory_space<vmem>> -> memref<1x16x128xi32, #tpu.memory_space<vmem>>
      %dma_start3A_26 = tpu.memref_squeeze %dma_start3A_25 : memref<1x16x128xi32, #tpu.memory_space<vmem>> -> memref<16x128xi32, #tpu.memory_space<vmem>>
      %dma_start3A_27 = arith.constant 0 : i32
      %dma_start3A_28 = arith.constant 0 : i32
      %dma_start3A_29 = tpu.memref_slice %arg3[%add3A, %dma_start3A_27, %dma_start3A_28] : memref<32x80x128xi32, #tpu.memory_space<hbm>> -> memref<1x16x128xi32, #tpu.memory_space<hbm>>
      %dma_start3A_30 = tpu.memref_squeeze %dma_start3A_29 : memref<1x16x128xi32, #tpu.memory_space<hbm>> -> memref<16x128xi32, #tpu.memory_space<hbm>>
      tpu.enqueue_dma source(%dma_start3A_30 : memref<16x128xi32, #tpu.memory_space<hbm>>) target(%dma_start3A_26 : memref<16x128xi32, #tpu.memory_space<vmem>>) target_semaphore(%run_scoped3A_15 : memref<!tpu.dma_semaphore, #tpu.memory_space<semaphore_mem>>)
      %dma_wait3A = arith.constant 0 : i32
      %dma_wait3A_31 = arith.constant 0 : i32
      %dma_wait3A_32 = tpu.memref_slice %arg7[%run_scoped3A, %dma_wait3A, %dma_wait3A_31] : memref<2x16x128xi32, #tpu.memory_space<vmem>> -> memref<1x16x128xi32, #tpu.memory_space<vmem>>
      %dma_wait3A_33 = tpu.memref_squeeze %dma_wait3A_32 : memref<1x16x128xi32, #tpu.memory_space<vmem>> -> memref<16x128xi32, #tpu.memory_space<vmem>>
      %dma_wait3A_34 = arith.constant 0 : i32
      %dma_wait3A_35 = arith.constant 0 : i32
      %dma_wait3A_36 = tpu.memref_slice %arg3[%add3A, %dma_wait3A_34, %dma_wait3A_35] : memref<32x80x128xi32, #tpu.memory_space<hbm>> -> memref<1x16x128xi32, #tpu.memory_space<hbm>>
      %dma_wait3A_37 = tpu.memref_squeeze %dma_wait3A_36 : memref<1x16x128xi32, #tpu.memory_space<hbm>> -> memref<16x128xi32, #tpu.memory_space<hbm>>
      %dma_wait3A_38 = arith.constant 0 : i32
      %dma_wait3A_39 = arith.constant 0 : i32
      %dma_wait3A_40 = tpu.memref_slice %arg7[%run_scoped3A, %dma_wait3A_38, %dma_wait3A_39] : memref<2x16x128xi32, #tpu.memory_space<vmem>> -> memref<1x16x128xi32, #tpu.memory_space<vmem>>
      %dma_wait3A_41 = tpu.memref_squeeze %dma_wait3A_40 : memref<1x16x128xi32, #tpu.memory_space<vmem>> -> memref<16x128xi32, #tpu.memory_space<vmem>>
      %dma_wait3A_42 = arith.constant 0 : i32
      %dma_wait3A_43 = arith.constant 0 : i32
      %dma_wait3A_44 = tpu.memref_slice %arg3[%add3A, %dma_wait3A_42, %dma_wait3A_43] : memref<32x80x128xi32, #tpu.memory_space<hbm>> -> memref<1x16x128xi32, #tpu.memory_space<hbm>>
      %dma_wait3A_45 = tpu.memref_squeeze %dma_wait3A_44 : memref<1x16x128xi32, #tpu.memory_space<hbm>> -> memref<16x128xi32, #tpu.memory_space<hbm>>
      tpu.wait_dma2 semaphore(%run_scoped3A_15 : memref<!tpu.dma_semaphore, #tpu.memory_space<semaphore_mem>>) src(%dma_wait3A_45 : memref<16x128xi32, #tpu.memory_space<hbm>>) dst(%dma_wait3A_41 : memref<16x128xi32, #tpu.memory_space<vmem>>)
      tpu.yield
    }) : () -> ()
    %barrier3A = arith.constant 0 : index
    tpu.barrier barrier_id(%barrier3A)
    %scan3A = arith.constant 0 : i32
    %scan3A_5 = arith.constant 0 : i32
    %scan3A_6 = arith.constant 5 : i32
    %scan3A_7 = arith.addi %scan3A_5, %scan3A_6 : i32
    %scan3A_8 = arith.constant 1 : i32
    scf.for %scan3A_15 = %scan3A_5 to %scan3A_7 step %scan3A_8  : i32 {
      %gt3A = arith.constant 0 : i32
      %gt3A_16 = arith.cmpi sgt, %scan3A_15, %gt3A : i32
      %convert_element_type3A = arith.extui %gt3A_16 : i1 to i32
      %cond3A = arith.constant 0 : i32
      %cond3A_17 = arith.cmpi ne, %convert_element_type3A, %cond3A : i32
      scf.if %cond3A_17 {
        %dma_wait3A = arith.constant 0 : i32
        %dma_wait3A_61 = arith.constant 0 : i32
        %dma_wait3A_62 = arith.constant 0 : i32
        %dma_wait3A_63 = tpu.memref_slice %arg7[%dma_wait3A, %dma_wait3A_61, %dma_wait3A_62] : memref<2x16x128xi32, #tpu.memory_space<vmem>> -> memref<1x16x128xi32, #tpu.memory_space<vmem>>
        %dma_wait3A_64 = tpu.memref_squeeze %dma_wait3A_63 : memref<1x16x128xi32, #tpu.memory_space<vmem>> -> memref<16x128xi32, #tpu.memory_space<vmem>>
        %dma_wait3A_65 = arith.constant 0 : i32
        %dma_wait3A_66 = arith.constant 0 : i32
        %dma_wait3A_67 = tpu.memref_slice %arg3[%add3A, %dma_wait3A_65, %dma_wait3A_66] : memref<32x80x128xi32, #tpu.memory_space<hbm>> -> memref<1x16x128xi32, #tpu.memory_space<hbm>>
        %dma_wait3A_68 = tpu.memref_squeeze %dma_wait3A_67 : memref<1x16x128xi32, #tpu.memory_space<hbm>> -> memref<16x128xi32, #tpu.memory_space<hbm>>
        %dma_wait3A_69 = arith.constant 0 : i32
        %dma_wait3A_70 = arith.constant 0 : i32
        %dma_wait3A_71 = tpu.memref_slice %arg7[%dma_wait3A, %dma_wait3A_69, %dma_wait3A_70] : memref<2x16x128xi32, #tpu.memory_space<vmem>> -> memref<1x16x128xi32, #tpu.memory_space<vmem>>
        %dma_wait3A_72 = tpu.memref_squeeze %dma_wait3A_71 : memref<1x16x128xi32, #tpu.memory_space<vmem>> -> memref<16x128xi32, #tpu.memory_space<vmem>>
        %dma_wait3A_73 = arith.constant 0 : i32
        %dma_wait3A_74 = arith.constant 0 : i32
        %dma_wait3A_75 = tpu.memref_slice %arg3[%add3A, %dma_wait3A_73, %dma_wait3A_74] : memref<32x80x128xi32, #tpu.memory_space<hbm>> -> memref<1x16x128xi32, #tpu.memory_space<hbm>>
        %dma_wait3A_76 = tpu.memref_squeeze %dma_wait3A_75 : memref<1x16x128xi32, #tpu.memory_space<hbm>> -> memref<16x128xi32, #tpu.memory_space<hbm>>
        tpu.wait_dma2 semaphore(%arg13 : memref<!tpu.dma_semaphore, #tpu.memory_space<semaphore_mem>>) src(%dma_wait3A_76 : memref<16x128xi32, #tpu.memory_space<hbm>>) dst(%dma_wait3A_72 : memref<16x128xi32, #tpu.memory_space<vmem>>)
      } else {
      }
      %lt3A = arith.constant 4 : i32
      %lt3A_18 = arith.cmpi slt, %scan3A_15, %lt3A : i32
      %convert_element_type3A_19 = arith.extui %lt3A_18 : i1 to i32
      %cond3A_20 = arith.constant 0 : i32
      %cond3A_21 = arith.cmpi ne, %convert_element_type3A_19, %cond3A_20 : i32
      scf.if %cond3A_21 {
        %add3A_61 = arith.constant 1 : i32
        %add3A_62 = arith.addi %scan3A_15, %add3A_61 : i32
        %mul3A_63 = arith.constant 16 : i32
        %mul3A_64 = arith.muli %add3A_62, %mul3A_63 : i32
        %add3A_65 = arith.constant 1 : i32
        %add3A_66 = arith.addi %scan3A_15, %add3A_65 : i32
        %jit3A_67 = arith.constant 2 : i32
        %eq3A_68 = arith.constant 0 : i32
        %eq3A_69 = arith.cmpi eq, %jit3A_67, %eq3A_68 : i32
        %jit3A_70 = arith.constant 1 : i32
        %select_n3A_71 = arith.select %eq3A_69, %jit3A_70, %jit3A_67 : i32
        %rem3A_72 = arith.remsi %add3A_66, %select_n3A_71 : i32
        %ne3A_73 = arith.constant 0 : i32
        %ne3A_74 = arith.cmpi ne, %rem3A_72, %ne3A_73 : i32
        %lt3A_75 = arith.constant 0 : i32
        %lt3A_76 = arith.cmpi slt, %rem3A_72, %lt3A_75 : i32
        %lt3A_77 = arith.constant 0 : i32
        %lt3A_78 = arith.cmpi slt, %select_n3A_71, %lt3A_77 : i32
        %ne3A_79 = arith.xori %lt3A_76, %lt3A_78 : i1
        %and3A_80 = arith.andi %ne3A_79, %ne3A_74 : i1
        %add3A_81 = arith.addi %rem3A_72, %select_n3A_71 : i32
        %select_n3A_82 = arith.select %and3A_80, %add3A_81, %rem3A_72 : i32
        %dma_start3A_83 = arith.constant 0 : i32
        %dma_start3A_84 = arith.constant 0 : i32
        %dma_start3A_85 = tpu.memref_slice %arg7[%select_n3A_82, %dma_start3A_83, %dma_start3A_84] : memref<2x16x128xi32, #tpu.memory_space<vmem>> -> memref<1x16x128xi32, #tpu.memory_space<vmem>>
        %dma_start3A_86 = tpu.memref_squeeze %dma_start3A_85 : memref<1x16x128xi32, #tpu.memory_space<vmem>> -> memref<16x128xi32, #tpu.memory_space<vmem>>
        %dma_start3A_87 = arith.constant 0 : i32
        %dma_start3A_88 = tpu.memref_slice %arg3[%add3A, %mul3A_64, %dma_start3A_87] : memref<32x80x128xi32, #tpu.memory_space<hbm>> -> memref<1x16x128xi32, #tpu.memory_space<hbm>>
        %dma_start3A_89 = tpu.memref_squeeze %dma_start3A_88 : memref<1x16x128xi32, #tpu.memory_space<hbm>> -> memref<16x128xi32, #tpu.memory_space<hbm>>
        %dma_start3A_90 = arith.constant 0 : i32
        %dma_start3A_91 = arith.constant 0 : i32
        %dma_start3A_92 = tpu.memref_slice %arg7[%select_n3A_82, %dma_start3A_90, %dma_start3A_91] : memref<2x16x128xi32, #tpu.memory_space<vmem>> -> memref<1x16x128xi32, #tpu.memory_space<vmem>>
        %dma_start3A_93 = tpu.memref_squeeze %dma_start3A_92 : memref<1x16x128xi32, #tpu.memory_space<vmem>> -> memref<16x128xi32, #tpu.memory_space<vmem>>
        %dma_start3A_94 = arith.constant 0 : i32
        %dma_start3A_95 = tpu.memref_slice %arg3[%add3A, %mul3A_64, %dma_start3A_94] : memref<32x80x128xi32, #tpu.memory_space<hbm>> -> memref<1x16x128xi32, #tpu.memory_space<hbm>>
        %dma_start3A_96 = tpu.memref_squeeze %dma_start3A_95 : memref<1x16x128xi32, #tpu.memory_space<hbm>> -> memref<16x128xi32, #tpu.memory_space<hbm>>
        tpu.enqueue_dma source(%dma_start3A_96 : memref<16x128xi32, #tpu.memory_space<hbm>>) target(%dma_start3A_93 : memref<16x128xi32, #tpu.memory_space<vmem>>) target_semaphore(%arg13 : memref<!tpu.dma_semaphore, #tpu.memory_space<semaphore_mem>>)
      } else {
      }
      %jit3A = arith.constant 2 : i32
      %eq3A = arith.constant 0 : i32
      %eq3A_22 = arith.cmpi eq, %jit3A, %eq3A : i32
      %jit3A_23 = arith.constant 1 : i32
      %select_n3A = arith.select %eq3A_22, %jit3A_23, %jit3A : i32
      %rem3A = arith.remsi %scan3A_15, %select_n3A : i32
      %ne3A = arith.constant 0 : i32
      %ne3A_24 = arith.cmpi ne, %rem3A, %ne3A : i32
      %lt3A_25 = arith.constant 0 : i32
      %lt3A_26 = arith.cmpi slt, %rem3A, %lt3A_25 : i32
      %lt3A_27 = arith.constant 0 : i32
      %lt3A_28 = arith.cmpi slt, %select_n3A, %lt3A_27 : i32
      %ne3A_29 = arith.xori %lt3A_26, %lt3A_28 : i1
      %and3A = arith.andi %ne3A_29, %ne3A_24 : i1
      %add3A_30 = arith.addi %rem3A, %select_n3A : i32
      %select_n3A_31 = arith.select %and3A, %add3A_30, %rem3A : i32
      %dma_start3A = arith.constant 0 : i32
      %dma_start3A_32 = arith.constant 0 : i32
      %dma_start3A_33 = arith.constant 0 : i32
      %dma_start3A_34 = arith.constant 0 : i32
      %dma_start3A_35 = tpu.memref_slice %arg9[%dma_start3A_32, %dma_start3A_33, %dma_start3A_34] : memref<2x128x128xf32, #tpu.memory_space<vmem>> -> memref<1x128x128xf32, #tpu.memory_space<vmem>>
      %dma_start3A_36 = tpu.memref_squeeze %dma_start3A_35 : memref<1x128x128xf32, #tpu.memory_space<vmem>> -> memref<128x128xf32, #tpu.memory_space<vmem>>
      %dma_start3A_37 = arith.constant 0 : i32
      %dma_start3A_38 = tpu.memref_slice %arg7[%select_n3A_31, %dma_start3A, %dma_start3A_37] : memref<2x16x128xi32, #tpu.memory_space<vmem>> -> memref<1x1x128xi32, #tpu.memory_space<vmem>>
      %dma_start3A_39 = tpu.memref_squeeze %dma_start3A_38 : memref<1x1x128xi32, #tpu.memory_space<vmem>> -> memref<128xi32, #tpu.memory_space<vmem>>
      %dma_start3A_40 = arith.constant 0 : i32
      %dma_start3A_41 = arith.constant 0 : i32
      %dma_start3A_42 = tpu.memref_slice %arg2[%dma_start3A_40, %dma_start3A_41] : memref<10000x128xf32, #tpu.memory_space<hbm>> -> memref<10000x128xf32, #tpu.memory_space<hbm>>
      tpu.enqueue_indirect_dma source(%dma_start3A_42 : memref<10000x128xf32, #tpu.memory_space<hbm>>) target(%dma_start3A_36 : memref<128x128xf32, #tpu.memory_space<vmem>>) offsets(%dma_start3A_39 : memref<128xi32, #tpu.memory_space<vmem>>) semaphore(%arg11 : memref<!tpu.dma_semaphore, #tpu.memory_space<semaphore_mem>>)
      %dma_start3A_43 = arith.constant 1 : i32
      %dma_start3A_44 = arith.constant 1 : i32
      %dma_start3A_45 = arith.constant 0 : i32
      %dma_start3A_46 = arith.constant 0 : i32
      %dma_start3A_47 = tpu.memref_slice %arg9[%dma_start3A_44, %dma_start3A_45, %dma_start3A_46] : memref<2x128x128xf32, #tpu.memory_space<vmem>> -> memref<1x128x128xf32, #tpu.memory_space<vmem>>
      %dma_start3A_48 = tpu.memref_squeeze %dma_start3A_47 : memref<1x128x128xf32, #tpu.memory_space<vmem>> -> memref<128x128xf32, #tpu.memory_space<vmem>>
      %dma_start3A_49 = arith.constant 0 : i32
      %dma_start3A_50 = tpu.memref_slice %arg7[%select_n3A_31, %dma_start3A_43, %dma_start3A_49] : memref<2x16x128xi32, #tpu.memory_space<vmem>> -> memref<1x1x128xi32, #tpu.memory_space<vmem>>
      %dma_start3A_51 = tpu.memref_squeeze %dma_start3A_50 : memref<1x1x128xi32, #tpu.memory_space<vmem>> -> memref<128xi32, #tpu.memory_space<vmem>>
      %dma_start3A_52 = arith.constant 0 : i32
      %dma_start3A_53 = arith.constant 0 : i32
      %dma_start3A_54 = tpu.memref_slice %arg2[%dma_start3A_52, %dma_start3A_53] : memref<10000x128xf32, #tpu.memory_space<hbm>> -> memref<10000x128xf32, #tpu.memory_space<hbm>>
      tpu.enqueue_indirect_dma source(%dma_start3A_54 : memref<10000x128xf32, #tpu.memory_space<hbm>>) target(%dma_start3A_48 : memref<128x128xf32, #tpu.memory_space<vmem>>) offsets(%dma_start3A_51 : memref<128xi32, #tpu.memory_space<vmem>>) semaphore(%arg12 : memref<!tpu.dma_semaphore, #tpu.memory_space<semaphore_mem>>)
      %scan3A_55 = arith.constant 0 : i32
      %scan3A_56 = arith.constant 0 : i32
      %scan3A_57 = arith.constant 8 : i32
      %scan3A_58 = arith.addi %scan3A_56, %scan3A_57 : i32
      %scan3A_59 = arith.constant 1 : i32
      scf.for %scan3A_61 = %scan3A_56 to %scan3A_58 step %scan3A_59  : i32 {
        %mul3A_62 = arith.constant 2 : i32
        %mul3A_63 = arith.muli %mul3A_62, %scan3A_61 : i32
        %add3A_64 = arith.constant 0 : i32
        %add3A_65 = arith.addi %mul3A_63, %add3A_64 : i32
        %mul3A_66 = arith.constant 16 : i32
        %mul3A_67 = arith.muli %scan3A_15, %mul3A_66 : i32
        %add3A_68 = arith.addi %mul3A_67, %add3A_65 : i32
        %dma_wait3A = arith.constant 0 : i32
        %dma_wait3A_69 = arith.constant 0 : i32
        %dma_wait3A_70 = arith.constant 0 : i32
        %dma_wait3A_71 = arith.constant 0 : i32
        %dma_wait3A_72 = arith.constant 0 : i32
        %dma_wait3A_73 = tpu.memref_slice %arg9[%dma_wait3A_70, %dma_wait3A_71, %dma_wait3A_72] : memref<2x128x128xf32, #tpu.memory_space<vmem>> -> memref<1x128x128xf32, #tpu.memory_space<vmem>>
        %dma_wait3A_74 = tpu.memref_squeeze %dma_wait3A_73 : memref<1x128x128xf32, #tpu.memory_space<vmem>> -> memref<128x128xf32, #tpu.memory_space<vmem>>
        %dma_wait3A_75 = arith.constant 0 : i32
        %dma_wait3A_76 = tpu.memref_slice %arg7[%dma_wait3A, %dma_wait3A_69, %dma_wait3A_75] : memref<2x16x128xi32, #tpu.memory_space<vmem>> -> memref<1x1x128xi32, #tpu.memory_space<vmem>>
        %dma_wait3A_77 = tpu.memref_squeeze %dma_wait3A_76 : memref<1x1x128xi32, #tpu.memory_space<vmem>> -> memref<128xi32, #tpu.memory_space<vmem>>
        %dma_wait3A_78 = arith.constant 0 : i32
        %dma_wait3A_79 = arith.constant 0 : i32
        %dma_wait3A_80 = tpu.memref_slice %arg2[%dma_wait3A_78, %dma_wait3A_79] : memref<10000x128xf32, #tpu.memory_space<hbm>> -> memref<10000x128xf32, #tpu.memory_space<hbm>>
        tpu.wait_indirect_dma semaphore(%arg11 : memref<!tpu.dma_semaphore, #tpu.memory_space<semaphore_mem>>) src(%dma_wait3A_80 : memref<10000x128xf32, #tpu.memory_space<hbm>>) dst(%dma_wait3A_74 : memref<128x128xf32, #tpu.memory_space<vmem>>)
        %run_scoped3A_81 = arith.constant 0 : i32
        "tpu.region"() ({
          %run_scoped3A_113 = tpu.sem_alloc : memref<!tpu.dma_semaphore, #tpu.memory_space<semaphore_mem>>
          %dma_start3A_114 = arith.constant 0 : i32
          %dma_start3A_115 = arith.constant 0 : i32
          %dma_start3A_116 = tpu.memref_slice %arg9[%run_scoped3A_81, %dma_start3A_114, %dma_start3A_115] : memref<2x128x128xf32, #tpu.memory_space<vmem>> -> memref<1x128x128xf32, #tpu.memory_space<vmem>>
          %dma_start3A_117 = tpu.memref_squeeze %dma_start3A_116 : memref<1x128x128xf32, #tpu.memory_space<vmem>> -> memref<128x128xf32, #tpu.memory_space<vmem>>
          %dma_start3A_118 = arith.constant 0 : i32
          %dma_start3A_119 = tpu.memref_slice %arg8[%add3A_68, %dma_start3A_118] : memref<80x128xi32, #tpu.memory_space<vmem>> -> memref<1x128xi32, #tpu.memory_space<vmem>>
          %dma_start3A_120 = tpu.memref_squeeze %dma_start3A_119 : memref<1x128xi32, #tpu.memory_space<vmem>> -> memref<128xi32, #tpu.memory_space<vmem>>
          %dma_start3A_121 = arith.constant 0 : i32
          %dma_start3A_122 = arith.constant 0 : i32
          %dma_start3A_123 = tpu.memref_slice %arg10[%dma_start3A_121, %dma_start3A_122] : memref<10112x128xf32, #tpu.memory_space<vmem_shared>> -> memref<10112x128xf32, #tpu.memory_space<vmem_shared>>
          tpu.enqueue_indirect_dma source(%dma_start3A_117 : memref<128x128xf32, #tpu.memory_space<vmem>>) target(%dma_start3A_123 : memref<10112x128xf32, #tpu.memory_space<vmem_shared>>) offsets(%dma_start3A_120 : memref<128xi32, #tpu.memory_space<vmem>>) semaphore(%run_scoped3A_113 : memref<!tpu.dma_semaphore, #tpu.memory_space<semaphore_mem>>) {add = true}
          %dma_wait3A_124 = arith.constant 0 : i32
          %dma_wait3A_125 = arith.constant 0 : i32
          %dma_wait3A_126 = tpu.memref_slice %arg9[%run_scoped3A_81, %dma_wait3A_124, %dma_wait3A_125] : memref<2x128x128xf32, #tpu.memory_space<vmem>> -> memref<1x128x128xf32, #tpu.memory_space<vmem>>
          %dma_wait3A_127 = tpu.memref_squeeze %dma_wait3A_126 : memref<1x128x128xf32, #tpu.memory_space<vmem>> -> memref<128x128xf32, #tpu.memory_space<vmem>>
          %dma_wait3A_128 = arith.constant 0 : i32
          %dma_wait3A_129 = tpu.memref_slice %arg8[%add3A_68, %dma_wait3A_128] : memref<80x128xi32, #tpu.memory_space<vmem>> -> memref<1x128xi32, #tpu.memory_space<vmem>>
          %dma_wait3A_130 = tpu.memref_squeeze %dma_wait3A_129 : memref<1x128xi32, #tpu.memory_space<vmem>> -> memref<128xi32, #tpu.memory_space<vmem>>
          %dma_wait3A_131 = arith.constant 0 : i32
          %dma_wait3A_132 = arith.constant 0 : i32
          %dma_wait3A_133 = tpu.memref_slice %arg10[%dma_wait3A_131, %dma_wait3A_132] : memref<10112x128xf32, #tpu.memory_space<vmem_shared>> -> memref<10112x128xf32, #tpu.memory_space<vmem_shared>>
          tpu.wait_indirect_dma semaphore(%run_scoped3A_113 : memref<!tpu.dma_semaphore, #tpu.memory_space<semaphore_mem>>) src(%dma_wait3A_127 : memref<128x128xf32, #tpu.memory_space<vmem>>) dst(%dma_wait3A_133 : memref<10112x128xf32, #tpu.memory_space<vmem_shared>>)
          tpu.yield
        }) : () -> ()
        %lt3A_82 = arith.constant 14 : i32
        %lt3A_83 = arith.cmpi slt, %add3A_65, %lt3A_82 : i32
        %convert_element_type3A_84 = arith.extui %lt3A_83 : i1 to i32
        %cond3A_85 = arith.constant 0 : i32
        %cond3A_86 = arith.cmpi ne, %convert_element_type3A_84, %cond3A_85 : i32
        scf.if %cond3A_86 {
          %add3A_113 = arith.constant 2 : i32
          %add3A_114 = arith.addi %add3A_65, %add3A_113 : i32
          %dma_start3A_115 = arith.constant 0 : i32
          %dma_start3A_116 = arith.constant 0 : i32
          %dma_start3A_117 = arith.constant 0 : i32
          %dma_start3A_118 = tpu.memref_slice %arg9[%dma_start3A_115, %dma_start3A_116, %dma_start3A_117] : memref<2x128x128xf32, #tpu.memory_space<vmem>> -> memref<1x128x128xf32, #tpu.memory_space<vmem>>
          %dma_start3A_119 = tpu.memref_squeeze %dma_start3A_118 : memref<1x128x128xf32, #tpu.memory_space<vmem>> -> memref<128x128xf32, #tpu.memory_space<vmem>>
          %dma_start3A_120 = arith.constant 0 : i32
          %dma_start3A_121 = tpu.memref_slice %arg7[%select_n3A_31, %add3A_114, %dma_start3A_120] : memref<2x16x128xi32, #tpu.memory_space<vmem>> -> memref<1x1x128xi32, #tpu.memory_space<vmem>>
          %dma_start3A_122 = tpu.memref_squeeze %dma_start3A_121 : memref<1x1x128xi32, #tpu.memory_space<vmem>> -> memref<128xi32, #tpu.memory_space<vmem>>
          %dma_start3A_123 = arith.constant 0 : i32
          %dma_start3A_124 = arith.constant 0 : i32
          %dma_start3A_125 = tpu.memref_slice %arg2[%dma_start3A_123, %dma_start3A_124] : memref<10000x128xf32, #tpu.memory_space<hbm>> -> memref<10000x128xf32, #tpu.memory_space<hbm>>
          tpu.enqueue_indirect_dma source(%dma_start3A_125 : memref<10000x128xf32, #tpu.memory_space<hbm>>) target(%dma_start3A_119 : memref<128x128xf32, #tpu.memory_space<vmem>>) offsets(%dma_start3A_122 : memref<128xi32, #tpu.memory_space<vmem>>) semaphore(%arg11 : memref<!tpu.dma_semaphore, #tpu.memory_space<semaphore_mem>>)
        } else {
        }
        %mul3A_87 = arith.constant 2 : i32
        %mul3A_88 = arith.muli %mul3A_87, %scan3A_61 : i32
        %add3A_89 = arith.constant 1 : i32
        %add3A_90 = arith.addi %mul3A_88, %add3A_89 : i32
        %mul3A_91 = arith.constant 16 : i32
        %mul3A_92 = arith.muli %scan3A_15, %mul3A_91 : i32
        %add3A_93 = arith.addi %mul3A_92, %add3A_90 : i32
        %dma_wait3A_94 = arith.constant 0 : i32
        %dma_wait3A_95 = arith.constant 0 : i32
        %dma_wait3A_96 = arith.constant 1 : i32
        %dma_wait3A_97 = arith.constant 0 : i32
        %dma_wait3A_98 = arith.constant 0 : i32
        %dma_wait3A_99 = tpu.memref_slice %arg9[%dma_wait3A_96, %dma_wait3A_97, %dma_wait3A_98] : memref<2x128x128xf32, #tpu.memory_space<vmem>> -> memref<1x128x128xf32, #tpu.memory_space<vmem>>
        %dma_wait3A_100 = tpu.memref_squeeze %dma_wait3A_99 : memref<1x128x128xf32, #tpu.memory_space<vmem>> -> memref<128x128xf32, #tpu.memory_space<vmem>>
        %dma_wait3A_101 = arith.constant 0 : i32
        %dma_wait3A_102 = tpu.memref_slice %arg7[%dma_wait3A_94, %dma_wait3A_95, %dma_wait3A_101] : memref<2x16x128xi32, #tpu.memory_space<vmem>> -> memref<1x1x128xi32, #tpu.memory_space<vmem>>
        %dma_wait3A_103 = tpu.memref_squeeze %dma_wait3A_102 : memref<1x1x128xi32, #tpu.memory_space<vmem>> -> memref<128xi32, #tpu.memory_space<vmem>>
        %dma_wait3A_104 = arith.constant 0 : i32
        %dma_wait3A_105 = arith.constant 0 : i32
        %dma_wait3A_106 = tpu.memref_slice %arg2[%dma_wait3A_104, %dma_wait3A_105] : memref<10000x128xf32, #tpu.memory_space<hbm>> -> memref<10000x128xf32, #tpu.memory_space<hbm>>
        tpu.wait_indirect_dma semaphore(%arg12 : memref<!tpu.dma_semaphore, #tpu.memory_space<semaphore_mem>>) src(%dma_wait3A_106 : memref<10000x128xf32, #tpu.memory_space<hbm>>) dst(%dma_wait3A_100 : memref<128x128xf32, #tpu.memory_space<vmem>>)
        %run_scoped3A_107 = arith.constant 1 : i32
        "tpu.region"() ({
          %run_scoped3A_113 = tpu.sem_alloc : memref<!tpu.dma_semaphore, #tpu.memory_space<semaphore_mem>>
          %dma_start3A_114 = arith.constant 0 : i32
          %dma_start3A_115 = arith.constant 0 : i32
          %dma_start3A_116 = tpu.memref_slice %arg9[%run_scoped3A_107, %dma_start3A_114, %dma_start3A_115] : memref<2x128x128xf32, #tpu.memory_space<vmem>> -> memref<1x128x128xf32, #tpu.memory_space<vmem>>
          %dma_start3A_117 = tpu.memref_squeeze %dma_start3A_116 : memref<1x128x128xf32, #tpu.memory_space<vmem>> -> memref<128x128xf32, #tpu.memory_space<vmem>>
          %dma_start3A_118 = arith.constant 0 : i32
          %dma_start3A_119 = tpu.memref_slice %arg8[%add3A_93, %dma_start3A_118] : memref<80x128xi32, #tpu.memory_space<vmem>> -> memref<1x128xi32, #tpu.memory_space<vmem>>
          %dma_start3A_120 = tpu.memref_squeeze %dma_start3A_119 : memref<1x128xi32, #tpu.memory_space<vmem>> -> memref<128xi32, #tpu.memory_space<vmem>>
          %dma_start3A_121 = arith.constant 0 : i32
          %dma_start3A_122 = arith.constant 0 : i32
          %dma_start3A_123 = tpu.memref_slice %arg10[%dma_start3A_121, %dma_start3A_122] : memref<10112x128xf32, #tpu.memory_space<vmem_shared>> -> memref<10112x128xf32, #tpu.memory_space<vmem_shared>>
          tpu.enqueue_indirect_dma source(%dma_start3A_117 : memref<128x128xf32, #tpu.memory_space<vmem>>) target(%dma_start3A_123 : memref<10112x128xf32, #tpu.memory_space<vmem_shared>>) offsets(%dma_start3A_120 : memref<128xi32, #tpu.memory_space<vmem>>) semaphore(%run_scoped3A_113 : memref<!tpu.dma_semaphore, #tpu.memory_space<semaphore_mem>>) {add = true}
          %dma_wait3A_124 = arith.constant 0 : i32
          %dma_wait3A_125 = arith.constant 0 : i32
          %dma_wait3A_126 = tpu.memref_slice %arg9[%run_scoped3A_107, %dma_wait3A_124, %dma_wait3A_125] : memref<2x128x128xf32, #tpu.memory_space<vmem>> -> memref<1x128x128xf32, #tpu.memory_space<vmem>>
          %dma_wait3A_127 = tpu.memref_squeeze %dma_wait3A_126 : memref<1x128x128xf32, #tpu.memory_space<vmem>> -> memref<128x128xf32, #tpu.memory_space<vmem>>
          %dma_wait3A_128 = arith.constant 0 : i32
          %dma_wait3A_129 = tpu.memref_slice %arg8[%add3A_93, %dma_wait3A_128] : memref<80x128xi32, #tpu.memory_space<vmem>> -> memref<1x128xi32, #tpu.memory_space<vmem>>
          %dma_wait3A_130 = tpu.memref_squeeze %dma_wait3A_129 : memref<1x128xi32, #tpu.memory_space<vmem>> -> memref<128xi32, #tpu.memory_space<vmem>>
          %dma_wait3A_131 = arith.constant 0 : i32
          %dma_wait3A_132 = arith.constant 0 : i32
          %dma_wait3A_133 = tpu.memref_slice %arg10[%dma_wait3A_131, %dma_wait3A_132] : memref<10112x128xf32, #tpu.memory_space<vmem_shared>> -> memref<10112x128xf32, #tpu.memory_space<vmem_shared>>
          tpu.wait_indirect_dma semaphore(%run_scoped3A_113 : memref<!tpu.dma_semaphore, #tpu.memory_space<semaphore_mem>>) src(%dma_wait3A_127 : memref<128x128xf32, #tpu.memory_space<vmem>>) dst(%dma_wait3A_133 : memref<10112x128xf32, #tpu.memory_space<vmem_shared>>)
          tpu.yield
        }) : () -> ()
        %lt3A_108 = arith.constant 14 : i32
        %lt3A_109 = arith.cmpi slt, %add3A_90, %lt3A_108 : i32
        %convert_element_type3A_110 = arith.extui %lt3A_109 : i1 to i32
        %cond3A_111 = arith.constant 0 : i32
        %cond3A_112 = arith.cmpi ne, %convert_element_type3A_110, %cond3A_111 : i32
        scf.if %cond3A_112 {
          %add3A_113 = arith.constant 2 : i32
          %add3A_114 = arith.addi %add3A_90, %add3A_113 : i32
          %dma_start3A_115 = arith.constant 1 : i32
          %dma_start3A_116 = arith.constant 0 : i32
          %dma_start3A_117 = arith.constant 0 : i32
          %dma_start3A_118 = tpu.memref_slice %arg9[%dma_start3A_115, %dma_start3A_116, %dma_start3A_117] : memref<2x128x128xf32, #tpu.memory_space<vmem>> -> memref<1x128x128xf32, #tpu.memory_space<vmem>>
          %dma_start3A_119 = tpu.memref_squeeze %dma_start3A_118 : memref<1x128x128xf32, #tpu.memory_space<vmem>> -> memref<128x128xf32, #tpu.memory_space<vmem>>
          %dma_start3A_120 = arith.constant 0 : i32
          %dma_start3A_121 = tpu.memref_slice %arg7[%select_n3A_31, %add3A_114, %dma_start3A_120] : memref<2x16x128xi32, #tpu.memory_space<vmem>> -> memref<1x1x128xi32, #tpu.memory_space<vmem>>
          %dma_start3A_122 = tpu.memref_squeeze %dma_start3A_121 : memref<1x1x128xi32, #tpu.memory_space<vmem>> -> memref<128xi32, #tpu.memory_space<vmem>>
          %dma_start3A_123 = arith.constant 0 : i32
          %dma_start3A_124 = arith.constant 0 : i32
          %dma_start3A_125 = tpu.memref_slice %arg2[%dma_start3A_123, %dma_start3A_124] : memref<10000x128xf32, #tpu.memory_space<hbm>> -> memref<10000x128xf32, #tpu.memory_space<hbm>>
          tpu.enqueue_indirect_dma source(%dma_start3A_125 : memref<10000x128xf32, #tpu.memory_space<hbm>>) target(%dma_start3A_119 : memref<128x128xf32, #tpu.memory_space<vmem>>) offsets(%dma_start3A_122 : memref<128xi32, #tpu.memory_space<vmem>>) semaphore(%arg12 : memref<!tpu.dma_semaphore, #tpu.memory_space<semaphore_mem>>)
        } else {
        }
      }
      %scan3A_60 = arith.constant 8 : i32
    }
    %scan3A_9 = arith.constant 5 : i32
    %barrier3A_10 = arith.constant 0 : index
    tpu.barrier barrier_id(%barrier3A_10)
    %mul3A_11 = arith.constant 632 : i32
    %mul3A_12 = arith.muli %arg1, %mul3A_11 : i32
    %mul3A_13 = arith.constant 632 : i32
    %mul3A_14 = arith.muli %arg1, %mul3A_13 : i32
    "tpu.region"() ({
      %run_scoped3A_15 = tpu.sem_alloc : memref<!tpu.dma_semaphore, #tpu.memory_space<semaphore_mem>>
      %dma_start3A = arith.constant 0 : i32
      %dma_start3A_16 = tpu.memref_slice %arg6[%arg0, %mul3A_14, %dma_start3A] : memref<2x10112x128xf32, #tpu.memory_space<hbm>> -> memref<1x632x128xf32, #tpu.memory_space<hbm>>
      %dma_start3A_17 = tpu.memref_squeeze %dma_start3A_16 : memref<1x632x128xf32, #tpu.memory_space<hbm>> -> memref<632x128xf32, #tpu.memory_space<hbm>>
      %dma_start3A_18 = arith.constant 0 : i32
      %dma_start3A_19 = tpu.memref_slice %arg10[%mul3A_12, %dma_start3A_18] : memref<10112x128xf32, #tpu.memory_space<vmem_shared>> -> memref<632x128xf32, #tpu.memory_space<vmem_shared>>
      tpu.enqueue_dma source(%dma_start3A_19 : memref<632x128xf32, #tpu.memory_space<vmem_shared>>) target(%dma_start3A_17 : memref<632x128xf32, #tpu.memory_space<hbm>>) target_semaphore(%run_scoped3A_15 : memref<!tpu.dma_semaphore, #tpu.memory_space<semaphore_mem>>)
      %dma_wait3A = arith.constant 0 : i32
      %dma_wait3A_20 = tpu.memref_slice %arg6[%arg0, %mul3A_14, %dma_wait3A] : memref<2x10112x128xf32, #tpu.memory_space<hbm>> -> memref<1x632x128xf32, #tpu.memory_space<hbm>>
      %dma_wait3A_21 = tpu.memref_squeeze %dma_wait3A_20 : memref<1x632x128xf32, #tpu.memory_space<hbm>> -> memref<632x128xf32, #tpu.memory_space<hbm>>
      %dma_wait3A_22 = arith.constant 0 : i32
      %dma_wait3A_23 = tpu.memref_slice %arg10[%mul3A_12, %dma_wait3A_22] : memref<10112x128xf32, #tpu.memory_space<vmem_shared>> -> memref<632x128xf32, #tpu.memory_space<vmem_shared>>
      tpu.wait_dma2 semaphore(%run_scoped3A_15 : memref<!tpu.dma_semaphore, #tpu.memory_space<semaphore_mem>>) src(%dma_wait3A_23 : memref<632x128xf32, #tpu.memory_space<vmem_shared>>) dst(%dma_wait3A_21 : memref<632x128xf32, #tpu.memory_space<hbm>>)
      tpu.yield
    }) : () -> ()
    return
  }
}

#map = affine_map<(d0, d1) -> (0, 0)>
#map1 = affine_map<(d0, d1) -> (0, 0, 0)>
module attributes {stable_mosaic.version = 14 : i64} {
  func.func @_scatter_body(%arg0: i32, %arg1: i32, %arg2: memref<10000x128xf32, #tpu.memory_space<hbm>>, %arg3: memref<32x80x128xi32, #tpu.memory_space<hbm>>, %arg4: memref<32x80x128xi32, #tpu.memory_space<hbm>>, %arg5: memref<10112x128xf32, #tpu.memory_space<hbm>>, %arg6: memref<2x10112x128xf32, #tpu.memory_space<hbm>>, %arg7: memref<2x16x128xi32, #tpu.memory_space<vmem>>, %arg8: memref<80x128xi32, #tpu.memory_space<vmem>>, %arg9: memref<2x128x128xf32, #tpu.memory_space<vmem>>, %arg10: memref<10112x128xf32, #tpu.memory_space<vmem_shared>>, %arg11: memref<!tpu.dma_semaphore, #tpu.memory_space<semaphore_mem>>, %arg12: memref<!tpu.dma_semaphore, #tpu.memory_space<semaphore_mem>>, %arg13: memref<!tpu.dma_semaphore, #tpu.memory_space<semaphore_mem>>) attributes {dimension_semantics = [#tpu.dimension_semantics<core_parallel>, #tpu.dimension_semantics<subcore_parallel>], iteration_bounds = array<i64: 2, 16>, scalar_prefetch = 0 : i64, scratch_operands = 7 : i64, tpu.core_type = #tpu.core_type<sc_vector_subcore>, window_params = [{transform_indices = #map}, {transform_indices = #map1}, {transform_indices = #map1}, {transform_indices = #map}, {transform_indices = #map1}]} {
    %mul3A = arith.constant 16 : i32
    %mul3A_0 = arith.muli %arg0, %mul3A : i32
    %add3A = arith.addi %mul3A_0, %arg1 : i32
    %mul3A_1 = arith.constant 632 : i32
    %mul3A_2 = arith.muli %arg1, %mul3A_1 : i32
    %mul3A_3 = arith.constant 632 : i32
    %mul3A_4 = arith.muli %arg1, %mul3A_3 : i32
    "tpu.region"() ({
      %run_scoped3A_15 = tpu.sem_alloc : memref<!tpu.dma_semaphore, #tpu.memory_space<semaphore_mem>>
      %dma_start3A = arith.constant 0 : i32
      %dma_start3A_16 = tpu.memref_slice %arg10[%mul3A_4, %dma_start3A] : memref<10112x128xf32, #tpu.memory_space<vmem_shared>> -> memref<632x128xf32, #tpu.memory_space<vmem_shared>>
      %dma_start3A_17 = arith.constant 0 : i32
      %dma_start3A_18 = tpu.memref_slice %arg5[%mul3A_2, %dma_start3A_17] : memref<10112x128xf32, #tpu.memory_space<hbm>> -> memref<632x128xf32, #tpu.memory_space<hbm>>
      tpu.enqueue_dma source(%dma_start3A_18 : memref<632x128xf32, #tpu.memory_space<hbm>>) target(%dma_start3A_16 : memref<632x128xf32, #tpu.memory_space<vmem_shared>>) target_semaphore(%run_scoped3A_15 : memref<!tpu.dma_semaphore, #tpu.memory_space<semaphore_mem>>)
      %dma_wait3A = arith.constant 0 : i32
      %dma_wait3A_19 = tpu.memref_slice %arg10[%mul3A_4, %dma_wait3A] : memref<10112x128xf32, #tpu.memory_space<vmem_shared>> -> memref<632x128xf32, #tpu.memory_space<vmem_shared>>
      %dma_wait3A_20 = arith.constant 0 : i32
      %dma_wait3A_21 = tpu.memref_slice %arg5[%mul3A_2, %dma_wait3A_20] : memref<10112x128xf32, #tpu.memory_space<hbm>> -> memref<632x128xf32, #tpu.memory_space<hbm>>
      tpu.wait_dma2 semaphore(%run_scoped3A_15 : memref<!tpu.dma_semaphore, #tpu.memory_space<semaphore_mem>>) src(%dma_wait3A_21 : memref<632x128xf32, #tpu.memory_space<hbm>>) dst(%dma_wait3A_19 : memref<632x128xf32, #tpu.memory_space<vmem_shared>>)
      tpu.yield
    }) : () -> ()
    "tpu.region"() ({
      %run_scoped3A_15 = tpu.sem_alloc : memref<!tpu.dma_semaphore, #tpu.memory_space<semaphore_mem>>
      %dma_start3A = arith.constant 0 : i32
      %dma_start3A_16 = arith.constant 0 : i32
      %dma_start3A_17 = tpu.memref_slice %arg4[%add3A, %dma_start3A, %dma_start3A_16] : memref<32x80x128xi32, #tpu.memory_space<hbm>> -> memref<1x80x128xi32, #tpu.memory_space<hbm>>
      %dma_start3A_18 = tpu.memref_squeeze %dma_start3A_17 : memref<1x80x128xi32, #tpu.memory_space<hbm>> -> memref<80x128xi32, #tpu.memory_space<hbm>>
      %dma_start3A_19 = arith.constant 0 : i32
      %dma_start3A_20 = arith.constant 0 : i32
      %dma_start3A_21 = tpu.memref_slice %arg4[%add3A, %dma_start3A_19, %dma_start3A_20] : memref<32x80x128xi32, #tpu.memory_space<hbm>> -> memref<1x80x128xi32, #tpu.memory_space<hbm>>
      %dma_start3A_22 = tpu.memref_squeeze %dma_start3A_21 : memref<1x80x128xi32, #tpu.memory_space<hbm>> -> memref<80x128xi32, #tpu.memory_space<hbm>>
      tpu.enqueue_dma source(%dma_start3A_22 : memref<80x128xi32, #tpu.memory_space<hbm>>) target(%arg8 : memref<80x128xi32, #tpu.memory_space<vmem>>) target_semaphore(%run_scoped3A_15 : memref<!tpu.dma_semaphore, #tpu.memory_space<semaphore_mem>>)
      %dma_wait3A = arith.constant 0 : i32
      %dma_wait3A_23 = arith.constant 0 : i32
      %dma_wait3A_24 = tpu.memref_slice %arg4[%add3A, %dma_wait3A, %dma_wait3A_23] : memref<32x80x128xi32, #tpu.memory_space<hbm>> -> memref<1x80x128xi32, #tpu.memory_space<hbm>>
      %dma_wait3A_25 = tpu.memref_squeeze %dma_wait3A_24 : memref<1x80x128xi32, #tpu.memory_space<hbm>> -> memref<80x128xi32, #tpu.memory_space<hbm>>
      %dma_wait3A_26 = arith.constant 0 : i32
      %dma_wait3A_27 = arith.constant 0 : i32
      %dma_wait3A_28 = tpu.memref_slice %arg4[%add3A, %dma_wait3A_26, %dma_wait3A_27] : memref<32x80x128xi32, #tpu.memory_space<hbm>> -> memref<1x80x128xi32, #tpu.memory_space<hbm>>
      %dma_wait3A_29 = tpu.memref_squeeze %dma_wait3A_28 : memref<1x80x128xi32, #tpu.memory_space<hbm>> -> memref<80x128xi32, #tpu.memory_space<hbm>>
      tpu.wait_dma2 semaphore(%run_scoped3A_15 : memref<!tpu.dma_semaphore, #tpu.memory_space<semaphore_mem>>) src(%dma_wait3A_29 : memref<80x128xi32, #tpu.memory_space<hbm>>) dst(%arg8 : memref<80x128xi32, #tpu.memory_space<vmem>>)
      tpu.yield
    }) : () -> ()
    %run_scoped3A = arith.constant 0 : i32
    "tpu.region"() ({
      %run_scoped3A_15 = tpu.sem_alloc : memref<!tpu.dma_semaphore, #tpu.memory_space<semaphore_mem>>
      %dma_start3A = arith.constant 0 : i32
      %dma_start3A_16 = arith.constant 0 : i32
      %dma_start3A_17 = tpu.memref_slice %arg7[%run_scoped3A, %dma_start3A, %dma_start3A_16] : memref<2x16x128xi32, #tpu.memory_space<vmem>> -> memref<1x16x128xi32, #tpu.memory_space<vmem>>
      %dma_start3A_18 = tpu.memref_squeeze %dma_start3A_17 : memref<1x16x128xi32, #tpu.memory_space<vmem>> -> memref<16x128xi32, #tpu.memory_space<vmem>>
      %dma_start3A_19 = arith.constant 0 : i32
      %dma_start3A_20 = arith.constant 0 : i32
      %dma_start3A_21 = tpu.memref_slice %arg3[%add3A, %dma_start3A_19, %dma_start3A_20] : memref<32x80x128xi32, #tpu.memory_space<hbm>> -> memref<1x16x128xi32, #tpu.memory_space<hbm>>
      %dma_start3A_22 = tpu.memref_squeeze %dma_start3A_21 : memref<1x16x128xi32, #tpu.memory_space<hbm>> -> memref<16x128xi32, #tpu.memory_space<hbm>>
      %dma_start3A_23 = arith.constant 0 : i32
      %dma_start3A_24 = arith.constant 0 : i32
      %dma_start3A_25 = tpu.memref_slice %arg7[%run_scoped3A, %dma_start3A_23, %dma_start3A_24] : memref<2x16x128xi32, #tpu.memory_space<vmem>> -> memref<1x16x128xi32, #tpu.memory_space<vmem>>
      %dma_start3A_26 = tpu.memref_squeeze %dma_start3A_25 : memref<1x16x128xi32, #tpu.memory_space<vmem>> -> memref<16x128xi32, #tpu.memory_space<vmem>>
      %dma_start3A_27 = arith.constant 0 : i32
      %dma_start3A_28 = arith.constant 0 : i32
      %dma_start3A_29 = tpu.memref_slice %arg3[%add3A, %dma_start3A_27, %dma_start3A_28] : memref<32x80x128xi32, #tpu.memory_space<hbm>> -> memref<1x16x128xi32, #tpu.memory_space<hbm>>
      %dma_start3A_30 = tpu.memref_squeeze %dma_start3A_29 : memref<1x16x128xi32, #tpu.memory_space<hbm>> -> memref<16x128xi32, #tpu.memory_space<hbm>>
      tpu.enqueue_dma source(%dma_start3A_30 : memref<16x128xi32, #tpu.memory_space<hbm>>) target(%dma_start3A_26 : memref<16x128xi32, #tpu.memory_space<vmem>>) target_semaphore(%run_scoped3A_15 : memref<!tpu.dma_semaphore, #tpu.memory_space<semaphore_mem>>)
      %dma_wait3A = arith.constant 0 : i32
      %dma_wait3A_31 = arith.constant 0 : i32
      %dma_wait3A_32 = tpu.memref_slice %arg7[%run_scoped3A, %dma_wait3A, %dma_wait3A_31] : memref<2x16x128xi32, #tpu.memory_space<vmem>> -> memref<1x16x128xi32, #tpu.memory_space<vmem>>
      %dma_wait3A_33 = tpu.memref_squeeze %dma_wait3A_32 : memref<1x16x128xi32, #tpu.memory_space<vmem>> -> memref<16x128xi32, #tpu.memory_space<vmem>>
      %dma_wait3A_34 = arith.constant 0 : i32
      %dma_wait3A_35 = arith.constant 0 : i32
      %dma_wait3A_36 = tpu.memref_slice %arg3[%add3A, %dma_wait3A_34, %dma_wait3A_35] : memref<32x80x128xi32, #tpu.memory_space<hbm>> -> memref<1x16x128xi32, #tpu.memory_space<hbm>>
      %dma_wait3A_37 = tpu.memref_squeeze %dma_wait3A_36 : memref<1x16x128xi32, #tpu.memory_space<hbm>> -> memref<16x128xi32, #tpu.memory_space<hbm>>
      %dma_wait3A_38 = arith.constant 0 : i32
      %dma_wait3A_39 = arith.constant 0 : i32
      %dma_wait3A_40 = tpu.memref_slice %arg7[%run_scoped3A, %dma_wait3A_38, %dma_wait3A_39] : memref<2x16x128xi32, #tpu.memory_space<vmem>> -> memref<1x16x128xi32, #tpu.memory_space<vmem>>
      %dma_wait3A_41 = tpu.memref_squeeze %dma_wait3A_40 : memref<1x16x128xi32, #tpu.memory_space<vmem>> -> memref<16x128xi32, #tpu.memory_space<vmem>>
      %dma_wait3A_42 = arith.constant 0 : i32
      %dma_wait3A_43 = arith.constant 0 : i32
      %dma_wait3A_44 = tpu.memref_slice %arg3[%add3A, %dma_wait3A_42, %dma_wait3A_43] : memref<32x80x128xi32, #tpu.memory_space<hbm>> -> memref<1x16x128xi32, #tpu.memory_space<hbm>>
      %dma_wait3A_45 = tpu.memref_squeeze %dma_wait3A_44 : memref<1x16x128xi32, #tpu.memory_space<hbm>> -> memref<16x128xi32, #tpu.memory_space<hbm>>
      tpu.wait_dma2 semaphore(%run_scoped3A_15 : memref<!tpu.dma_semaphore, #tpu.memory_space<semaphore_mem>>) src(%dma_wait3A_45 : memref<16x128xi32, #tpu.memory_space<hbm>>) dst(%dma_wait3A_41 : memref<16x128xi32, #tpu.memory_space<vmem>>)
      tpu.yield
    }) : () -> ()
    %barrier3A = arith.constant 0 : index
    tpu.barrier barrier_id(%barrier3A)
    %scan3A = arith.constant 0 : i32
    %scan3A_5 = arith.constant 0 : i32
    %scan3A_6 = arith.constant 5 : i32
    %scan3A_7 = arith.addi %scan3A_5, %scan3A_6 : i32
    %scan3A_8 = arith.constant 1 : i32
    scf.for %scan3A_15 = %scan3A_5 to %scan3A_7 step %scan3A_8  : i32 {
      %gt3A = arith.constant 0 : i32
      %gt3A_16 = arith.cmpi sgt, %scan3A_15, %gt3A : i32
      %convert_element_type3A = arith.extui %gt3A_16 : i1 to i32
      %cond3A = arith.constant 0 : i32
      %cond3A_17 = arith.cmpi ne, %convert_element_type3A, %cond3A : i32
      scf.if %cond3A_17 {
        %dma_wait3A = arith.constant 0 : i32
        %dma_wait3A_61 = arith.constant 0 : i32
        %dma_wait3A_62 = arith.constant 0 : i32
        %dma_wait3A_63 = tpu.memref_slice %arg7[%dma_wait3A, %dma_wait3A_61, %dma_wait3A_62] : memref<2x16x128xi32, #tpu.memory_space<vmem>> -> memref<1x16x128xi32, #tpu.memory_space<vmem>>
        %dma_wait3A_64 = tpu.memref_squeeze %dma_wait3A_63 : memref<1x16x128xi32, #tpu.memory_space<vmem>> -> memref<16x128xi32, #tpu.memory_space<vmem>>
        %dma_wait3A_65 = arith.constant 0 : i32
        %dma_wait3A_66 = arith.constant 0 : i32
        %dma_wait3A_67 = tpu.memref_slice %arg3[%add3A, %dma_wait3A_65, %dma_wait3A_66] : memref<32x80x128xi32, #tpu.memory_space<hbm>> -> memref<1x16x128xi32, #tpu.memory_space<hbm>>
        %dma_wait3A_68 = tpu.memref_squeeze %dma_wait3A_67 : memref<1x16x128xi32, #tpu.memory_space<hbm>> -> memref<16x128xi32, #tpu.memory_space<hbm>>
        %dma_wait3A_69 = arith.constant 0 : i32
        %dma_wait3A_70 = arith.constant 0 : i32
        %dma_wait3A_71 = tpu.memref_slice %arg7[%dma_wait3A, %dma_wait3A_69, %dma_wait3A_70] : memref<2x16x128xi32, #tpu.memory_space<vmem>> -> memref<1x16x128xi32, #tpu.memory_space<vmem>>
        %dma_wait3A_72 = tpu.memref_squeeze %dma_wait3A_71 : memref<1x16x128xi32, #tpu.memory_space<vmem>> -> memref<16x128xi32, #tpu.memory_space<vmem>>
        %dma_wait3A_73 = arith.constant 0 : i32
        %dma_wait3A_74 = arith.constant 0 : i32
        %dma_wait3A_75 = tpu.memref_slice %arg3[%add3A, %dma_wait3A_73, %dma_wait3A_74] : memref<32x80x128xi32, #tpu.memory_space<hbm>> -> memref<1x16x128xi32, #tpu.memory_space<hbm>>
        %dma_wait3A_76 = tpu.memref_squeeze %dma_wait3A_75 : memref<1x16x128xi32, #tpu.memory_space<hbm>> -> memref<16x128xi32, #tpu.memory_space<hbm>>
        tpu.wait_dma2 semaphore(%arg13 : memref<!tpu.dma_semaphore, #tpu.memory_space<semaphore_mem>>) src(%dma_wait3A_76 : memref<16x128xi32, #tpu.memory_space<hbm>>) dst(%dma_wait3A_72 : memref<16x128xi32, #tpu.memory_space<vmem>>)
      } else {
      }
      %lt3A = arith.constant 4 : i32
      %lt3A_18 = arith.cmpi slt, %scan3A_15, %lt3A : i32
      %convert_element_type3A_19 = arith.extui %lt3A_18 : i1 to i32
      %cond3A_20 = arith.constant 0 : i32
      %cond3A_21 = arith.cmpi ne, %convert_element_type3A_19, %cond3A_20 : i32
      scf.if %cond3A_21 {
        %add3A_61 = arith.constant 1 : i32
        %add3A_62 = arith.addi %scan3A_15, %add3A_61 : i32
        %mul3A_63 = arith.constant 16 : i32
        %mul3A_64 = arith.muli %add3A_62, %mul3A_63 : i32
        %add3A_65 = arith.constant 1 : i32
        %add3A_66 = arith.addi %scan3A_15, %add3A_65 : i32
        %jit3A_67 = arith.constant 2 : i32
        %eq3A_68 = arith.constant 0 : i32
        %eq3A_69 = arith.cmpi eq, %jit3A_67, %eq3A_68 : i32
        %jit3A_70 = arith.constant 1 : i32
        %select_n3A_71 = arith.select %eq3A_69, %jit3A_70, %jit3A_67 : i32
        %rem3A_72 = arith.remsi %add3A_66, %select_n3A_71 : i32
        %ne3A_73 = arith.constant 0 : i32
        %ne3A_74 = arith.cmpi ne, %rem3A_72, %ne3A_73 : i32
        %lt3A_75 = arith.constant 0 : i32
        %lt3A_76 = arith.cmpi slt, %rem3A_72, %lt3A_75 : i32
        %lt3A_77 = arith.constant 0 : i32
        %lt3A_78 = arith.cmpi slt, %select_n3A_71, %lt3A_77 : i32
        %ne3A_79 = arith.xori %lt3A_76, %lt3A_78 : i1
        %and3A_80 = arith.andi %ne3A_79, %ne3A_74 : i1
        %add3A_81 = arith.addi %rem3A_72, %select_n3A_71 : i32
        %select_n3A_82 = arith.select %and3A_80, %add3A_81, %rem3A_72 : i32
        %dma_start3A_83 = arith.constant 0 : i32
        %dma_start3A_84 = arith.constant 0 : i32
        %dma_start3A_85 = tpu.memref_slice %arg7[%select_n3A_82, %dma_start3A_83, %dma_start3A_84] : memref<2x16x128xi32, #tpu.memory_space<vmem>> -> memref<1x16x128xi32, #tpu.memory_space<vmem>>
        %dma_start3A_86 = tpu.memref_squeeze %dma_start3A_85 : memref<1x16x128xi32, #tpu.memory_space<vmem>> -> memref<16x128xi32, #tpu.memory_space<vmem>>
        %dma_start3A_87 = arith.constant 0 : i32
        %dma_start3A_88 = tpu.memref_slice %arg3[%add3A, %mul3A_64, %dma_start3A_87] : memref<32x80x128xi32, #tpu.memory_space<hbm>> -> memref<1x16x128xi32, #tpu.memory_space<hbm>>
        %dma_start3A_89 = tpu.memref_squeeze %dma_start3A_88 : memref<1x16x128xi32, #tpu.memory_space<hbm>> -> memref<16x128xi32, #tpu.memory_space<hbm>>
        %dma_start3A_90 = arith.constant 0 : i32
        %dma_start3A_91 = arith.constant 0 : i32
        %dma_start3A_92 = tpu.memref_slice %arg7[%select_n3A_82, %dma_start3A_90, %dma_start3A_91] : memref<2x16x128xi32, #tpu.memory_space<vmem>> -> memref<1x16x128xi32, #tpu.memory_space<vmem>>
        %dma_start3A_93 = tpu.memref_squeeze %dma_start3A_92 : memref<1x16x128xi32, #tpu.memory_space<vmem>> -> memref<16x128xi32, #tpu.memory_space<vmem>>
        %dma_start3A_94 = arith.constant 0 : i32
        %dma_start3A_95 = tpu.memref_slice %arg3[%add3A, %mul3A_64, %dma_start3A_94] : memref<32x80x128xi32, #tpu.memory_space<hbm>> -> memref<1x16x128xi32, #tpu.memory_space<hbm>>
        %dma_start3A_96 = tpu.memref_squeeze %dma_start3A_95 : memref<1x16x128xi32, #tpu.memory_space<hbm>> -> memref<16x128xi32, #tpu.memory_space<hbm>>
        tpu.enqueue_dma source(%dma_start3A_96 : memref<16x128xi32, #tpu.memory_space<hbm>>) target(%dma_start3A_93 : memref<16x128xi32, #tpu.memory_space<vmem>>) target_semaphore(%arg13 : memref<!tpu.dma_semaphore, #tpu.memory_space<semaphore_mem>>)
      } else {
      }
      %jit3A = arith.constant 2 : i32
      %eq3A = arith.constant 0 : i32
      %eq3A_22 = arith.cmpi eq, %jit3A, %eq3A : i32
      %jit3A_23 = arith.constant 1 : i32
      %select_n3A = arith.select %eq3A_22, %jit3A_23, %jit3A : i32
      %rem3A = arith.remsi %scan3A_15, %select_n3A : i32
      %ne3A = arith.constant 0 : i32
      %ne3A_24 = arith.cmpi ne, %rem3A, %ne3A : i32
      %lt3A_25 = arith.constant 0 : i32
      %lt3A_26 = arith.cmpi slt, %rem3A, %lt3A_25 : i32
      %lt3A_27 = arith.constant 0 : i32
      %lt3A_28 = arith.cmpi slt, %select_n3A, %lt3A_27 : i32
      %ne3A_29 = arith.xori %lt3A_26, %lt3A_28 : i1
      %and3A = arith.andi %ne3A_29, %ne3A_24 : i1
      %add3A_30 = arith.addi %rem3A, %select_n3A : i32
      %select_n3A_31 = arith.select %and3A, %add3A_30, %rem3A : i32
      %dma_start3A = arith.constant 0 : i32
      %dma_start3A_32 = arith.constant 0 : i32
      %dma_start3A_33 = arith.constant 0 : i32
      %dma_start3A_34 = arith.constant 0 : i32
      %dma_start3A_35 = tpu.memref_slice %arg9[%dma_start3A_32, %dma_start3A_33, %dma_start3A_34] : memref<2x128x128xf32, #tpu.memory_space<vmem>> -> memref<1x128x128xf32, #tpu.memory_space<vmem>>
      %dma_start3A_36 = tpu.memref_squeeze %dma_start3A_35 : memref<1x128x128xf32, #tpu.memory_space<vmem>> -> memref<128x128xf32, #tpu.memory_space<vmem>>
      %dma_start3A_37 = arith.constant 0 : i32
      %dma_start3A_38 = tpu.memref_slice %arg7[%select_n3A_31, %dma_start3A, %dma_start3A_37] : memref<2x16x128xi32, #tpu.memory_space<vmem>> -> memref<1x1x128xi32, #tpu.memory_space<vmem>>
      %dma_start3A_39 = tpu.memref_squeeze %dma_start3A_38 : memref<1x1x128xi32, #tpu.memory_space<vmem>> -> memref<128xi32, #tpu.memory_space<vmem>>
      %dma_start3A_40 = arith.constant 0 : i32
      %dma_start3A_41 = arith.constant 0 : i32
      %dma_start3A_42 = tpu.memref_slice %arg2[%dma_start3A_40, %dma_start3A_41] : memref<10000x128xf32, #tpu.memory_space<hbm>> -> memref<10000x128xf32, #tpu.memory_space<hbm>>
      tpu.enqueue_indirect_dma source(%dma_start3A_42 : memref<10000x128xf32, #tpu.memory_space<hbm>>) target(%dma_start3A_36 : memref<128x128xf32, #tpu.memory_space<vmem>>) offsets(%dma_start3A_39 : memref<128xi32, #tpu.memory_space<vmem>>) semaphore(%arg11 : memref<!tpu.dma_semaphore, #tpu.memory_space<semaphore_mem>>)
      %dma_start3A_43 = arith.constant 1 : i32
      %dma_start3A_44 = arith.constant 1 : i32
      %dma_start3A_45 = arith.constant 0 : i32
      %dma_start3A_46 = arith.constant 0 : i32
      %dma_start3A_47 = tpu.memref_slice %arg9[%dma_start3A_44, %dma_start3A_45, %dma_start3A_46] : memref<2x128x128xf32, #tpu.memory_space<vmem>> -> memref<1x128x128xf32, #tpu.memory_space<vmem>>
      %dma_start3A_48 = tpu.memref_squeeze %dma_start3A_47 : memref<1x128x128xf32, #tpu.memory_space<vmem>> -> memref<128x128xf32, #tpu.memory_space<vmem>>
      %dma_start3A_49 = arith.constant 0 : i32
      %dma_start3A_50 = tpu.memref_slice %arg7[%select_n3A_31, %dma_start3A_43, %dma_start3A_49] : memref<2x16x128xi32, #tpu.memory_space<vmem>> -> memref<1x1x128xi32, #tpu.memory_space<vmem>>
      %dma_start3A_51 = tpu.memref_squeeze %dma_start3A_50 : memref<1x1x128xi32, #tpu.memory_space<vmem>> -> memref<128xi32, #tpu.memory_space<vmem>>
      %dma_start3A_52 = arith.constant 0 : i32
      %dma_start3A_53 = arith.constant 0 : i32
      %dma_start3A_54 = tpu.memref_slice %arg2[%dma_start3A_52, %dma_start3A_53] : memref<10000x128xf32, #tpu.memory_space<hbm>> -> memref<10000x128xf32, #tpu.memory_space<hbm>>
      tpu.enqueue_indirect_dma source(%dma_start3A_54 : memref<10000x128xf32, #tpu.memory_space<hbm>>) target(%dma_start3A_48 : memref<128x128xf32, #tpu.memory_space<vmem>>) offsets(%dma_start3A_51 : memref<128xi32, #tpu.memory_space<vmem>>) semaphore(%arg12 : memref<!tpu.dma_semaphore, #tpu.memory_space<semaphore_mem>>)
      %scan3A_55 = arith.constant 0 : i32
      %scan3A_56 = arith.constant 0 : i32
      %scan3A_57 = arith.constant 8 : i32
      %scan3A_58 = arith.addi %scan3A_56, %scan3A_57 : i32
      %scan3A_59 = arith.constant 1 : i32
      scf.for %scan3A_61 = %scan3A_56 to %scan3A_58 step %scan3A_59  : i32 {
        %mul3A_62 = arith.constant 2 : i32
        %mul3A_63 = arith.muli %mul3A_62, %scan3A_61 : i32
        %add3A_64 = arith.constant 0 : i32
        %add3A_65 = arith.addi %mul3A_63, %add3A_64 : i32
        %mul3A_66 = arith.constant 16 : i32
        %mul3A_67 = arith.muli %scan3A_15, %mul3A_66 : i32
        %add3A_68 = arith.addi %mul3A_67, %add3A_65 : i32
        %dma_wait3A = arith.constant 0 : i32
        %dma_wait3A_69 = arith.constant 0 : i32
        %dma_wait3A_70 = arith.constant 0 : i32
        %dma_wait3A_71 = arith.constant 0 : i32
        %dma_wait3A_72 = arith.constant 0 : i32
        %dma_wait3A_73 = tpu.memref_slice %arg9[%dma_wait3A_70, %dma_wait3A_71, %dma_wait3A_72] : memref<2x128x128xf32, #tpu.memory_space<vmem>> -> memref<1x128x128xf32, #tpu.memory_space<vmem>>
        %dma_wait3A_74 = tpu.memref_squeeze %dma_wait3A_73 : memref<1x128x128xf32, #tpu.memory_space<vmem>> -> memref<128x128xf32, #tpu.memory_space<vmem>>
        %dma_wait3A_75 = arith.constant 0 : i32
        %dma_wait3A_76 = tpu.memref_slice %arg7[%dma_wait3A, %dma_wait3A_69, %dma_wait3A_75] : memref<2x16x128xi32, #tpu.memory_space<vmem>> -> memref<1x1x128xi32, #tpu.memory_space<vmem>>
        %dma_wait3A_77 = tpu.memref_squeeze %dma_wait3A_76 : memref<1x1x128xi32, #tpu.memory_space<vmem>> -> memref<128xi32, #tpu.memory_space<vmem>>
        %dma_wait3A_78 = arith.constant 0 : i32
        %dma_wait3A_79 = arith.constant 0 : i32
        %dma_wait3A_80 = tpu.memref_slice %arg2[%dma_wait3A_78, %dma_wait3A_79] : memref<10000x128xf32, #tpu.memory_space<hbm>> -> memref<10000x128xf32, #tpu.memory_space<hbm>>
        tpu.wait_indirect_dma semaphore(%arg11 : memref<!tpu.dma_semaphore, #tpu.memory_space<semaphore_mem>>) src(%dma_wait3A_80 : memref<10000x128xf32, #tpu.memory_space<hbm>>) dst(%dma_wait3A_74 : memref<128x128xf32, #tpu.memory_space<vmem>>)
        %run_scoped3A_81 = arith.constant 0 : i32
        "tpu.region"() ({
          %run_scoped3A_113 = tpu.sem_alloc : memref<!tpu.dma_semaphore, #tpu.memory_space<semaphore_mem>>
          %dma_start3A_114 = arith.constant 0 : i32
          %dma_start3A_115 = arith.constant 0 : i32
          %dma_start3A_116 = tpu.memref_slice %arg9[%run_scoped3A_81, %dma_start3A_114, %dma_start3A_115] : memref<2x128x128xf32, #tpu.memory_space<vmem>> -> memref<1x128x128xf32, #tpu.memory_space<vmem>>
          %dma_start3A_117 = tpu.memref_squeeze %dma_start3A_116 : memref<1x128x128xf32, #tpu.memory_space<vmem>> -> memref<128x128xf32, #tpu.memory_space<vmem>>
          %dma_start3A_118 = arith.constant 0 : i32
          %dma_start3A_119 = tpu.memref_slice %arg8[%add3A_68, %dma_start3A_118] : memref<80x128xi32, #tpu.memory_space<vmem>> -> memref<1x128xi32, #tpu.memory_space<vmem>>
          %dma_start3A_120 = tpu.memref_squeeze %dma_start3A_119 : memref<1x128xi32, #tpu.memory_space<vmem>> -> memref<128xi32, #tpu.memory_space<vmem>>
          %dma_start3A_121 = arith.constant 0 : i32
          %dma_start3A_122 = arith.constant 0 : i32
          %dma_start3A_123 = tpu.memref_slice %arg10[%dma_start3A_121, %dma_start3A_122] : memref<10112x128xf32, #tpu.memory_space<vmem_shared>> -> memref<10112x128xf32, #tpu.memory_space<vmem_shared>>
          tpu.enqueue_indirect_dma source(%dma_start3A_117 : memref<128x128xf32, #tpu.memory_space<vmem>>) target(%dma_start3A_123 : memref<10112x128xf32, #tpu.memory_space<vmem_shared>>) offsets(%dma_start3A_120 : memref<128xi32, #tpu.memory_space<vmem>>) semaphore(%run_scoped3A_113 : memref<!tpu.dma_semaphore, #tpu.memory_space<semaphore_mem>>) {add = true}
          %dma_wait3A_124 = arith.constant 0 : i32
          %dma_wait3A_125 = arith.constant 0 : i32
          %dma_wait3A_126 = tpu.memref_slice %arg9[%run_scoped3A_81, %dma_wait3A_124, %dma_wait3A_125] : memref<2x128x128xf32, #tpu.memory_space<vmem>> -> memref<1x128x128xf32, #tpu.memory_space<vmem>>
          %dma_wait3A_127 = tpu.memref_squeeze %dma_wait3A_126 : memref<1x128x128xf32, #tpu.memory_space<vmem>> -> memref<128x128xf32, #tpu.memory_space<vmem>>
          %dma_wait3A_128 = arith.constant 0 : i32
          %dma_wait3A_129 = tpu.memref_slice %arg8[%add3A_68, %dma_wait3A_128] : memref<80x128xi32, #tpu.memory_space<vmem>> -> memref<1x128xi32, #tpu.memory_space<vmem>>
          %dma_wait3A_130 = tpu.memref_squeeze %dma_wait3A_129 : memref<1x128xi32, #tpu.memory_space<vmem>> -> memref<128xi32, #tpu.memory_space<vmem>>
          %dma_wait3A_131 = arith.constant 0 : i32
          %dma_wait3A_132 = arith.constant 0 : i32
          %dma_wait3A_133 = tpu.memref_slice %arg10[%dma_wait3A_131, %dma_wait3A_132] : memref<10112x128xf32, #tpu.memory_space<vmem_shared>> -> memref<10112x128xf32, #tpu.memory_space<vmem_shared>>
          tpu.wait_indirect_dma semaphore(%run_scoped3A_113 : memref<!tpu.dma_semaphore, #tpu.memory_space<semaphore_mem>>) src(%dma_wait3A_127 : memref<128x128xf32, #tpu.memory_space<vmem>>) dst(%dma_wait3A_133 : memref<10112x128xf32, #tpu.memory_space<vmem_shared>>)
          tpu.yield
        }) : () -> ()
        %lt3A_82 = arith.constant 14 : i32
        %lt3A_83 = arith.cmpi slt, %add3A_65, %lt3A_82 : i32
        %convert_element_type3A_84 = arith.extui %lt3A_83 : i1 to i32
        %cond3A_85 = arith.constant 0 : i32
        %cond3A_86 = arith.cmpi ne, %convert_element_type3A_84, %cond3A_85 : i32
        scf.if %cond3A_86 {
          %add3A_113 = arith.constant 2 : i32
          %add3A_114 = arith.addi %add3A_65, %add3A_113 : i32
          %dma_start3A_115 = arith.constant 0 : i32
          %dma_start3A_116 = arith.constant 0 : i32
          %dma_start3A_117 = arith.constant 0 : i32
          %dma_start3A_118 = tpu.memref_slice %arg9[%dma_start3A_115, %dma_start3A_116, %dma_start3A_117] : memref<2x128x128xf32, #tpu.memory_space<vmem>> -> memref<1x128x128xf32, #tpu.memory_space<vmem>>
          %dma_start3A_119 = tpu.memref_squeeze %dma_start3A_118 : memref<1x128x128xf32, #tpu.memory_space<vmem>> -> memref<128x128xf32, #tpu.memory_space<vmem>>
          %dma_start3A_120 = arith.constant 0 : i32
          %dma_start3A_121 = tpu.memref_slice %arg7[%select_n3A_31, %add3A_114, %dma_start3A_120] : memref<2x16x128xi32, #tpu.memory_space<vmem>> -> memref<1x1x128xi32, #tpu.memory_space<vmem>>
          %dma_start3A_122 = tpu.memref_squeeze %dma_start3A_121 : memref<1x1x128xi32, #tpu.memory_space<vmem>> -> memref<128xi32, #tpu.memory_space<vmem>>
          %dma_start3A_123 = arith.constant 0 : i32
          %dma_start3A_124 = arith.constant 0 : i32
          %dma_start3A_125 = tpu.memref_slice %arg2[%dma_start3A_123, %dma_start3A_124] : memref<10000x128xf32, #tpu.memory_space<hbm>> -> memref<10000x128xf32, #tpu.memory_space<hbm>>
          tpu.enqueue_indirect_dma source(%dma_start3A_125 : memref<10000x128xf32, #tpu.memory_space<hbm>>) target(%dma_start3A_119 : memref<128x128xf32, #tpu.memory_space<vmem>>) offsets(%dma_start3A_122 : memref<128xi32, #tpu.memory_space<vmem>>) semaphore(%arg11 : memref<!tpu.dma_semaphore, #tpu.memory_space<semaphore_mem>>)
        } else {
        }
        %mul3A_87 = arith.constant 2 : i32
        %mul3A_88 = arith.muli %mul3A_87, %scan3A_61 : i32
        %add3A_89 = arith.constant 1 : i32
        %add3A_90 = arith.addi %mul3A_88, %add3A_89 : i32
        %mul3A_91 = arith.constant 16 : i32
        %mul3A_92 = arith.muli %scan3A_15, %mul3A_91 : i32
        %add3A_93 = arith.addi %mul3A_92, %add3A_90 : i32
        %dma_wait3A_94 = arith.constant 0 : i32
        %dma_wait3A_95 = arith.constant 0 : i32
        %dma_wait3A_96 = arith.constant 1 : i32
        %dma_wait3A_97 = arith.constant 0 : i32
        %dma_wait3A_98 = arith.constant 0 : i32
        %dma_wait3A_99 = tpu.memref_slice %arg9[%dma_wait3A_96, %dma_wait3A_97, %dma_wait3A_98] : memref<2x128x128xf32, #tpu.memory_space<vmem>> -> memref<1x128x128xf32, #tpu.memory_space<vmem>>
        %dma_wait3A_100 = tpu.memref_squeeze %dma_wait3A_99 : memref<1x128x128xf32, #tpu.memory_space<vmem>> -> memref<128x128xf32, #tpu.memory_space<vmem>>
        %dma_wait3A_101 = arith.constant 0 : i32
        %dma_wait3A_102 = tpu.memref_slice %arg7[%dma_wait3A_94, %dma_wait3A_95, %dma_wait3A_101] : memref<2x16x128xi32, #tpu.memory_space<vmem>> -> memref<1x1x128xi32, #tpu.memory_space<vmem>>
        %dma_wait3A_103 = tpu.memref_squeeze %dma_wait3A_102 : memref<1x1x128xi32, #tpu.memory_space<vmem>> -> memref<128xi32, #tpu.memory_space<vmem>>
        %dma_wait3A_104 = arith.constant 0 : i32
        %dma_wait3A_105 = arith.constant 0 : i32
        %dma_wait3A_106 = tpu.memref_slice %arg2[%dma_wait3A_104, %dma_wait3A_105] : memref<10000x128xf32, #tpu.memory_space<hbm>> -> memref<10000x128xf32, #tpu.memory_space<hbm>>
        tpu.wait_indirect_dma semaphore(%arg12 : memref<!tpu.dma_semaphore, #tpu.memory_space<semaphore_mem>>) src(%dma_wait3A_106 : memref<10000x128xf32, #tpu.memory_space<hbm>>) dst(%dma_wait3A_100 : memref<128x128xf32, #tpu.memory_space<vmem>>)
        %run_scoped3A_107 = arith.constant 1 : i32
        "tpu.region"() ({
          %run_scoped3A_113 = tpu.sem_alloc : memref<!tpu.dma_semaphore, #tpu.memory_space<semaphore_mem>>
          %dma_start3A_114 = arith.constant 0 : i32
          %dma_start3A_115 = arith.constant 0 : i32
          %dma_start3A_116 = tpu.memref_slice %arg9[%run_scoped3A_107, %dma_start3A_114, %dma_start3A_115] : memref<2x128x128xf32, #tpu.memory_space<vmem>> -> memref<1x128x128xf32, #tpu.memory_space<vmem>>
          %dma_start3A_117 = tpu.memref_squeeze %dma_start3A_116 : memref<1x128x128xf32, #tpu.memory_space<vmem>> -> memref<128x128xf32, #tpu.memory_space<vmem>>
          %dma_start3A_118 = arith.constant 0 : i32
          %dma_start3A_119 = tpu.memref_slice %arg8[%add3A_93, %dma_start3A_118] : memref<80x128xi32, #tpu.memory_space<vmem>> -> memref<1x128xi32, #tpu.memory_space<vmem>>
          %dma_start3A_120 = tpu.memref_squeeze %dma_start3A_119 : memref<1x128xi32, #tpu.memory_space<vmem>> -> memref<128xi32, #tpu.memory_space<vmem>>
          %dma_start3A_121 = arith.constant 0 : i32
          %dma_start3A_122 = arith.constant 0 : i32
          %dma_start3A_123 = tpu.memref_slice %arg10[%dma_start3A_121, %dma_start3A_122] : memref<10112x128xf32, #tpu.memory_space<vmem_shared>> -> memref<10112x128xf32, #tpu.memory_space<vmem_shared>>
          tpu.enqueue_indirect_dma source(%dma_start3A_117 : memref<128x128xf32, #tpu.memory_space<vmem>>) target(%dma_start3A_123 : memref<10112x128xf32, #tpu.memory_space<vmem_shared>>) offsets(%dma_start3A_120 : memref<128xi32, #tpu.memory_space<vmem>>) semaphore(%run_scoped3A_113 : memref<!tpu.dma_semaphore, #tpu.memory_space<semaphore_mem>>) {add = true}
          %dma_wait3A_124 = arith.constant 0 : i32
          %dma_wait3A_125 = arith.constant 0 : i32
          %dma_wait3A_126 = tpu.memref_slice %arg9[%run_scoped3A_107, %dma_wait3A_124, %dma_wait3A_125] : memref<2x128x128xf32, #tpu.memory_space<vmem>> -> memref<1x128x128xf32, #tpu.memory_space<vmem>>
          %dma_wait3A_127 = tpu.memref_squeeze %dma_wait3A_126 : memref<1x128x128xf32, #tpu.memory_space<vmem>> -> memref<128x128xf32, #tpu.memory_space<vmem>>
          %dma_wait3A_128 = arith.constant 0 : i32
          %dma_wait3A_129 = tpu.memref_slice %arg8[%add3A_93, %dma_wait3A_128] : memref<80x128xi32, #tpu.memory_space<vmem>> -> memref<1x128xi32, #tpu.memory_space<vmem>>
          %dma_wait3A_130 = tpu.memref_squeeze %dma_wait3A_129 : memref<1x128xi32, #tpu.memory_space<vmem>> -> memref<128xi32, #tpu.memory_space<vmem>>
          %dma_wait3A_131 = arith.constant 0 : i32
          %dma_wait3A_132 = arith.constant 0 : i32
          %dma_wait3A_133 = tpu.memref_slice %arg10[%dma_wait3A_131, %dma_wait3A_132] : memref<10112x128xf32, #tpu.memory_space<vmem_shared>> -> memref<10112x128xf32, #tpu.memory_space<vmem_shared>>
          tpu.wait_indirect_dma semaphore(%run_scoped3A_113 : memref<!tpu.dma_semaphore, #tpu.memory_space<semaphore_mem>>) src(%dma_wait3A_127 : memref<128x128xf32, #tpu.memory_space<vmem>>) dst(%dma_wait3A_133 : memref<10112x128xf32, #tpu.memory_space<vmem_shared>>)
          tpu.yield
        }) : () -> ()
        %lt3A_108 = arith.constant 14 : i32
        %lt3A_109 = arith.cmpi slt, %add3A_90, %lt3A_108 : i32
        %convert_element_type3A_110 = arith.extui %lt3A_109 : i1 to i32
        %cond3A_111 = arith.constant 0 : i32
        %cond3A_112 = arith.cmpi ne, %convert_element_type3A_110, %cond3A_111 : i32
        scf.if %cond3A_112 {
          %add3A_113 = arith.constant 2 : i32
          %add3A_114 = arith.addi %add3A_90, %add3A_113 : i32
          %dma_start3A_115 = arith.constant 1 : i32
          %dma_start3A_116 = arith.constant 0 : i32
          %dma_start3A_117 = arith.constant 0 : i32
          %dma_start3A_118 = tpu.memref_slice %arg9[%dma_start3A_115, %dma_start3A_116, %dma_start3A_117] : memref<2x128x128xf32, #tpu.memory_space<vmem>> -> memref<1x128x128xf32, #tpu.memory_space<vmem>>
          %dma_start3A_119 = tpu.memref_squeeze %dma_start3A_118 : memref<1x128x128xf32, #tpu.memory_space<vmem>> -> memref<128x128xf32, #tpu.memory_space<vmem>>
          %dma_start3A_120 = arith.constant 0 : i32
          %dma_start3A_121 = tpu.memref_slice %arg7[%select_n3A_31, %add3A_114, %dma_start3A_120] : memref<2x16x128xi32, #tpu.memory_space<vmem>> -> memref<1x1x128xi32, #tpu.memory_space<vmem>>
          %dma_start3A_122 = tpu.memref_squeeze %dma_start3A_121 : memref<1x1x128xi32, #tpu.memory_space<vmem>> -> memref<128xi32, #tpu.memory_space<vmem>>
          %dma_start3A_123 = arith.constant 0 : i32
          %dma_start3A_124 = arith.constant 0 : i32
          %dma_start3A_125 = tpu.memref_slice %arg2[%dma_start3A_123, %dma_start3A_124] : memref<10000x128xf32, #tpu.memory_space<hbm>> -> memref<10000x128xf32, #tpu.memory_space<hbm>>
          tpu.enqueue_indirect_dma source(%dma_start3A_125 : memref<10000x128xf32, #tpu.memory_space<hbm>>) target(%dma_start3A_119 : memref<128x128xf32, #tpu.memory_space<vmem>>) offsets(%dma_start3A_122 : memref<128xi32, #tpu.memory_space<vmem>>) semaphore(%arg12 : memref<!tpu.dma_semaphore, #tpu.memory_space<semaphore_mem>>)
        } else {
        }
      }
      %scan3A_60 = arith.constant 8 : i32
    }
    %scan3A_9 = arith.constant 5 : i32
    %barrier3A_10 = arith.constant 0 : index
    tpu.barrier barrier_id(%barrier3A_10)
    %mul3A_11 = arith.constant 632 : i32
    %mul3A_12 = arith.muli %arg1, %mul3A_11 : i32
    %mul3A_13 = arith.constant 632 : i32
    %mul3A_14 = arith.muli %arg1, %mul3A_13 : i32
    "tpu.region"() ({
      %run_scoped3A_15 = tpu.sem_alloc : memref<!tpu.dma_semaphore, #tpu.memory_space<semaphore_mem>>
      %dma_start3A = arith.constant 0 : i32
      %dma_start3A_16 = tpu.memref_slice %arg6[%arg0, %mul3A_14, %dma_start3A] : memref<2x10112x128xf32, #tpu.memory_space<hbm>> -> memref<1x632x128xf32, #tpu.memory_space<hbm>>
      %dma_start3A_17 = tpu.memref_squeeze %dma_start3A_16 : memref<1x632x128xf32, #tpu.memory_space<hbm>> -> memref<632x128xf32, #tpu.memory_space<hbm>>
      %dma_start3A_18 = arith.constant 0 : i32
      %dma_start3A_19 = tpu.memref_slice %arg10[%mul3A_12, %dma_start3A_18] : memref<10112x128xf32, #tpu.memory_space<vmem_shared>> -> memref<632x128xf32, #tpu.memory_space<vmem_shared>>
      tpu.enqueue_dma source(%dma_start3A_19 : memref<632x128xf32, #tpu.memory_space<vmem_shared>>) target(%dma_start3A_17 : memref<632x128xf32, #tpu.memory_space<hbm>>) target_semaphore(%run_scoped3A_15 : memref<!tpu.dma_semaphore, #tpu.memory_space<semaphore_mem>>)
      %dma_wait3A = arith.constant 0 : i32
      %dma_wait3A_20 = tpu.memref_slice %arg6[%arg0, %mul3A_14, %dma_wait3A] : memref<2x10112x128xf32, #tpu.memory_space<hbm>> -> memref<1x632x128xf32, #tpu.memory_space<hbm>>
      %dma_wait3A_21 = tpu.memref_squeeze %dma_wait3A_20 : memref<1x632x128xf32, #tpu.memory_space<hbm>> -> memref<632x128xf32, #tpu.memory_space<hbm>>
      %dma_wait3A_22 = arith.constant 0 : i32
      %dma_wait3A_23 = tpu.memref_slice %arg10[%mul3A_12, %dma_wait3A_22] : memref<10112x128xf32, #tpu.memory_space<vmem_shared>> -> memref<632x128xf32, #tpu.memory_space<vmem_shared>>
      tpu.wait_dma2 semaphore(%run_scoped3A_15 : memref<!tpu.dma_semaphore, #tpu.memory_space<semaphore_mem>>) src(%dma_wait3A_23 : memref<632x128xf32, #tpu.memory_space<vmem_shared>>) dst(%dma_wait3A_21 : memref<632x128xf32, #tpu.memory_space<hbm>>)
      tpu.yield
    }) : () -> ()
    return
  }
}

module attributes {stable_mosaic.version = 14 : i64} {
  func.func @_dinv_kernel(%arg0: memref<2x20224xf32, #tpu.memory_space<vmem>>, %arg1: memref<1x20224xf32, #tpu.memory_space<vmem>>) attributes {dimension_semantics = [], scalar_prefetch = 0 : i64, scratch_operands = 0 : i64, tpu.core_type = #tpu.core_type<tc>} {
    %get3A = arith.constant 0 : index
    %get3A_0 = arith.constant 0 : index
    %get3A_1 = vector.load %arg0[%get3A, %get3A_0] : memref<2x20224xf32, #tpu.memory_space<vmem>>, vector<1x20224xf32>
    %get3A_2 = vector.shape_cast %get3A_1 : vector<1x20224xf32> to vector<20224xf32>
    %get3A_3 = arith.constant 1 : index
    %get3A_4 = arith.constant 0 : index
    %get3A_5 = vector.load %arg0[%get3A_3, %get3A_4] : memref<2x20224xf32, #tpu.memory_space<vmem>>, vector<1x20224xf32>
    %get3A_6 = vector.shape_cast %get3A_5 : vector<1x20224xf32> to vector<20224xf32>
    %add3A = arith.addf %get3A_2, %get3A_6 : vector<20224xf32>
    %add3A_7 = arith.constant 1.000000e+00 : f32
    %add3A_8 = vector.broadcast %add3A_7 : f32 to vector<20224xf32>
    %add3A_9 = arith.addf %add3A, %add3A_8 : vector<20224xf32>
    %rsqrt3A = math.rsqrt %add3A_9 : vector<20224xf32>
    %swap3A = arith.constant 0 : index
    %swap3A_10 = arith.constant 0 : index
    %swap3A_11 = vector.load %arg1[%swap3A, %swap3A_10] : memref<1x20224xf32, #tpu.memory_space<vmem>>, vector<1x20224xf32>
    %swap3A_12 = vector.shape_cast %swap3A_11 : vector<1x20224xf32> to vector<20224xf32>
    %swap3A_13 = vector.shape_cast %rsqrt3A : vector<20224xf32> to vector<1x20224xf32>
    tpu.vector_store %arg1[%swap3A, %swap3A_10], %swap3A_13 {strides = array<i32>} : memref<1x20224xf32, #tpu.memory_space<vmem>>, vector<1x20224xf32>,
    return
  }
}

module attributes {stable_mosaic.version = 14 : i64} {
  func.func @_first_kernel(%arg0: i32, %arg1: memref<1000x128xf32, #tpu.memory_space<vmem>>, %arg2: memref<128x128xf32, #tpu.memory_space<vmem>>, %arg3: memref<1000x1xf32, #tpu.memory_space<vmem>>, %arg4: memref<1000x128xf32, #tpu.memory_space<vmem>>) attributes {dimension_semantics = [#tpu.dimension_semantics<arbitrary>], iteration_bounds = array<i64: 10>, scalar_prefetch = 0 : i64, scratch_operands = 0 : i64, tpu.core_type = #tpu.core_type<tc>, window_params = [{transform_indices = @transform_0, window_bounds = array<i64: 1000, 128>}, {pipeline_mode = #tpu.pipeline_mode<synchronous>, transform_indices = @transform_1, window_bounds = array<i64: 128, 128>}, {transform_indices = @transform_2, window_bounds = array<i64: 1000, 1>}, {transform_indices = @transform_3, window_bounds = array<i64: 1000, 128>}]} {
    %get3A = arith.constant 0 : index
    %get3A_0 = arith.constant 0 : index
    %get3A_1 = vector.load %arg1[%get3A, %get3A_0] : memref<1000x128xf32, #tpu.memory_space<vmem>>, vector<1000x128xf32>
    %get3A_2 = arith.constant 0 : index
    %get3A_3 = arith.constant 0 : index
    %get3A_4 = vector.load %arg2[%get3A_2, %get3A_3] : memref<128x128xf32, #tpu.memory_space<vmem>>, vector<128x128xf32>
    %dot_general3A = arith.constant dense<0.000000e+00> : vector<1000x128xf32>
    %dot_general3A_5 = tpu.matmul %get3A_1, %get3A_4, %dot_general3A {dimension_numbers = #tpu.dot_dimension_numbers<[1], [0], [0], [1], [0, 0, 1, 1], [], []>, transpose_lhs_hint = false} : vector<1000x128xf32>, vector<128x128xf32>, vector<1000x128xf32> -> vector<1000x128xf32>
    %get3A_6 = arith.constant 0 : index
    %get3A_7 = arith.constant 0 : index
    %get3A_8 = vector.load %arg3[%get3A_6, %get3A_7] : memref<1000x1xf32, #tpu.memory_space<vmem>>, vector<1000x1xf32>
    %mul3A = vector.broadcast %get3A_8 : vector<1000x1xf32> to vector<1000x128xf32>
    %mul3A_9 = arith.mulf %dot_general3A_5, %mul3A : vector<1000x128xf32>
    %swap3A = arith.constant 0 : index
    %swap3A_10 = arith.constant 0 : index
    %swap3A_11 = vector.load %arg4[%swap3A, %swap3A_10] : memref<1000x128xf32, #tpu.memory_space<vmem>>, vector<1000x128xf32>
    tpu.vector_store %arg4[%swap3A, %swap3A_10], %mul3A_9 {strides = array<i32>} : memref<1000x128xf32, #tpu.memory_space<vmem>>, vector<1000x128xf32>,
    return
  }
  func.func @transform_0(%arg0: i32) -> (i32, i32) {
    %c0_i32 = arith.constant 0 : i32
    %c0_i32_0 = arith.constant 0 : i32
    return %arg0, %c0_i32 : i32, i32
  }
  func.func @transform_1(%arg0: i32) -> (i32, i32) {
    %c0_i32 = arith.constant 0 : i32
    %c0_i32_0 = arith.constant 0 : i32
    %c0_i32_1 = arith.constant 0 : i32
    return %c0_i32, %c0_i32_0 : i32, i32
  }
  func.func @transform_2(%arg0: i32) -> (i32, i32) {
    %c0_i32 = arith.constant 0 : i32
    %c0_i32_0 = arith.constant 0 : i32
    return %arg0, %c0_i32 : i32, i32
  }
  func.func @transform_3(%arg0: i32) -> (i32, i32) {
    %c0_i32 = arith.constant 0 : i32
    %c0_i32_0 = arith.constant 0 : i32
    return %arg0, %c0_i32 : i32, i32
  }
}

module attributes {stable_mosaic.version = 14 : i64} {
  func.func @_mid_kernel(%arg0: i32, %arg1: memref<1000x128xf32, #tpu.memory_space<vmem>>, %arg2: memref<1000x128xf32, #tpu.memory_space<vmem>>, %arg3: memref<1000x128xf32, #tpu.memory_space<vmem>>, %arg4: memref<1000x1xf32, #tpu.memory_space<vmem>>, %arg5: memref<1x128xf32, #tpu.memory_space<vmem>>, %arg6: memref<128x128xf32, #tpu.memory_space<vmem>>, %arg7: memref<1000x128xf32, #tpu.memory_space<vmem>>) attributes {dimension_semantics = [#tpu.dimension_semantics<arbitrary>], iteration_bounds = array<i64: 10>, scalar_prefetch = 0 : i64, scratch_operands = 0 : i64, tpu.core_type = #tpu.core_type<tc>, window_params = [{transform_indices = @transform_0, window_bounds = array<i64: 1000, 128>}, {transform_indices = @transform_1, window_bounds = array<i64: 1000, 128>}, {transform_indices = @transform_2, window_bounds = array<i64: 1000, 128>}, {transform_indices = @transform_3, window_bounds = array<i64: 1000, 1>}, {pipeline_mode = #tpu.pipeline_mode<synchronous>, transform_indices = @transform_4, window_bounds = array<i64: 1, 128>}, {pipeline_mode = #tpu.pipeline_mode<synchronous>, transform_indices = @transform_5, window_bounds = array<i64: 128, 128>}, {transform_indices = @transform_6, window_bounds = array<i64: 1000, 128>}]} {
    %get3A = arith.constant 0 : index
    %get3A_0 = arith.constant 0 : index
    %get3A_1 = vector.load %arg1[%get3A, %get3A_0] : memref<1000x128xf32, #tpu.memory_space<vmem>>, vector<1000x128xf32>
    %get3A_2 = arith.constant 0 : index
    %get3A_3 = arith.constant 0 : index
    %get3A_4 = vector.load %arg2[%get3A_2, %get3A_3] : memref<1000x128xf32, #tpu.memory_space<vmem>>, vector<1000x128xf32>
    %add3A = arith.addf %get3A_1, %get3A_4 : vector<1000x128xf32>
    %get3A_5 = arith.constant 0 : index
    %get3A_6 = arith.constant 0 : index
    %get3A_7 = vector.load %arg3[%get3A_5, %get3A_6] : memref<1000x128xf32, #tpu.memory_space<vmem>>, vector<1000x128xf32>
    %add3A_8 = arith.addf %add3A, %get3A_7 : vector<1000x128xf32>
    %get3A_9 = arith.constant 0 : index
    %get3A_10 = arith.constant 0 : index
    %get3A_11 = vector.load %arg4[%get3A_9, %get3A_10] : memref<1000x1xf32, #tpu.memory_space<vmem>>, vector<1000x1xf32>
    %mul3A = vector.broadcast %get3A_11 : vector<1000x1xf32> to vector<1000x128xf32>
    %mul3A_12 = arith.mulf %add3A_8, %mul3A : vector<1000x128xf32>
    %get3A_13 = arith.constant 0 : index
    %get3A_14 = arith.constant 0 : index
    %get3A_15 = vector.load %arg5[%get3A_13, %get3A_14] : memref<1x128xf32, #tpu.memory_space<vmem>>, vector<1x128xf32>
    %add3A_16 = vector.broadcast %get3A_15 : vector<1x128xf32> to vector<1000x128xf32>
    %add3A_17 = arith.addf %mul3A_12, %add3A_16 : vector<1000x128xf32>
    %max3A = arith.constant 0.000000e+00 : f32
    %max3A_18 = vector.broadcast %max3A : f32 to vector<1000x128xf32>
    %max3A_19 = arith.maximumf %add3A_17, %max3A_18 : vector<1000x128xf32>
    %get3A_20 = arith.constant 0 : index
    %get3A_21 = arith.constant 0 : index
    %get3A_22 = vector.load %arg6[%get3A_20, %get3A_21] : memref<128x128xf32, #tpu.memory_space<vmem>>, vector<128x128xf32>
    %dot_general3A = arith.constant dense<0.000000e+00> : vector<1000x128xf32>
    %dot_general3A_23 = tpu.matmul %max3A_19, %get3A_22, %dot_general3A {dimension_numbers = #tpu.dot_dimension_numbers<[1], [0], [0], [1], [0, 0, 1, 1], [], []>, transpose_lhs_hint = false} : vector<1000x128xf32>, vector<128x128xf32>, vector<1000x128xf32> -> vector<1000x128xf32>
    %get3A_24 = arith.constant 0 : index
    %get3A_25 = arith.constant 0 : index
    %get3A_26 = vector.load %arg4[%get3A_24, %get3A_25] : memref<1000x1xf32, #tpu.memory_space<vmem>>, vector<1000x1xf32>
    %mul3A_27 = vector.broadcast %get3A_26 : vector<1000x1xf32> to vector<1000x128xf32>
    %mul3A_28 = arith.mulf %dot_general3A_23, %mul3A_27 : vector<1000x128xf32>
    %swap3A = arith.constant 0 : index
    %swap3A_29 = arith.constant 0 : index
    %swap3A_30 = vector.load %arg7[%swap3A, %swap3A_29] : memref<1000x128xf32, #tpu.memory_space<vmem>>, vector<1000x128xf32>
    tpu.vector_store %arg7[%swap3A, %swap3A_29], %mul3A_28 {strides = array<i32>} : memref<1000x128xf32, #tpu.memory_space<vmem>>, vector<1000x128xf32>,
    return
  }
  func.func @transform_0(%arg0: i32) -> (i32, i32) {
    %c0_i32 = arith.constant 0 : i32
    %c0_i32_0 = arith.constant 0 : i32
    return %arg0, %c0_i32 : i32, i32
  }
  func.func @transform_1(%arg0: i32) -> (i32, i32) {
    %c0_i32 = arith.constant 0 : i32
    %c0_i32_0 = arith.constant 0 : i32
    return %arg0, %c0_i32 : i32, i32
  }
  func.func @transform_2(%arg0: i32) -> (i32, i32) {
    %c0_i32 = arith.constant 0 : i32
    %c0_i32_0 = arith.constant 0 : i32
    return %arg0, %c0_i32 : i32, i32
  }
  func.func @transform_3(%arg0: i32) -> (i32, i32) {
    %c0_i32 = arith.constant 0 : i32
    %c0_i32_0 = arith.constant 0 : i32
    return %arg0, %c0_i32 : i32, i32
  }
  func.func @transform_4(%arg0: i32) -> (i32, i32) {
    %c0_i32 = arith.constant 0 : i32
    %c0_i32_0 = arith.constant 0 : i32
    %c0_i32_1 = arith.constant 0 : i32
    return %c0_i32, %c0_i32_0 : i32, i32
  }
  func.func @transform_5(%arg0: i32) -> (i32, i32) {
    %c0_i32 = arith.constant 0 : i32
    %c0_i32_0 = arith.constant 0 : i32
    %c0_i32_1 = arith.constant 0 : i32
    return %c0_i32, %c0_i32_0 : i32, i32
  }
  func.func @transform_6(%arg0: i32) -> (i32, i32) {
    %c0_i32 = arith.constant 0 : i32
    %c0_i32_0 = arith.constant 0 : i32
    return %arg0, %c0_i32 : i32, i32
  }
}

module attributes {stable_mosaic.version = 14 : i64} {
  func.func @_last_kernel(%arg0: i32, %arg1: memref<1000x128xf32, #tpu.memory_space<vmem>>, %arg2: memref<1000x128xf32, #tpu.memory_space<vmem>>, %arg3: memref<1000x128xf32, #tpu.memory_space<vmem>>, %arg4: memref<1000x1xf32, #tpu.memory_space<vmem>>, %arg5: memref<1x128xf32, #tpu.memory_space<vmem>>, %arg6: memref<1000x128xf32, #tpu.memory_space<vmem>>) attributes {dimension_semantics = [#tpu.dimension_semantics<arbitrary>], iteration_bounds = array<i64: 10>, scalar_prefetch = 0 : i64, scratch_operands = 0 : i64, tpu.core_type = #tpu.core_type<tc>, window_params = [{transform_indices = @transform_0, window_bounds = array<i64: 1000, 128>}, {transform_indices = @transform_1, window_bounds = array<i64: 1000, 128>}, {transform_indices = @transform_2, window_bounds = array<i64: 1000, 128>}, {transform_indices = @transform_3, window_bounds = array<i64: 1000, 1>}, {pipeline_mode = #tpu.pipeline_mode<synchronous>, transform_indices = @transform_4, window_bounds = array<i64: 1, 128>}, {transform_indices = @transform_5, window_bounds = array<i64: 1000, 128>}]} {
    %get3A = arith.constant 0 : index
    %get3A_0 = arith.constant 0 : index
    %get3A_1 = vector.load %arg1[%get3A, %get3A_0] : memref<1000x128xf32, #tpu.memory_space<vmem>>, vector<1000x128xf32>
    %get3A_2 = arith.constant 0 : index
    %get3A_3 = arith.constant 0 : index
    %get3A_4 = vector.load %arg2[%get3A_2, %get3A_3] : memref<1000x128xf32, #tpu.memory_space<vmem>>, vector<1000x128xf32>
    %add3A = arith.addf %get3A_1, %get3A_4 : vector<1000x128xf32>
    %get3A_5 = arith.constant 0 : index
    %get3A_6 = arith.constant 0 : index
    %get3A_7 = vector.load %arg3[%get3A_5, %get3A_6] : memref<1000x128xf32, #tpu.memory_space<vmem>>, vector<1000x128xf32>
    %add3A_8 = arith.addf %add3A, %get3A_7 : vector<1000x128xf32>
    %get3A_9 = arith.constant 0 : index
    %get3A_10 = arith.constant 0 : index
    %get3A_11 = vector.load %arg4[%get3A_9, %get3A_10] : memref<1000x1xf32, #tpu.memory_space<vmem>>, vector<1000x1xf32>
    %mul3A = vector.broadcast %get3A_11 : vector<1000x1xf32> to vector<1000x128xf32>
    %mul3A_12 = arith.mulf %add3A_8, %mul3A : vector<1000x128xf32>
    %get3A_13 = arith.constant 0 : index
    %get3A_14 = arith.constant 0 : index
    %get3A_15 = vector.load %arg5[%get3A_13, %get3A_14] : memref<1x128xf32, #tpu.memory_space<vmem>>, vector<1x128xf32>
    %add3A_16 = vector.broadcast %get3A_15 : vector<1x128xf32> to vector<1000x128xf32>
    %add3A_17 = arith.addf %mul3A_12, %add3A_16 : vector<1000x128xf32>
    %swap3A = arith.constant 0 : index
    %swap3A_18 = arith.constant 0 : index
    %swap3A_19 = vector.load %arg6[%swap3A, %swap3A_18] : memref<1000x128xf32, #tpu.memory_space<vmem>>, vector<1000x128xf32>
    tpu.vector_store %arg6[%swap3A, %swap3A_18], %add3A_17 {strides = array<i32>} : memref<1000x128xf32, #tpu.memory_space<vmem>>, vector<1000x128xf32>,
    return
  }
  func.func @transform_0(%arg0: i32) -> (i32, i32) {
    %c0_i32 = arith.constant 0 : i32
    %c0_i32_0 = arith.constant 0 : i32
    return %arg0, %c0_i32 : i32, i32
  }
  func.func @transform_1(%arg0: i32) -> (i32, i32) {
    %c0_i32 = arith.constant 0 : i32
    %c0_i32_0 = arith.constant 0 : i32
    return %arg0, %c0_i32 : i32, i32
  }
  func.func @transform_2(%arg0: i32) -> (i32, i32) {
    %c0_i32 = arith.constant 0 : i32
    %c0_i32_0 = arith.constant 0 : i32
    return %arg0, %c0_i32 : i32, i32
  }
  func.func @transform_3(%arg0: i32) -> (i32, i32) {
    %c0_i32 = arith.constant 0 : i32
    %c0_i32_0 = arith.constant 0 : i32
    return %arg0, %c0_i32 : i32, i32
  }
  func.func @transform_4(%arg0: i32) -> (i32, i32) {
    %c0_i32 = arith.constant 0 : i32
    %c0_i32_0 = arith.constant 0 : i32
    %c0_i32_1 = arith.constant 0 : i32
    return %c0_i32, %c0_i32_0 : i32, i32
  }
  func.func @transform_5(%arg0: i32) -> (i32, i32) {
    %c0_i32 = arith.constant 0 : i32
    %c0_i32_0 = arith.constant 0 : i32
    return %arg0, %c0_i32 : i32, i32
  }
}

</mosaic_0001>

<sc_bundles>
// kernel: kernel.18.cloned.1.call-start
scs
__scs_entry_jumppad:
0x0: {  	(pc) =	sbr.rel $0x88, $3  }
0x1: {  	(tag) =	ssettag $0x0;
	lr =	simm.s32 $0x1  }
0x2: {  	[smem:$0x3F91] =	sst lr;
	_ =	strace $0xD0000000  }
0x3: {  	_ = 	snop  }
0x4: {  	_ = 	snop  }
0x5: {  	_ = 	snop  }
0x6: {  	_ = 	snop  }
0x7: {  	_ = 	snop  }
__scs_overlays_trampoline_lowered:
0x8: {  	[smem:$0x3FA0] =	sst s0  }
0x9: {  	[smem:$0x3FA1] =	sst s1  }
0xa: {  	[smem:$0x3FA2] =	sst s2  }
0xb: {  	[smem:$0x3FA3] =	sst s3  }
0xc: {  	[smem:$0x3FA4] =	sst s4  }
0xd: {  	[smem:$0x3FA5] =	sst s5  }
0xe: {  	[smem:$0x3FA6] =	sst s6  }
0xf: {  	[smem:$0x3FA7] =	sst s7  }
0x10: {  	[smem:$0x3FA8] =	sst s8  }
0x11: {  	[smem:$0x3FA9] =	sst s9;
	s0 =	simm.s32 @!p0 $0x0  }
0x12: {  	s1 =	sld [smem:$0x3F8F];
	s0 =	simm.s32 @p0 $0x1  }
0x13: {  	[smem:$0x3FAA] =	sst s0;
	s0 =	simm.s32 @!p1 $0x0  }
0x14: {  	s2 =	sld [smem:$0x3F8E];
	s0 =	simm.s32 @p1 $0x1  }
0x15: {  	[smem:$0x3FAB] =	sst s0;
	s0 =	simm.s32 @!p2 $0x0  }
0x16: {  	s3 =	sld [smem:$0x3FDB];
	s0 =	simm.s32 @p2 $0x1  }
0x17: {  	s4 =	simm.s32 $0x1BF5;
	[smem:$0x3FAD] =	sst s0  }
0x18: {  	s0 =	sld [smem:$0x3F90];
	_ =	swait.ge [sflag:s4], $0x0  }
0x19: {  	s7 =	sld [smem:$0x3F91]  }
0x1a: {  	s8 =	sadd.s32 $0xFFFFE003, lr  }
0x1b: {  	s9 =	sadd.s32 $0xFFFFFEF7, lr;
	s5 =	simm.s32 $0xFFFFFFFF;
	p2 =	slt.u32 s8, $0xFFFFF086  }
0x1c: {  	p1 =	slt.u32 s9, $0xF7A;
	s5 =	simm.s32 @!p2 $0x0  }
0x1d: {  	s5 =	simm.s32 @p1 $0x1;
	p0 =	seq.s32 s7, s2  }
0x1e: {  	s7 =	smul.u32 @!p0 $0xF7A, s2;
	p2 =	seq.s32 @!p0 s5, $0x0  }
0x1f: {  	s9 =	smul.u32 $0xF7A, s1;
	s8 =	simm.s32 @!p0 $0x1BF5;
	p2 =	por !p2, p0  }
0x20: {  	[sflag:s8] =	ssyncset.s32 @!p0 $0xFFFFF086;
	s6 =	sadd.s32 @!p0 s3, s7;
	s7 =	simm.s32 @!p0 $0x108  }
0x21: {  	s3 =	sadd.s32 s3, s9;
	s6 =	sadd.s32 @!p0 $0x88, s6;
	s7 =	simm.s32 @p2 $0x1082  }
0x22: {  	[simem:s7], [sflag:s8] =	dma.local @!p0 [hbm:s6], $0xF7A  }
0x23: {  	s9 =	sor.u32 $0xD0000000, s2;
	s6 =	simm.s32 $0x108;
	_ =	swait.ge @!p0 [sflag:s8], $0x0  }
0x24: {  	s3 =	sadd.s32 $0x88, s3;
	s6 =	simm.s32 @!p1 $0x1082;
	[sflag:s4] =	ssyncset.s32 $0xFFFFF086  }
0x25: {  	[simem:s6], [sflag:s4] =	dma.local [hbm:s3], $0xF7A  }
0x26: {  	[smem:$0x3F91] =	sst s1;
	(tag) =	ssettag s2;
	_ =	strace s9  }
0x27: {  	s1 =	sld [smem:$0x3FA1]  }
0x28: {  	s2 =	sld [smem:$0x3FA2]  }
0x29: {  	s4 =	sld [smem:$0x3FA4]  }
0x2a: {  	p0 =	seq.s32 s5, $0x0;
	s5 =	sld [smem:$0x3FA5]  }
0x2b: {  	s6 =	sld [smem:$0x3FA6]  }
0x2c: {  	s7 =	sld [smem:$0x3FA7]  }
0x2d: {  	s3 =	simm.s32 $0x108;
	s8 =	sld [smem:$0x3FA8]  }
0x2e: {  	s3 =	simm.s32 @!p0 $0x1082;
	s9 =	sld [smem:$0x3FA9]  }
0x2f: {  	lr =	sadd.s32 s0, s3;
	s0 =	sld [smem:$0x3FA0]  }
0x30: {  	s3 =	sld [smem:$0x3FA3]  }
0x31: {  	[smem:$0x3FAC] =	sst s10  }
0x32: {  	s10 =	sld [smem:$0x3FAA];
	_ =	sdelay $0x3  }
0x33: {  	p0 =	seq.s32 s10, $0x1;
	s10 =	sld [smem:$0x3FAC];
	_ =	sdelay $0x3  }
0x34: {  	[smem:$0x3FAC] =	sst s10  }
0x35: {  	s10 =	sld [smem:$0x3FAB];
	_ =	sdelay $0x3  }
0x36: {  	p1 =	seq.s32 s10, $0x1;
	s10 =	sld [smem:$0x3FAC];
	_ =	sdelay $0x3  }
0x37: {  	[smem:$0x3FAC] =	sst s10  }
0x38: {  	s10 =	sld [smem:$0x3FAD]  }
0x39: {  	_ = 	snop;
	(pc) =	sbr.ind lr, $3  }
0x3a: {  	_ = 	snop  }
0x3b: {  	_ = 	snop  }
0x3c: {  	p2 =	seq.s32 s10, $0x1;
	s10 =	sld [smem:$0x3FAC]  }
0x3d: {  	_ =	shalt  }
0x3e: {  	_ =	shalt  }
0x3f: {  	_ =	shalt  }
0x40: {  	_ =	shalt  }
0x41: {  	_ =	shalt  }
0x42: {  	_ =	shalt  }
0x43: {  	_ =	shalt  }
0x44: {  	_ =	shalt  }
0x45: {  	_ =	shalt  }
0x46: {  	_ =	shalt  }
0x47: {  	_ =	shalt  }
0x48: {  	_ =	shalt  }
0x49: {  	_ =	shalt  }
0x4a: {  	_ =	shalt  }
0x4b: {  	_ =	shalt  }
0x4c: {  	_ =	shalt  }
0x4d: {  	_ =	shalt  }
0x4e: {  	_ =	shalt  }
0x4f: {  	_ =	shalt  }
0x50: {  	_ =	shalt  }
0x51: {  	_ =	shalt  }
0x52: {  	_ =	shalt  }
0x53: {  	_ =	shalt  }
0x54: {  	_ =	shalt  }
0x55: {  	_ =	shalt  }
0x56: {  	_ =	shalt  }
0x57: {  	_ =	shalt  }
0x58: {  	_ =	shalt  }
0x59: {  	_ =	shalt  }
0x5a: {  	_ =	shalt  }
0x5b: {  	_ =	shalt  }
0x5c: {  	_ =	shalt  }
0x5d: {  	_ =	shalt  }
0x5e: {  	_ =	shalt  }
0x5f: {  	_ =	shalt  }
0x60: {  	_ =	shalt  }
0x61: {  	_ =	shalt  }
0x62: {  	_ =	shalt  }
0x63: {  	_ =	shalt  }
0x64: {  	_ =	shalt  }
0x65: {  	_ =	shalt  }
0x66: {  	_ =	shalt  }
0x67: {  	_ =	shalt  }
0x68: {  	_ =	shalt  }
0x69: {  	_ =	shalt  }
0x6a: {  	_ =	shalt  }
0x6b: {  	_ =	shalt  }
0x6c: {  	_ =	shalt  }
0x6d: {  	_ =	shalt  }
0x6e: {  	_ =	shalt  }
0x6f: {  	_ =	shalt  }
0x70: {  	_ =	shalt  }
0x71: {  	_ =	shalt  }
0x72: {  	_ =	shalt  }
0x73: {  	_ =	shalt  }
0x74: {  	_ =	shalt  }
0x75: {  	_ =	shalt  }
0x76: {  	_ =	shalt  }
0x77: {  	_ =	shalt  }
0x78: {  	_ =	shalt  }
0x79: {  	_ =	shalt  }
0x7a: {  	_ =	shalt  }
0x7b: {  	_ =	shalt  }
0x7c: {  	_ =	shalt  }
0x7d: {  	_ =	shalt  }
0x7e: {  	_ =	shalt  }
0x7f: {  	_ =	shalt  }
0x80: {  	_ =	shalt  }
0x81: {  	_ =	shalt  }
0x82: {  	_ =	shalt  }
0x83: {  	_ =	shalt  }
0x84: {  	_ =	shalt  }
0x85: {  	_ =	shalt  }
0x86: {  	_ =	shalt  }
0x87: {  	_ =	shalt  }
.Lfunc_end0:
.L_simem_size_0:
called_computation_lowered:
.L_overlay_start_0:
0x88: {  	s2 =	sld [smem:$0x3FD9]  }
0x89: {  	s3 =	sld [smem:$0x3FFE];
	_ =	sdelay $0x1  }
0x8a: {  	s1 =	srdreg.scid  }
0x8b: {  	s0 =	sand.u32 $0x1, s1  }
0x8c: {  	s14 =	sshll.u32 s0, $0xA;
	s2 =	sadd.s32 s3, s2  }
0x8d: {  	s2 =	sadd.s32 s2, s14  }
0x8e: {  	[smem:$0x3FB8] =	sst s2  }
0x8f: {  	_ = 	snop  }
0x90: {  	s2 =	sld [smem:$0x3FD0];
	_ =	sdelay $0x2  }
0x91: {  	s15 =	simm.s32 $0xB;
	s4 =	simm.s32 $0x10  }
0x92: {  	[smem:s4], [sflag:s15] =	dma.local [hbm:s2], $0x1  }
0x93: {  	_ =	swait.eq [sflag:s15], $0x1  }
0x94: {  	[sflag:s15] =	ssyncset.done $0x0  }
0x95: {  	s16 =	sld [smem:$0x10];
	[sflag:s15] =	ssyncadd.s32 $0xFFFFFFFF  }
0x96: {  	s17 =	sld [smem:$0x11];
	(tm) =	ssettm $0x1  }
0x97: {  	s18 =	sld [smem:$0x3FFB];
	_ =	sdelay $0x3  }
0x98: {  	_ =	strace s18  }
0x99: {  	s4 =	sld [smem:$0x3FFC];
	_ =	sdelay $0x3  }
0x9a: {  	_ =	strace s4  }
0x9b: {  	s4 =	sld [smem:$0x3FFD];
	_ =	sdelay $0x3  }
0x9c: {  	_ =	strace s4  }
0x9d: {  	_ =	strace $0x8FFFFFFF  }
0x9e: {  	s19 =	sld [smem:$0x3FDB];
	_ =	sdelay $0x1  }
0x9f: {  	s5 =	simm.s32 $_scs_section_size  }
0xa0: {  	s6 =	simm.s32 $_size__tile_overlayer_lowered;
	s7 =	simm.s32 $_tile_overlayer_lowered  }
0xa1: {  	s22 =	simm.s32 $0x1BFF;
	s21 =	sshll.u32 s7, $0x1;
	s4 =	sadd.s32 s5, s19  }
0xa2: {  	s8 =	simm.s32 $0x0;
	s20 =	sshll.u32 s6, $0x1;
	s6 =	sadd.s32 s21, s4  }
0xa3: {  	[timem:s8], [sflag:s22] =	dma.local [hbm:s6], s20  }
0xa4: {  	_ =	swait.ge [sflag:s22], s20  }
0xa5: {  	s5 =	ssub.s32 $0x0, s20;
	[sflag:s22] =	ssyncset.done $0x0  }
0xa6: {  	[sflag:s22] =	ssyncadd.s32 s5;
	_ =	sdelay $0x1  }
0xa7: {  	s23 =	simm.s32 $0x1B8B  }
0xa8: {  	_ =	swait.ge [sflag:s23], $0x1  }
0xa9: {  	[sflag:s23] =	ssyncset.done $0x0  }
0xaa: {  	s25 =	simm.s32 $0x1B8E;
	s24 =	sld [smem:$0x3FFE];
	[sflag:s23] =	ssyncadd.s32 $0xFFFFFFFF  }
0xab: {  	s26 =	simm.s32 $execute0_lowered;
	[smem:$0x3FD2] =	sst s25  }
0xac: {  	s6 =	sshll.u32 s26, $0x1;
	_ =	strace $0x80000046;
	[dreg:$0x1] =	wrdreg $0xFFFFFFFF  }
0xad: {  	s28 =	simm.s32 $_size_execute0_lowered;
	s4 =	sadd.s32 s4, s6;
	[dreg:$0x0] =	wrdreg $0x0  }
0xae: {  	s6 =	sshll.u32 s28, $0x1;
	[dreg:$0x2] =	wrdreg s4  }
0xaf: {  	[dreg:$0x3] =	wrdreg s6  }
0xb0: {  	[dreg:$0x4] =	wrdreg $0xC0  }
0xb1: {  	_ =	task [dreg:s8], $0x5FFFF  }
0xb2: {  	[dreg:$0x1] =	wrdreg $0xFFFFFFFF  }
0xb3: {  	[dreg:$0x0] =	wrdreg $0x60  }
0xb4: {  	[dreg:$0x2] =	wrdreg s16  }
0xb5: {  	[dreg:$0x3] =	wrdreg s17  }
0xb6: {  	[dreg:$0x4] =	wrdreg s24  }
0xb7: {  	[dreg:$0x5] =	wrdreg $0x28800  }
0xb8: {  	[dreg:$0x6] =	wrdreg $0x9  }
0xb9: {  	_ =	task.clear_ibuf [dreg:s8], $0x7FFFF;
	_ =	strace $0x90000046  }
0xba: {  	s29 =	simm.s32 $0x9;
	_ =	strace $0x80000048  }
0xbb: {  	_ =	swait.ge [sflag:s29], $0x1  }
0xbc: {  	[sflag:s29] =	ssyncadd.s32 $0xFFFFFFFF  }
0xbd: {  	_ =	strace $0x90000048  }
0xbe: {  	_ =	sfence  }
0xbf: {  	s30 =	sld [smem:$0x0];
	_ =	sdelay $0x2  }
0xc0: {  	s31 =	sshll.u32 s1, $0xD;
	s1 =	sshrl.u32 s1, $0x2  }
0xc1: {  	s3 =	sand.u32 $0x4000, s31;
	s1 =	sadd.s32 s1, s30  }
0xc2: {  	s0 =	sor.u32 s3, s0;
	s1 =	sshll.u32 s1, $0x11  }
0xc3: {  	s0 =	sor.u32 s1, s0  }
0xc4: {  	s0 =	sadd.s32 $0x8F2B, s0  }
0xc5: {  	[sflag:s0] =	ssyncadd.remote.s32 $0x1  }
0xc6: {  	_ =	sfence.sel $0xFFFF  }
0xc7: {  	[dreg:$0x0] =	wrdreg $0xFFFFFFFF;
	(pc) =	sbr.abs _section_cstart, $3  }
0xc8: {  	[dreg:$0x1] =	wrdreg $0xFFFFFFFF  }
0xc9: {  	_ =	task.clear_ibuf [dreg:s8], $0x2FFFF;
	_ =	strace $0x9FFFFFFF  }
0xca: {  	(tm) =	ssettm $0x7FFFFFFF  }
0xcb: {  	_ =	shalt  }
tec
execute0_lowered:
.L_overlay_start_1:
0x0: {  	(tag) =	ssettag $0x1  }
0x1: {  	s5 =	rddreg [dreg:$0x0]  }
0x2: {  	s6 =	rddreg [dreg:$0x1]  }
0x3: {  	s7 =	rddreg [dreg:$0x2]  }
0x4: {  	s1 =	rddreg [dreg:$0x3];
	s3 =	srdreg.scid  }
0x5: {  	s0 =	rddreg [dreg:$0x4];
	s2 =	simm.s32 $0x0;
	s9 =	stileid.u32  }
0x6: {  	s12 =	simm.s32 $0x80;
	s13 =	simm.s32 $0x1;
	s14 =	simm.s32 $0x0  }
0x7: {  	s4 =	sand.u32 $0x1, s3;
	[smem:$0x7FF] =	sst s2;
	p0 =	sne.s32 s9, $0x0  }
0x8: {  	s3 =	sshll.u32 s4, $0x4;
	_ =	strace $0x80000047;
	s8 =	smul.u32 $0x9E0, s4  }
0x9: {  	s11 =	ssub.s32 $0x2, s4;
	s4 =	sadd.s32 $0x12000, s7;
	s10 =	sor.u32 s9, s3  }
0xa: {  	s3 =	sadd.s32 $0x12A00, s7;
	s31 =	sshrl.u32 s11, $0x1;
	s9 =	sshrl.u32 @!p0 s1, $0x3  }
0xb: {  	s10 =	smul.u32 $0x500, s10;
	s7 =	sadd.s32 s8, s7;
	s8 =	ssub.s32 s11, s31  }
0xc: {  	s11 =	simm.s32 $0x2;
	s7 =	sadd.s32 $0x12C00, s7;
	s8 =	smax.u32 s8, $0x1  }
0xd: {  	s5 =	sadd.s32 s5, s10;
	s6 =	sadd.s32 s6, s10;
	s10 =	simm.s32 $0x2800  }
.LBB2_1:
0xe: {  	s15 =	simm.s32 @!p0 $0x1C02  }
0xf: {  	[spmem:s9], [sflag:s15] =	dma.local @!p0 [hbm:s4], $0x9E0  }
0x10: {  	s15 =	simm.s32 @!p0 $0x2  }
0x11: {  	_ =	swait.ge @!p0 [sflag:s15], $0x9E0  }
0x12: {  	[sflag:s15] =	ssyncset.done @!p0 $0x0  }
0x13: {  	[sflag:s15] =	ssyncadd.s32 @!p0 $0xFFFFF620  }
0x14: {  	[tilespmem:s10], [sflag:$0x2] =	stream.linear.gather [hbm4b:s3+s2], $0x80, $0x38;
	[tilespmem:$0x2D70] =	vst v63  }
0x15: {  	_ =	swait.ge [sflag:s11], $0x80  }
0x16: {  	[sflag:s11] =	ssyncset.done $0x0  }
0x17: {  	[sflag:s11] =	ssyncadd.s32 $0xFFFFFF80  }
0x18: {  	[bflag:$0x0] =	sbarrier.arrive $0xFFFF  }
0x19: {  	[tilespmem:s2], [sflag:$0x2] =	stream.linear.gather [hbm4b:s5+s2], $0x2800, $0x38;
	[tilespmem:$0x2D70] =	vst v63  }
0x1a: {  	_ =	swait.ge [sflag:s11], $0x2800  }
0x1b: {  	[sflag:s11] =	ssyncset.done $0x0  }
0x1c: {  	s15 =	simm.s32 $0x0;
	[sflag:s11] =	ssyncadd.s32 $0xFFFFD800  }
.LBB2_2:
0x1d: {  	p1 =	sne.s32 s15, $0x9E00  }
.Ltmp0:
0x1e: {  	_ = 	snop;
	(pc) =	sbr.rel @p1 .LBB2_2-.Ltmp0, $3  }
0x1f: {  	_ =	sdelay $0x1  }
0x20: {  	s16 =	sshra.s32 s15, $0x2;
	s15 =	sadd.s32 $0x200, s15  }
0x21: {  	[spmem:s1] =	stream.indirect.scatter.add.f32 [tilespmem:s10], [sflag:$0x1], $0x1, s16, s12, $0xb8;
	[tilespmem:$0x2D70] =	vst v63  }
0x22: {  	_ =	swait.ge [sflag:s13], $0x80  }
0x23: {  	s15 =	simm.s32 $0x4F;
	[sflag:s13] =	ssyncset.done $0x0  }
.LBB2_4:
0x24: {  	p1 =	sne.s32 s15, $0x1;
	s15 =	sadd.s32 $0xFFFFFFFF, s15;
	[sflag:s13] =	ssyncadd.s32 $0xFFFFFF80  }
.Ltmp1:
0x25: {  	(pc) =	sbr.rel @p1 .LBB2_4-.Ltmp1, $3  }
0x26: {  	_ =	sdelay $0x1  }
0x27: {  	_ =	swait.ge [sflag:s13], $0x80  }
0x28: {  	[sflag:s13] =	ssyncset.done $0x0  }
0x29: {  	[sflag:s13] =	ssyncadd.s32 $0xFFFFFF80;
	s15 =	simm.s32 $0x0  }
0x2a: {  	[tilespmem:s15], [sflag:$0x2] =	stream.linear.gather [hbm4b:s6+s15], $0x2800, $0x38;
	[tilespmem:$0x2D70] =	vst v63  }
0x2b: {  	_ =	swait.ge [sflag:s11], $0x2800  }
0x2c: {  	[sflag:s11] =	ssyncset.done $0x0  }
0x2d: {  	[sflag:s11] =	ssyncadd.s32 $0xFFFFD800  }
.LBB2_6:
0x2e: {  	p1 =	sne.s32 s15, $0x9E00  }
.Ltmp2:
0x2f: {  	_ = 	snop;
	(pc) =	sbr.rel @p1 .LBB2_6-.Ltmp2, $3  }
0x30: {  	_ =	sdelay $0x1  }
0x31: {  	s16 =	sshra.s32 s15, $0x2;
	s15 =	sadd.s32 $0x200, s15  }
0x32: {  	[spmem:s1] =	stream.indirect.scatter.add.f32 [tilespmem:s10], [sflag:$0x1], $0x1, s16, s12, $0xb8;
	[tilespmem:$0x2D70] =	vst v63  }
0x33: {  	_ =	swait.ge [sflag:s13], $0x80  }
0x34: {  	s15 =	simm.s32 $0x4F;
	[sflag:s13] =	ssyncset.done $0x0  }
.LBB2_8:
0x35: {  	p1 =	sne.s32 s15, $0x1;
	s15 =	sadd.s32 $0xFFFFFFFF, s15;
	[sflag:s13] =	ssyncadd.s32 $0xFFFFFF80  }
.Ltmp3:
0x36: {  	(pc) =	sbr.rel @p1 .LBB2_8-.Ltmp3, $3  }
0x37: {  	_ =	sdelay $0x1  }
0x38: {  	_ =	swait.ge [sflag:s13], $0x80  }
0x39: {  	[sflag:s13] =	ssyncset.done $0x0  }
0x3a: {  	[sflag:s13] =	ssyncadd.s32 $0xFFFFFF80;
	s14 =	sadd.s32 $0x1, s14  }
0x3b: {  	s15 =	simm.s32 @!p0 $0x1C02;
	[bflag:$0x0] =	sbarrier.arrive $0xFFFF;
	p1 =	sne.s32 s14, s8  }
0x3c: {  	[hbm:s7], [sflag:s15] =	dma.local @!p0 [spmem:s9], $0x9E0  }
.Ltmp4:
0x3d: {  	_ = 	snop;
	(pc) =	sbr.rel @p1 .LBB2_1-.Ltmp4, $4  }
0x3e: {  	s15 =	simm.s32 @!p0 $0x2  }
0x3f: {  	_ =	swait.ge @!p0 [sflag:s15], $0x9E0  }
0x40: {  	[sflag:s15] =	ssyncset.done @!p0 $0x0  }
0x41: {  	[sflag:s15] =	ssyncadd.s32 @!p0 $0xFFFFF620  }
0x42: {  	_ =	sfence.sel $0x180000  }
0x43: {  	[bflag:$0x0] =	sbarrier.arrive $0xFFFF  }
0x44: {  	_ =	strace $0x90000047  }
0x45: {  	s0 =	sadd.s32 @!p0 $0x100000, s0;
	[bflag:$0x2] =	sbarrier.arrive $0xFFFF  }
0x46: {  	[sflag:s0] =	ssyncadd.tile.s32 @!p0 $0x1;
	_ =	shalt  }
.Lfunc_end2:
_tile_overlayer_lowered:
.L_overlay_start_2:
0x47: {  	(tag) =	ssettag $0x2  }
0x48: {  	s0 =	rddreg [dreg:$0x0];
	s2 =	stileid.u32  }
0x49: {  	s1 =	rddreg [dreg:$0x1];
	p0 =	sne.s32 s2, $0x0  }
0x4a: {  	s3 =	rddreg [dreg:$0x2];
	[bflag:$0x3] =	sbarrier.arrive $0xFFFF;
	s2 =	simm.s32 @!p0 $0x1C02  }
0x4b: {  	[timem:s3], [sflag:s2] =	dma.local @!p0 [hbm:s0], s1  }
0x4c: {  	s0 =	simm.s32 @!p0 $0x2  }
0x4d: {  	_ =	swait.ge @!p0 [sflag:s0], s1  }
0x4e: {  	s1 =	ssub.s32 @!p0 $0x0, s1;
	[sflag:s0] =	ssyncset.done @!p0 $0x0  }
0x4f: {  	[sflag:s0] =	ssyncadd.s32 @!p0 s1  }
0x50: {  	[bflag:$0x3] =	sbarrier.arrive $0xFFFF  }
0x51: {  	_ =	shalt  }

// kernel: kernel.21.cloned.1.call-start
scs
__scs_entry_jumppad:
0x0: {  	(pc) =	sbr.rel $0x88, $3  }
0x1: {  	(tag) =	ssettag $0x0;
	lr =	simm.s32 $0x1  }
0x2: {  	[smem:$0x3F91] =	sst lr;
	_ =	strace $0xD0000000  }
0x3: {  	_ = 	snop  }
0x4: {  	_ = 	snop  }
0x5: {  	_ = 	snop  }
0x6: {  	_ = 	snop  }
0x7: {  	_ = 	snop  }
__scs_overlays_trampoline_lowered:
0x8: {  	[smem:$0x3FA0] =	sst s0  }
0x9: {  	[smem:$0x3FA1] =	sst s1  }
0xa: {  	[smem:$0x3FA2] =	sst s2  }
0xb: {  	[smem:$0x3FA3] =	sst s3  }
0xc: {  	[smem:$0x3FA4] =	sst s4  }
0xd: {  	[smem:$0x3FA5] =	sst s5  }
0xe: {  	[smem:$0x3FA6] =	sst s6  }
0xf: {  	[smem:$0x3FA7] =	sst s7  }
0x10: {  	[smem:$0x3FA8] =	sst s8  }
0x11: {  	[smem:$0x3FA9] =	sst s9;
	s0 =	simm.s32 @!p0 $0x0  }
0x12: {  	s1 =	sld [smem:$0x3F8F];
	s0 =	simm.s32 @p0 $0x1  }
0x13: {  	[smem:$0x3FAA] =	sst s0;
	s0 =	simm.s32 @!p1 $0x0  }
0x14: {  	s2 =	sld [smem:$0x3F8E];
	s0 =	simm.s32 @p1 $0x1  }
0x15: {  	[smem:$0x3FAB] =	sst s0;
	s0 =	simm.s32 @!p2 $0x0  }
0x16: {  	s3 =	sld [smem:$0x3FDB];
	s0 =	simm.s32 @p2 $0x1  }
0x17: {  	s4 =	simm.s32 $0x1BF5;
	[smem:$0x3FAD] =	sst s0  }
0x18: {  	s0 =	sld [smem:$0x3F90];
	_ =	swait.ge [sflag:s4], $0x0  }
0x19: {  	s7 =	sld [smem:$0x3F91]  }
0x1a: {  	s8 =	sadd.s32 $0xFFFFE003, lr  }
0x1b: {  	s9 =	sadd.s32 $0xFFFFFEF7, lr;
	s5 =	simm.s32 $0xFFFFFFFF;
	p2 =	slt.u32 s8, $0xFFFFF086  }
0x1c: {  	p1 =	slt.u32 s9, $0xF7A;
	s5 =	simm.s32 @!p2 $0x0  }
0x1d: {  	s5 =	simm.s32 @p1 $0x1;
	p0 =	seq.s32 s7, s2  }
0x1e: {  	s7 =	smul.u32 @!p0 $0xF7A, s2;
	p2 =	seq.s32 @!p0 s5, $0x0  }
0x1f: {  	s9 =	smul.u32 $0xF7A, s1;
	s8 =	simm.s32 @!p0 $0x1BF5;
	p2 =	por !p2, p0  }
0x20: {  	[sflag:s8] =	ssyncset.s32 @!p0 $0xFFFFF086;
	s6 =	sadd.s32 @!p0 s3, s7;
	s7 =	simm.s32 @!p0 $0x108  }
0x21: {  	s3 =	sadd.s32 s3, s9;
	s6 =	sadd.s32 @!p0 $0x88, s6;
	s7 =	simm.s32 @p2 $0x1082  }
0x22: {  	[simem:s7], [sflag:s8] =	dma.local @!p0 [hbm:s6], $0xF7A  }
0x23: {  	s9 =	sor.u32 $0xD0000000, s2;
	s6 =	simm.s32 $0x108;
	_ =	swait.ge @!p0 [sflag:s8], $0x0  }
0x24: {  	s3 =	sadd.s32 $0x88, s3;
	s6 =	simm.s32 @!p1 $0x1082;
	[sflag:s4] =	ssyncset.s32 $0xFFFFF086  }
0x25: {  	[simem:s6], [sflag:s4] =	dma.local [hbm:s3], $0xF7A  }
0x26: {  	[smem:$0x3F91] =	sst s1;
	(tag) =	ssettag s2;
	_ =	strace s9  }
0x27: {  	s1 =	sld [smem:$0x3FA1]  }
0x28: {  	s2 =	sld [smem:$0x3FA2]  }
0x29: {  	s4 =	sld [smem:$0x3FA4]  }
0x2a: {  	p0 =	seq.s32 s5, $0x0;
	s5 =	sld [smem:$0x3FA5]  }
0x2b: {  	s6 =	sld [smem:$0x3FA6]  }
0x2c: {  	s7 =	sld [smem:$0x3FA7]  }
0x2d: {  	s3 =	simm.s32 $0x108;
	s8 =	sld [smem:$0x3FA8]  }
0x2e: {  	s3 =	simm.s32 @!p0 $0x1082;
	s9 =	sld [smem:$0x3FA9]  }
0x2f: {  	lr =	sadd.s32 s0, s3;
	s0 =	sld [smem:$0x3FA0]  }
0x30: {  	s3 =	sld [smem:$0x3FA3]  }
0x31: {  	[smem:$0x3FAC] =	sst s10  }
0x32: {  	s10 =	sld [smem:$0x3FAA];
	_ =	sdelay $0x3  }
0x33: {  	p0 =	seq.s32 s10, $0x1;
	s10 =	sld [smem:$0x3FAC];
	_ =	sdelay $0x3  }
0x34: {  	[smem:$0x3FAC] =	sst s10  }
0x35: {  	s10 =	sld [smem:$0x3FAB];
	_ =	sdelay $0x3  }
0x36: {  	p1 =	seq.s32 s10, $0x1;
	s10 =	sld [smem:$0x3FAC];
	_ =	sdelay $0x3  }
0x37: {  	[smem:$0x3FAC] =	sst s10  }
0x38: {  	s10 =	sld [smem:$0x3FAD]  }
0x39: {  	_ = 	snop;
	(pc) =	sbr.ind lr, $3  }
0x3a: {  	_ = 	snop  }
0x3b: {  	_ = 	snop  }
0x3c: {  	p2 =	seq.s32 s10, $0x1;
	s10 =	sld [smem:$0x3FAC]  }
0x3d: {  	_ =	shalt  }
0x3e: {  	_ =	shalt  }
0x3f: {  	_ =	shalt  }
0x40: {  	_ =	shalt  }
0x41: {  	_ =	shalt  }
0x42: {  	_ =	shalt  }
0x43: {  	_ =	shalt  }
0x44: {  	_ =	shalt  }
0x45: {  	_ =	shalt  }
0x46: {  	_ =	shalt  }
0x47: {  	_ =	shalt  }
0x48: {  	_ =	shalt  }
0x49: {  	_ =	shalt  }
0x4a: {  	_ =	shalt  }
0x4b: {  	_ =	shalt  }
0x4c: {  	_ =	shalt  }
0x4d: {  	_ =	shalt  }
0x4e: {  	_ =	shalt  }
0x4f: {  	_ =	shalt  }
0x50: {  	_ =	shalt  }
0x51: {  	_ =	shalt  }
0x52: {  	_ =	shalt  }
0x53: {  	_ =	shalt  }
0x54: {  	_ =	shalt  }
0x55: {  	_ =	shalt  }
0x56: {  	_ =	shalt  }
0x57: {  	_ =	shalt  }
0x58: {  	_ =	shalt  }
0x59: {  	_ =	shalt  }
0x5a: {  	_ =	shalt  }
0x5b: {  	_ =	shalt  }
0x5c: {  	_ =	shalt  }
0x5d: {  	_ =	shalt  }
0x5e: {  	_ =	shalt  }
0x5f: {  	_ =	shalt  }
0x60: {  	_ =	shalt  }
0x61: {  	_ =	shalt  }
0x62: {  	_ =	shalt  }
0x63: {  	_ =	shalt  }
0x64: {  	_ =	shalt  }
0x65: {  	_ =	shalt  }
0x66: {  	_ =	shalt  }
0x67: {  	_ =	shalt  }
0x68: {  	_ =	shalt  }
0x69: {  	_ =	shalt  }
0x6a: {  	_ =	shalt  }
0x6b: {  	_ =	shalt  }
0x6c: {  	_ =	shalt  }
0x6d: {  	_ =	shalt  }
0x6e: {  	_ =	shalt  }
0x6f: {  	_ =	shalt  }
0x70: {  	_ =	shalt  }
0x71: {  	_ =	shalt  }
0x72: {  	_ =	shalt  }
0x73: {  	_ =	shalt  }
0x74: {  	_ =	shalt  }
0x75: {  	_ =	shalt  }
0x76: {  	_ =	shalt  }
0x77: {  	_ =	shalt  }
0x78: {  	_ =	shalt  }
0x79: {  	_ =	shalt  }
0x7a: {  	_ =	shalt  }
0x7b: {  	_ =	shalt  }
0x7c: {  	_ =	shalt  }
0x7d: {  	_ =	shalt  }
0x7e: {  	_ =	shalt  }
0x7f: {  	_ =	shalt  }
0x80: {  	_ =	shalt  }
0x81: {  	_ =	shalt  }
0x82: {  	_ =	shalt  }
0x83: {  	_ =	shalt  }
0x84: {  	_ =	shalt  }
0x85: {  	_ =	shalt  }
0x86: {  	_ =	shalt  }
0x87: {  	_ =	shalt  }
.Lfunc_end0:
.L_simem_size_0:
called_computation.1_lowered:
.L_overlay_start_0:
0x88: {  	s2 =	sld [smem:$0x3FD9]  }
0x89: {  	s3 =	sld [smem:$0x3FFE];
	_ =	sdelay $0x1  }
0x8a: {  	s1 =	srdreg.scid  }
0x8b: {  	s0 =	sand.u32 $0x1, s1  }
0x8c: {  	s15 =	sshll.u32 s0, $0xA;
	s2 =	sadd.s32 s3, s2  }
0x8d: {  	s2 =	sadd.s32 s2, s15  }
0x8e: {  	[smem:$0x3FB8] =	sst s2  }
0x8f: {  	_ = 	snop  }
0x90: {  	s2 =	sld [smem:$0x3FD0];
	_ =	sdelay $0x2  }
0x91: {  	s16 =	simm.s32 $0xB;
	s4 =	simm.s32 $0x10  }
0x92: {  	[smem:s4], [sflag:s16] =	dma.local [hbm:s2], $0x1  }
0x93: {  	_ =	swait.eq [sflag:s16], $0x1  }
0x94: {  	[sflag:s16] =	ssyncset.done $0x0  }
0x95: {  	[sflag:s16] =	ssyncadd.s32 $0xFFFFFFFF  }
0x96: {  	s17 =	sld [smem:$0x10];
	(tm) =	ssettm $0x1  }
0x97: {  	s18 =	sld [smem:$0x3FFB];
	_ =	sdelay $0x3  }
0x98: {  	_ =	strace s18  }
0x99: {  	s2 =	sld [smem:$0x3FFC];
	_ =	sdelay $0x3  }
0x9a: {  	_ =	strace s2  }
0x9b: {  	s2 =	sld [smem:$0x3FFD];
	_ =	sdelay $0x3  }
0x9c: {  	_ =	strace s2  }
0x9d: {  	_ =	strace $0x8FFFFFFF  }
0x9e: {  	s19 =	sld [smem:$0x3FDB];
	_ =	sdelay $0x1  }
0x9f: {  	s20 =	simm.s32 $_scs_section_size  }
0xa0: {  	s5 =	simm.s32 $_size__tile_overlayer_lowered;
	s6 =	simm.s32 $_tile_overlayer_lowered  }
0xa1: {  	s7 =	simm.s32 $0x1BFF;
	s21 =	sshll.u32 s6, $0x1;
	s4 =	sadd.s32 s20, s19  }
0xa2: {  	s22 =	simm.s32 $0x0;
	s5 =	sshll.u32 s5, $0x1;
	s6 =	sadd.s32 s21, s4  }
0xa3: {  	[timem:s22], [sflag:s7] =	dma.local [hbm:s6], s5  }
0xa4: {  	_ =	swait.ge [sflag:s7], s5  }
0xa5: {  	s5 =	ssub.s32 $0x0, s5;
	[sflag:s7] =	ssyncset.done $0x0  }
0xa6: {  	[sflag:s7] =	ssyncadd.s32 s5;
	_ =	sdelay $0x1  }
0xa7: {  	s23 =	simm.s32 $0x1B8B  }
0xa8: {  	_ =	swait.ge [sflag:s23], $0x1  }
0xa9: {  	[sflag:s23] =	ssyncset.done $0x0  }
0xaa: {  	[sflag:s23] =	ssyncadd.s32 $0xFFFFFFFF  }
0xab: {  	s5 =	sld [smem:$0x0]  }
0xac: {  	s6 =	sand.u32 $0xFFFFFFFE, s1  }
0xad: {  	p0 =	sne.s32 s1, s6  }
0xae: {  	s6 =	sshll.u32 @p0 s6, $0xE  }
0xaf: {  	s6 =	sadd.s32 @p0 $0x11B8D, s6;
	s7 =	sshll.u32 @p0 s5, $0x11  }
0xb0: {  	s6 =	sor.u32 @p0 s7, s6  }
0xb1: {  	[sflag:s6] =	ssyncadd.remote.s32 @p0 $0x1;
	_ =	sdelay $0x1  }
0xb2: {  	s6 =	simm.s32 @p0 $0x1B8D  }
0xb3: {  	_ =	swait.eq @p0 [sflag:s6], $0x1  }
0xb4: {  	[sflag:s6] =	ssyncadd.s32 @p0 $0xFFFFFFFF  }
0xb5: {  	s7 =	sshll.u32 @!p0 s1, $0xE  }
0xb6: {  	s7 =	sor.u32 @!p0 $0x4000, s7;
	s6 =	simm.s32 @!p0 $0x1B8D  }
0xb7: {  	s5 =	sshll.u32 @!p0 s5, $0x11;
	s7 =	sadd.s32 @!p0 $0x11B8D, s7;
	_ =	swait.eq @!p0 [sflag:s6], $0x1  }
0xb8: {  	s5 =	sor.u32 @!p0 s5, s7;
	[sflag:s6] =	ssyncadd.s32 @!p0 $0xFFFFFFFF  }
0xb9: {  	s25 =	simm.s32 $0x1B8E;
	s24 =	sld [smem:$0x3FFE];
	[sflag:s5] =	ssyncadd.remote.s32 @!p0 $0x1  }
0xba: {  	s26 =	simm.s32 $execute0_lowered;
	[smem:$0x3FD2] =	sst s25  }
0xbb: {  	s6 =	sshll.u32 s26, $0x1;
	_ =	strace $0x8000004C;
	[dreg:$0x1] =	wrdreg $0xFFFFFFFF  }
0xbc: {  	s28 =	simm.s32 $_size_execute0_lowered;
	s4 =	sadd.s32 s4, s6;
	[dreg:$0x0] =	wrdreg $0x0  }
0xbd: {  	s6 =	sshll.u32 s28, $0x1;
	[dreg:$0x2] =	wrdreg s4  }
0xbe: {  	[dreg:$0x3] =	wrdreg s6  }
0xbf: {  	[dreg:$0x4] =	wrdreg $0xC0  }
0xc0: {  	_ =	task [dreg:s22], $0x5FFFF  }
0xc1: {  	[dreg:$0x1] =	wrdreg $0xFFFFFFFF  }
0xc2: {  	[dreg:$0x0] =	wrdreg $0x60  }
0xc3: {  	[dreg:$0x2] =	wrdreg s24  }
0xc4: {  	[dreg:$0x3] =	wrdreg s17  }
0xc5: {  	[dreg:$0x4] =	wrdreg $0xB8000  }
0xc6: {  	[dreg:$0x5] =	wrdreg $0x9  }
0xc7: {  	_ =	task.clear_ibuf [dreg:s22], $0x6FFFF;
	_ =	strace $0x9000004C  }
0xc8: {  	s29 =	simm.s32 $0x9;
	_ =	strace $0x8000004E  }
0xc9: {  	_ =	swait.ge [sflag:s29], $0x1  }
0xca: {  	[sflag:s29] =	ssyncadd.s32 $0xFFFFFFFF  }
0xcb: {  	_ =	strace $0x9000004E  }
0xcc: {  	_ =	sfence  }
0xcd: {  	s30 =	sld [smem:$0x0];
	_ =	sdelay $0x2  }
0xce: {  	s31 =	sshll.u32 s1, $0xD;
	s1 =	sshrl.u32 s1, $0x2  }
0xcf: {  	s4 =	sand.u32 $0x4000, s31;
	s1 =	sadd.s32 s1, s30  }
0xd0: {  	s0 =	sor.u32 s4, s0;
	s1 =	sshll.u32 s1, $0x11  }
0xd1: {  	s0 =	sor.u32 s1, s0  }
0xd2: {  	s0 =	sadd.s32 $0x8F2B, s0  }
0xd3: {  	[sflag:s0] =	ssyncadd.remote.s32 $0x1  }
0xd4: {  	_ =	sfence.sel $0xFFFF  }
0xd5: {  	[dreg:$0x0] =	wrdreg $0xFFFFFFFF;
	(pc) =	sbr.abs _section_cstart, $3  }
0xd6: {  	[dreg:$0x1] =	wrdreg $0xFFFFFFFF  }
0xd7: {  	_ =	task.clear_ibuf [dreg:s22], $0x2FFFF;
	_ =	strace $0x9FFFFFFF  }
0xd8: {  	(tm) =	ssettm $0x7FFFFFFF  }
0xd9: {  	_ =	shalt  }
tec
execute0_lowered:
.L_overlay_start_1:
0x0: {  	(tag) =	ssettag $0x1  }
0x1: {  	s6 =	rddreg [dreg:$0x0]  }
0x2: {  	s8 =	rddreg [dreg:$0x1]  }
0x3: {  	s2 =	rddreg [dreg:$0x2]  }
0x4: {  	s0 =	rddreg [dreg:$0x3]  }
0x5: {  	s1 =	stileid.u32;
	s4 =	srdreg.scid;
	s3 =	simm.s32 $0x0  }
0x6: {  	s17 =	simm.s32 $0x3800;
	s18 =	simm.s32 $0x7800;
	s19 =	simm.s32 $0x1  }
0x7: {  	s20 =	simm.s32 $0x2;
	s21 =	simm.s32 $0x0;
	s7 =	smul.u32 $0x13C00, s1  }
0x8: {  	s9 =	sand.u32 $0x1, s4;
	[smem:$0x7FF] =	sst s3;
	s13 =	smul.u32 $0x4F000, s1  }
0x9: {  	s4 =	sadd.s32 $0x113E00, s6;
	s5 =	sadd.s32 $0xE2C00, s6;
	s16 =	smul.u32 $0x2800, s1  }
0xa: {  	s30 =	sshll.u32 s1, $0x6;
	s10 =	smul.u32 $0x13C000, s9;
	_ =	strace $0x8000004D  }
0xb: {  	s25 =	sshll.u32 s9, $0x4;
	s12 =	ssub.s32 $0x2, s9;
	s29 =	smul.u32 $0x28000, s9  }
0xc: {  	s11 =	sshrl.u32 s7, $0x3;
	s26 =	sshrl.u32 s12, $0x1;
	s28 =	sshrl.u32 s13, $0x2  }
0xd: {  	s7 =	sadd.s32 s7, s10;
	s24 =	sadd.s32 s11, s6;
	s11 =	sor.u32 s1, s25  }
0xe: {  	s12 =	ssub.s32 s12, s26;
	s15 =	sadd.s32 s28, s2;
	s13 =	sadd.s32 s16, s29  }
0xf: {  	s16 =	simm.s32 $0x80;
	s7 =	sshrl.u32 s7, $0x3;
	s11 =	smul.u32 $0x2800, s11  }
0x10: {  	s14 =	sadd.s32 s7, s6;
	s6 =	sadd.s32 $0x6C400, s24;
	s7 =	sor.u32 $0x1C04, s30  }
0x11: {  	s31 =	sshrl.u32 s11, $0x3;
	s10 =	sadd.s32 $0x13B000, s14;
	s11 =	smax.u32 s12, $0x1  }
0x12: {  	s12 =	sadd.s32 $0x800, s13;
	s13 =	sshrl.u32 s15, $0x3;
	s14 =	simm.s32 $0x4  }
0x13: {  	s15 =	simm.s32 $0x1000;
	s8 =	sadd.s32 s8, s31;
	s9 =	sadd.s32 s5, s31  }
.LBB2_1:
0x14: {  	[spmem:s13], [sflag:s7] =	dma.local [hbm:s6], $0x2780  }
0x15: {  	_ =	swait.ge [sflag:s14], $0x2780  }
0x16: {  	[sflag:s14] =	ssyncset.done $0x0  }
0x17: {  	[sflag:s14] =	ssyncadd.s32 $0xFFFFD880  }
0x18: {  	[tilespmem:s15], [sflag:$0x4] =	stream.linear.gather [hbm4b:s8+s3], $0x2800, $0x38;
	[tilespmem:$0x1F400] =	vst v63  }
0x19: {  	_ =	swait.ge [sflag:s14], $0x2800  }
0x1a: {  	[sflag:s14] =	ssyncset.done $0x0  }
0x1b: {  	[sflag:s14] =	ssyncadd.s32 $0xFFFFD800  }
0x1c: {  	[tilespmem:s3], [sflag:$0x4] =	stream.linear.gather [hbm4b:s9+s3], $0x800, $0x38;
	[tilespmem:$0x1F400] =	vst v63  }
0x1d: {  	_ =	swait.ge [sflag:s14], $0x800  }
0x1e: {  	[sflag:s14] =	ssyncset.done $0x0  }
0x1f: {  	[sflag:s14] =	ssyncadd.s32 $0xFFFFF800  }
0x20: {  	s22 =	simm.s32 $0x0;
	s23 =	simm.s32 $0x0;
	[bflag:$0x0] =	sbarrier.arrive $0xFFFF  }
.LBB2_2:
0x21: {  	p0 =	seq.s32 s23, $0x0  }
0x22: {  	s24 =	simm.s32 @!p0 $0x3  }
0x23: {  	p1 =	seq.s32 @!p0 s23, $0x8000;
	_ =	swait.ge @!p0 [sflag:s24], $0x800  }
0x24: {  	p1 =	por p0, !p1;
	[sflag:s24] =	ssyncset.done @!p0 $0x0  }
0x25: {  	s25 =	simm.s32 @!p0 $0x0;
	[sflag:s24] =	ssyncadd.s32 @!p0 $0xFFFFF800;
	s24 =	sadd.s32 @p1 s22, s12  }
0x26: {  	s25 =	sxor.u32 @p1 $0xFFFFFFFF, s22;
	s24 =	sshrl.u32 @p1 s24, $0x3  }
0x27: {  	s25 =	sand.u32 @p1 $0x800, s25;
	s24 =	sadd.s32 @p1 s5, s24  }
0x28: {  	[tilespmem:s25], [sflag:$0x3] =	stream.linear.gather @p1 [hbm4b:s24+s3], $0x800, $0x38;
	[tilespmem:$0x1F400] =	vst v63  }
0x29: {  	s25 =	sand.u32 @p1 $0x800, s22  }
0x2a: {  	[tilespmem:s17], [sflag:$0x1] =	stream.indirect.gather [hbm4b:s4+s16], $0x80, s25, s16, $0xb8;
	[tilespmem:$0x1F400] =	vst v63  }
0x2b: {  	s28 =	sadd.s32 $0x80, s25  }
0x2c: {  	[tilespmem:s18], [sflag:$0x2] =	stream.indirect.gather [hbm4b:s4+s16], $0x80, s28, s16, $0xb8;
	[tilespmem:$0x1F400] =	vst v63  }
0x2d: {  	_ =	swait.ge [sflag:s19], $0x4000  }
0x2e: {  	s24 =	sshra.s32 s23, $0x2;
	[sflag:s19] =	ssyncset.done $0x0  }
0x2f: {  	s26 =	sadd.s32 $0x1000, s24;
	[sflag:s19] =	ssyncadd.s32 $0xFFFFC000  }
0x30: {  	[spmem:s2] =	stream.indirect.scatter.add.f32 [tilespmem:s17], [sflag:$0x4], $0x80, s26, s16, $0xb8;
	[tilespmem:$0x1F400] =	vst v63  }
0x31: {  	_ =	swait.ge [sflag:s14], $0x4000  }
0x32: {  	[sflag:s14] =	ssyncset.done $0x0  }
0x33: {  	s29 =	sadd.s32 $0x100, s25;
	[sflag:s14] =	ssyncadd.s32 $0xFFFFC000  }
0x34: {  	[tilespmem:s17], [sflag:$0x1] =	stream.indirect.gather [hbm4b:s4+s16], $0x80, s29, s16, $0xb8;
	[tilespmem:$0x1F400] =	vst v63  }
0x35: {  	_ =	swait.ge [sflag:s20], $0x4000  }
0x36: {  	[sflag:s20] =	ssyncset.done $0x0  }
0x37: {  	s30 =	sadd.s32 $0x1080, s24;
	[sflag:s20] =	ssyncadd.s32 $0xFFFFC000  }
0x38: {  	[spmem:s2] =	stream.indirect.scatter.add.f32 [tilespmem:s18], [sflag:$0x4], $0x80, s30, s16, $0xb8;
	[tilespmem:$0x1F400] =	vst v63  }
0x39: {  	_ =	swait.ge [sflag:s14], $0x4000  }
0x3a: {  	[sflag:s14] =	ssyncset.done $0x0  }
0x3b: {  	s31 =	sadd.s32 $0x180, s25;
	[sflag:s14] =	ssyncadd.s32 $0xFFFFC000  }
0x3c: {  	[tilespmem:s18], [sflag:$0x2] =	stream.indirect.gather [hbm4b:s4+s16], $0x80, s31, s16, $0xb8;
	[tilespmem:$0x1F400] =	vst v63  }
0x3d: {  	_ =	swait.ge [sflag:s19], $0x4000  }
0x3e: {  	[sflag:s19] =	ssyncset.done $0x0  }
0x3f: {  	s28 =	sadd.s32 $0x1100, s24;
	[sflag:s19] =	ssyncadd.s32 $0xFFFFC000  }
0x40: {  	[spmem:s2] =	stream.indirect.scatter.add.f32 [tilespmem:s17], [sflag:$0x4], $0x80, s28, s16, $0xb8;
	[tilespmem:$0x1F400] =	vst v63  }
0x41: {  	_ =	swait.ge [sflag:s14], $0x4000  }
0x42: {  	[sflag:s14] =	ssyncset.done $0x0  }
0x43: {  	s29 =	sadd.s32 $0x200, s25;
	[sflag:s14] =	ssyncadd.s32 $0xFFFFC000  }
0x44: {  	[tilespmem:s17], [sflag:$0x1] =	stream.indirect.gather [hbm4b:s4+s16], $0x80, s29, s16, $0xb8;
	[tilespmem:$0x1F400] =	vst v63  }
0x45: {  	_ =	swait.ge [sflag:s20], $0x4000  }
0x46: {  	[sflag:s20] =	ssyncset.done $0x0  }
0x47: {  	s30 =	sadd.s32 $0x1180, s24;
	[sflag:s20] =	ssyncadd.s32 $0xFFFFC000  }
0x48: {  	[spmem:s2] =	stream.indirect.scatter.add.f32 [tilespmem:s18], [sflag:$0x4], $0x80, s30, s16, $0xb8;
	[tilespmem:$0x1F400] =	vst v63  }
0x49: {  	_ =	swait.ge [sflag:s14], $0x4000  }
0x4a: {  	[sflag:s14] =	ssyncset.done $0x0  }
0x4b: {  	s31 =	sadd.s32 $0x280, s25;
	[sflag:s14] =	ssyncadd.s32 $0xFFFFC000  }
0x4c: {  	[tilespmem:s18], [sflag:$0x2] =	stream.indirect.gather [hbm4b:s4+s16], $0x80, s31, s16, $0xb8;
	[tilespmem:$0x1F400] =	vst v63  }
0x4d: {  	_ =	swait.ge [sflag:s19], $0x4000  }
0x4e: {  	[sflag:s19] =	ssyncset.done $0x0  }
0x4f: {  	s28 =	sadd.s32 $0x1200, s24;
	[sflag:s19] =	ssyncadd.s32 $0xFFFFC000  }
0x50: {  	[spmem:s2] =	stream.indirect.scatter.add.f32 [tilespmem:s17], [sflag:$0x4], $0x80, s28, s16, $0xb8;
	[tilespmem:$0x1F400] =	vst v63  }
0x51: {  	_ =	swait.ge [sflag:s14], $0x4000  }
0x52: {  	[sflag:s14] =	ssyncset.done $0x0  }
0x53: {  	s29 =	sadd.s32 $0x300, s25;
	[sflag:s14] =	ssyncadd.s32 $0xFFFFC000  }
0x54: {  	[tilespmem:s17], [sflag:$0x1] =	stream.indirect.gather [hbm4b:s4+s16], $0x80, s29, s16, $0xb8;
	[tilespmem:$0x1F400] =	vst v63  }
0x55: {  	_ =	swait.ge [sflag:s20], $0x4000  }
0x56: {  	[sflag:s20] =	ssyncset.done $0x0  }
0x57: {  	s30 =	sadd.s32 $0x1280, s24;
	[sflag:s20] =	ssyncadd.s32 $0xFFFFC000  }
0x58: {  	[spmem:s2] =	stream.indirect.scatter.add.f32 [tilespmem:s18], [sflag:$0x4], $0x80, s30, s16, $0xb8;
	[tilespmem:$0x1F400] =	vst v63  }
0x59: {  	_ =	swait.ge [sflag:s14], $0x4000  }
0x5a: {  	[sflag:s14] =	ssyncset.done $0x0  }
0x5b: {  	s31 =	sadd.s32 $0x380, s25;
	[sflag:s14] =	ssyncadd.s32 $0xFFFFC000  }
0x5c: {  	[tilespmem:s18], [sflag:$0x2] =	stream.indirect.gather [hbm4b:s4+s16], $0x80, s31, s16, $0xb8;
	[tilespmem:$0x1F400] =	vst v63  }
0x5d: {  	_ =	swait.ge [sflag:s19], $0x4000  }
0x5e: {  	[sflag:s19] =	ssyncset.done $0x0  }
0x5f: {  	s28 =	sadd.s32 $0x1300, s24;
	[sflag:s19] =	ssyncadd.s32 $0xFFFFC000  }
0x60: {  	[spmem:s2] =	stream.indirect.scatter.add.f32 [tilespmem:s17], [sflag:$0x4], $0x80, s28, s16, $0xb8;
	[tilespmem:$0x1F400] =	vst v63  }
0x61: {  	_ =	swait.ge [sflag:s14], $0x4000  }
0x62: {  	[sflag:s14] =	ssyncset.done $0x0  }
0x63: {  	s29 =	sadd.s32 $0x400, s25;
	[sflag:s14] =	ssyncadd.s32 $0xFFFFC000  }
0x64: {  	[tilespmem:s17], [sflag:$0x1] =	stream.indirect.gather [hbm4b:s4+s16], $0x80, s29, s16, $0xb8;
	[tilespmem:$0x1F400] =	vst v63  }
0x65: {  	_ =	swait.ge [sflag:s20], $0x4000  }
0x66: {  	[sflag:s20] =	ssyncset.done $0x0  }
0x67: {  	s30 =	sadd.s32 $0x1380, s24;
	[sflag:s20] =	ssyncadd.s32 $0xFFFFC000  }
0x68: {  	[spmem:s2] =	stream.indirect.scatter.add.f32 [tilespmem:s18], [sflag:$0x4], $0x80, s30, s16, $0xb8;
	[tilespmem:$0x1F400] =	vst v63  }
0x69: {  	_ =	swait.ge [sflag:s14], $0x4000  }
0x6a: {  	[sflag:s14] =	ssyncset.done $0x0  }
0x6b: {  	s31 =	sadd.s32 $0x480, s25;
	[sflag:s14] =	ssyncadd.s32 $0xFFFFC000  }
0x6c: {  	[tilespmem:s18], [sflag:$0x2] =	stream.indirect.gather [hbm4b:s4+s16], $0x80, s31, s16, $0xb8;
	[tilespmem:$0x1F400] =	vst v63  }
0x6d: {  	_ =	swait.ge [sflag:s19], $0x4000  }
0x6e: {  	[sflag:s19] =	ssyncset.done $0x0  }
0x6f: {  	s28 =	sadd.s32 $0x1400, s24;
	[sflag:s19] =	ssyncadd.s32 $0xFFFFC000  }
0x70: {  	[spmem:s2] =	stream.indirect.scatter.add.f32 [tilespmem:s17], [sflag:$0x4], $0x80, s28, s16, $0xb8;
	[tilespmem:$0x1F400] =	vst v63  }
0x71: {  	_ =	swait.ge [sflag:s14], $0x4000  }
0x72: {  	[sflag:s14] =	ssyncset.done $0x0  }
0x73: {  	s29 =	sadd.s32 $0x500, s25;
	[sflag:s14] =	ssyncadd.s32 $0xFFFFC000  }
0x74: {  	[tilespmem:s17], [sflag:$0x1] =	stream.indirect.gather [hbm4b:s4+s16], $0x80, s29, s16, $0xb8;
	[tilespmem:$0x1F400] =	vst v63  }
0x75: {  	_ =	swait.ge [sflag:s20], $0x4000  }
0x76: {  	[sflag:s20] =	ssyncset.done $0x0  }
0x77: {  	s30 =	sadd.s32 $0x1480, s24;
	[sflag:s20] =	ssyncadd.s32 $0xFFFFC000  }
0x78: {  	[spmem:s2] =	stream.indirect.scatter.add.f32 [tilespmem:s18], [sflag:$0x4], $0x80, s30, s16, $0xb8;
	[tilespmem:$0x1F400] =	vst v63  }
0x79: {  	_ =	swait.ge [sflag:s14], $0x4000  }
0x7a: {  	[sflag:s14] =	ssyncset.done $0x0  }
0x7b: {  	s31 =	sadd.s32 $0x580, s25;
	[sflag:s14] =	ssyncadd.s32 $0xFFFFC000  }
0x7c: {  	[tilespmem:s18], [sflag:$0x2] =	stream.indirect.gather [hbm4b:s4+s16], $0x80, s31, s16, $0xb8;
	[tilespmem:$0x1F400] =	vst v63  }
0x7d: {  	_ =	swait.ge [sflag:s19], $0x4000  }
0x7e: {  	[sflag:s19] =	ssyncset.done $0x0  }
0x7f: {  	s28 =	sadd.s32 $0x1500, s24;
	[sflag:s19] =	ssyncadd.s32 $0xFFFFC000  }
0x80: {  	[spmem:s2] =	stream.indirect.scatter.add.f32 [tilespmem:s17], [sflag:$0x4], $0x80, s28, s16, $0xb8;
	[tilespmem:$0x1F400] =	vst v63  }
0x81: {  	_ =	swait.ge [sflag:s14], $0x4000  }
0x82: {  	[sflag:s14] =	ssyncset.done $0x0  }
0x83: {  	s29 =	sadd.s32 $0x600, s25;
	[sflag:s14] =	ssyncadd.s32 $0xFFFFC000  }
0x84: {  	[tilespmem:s17], [sflag:$0x1] =	stream.indirect.gather [hbm4b:s4+s16], $0x80, s29, s16, $0xb8;
	[tilespmem:$0x1F400] =	vst v63  }
0x85: {  	_ =	swait.ge [sflag:s20], $0x4000  }
0x86: {  	[sflag:s20] =	ssyncset.done $0x0  }
0x87: {  	s30 =	sadd.s32 $0x1580, s24;
	[sflag:s20] =	ssyncadd.s32 $0xFFFFC000  }
0x88: {  	[spmem:s2] =	stream.indirect.scatter.add.f32 [tilespmem:s18], [sflag:$0x4], $0x80, s30, s16, $0xb8;
	[tilespmem:$0x1F400] =	vst v63  }
0x89: {  	_ =	swait.ge [sflag:s14], $0x4000  }
0x8a: {  	[sflag:s14] =	ssyncset.done $0x0  }
0x8b: {  	s31 =	sadd.s32 $0x680, s25;
	[sflag:s14] =	ssyncadd.s32 $0xFFFFC000  }
0x8c: {  	[tilespmem:s18], [sflag:$0x2] =	stream.indirect.gather [hbm4b:s4+s16], $0x80, s31, s16, $0xb8;
	[tilespmem:$0x1F400] =	vst v63  }
0x8d: {  	_ =	swait.ge [sflag:s19], $0x4000  }
0x8e: {  	[sflag:s19] =	ssyncset.done $0x0  }
0x8f: {  	s28 =	sadd.s32 $0x1600, s24;
	[sflag:s19] =	ssyncadd.s32 $0xFFFFC000  }
0x90: {  	[spmem:s2] =	stream.indirect.scatter.add.f32 [tilespmem:s17], [sflag:$0x4], $0x80, s28, s16, $0xb8;
	[tilespmem:$0x1F400] =	vst v63  }
0x91: {  	_ =	swait.ge [sflag:s14], $0x4000  }
0x92: {  	[sflag:s14] =	ssyncset.done $0x0  }
0x93: {  	s29 =	sadd.s32 $0x700, s25;
	[sflag:s14] =	ssyncadd.s32 $0xFFFFC000  }
0x94: {  	[tilespmem:s17], [sflag:$0x1] =	stream.indirect.gather [hbm4b:s4+s16], $0x80, s29, s16, $0xb8;
	[tilespmem:$0x1F400] =	vst v63  }
0x95: {  	_ =	swait.ge [sflag:s20], $0x4000  }
0x96: {  	[sflag:s20] =	ssyncset.done $0x0  }
0x97: {  	s30 =	sadd.s32 $0x1680, s24;
	[sflag:s20] =	ssyncadd.s32 $0xFFFFC000  }
0x98: {  	[spmem:s2] =	stream.indirect.scatter.add.f32 [tilespmem:s18], [sflag:$0x4], $0x80, s30, s16, $0xb8;
	[tilespmem:$0x1F400] =	vst v63  }
0x99: {  	_ =	swait.ge [sflag:s14], $0x4000  }
0x9a: {  	[sflag:s14] =	ssyncset.done $0x0  }
0x9b: {  	s25 =	sadd.s32 $0x780, s25;
	[sflag:s14] =	ssyncadd.s32 $0xFFFFC000  }
0x9c: {  	[tilespmem:s18], [sflag:$0x2] =	stream.indirect.gather [hbm4b:s4+s16], $0x80, s25, s16, $0xb8;
	[tilespmem:$0x1F400] =	vst v63  }
0x9d: {  	_ =	swait.ge [sflag:s19], $0x4000  }
0x9e: {  	[sflag:s19] =	ssyncset.done $0x0  }
0x9f: {  	s31 =	sadd.s32 $0x1700, s24;
	[sflag:s19] =	ssyncadd.s32 $0xFFFFC000  }
0xa0: {  	[spmem:s2] =	stream.indirect.scatter.add.f32 [tilespmem:s17], [sflag:$0x4], $0x80, s31, s16, $0xb8;
	[tilespmem:$0x1F400] =	vst v63  }
0xa1: {  	_ =	swait.ge [sflag:s14], $0x4000  }
0xa2: {  	[sflag:s14] =	ssyncset.done $0x0  }
0xa3: {  	[sflag:s14] =	ssyncadd.s32 $0xFFFFC000  }
0xa4: {  	s23 =	sadd.s32 $0x2000, s23;
	_ =	swait.ge [sflag:s20], $0x4000  }
0xa5: {  	p0 =	sne.s32 s23, $0xA000;
	[sflag:s20] =	ssyncset.done $0x0  }
.Ltmp0:
0xa6: {  	s24 =	sadd.s32 $0x1780, s24;
	[sflag:s20] =	ssyncadd.s32 $0xFFFFC000;
	(pc) =	sbr.rel @p0 .LBB2_2-.Ltmp0, $4  }
0xa7: {  	[spmem:s2] =	stream.indirect.scatter.add.f32 [tilespmem:s18], [sflag:$0x4], $0x80, s24, s16, $0xb8;
	[tilespmem:$0x1F400] =	vst v63  }
0xa8: {  	_ =	swait.ge [sflag:s14], $0x4000  }
0xa9: {  	[sflag:s14] =	ssyncset.done $0x0  }
0xaa: {  	s22 =	sadd.s32 $0x800, s22;
	[sflag:s14] =	ssyncadd.s32 $0xFFFFC000  }
0xab: {  	s21 =	sadd.s32 $0x1, s21  }
0xac: {  	p0 =	sne.s32 s21, s11  }
.Ltmp1:
0xad: {  	[bflag:$0x0] =	sbarrier.arrive $0xFFFF;
	(pc) =	sbr.rel @p0 .LBB2_1-.Ltmp1, $4  }
0xae: {  	[hbm:s10], [sflag:s7] =	dma.local [spmem:s13], $0x2780  }
0xaf: {  	_ =	swait.ge [sflag:s14], $0x2780  }
0xb0: {  	[sflag:s14] =	ssyncset.done $0x0  }
0xb1: {  	[sflag:s14] =	ssyncadd.s32 $0xFFFFD880  }
0xb2: {  	_ =	sfence.sel $0x180000  }
0xb3: {  	[bflag:$0x0] =	sbarrier.arrive $0xFFFF  }
0xb4: {  	p0 =	sne.s32 s1, $0x0;
	_ =	strace $0x9000004D  }
0xb5: {  	s0 =	sadd.s32 @!p0 $0x100000, s0;
	[bflag:$0x2] =	sbarrier.arrive $0xFFFF  }
0xb6: {  	[sflag:s0] =	ssyncadd.tile.s32 @!p0 $0x1;
	_ =	shalt  }
.Lfunc_end2:
_tile_overlayer_lowered:
.L_overlay_start_2:
0xb7: {  	(tag) =	ssettag $0x2  }
0xb8: {  	s0 =	rddreg [dreg:$0x0];
	s2 =	stileid.u32  }
0xb9: {  	s1 =	rddreg [dreg:$0x1];
	p0 =	sne.s32 s2, $0x0  }
0xba: {  	s3 =	rddreg [dreg:$0x2];
	[bflag:$0x3] =	sbarrier.arrive $0xFFFF;
	s2 =	simm.s32 @!p0 $0x1C04  }
0xbb: {  	[timem:s3], [sflag:s2] =	dma.local @!p0 [hbm:s0], s1  }
0xbc: {  	s0 =	simm.s32 @!p0 $0x4  }
0xbd: {  	_ =	swait.ge @!p0 [sflag:s0], s1  }
0xbe: {  	s1 =	ssub.s32 @!p0 $0x0, s1;
	[sflag:s0] =	ssyncset.done @!p0 $0x0  }
0xbf: {  	[sflag:s0] =	ssyncadd.s32 @!p0 s1  }
0xc0: {  	[bflag:$0x3] =	sbarrier.arrive $0xFFFF  }
0xc1: {  	_ =	shalt  }

// kernel: kernel.24.cloned.1.call-start
scs
__scs_entry_jumppad:
0x0: {  	(pc) =	sbr.rel $0x88, $3  }
0x1: {  	(tag) =	ssettag $0x0;
	lr =	simm.s32 $0x1  }
0x2: {  	[smem:$0x3F91] =	sst lr;
	_ =	strace $0xD0000000  }
0x3: {  	_ = 	snop  }
0x4: {  	_ = 	snop  }
0x5: {  	_ = 	snop  }
0x6: {  	_ = 	snop  }
0x7: {  	_ = 	snop  }
__scs_overlays_trampoline_lowered:
0x8: {  	[smem:$0x3FA0] =	sst s0  }
0x9: {  	[smem:$0x3FA1] =	sst s1  }
0xa: {  	[smem:$0x3FA2] =	sst s2  }
0xb: {  	[smem:$0x3FA3] =	sst s3  }
0xc: {  	[smem:$0x3FA4] =	sst s4  }
0xd: {  	[smem:$0x3FA5] =	sst s5  }
0xe: {  	[smem:$0x3FA6] =	sst s6  }
0xf: {  	[smem:$0x3FA7] =	sst s7  }
0x10: {  	[smem:$0x3FA8] =	sst s8  }
0x11: {  	[smem:$0x3FA9] =	sst s9;
	s0 =	simm.s32 @!p0 $0x0  }
0x12: {  	s1 =	sld [smem:$0x3F8F];
	s0 =	simm.s32 @p0 $0x1  }
0x13: {  	[smem:$0x3FAA] =	sst s0;
	s0 =	simm.s32 @!p1 $0x0  }
0x14: {  	s2 =	sld [smem:$0x3F8E];
	s0 =	simm.s32 @p1 $0x1  }
0x15: {  	[smem:$0x3FAB] =	sst s0;
	s0 =	simm.s32 @!p2 $0x0  }
0x16: {  	s3 =	sld [smem:$0x3FDB];
	s0 =	simm.s32 @p2 $0x1  }
0x17: {  	s4 =	simm.s32 $0x1BF5;
	[smem:$0x3FAD] =	sst s0  }
0x18: {  	s0 =	sld [smem:$0x3F90];
	_ =	swait.ge [sflag:s4], $0x0  }
0x19: {  	s7 =	sld [smem:$0x3F91]  }
0x1a: {  	s8 =	sadd.s32 $0xFFFFE003, lr  }
0x1b: {  	s9 =	sadd.s32 $0xFFFFFEF7, lr;
	s5 =	simm.s32 $0xFFFFFFFF;
	p2 =	slt.u32 s8, $0xFFFFF086  }
0x1c: {  	p1 =	slt.u32 s9, $0xF7A;
	s5 =	simm.s32 @!p2 $0x0  }
0x1d: {  	s5 =	simm.s32 @p1 $0x1;
	p0 =	seq.s32 s7, s2  }
0x1e: {  	s7 =	smul.u32 @!p0 $0xF7A, s2;
	p2 =	seq.s32 @!p0 s5, $0x0  }
0x1f: {  	s9 =	smul.u32 $0xF7A, s1;
	s8 =	simm.s32 @!p0 $0x1BF5;
	p2 =	por !p2, p0  }
0x20: {  	[sflag:s8] =	ssyncset.s32 @!p0 $0xFFFFF086;
	s6 =	sadd.s32 @!p0 s3, s7;
	s7 =	simm.s32 @!p0 $0x108  }
0x21: {  	s3 =	sadd.s32 s3, s9;
	s6 =	sadd.s32 @!p0 $0x88, s6;
	s7 =	simm.s32 @p2 $0x1082  }
0x22: {  	[simem:s7], [sflag:s8] =	dma.local @!p0 [hbm:s6], $0xF7A  }
0x23: {  	s9 =	sor.u32 $0xD0000000, s2;
	s6 =	simm.s32 $0x108;
	_ =	swait.ge @!p0 [sflag:s8], $0x0  }
0x24: {  	s3 =	sadd.s32 $0x88, s3;
	s6 =	simm.s32 @!p1 $0x1082;
	[sflag:s4] =	ssyncset.s32 $0xFFFFF086  }
0x25: {  	[simem:s6], [sflag:s4] =	dma.local [hbm:s3], $0xF7A  }
0x26: {  	[smem:$0x3F91] =	sst s1;
	(tag) =	ssettag s2;
	_ =	strace s9  }
0x27: {  	s1 =	sld [smem:$0x3FA1]  }
0x28: {  	s2 =	sld [smem:$0x3FA2]  }
0x29: {  	s4 =	sld [smem:$0x3FA4]  }
0x2a: {  	p0 =	seq.s32 s5, $0x0;
	s5 =	sld [smem:$0x3FA5]  }
0x2b: {  	s6 =	sld [smem:$0x3FA6]  }
0x2c: {  	s7 =	sld [smem:$0x3FA7]  }
0x2d: {  	s3 =	simm.s32 $0x108;
	s8 =	sld [smem:$0x3FA8]  }
0x2e: {  	s3 =	simm.s32 @!p0 $0x1082;
	s9 =	sld [smem:$0x3FA9]  }
0x2f: {  	lr =	sadd.s32 s0, s3;
	s0 =	sld [smem:$0x3FA0]  }
0x30: {  	s3 =	sld [smem:$0x3FA3]  }
0x31: {  	[smem:$0x3FAC] =	sst s10  }
0x32: {  	s10 =	sld [smem:$0x3FAA];
	_ =	sdelay $0x3  }
0x33: {  	p0 =	seq.s32 s10, $0x1;
	s10 =	sld [smem:$0x3FAC];
	_ =	sdelay $0x3  }
0x34: {  	[smem:$0x3FAC] =	sst s10  }
0x35: {  	s10 =	sld [smem:$0x3FAB];
	_ =	sdelay $0x3  }
0x36: {  	p1 =	seq.s32 s10, $0x1;
	s10 =	sld [smem:$0x3FAC];
	_ =	sdelay $0x3  }
0x37: {  	[smem:$0x3FAC] =	sst s10  }
0x38: {  	s10 =	sld [smem:$0x3FAD]  }
0x39: {  	_ = 	snop;
	(pc) =	sbr.ind lr, $3  }
0x3a: {  	_ = 	snop  }
0x3b: {  	_ = 	snop  }
0x3c: {  	p2 =	seq.s32 s10, $0x1;
	s10 =	sld [smem:$0x3FAC]  }
0x3d: {  	_ =	shalt  }
0x3e: {  	_ =	shalt  }
0x3f: {  	_ =	shalt  }
0x40: {  	_ =	shalt  }
0x41: {  	_ =	shalt  }
0x42: {  	_ =	shalt  }
0x43: {  	_ =	shalt  }
0x44: {  	_ =	shalt  }
0x45: {  	_ =	shalt  }
0x46: {  	_ =	shalt  }
0x47: {  	_ =	shalt  }
0x48: {  	_ =	shalt  }
0x49: {  	_ =	shalt  }
0x4a: {  	_ =	shalt  }
0x4b: {  	_ =	shalt  }
0x4c: {  	_ =	shalt  }
0x4d: {  	_ =	shalt  }
0x4e: {  	_ =	shalt  }
0x4f: {  	_ =	shalt  }
0x50: {  	_ =	shalt  }
0x51: {  	_ =	shalt  }
0x52: {  	_ =	shalt  }
0x53: {  	_ =	shalt  }
0x54: {  	_ =	shalt  }
0x55: {  	_ =	shalt  }
0x56: {  	_ =	shalt  }
0x57: {  	_ =	shalt  }
0x58: {  	_ =	shalt  }
0x59: {  	_ =	shalt  }
0x5a: {  	_ =	shalt  }
0x5b: {  	_ =	shalt  }
0x5c: {  	_ =	shalt  }
0x5d: {  	_ =	shalt  }
0x5e: {  	_ =	shalt  }
0x5f: {  	_ =	shalt  }
0x60: {  	_ =	shalt  }
0x61: {  	_ =	shalt  }
0x62: {  	_ =	shalt  }
0x63: {  	_ =	shalt  }
0x64: {  	_ =	shalt  }
0x65: {  	_ =	shalt  }
0x66: {  	_ =	shalt  }
0x67: {  	_ =	shalt  }
0x68: {  	_ =	shalt  }
0x69: {  	_ =	shalt  }
0x6a: {  	_ =	shalt  }
0x6b: {  	_ =	shalt  }
0x6c: {  	_ =	shalt  }
0x6d: {  	_ =	shalt  }
0x6e: {  	_ =	shalt  }
0x6f: {  	_ =	shalt  }
0x70: {  	_ =	shalt  }
0x71: {  	_ =	shalt  }
0x72: {  	_ =	shalt  }
0x73: {  	_ =	shalt  }
0x74: {  	_ =	shalt  }
0x75: {  	_ =	shalt  }
0x76: {  	_ =	shalt  }
0x77: {  	_ =	shalt  }
0x78: {  	_ =	shalt  }
0x79: {  	_ =	shalt  }
0x7a: {  	_ =	shalt  }
0x7b: {  	_ =	shalt  }
0x7c: {  	_ =	shalt  }
0x7d: {  	_ =	shalt  }
0x7e: {  	_ =	shalt  }
0x7f: {  	_ =	shalt  }
0x80: {  	_ =	shalt  }
0x81: {  	_ =	shalt  }
0x82: {  	_ =	shalt  }
0x83: {  	_ =	shalt  }
0x84: {  	_ =	shalt  }
0x85: {  	_ =	shalt  }
0x86: {  	_ =	shalt  }
0x87: {  	_ =	shalt  }
.Lfunc_end0:
.L_simem_size_0:
called_computation.2_lowered:
.L_overlay_start_0:
0x88: {  	s2 =	sld [smem:$0x3FD9]  }
0x89: {  	s3 =	sld [smem:$0x3FFE];
	_ =	sdelay $0x1  }
0x8a: {  	s1 =	srdreg.scid  }
0x8b: {  	s0 =	sand.u32 $0x1, s1  }
0x8c: {  	s16 =	sshll.u32 s0, $0xA;
	s2 =	sadd.s32 s3, s2  }
0x8d: {  	s2 =	sadd.s32 s2, s16  }
0x8e: {  	[smem:$0x3FB8] =	sst s2  }
0x8f: {  	_ = 	snop  }
0x90: {  	(tm) =	ssettm $0x1  }
0x91: {  	s17 =	sld [smem:$0x3FFB];
	_ =	sdelay $0x3  }
0x92: {  	_ =	strace s17  }
0x93: {  	s2 =	sld [smem:$0x3FFC];
	_ =	sdelay $0x3  }
0x94: {  	_ =	strace s2  }
0x95: {  	s2 =	sld [smem:$0x3FFD];
	_ =	sdelay $0x3  }
0x96: {  	_ =	strace s2  }
0x97: {  	_ =	strace $0x8FFFFFFF  }
0x98: {  	s18 =	sld [smem:$0x3FDB];
	_ =	sdelay $0x1  }
0x99: {  	s19 =	simm.s32 $_scs_section_size  }
0x9a: {  	s4 =	simm.s32 $_size__tile_overlayer_lowered;
	s5 =	simm.s32 $_tile_overlayer_lowered  }
0x9b: {  	s22 =	simm.s32 $0x1BFF;
	s21 =	sshll.u32 s5, $0x1;
	s2 =	sadd.s32 s19, s18  }
0x9c: {  	s6 =	simm.s32 $0x0;
	s20 =	sshll.u32 s4, $0x1;
	s4 =	sadd.s32 s21, s2  }
0x9d: {  	[timem:s6], [sflag:s22] =	dma.local [hbm:s4], s20  }
0x9e: {  	_ =	swait.ge [sflag:s22], s20  }
0x9f: {  	s3 =	ssub.s32 $0x0, s20;
	[sflag:s22] =	ssyncset.done $0x0  }
0xa0: {  	[sflag:s22] =	ssyncadd.s32 s3;
	_ =	sdelay $0x1  }
0xa1: {  	s23 =	simm.s32 $0x1B8B  }
0xa2: {  	_ =	swait.ge [sflag:s23], $0x1  }
0xa3: {  	[sflag:s23] =	ssyncset.done $0x0  }
0xa4: {  	s25 =	simm.s32 $0x1B8E;
	s24 =	sld [smem:$0x3FFE];
	[sflag:s23] =	ssyncadd.s32 $0xFFFFFFFF  }
0xa5: {  	s26 =	simm.s32 $execute0_lowered;
	[smem:$0x3FD2] =	sst s25  }
0xa6: {  	s4 =	sshll.u32 s26, $0x1;
	_ =	strace $0x80000049;
	[dreg:$0x1] =	wrdreg $0xFFFFFFFF  }
0xa7: {  	s28 =	simm.s32 $_size_execute0_lowered;
	s2 =	sadd.s32 s2, s4;
	[dreg:$0x0] =	wrdreg $0x0  }
0xa8: {  	s4 =	sshll.u32 s28, $0x1;
	[dreg:$0x2] =	wrdreg s2  }
0xa9: {  	[dreg:$0x3] =	wrdreg s4  }
0xaa: {  	[dreg:$0x4] =	wrdreg $0xC0  }
0xab: {  	_ =	task [dreg:s6], $0x5FFFF  }
0xac: {  	[dreg:$0x1] =	wrdreg $0xFFFFFFFF  }
0xad: {  	[dreg:$0x0] =	wrdreg $0x60  }
0xae: {  	[dreg:$0x2] =	wrdreg s24  }
0xaf: {  	[dreg:$0x3] =	wrdreg $0xB8000  }
0xb0: {  	[dreg:$0x4] =	wrdreg $0xA  }
0xb1: {  	_ =	task.clear_ibuf [dreg:s6], $0x5FFFF;
	_ =	strace $0x90000049  }
0xb2: {  	s29 =	simm.s32 $0xA;
	_ =	strace $0x8000004B  }
0xb3: {  	_ =	swait.ge [sflag:s29], $0x1  }
0xb4: {  	[sflag:s29] =	ssyncadd.s32 $0xFFFFFFFF  }
0xb5: {  	_ =	strace $0x9000004B  }
0xb6: {  	_ =	sfence  }
0xb7: {  	s30 =	sld [smem:$0x0];
	_ =	sdelay $0x2  }
0xb8: {  	s31 =	sshll.u32 s1, $0xD;
	s1 =	sshrl.u32 s1, $0x2  }
0xb9: {  	s3 =	sand.u32 $0x4000, s31;
	s1 =	sadd.s32 s1, s30  }
0xba: {  	s0 =	sor.u32 s3, s0;
	s1 =	sshll.u32 s1, $0x11  }
0xbb: {  	s0 =	sor.u32 s1, s0  }
0xbc: {  	s0 =	sadd.s32 $0x8F2B, s0  }
0xbd: {  	[sflag:s0] =	ssyncadd.remote.s32 $0x1  }
0xbe: {  	_ =	sfence.sel $0xFFFF  }
0xbf: {  	[dreg:$0x0] =	wrdreg $0xFFFFFFFF;
	(pc) =	sbr.abs _section_cstart, $3  }
0xc0: {  	[dreg:$0x1] =	wrdreg $0xFFFFFFFF  }
0xc1: {  	_ =	task.clear_ibuf [dreg:s6], $0x2FFFF;
	_ =	strace $0x9FFFFFFF  }
0xc2: {  	(tm) =	ssettm $0x7FFFFFFF  }
0xc3: {  	_ =	shalt  }
tec
execute0_lowered:
.L_overlay_start_1:
0x0: {  	(tag) =	ssettag $0x1  }
0x1: {  	s0 =	srdreg.scid;
	s6 =	rddreg [dreg:$0x0]  }
0x2: {  	s2 =	rddreg [dreg:$0x1];
	s1 =	stileid.u32  }
0x3: {  	s3 =	simm.s32 $0x0;
	s17 =	simm.s32 $0x3800;
	s18 =	simm.s32 $0x7800  }
0x4: {  	s19 =	simm.s32 $0x1;
	s20 =	simm.s32 $0x2;
	s8 =	smul.u32 $0x13C00, s1  }
0x5: {  	s7 =	sand.u32 $0x1, s0;
	s0 =	rddreg [dreg:$0x2];
	s14 =	smul.u32 $0x4F000, s1  }
0x6: {  	s21 =	simm.s32 $0x0;
	[smem:$0x7FF] =	sst s3;
	s30 =	smul.u32 $0x2800, s1  }
0x7: {  	s29 =	sshll.u32 s1, $0x6;
	s4 =	sshll.u32 s7, $0x4;
	s10 =	smul.u32 $0x13C000, s7  }
0x8: {  	_ =	strace $0x8000004A;
	s25 =	ssub.s32 $0x2, s7;
	s26 =	smul.u32 $0x28000, s7  }
0x9: {  	s7 =	sor.u32 $0x1C04, s29;
	s4 =	sor.u32 s1, s4;
	s12 =	sshrl.u32 s8, $0x3  }
0xa: {  	s13 =	sshrl.u32 s25, $0x1;
	s28 =	sshrl.u32 s14, $0x2;
	s14 =	simm.s32 $0x4  }
0xb: {  	s5 =	smul.u32 $0x2800, s4;
	s4 =	sadd.s32 $0x45200, s6;
	s12 =	sadd.s32 s12, s6  }
0xc: {  	s8 =	sadd.s32 s8, s10;
	s13 =	ssub.s32 s25, s13;
	s16 =	sadd.s32 s28, s2  }
0xd: {  	s31 =	sadd.s32 s30, s26;
	s8 =	sshrl.u32 s8, $0x3;
	s9 =	sshrl.u32 s5, $0x3  }
0xe: {  	s5 =	sadd.s32 $0x14000, s6;
	s15 =	sadd.s32 s8, s6;
	s11 =	sadd.s32 s9, s6  }
0xf: {  	s6 =	sadd.s32 $0x6C400, s12;
	s9 =	sadd.s32 s5, s9;
	s10 =	sadd.s32 $0x93C00, s15  }
0x10: {  	s12 =	sadd.s32 $0x800, s31;
	s15 =	simm.s32 $0x1000;
	s8 =	sadd.s32 $0x8000, s11  }
0x11: {  	s11 =	smax.u32 s13, $0x1;
	s13 =	sshrl.u32 s16, $0x3;
	s16 =	simm.s32 $0x80  }
.LBB2_1:
0x12: {  	[spmem:s13], [sflag:s7] =	dma.local [hbm:s6], $0x2780  }
0x13: {  	_ =	swait.ge [sflag:s14], $0x2780  }
0x14: {  	[sflag:s14] =	ssyncset.done $0x0  }
0x15: {  	[sflag:s14] =	ssyncadd.s32 $0xFFFFD880  }
0x16: {  	[tilespmem:s15], [sflag:$0x4] =	stream.linear.gather [hbm4b:s8+s3], $0x2800, $0x38;
	[tilespmem:$0x1F400] =	vst v63  }
0x17: {  	_ =	swait.ge [sflag:s14], $0x2800  }
0x18: {  	[sflag:s14] =	ssyncset.done $0x0  }
0x19: {  	[sflag:s14] =	ssyncadd.s32 $0xFFFFD800  }
0x1a: {  	[tilespmem:s3], [sflag:$0x4] =	stream.linear.gather [hbm4b:s9+s3], $0x800, $0x38;
	[tilespmem:$0x1F400] =	vst v63  }
0x1b: {  	_ =	swait.ge [sflag:s14], $0x800  }
0x1c: {  	[sflag:s14] =	ssyncset.done $0x0  }
0x1d: {  	[sflag:s14] =	ssyncadd.s32 $0xFFFFF800  }
0x1e: {  	s22 =	simm.s32 $0x0;
	s23 =	simm.s32 $0x0;
	[bflag:$0x0] =	sbarrier.arrive $0xFFFF  }
.LBB2_2:
0x1f: {  	p0 =	seq.s32 s23, $0x0  }
0x20: {  	s24 =	simm.s32 @!p0 $0x3  }
0x21: {  	p1 =	seq.s32 @!p0 s23, $0x8000;
	_ =	swait.ge @!p0 [sflag:s24], $0x800  }
0x22: {  	p1 =	por p0, !p1;
	[sflag:s24] =	ssyncset.done @!p0 $0x0  }
0x23: {  	s25 =	simm.s32 @!p0 $0x0;
	[sflag:s24] =	ssyncadd.s32 @!p0 $0xFFFFF800;
	s24 =	sadd.s32 @p1 s22, s12  }
0x24: {  	s25 =	sxor.u32 @p1 $0xFFFFFFFF, s22;
	s24 =	sshrl.u32 @p1 s24, $0x3  }
0x25: {  	s25 =	sand.u32 @p1 $0x800, s25;
	s24 =	sadd.s32 @p1 s5, s24  }
0x26: {  	[tilespmem:s25], [sflag:$0x3] =	stream.linear.gather @p1 [hbm4b:s24+s3], $0x800, $0x38;
	[tilespmem:$0x1F400] =	vst v63  }
0x27: {  	s25 =	sand.u32 @p1 $0x800, s22  }
0x28: {  	[tilespmem:s17], [sflag:$0x1] =	stream.indirect.gather [hbm4b:s4+s16], $0x80, s25, s16, $0xb8;
	[tilespmem:$0x1F400] =	vst v63  }
0x29: {  	s28 =	sadd.s32 $0x80, s25  }
0x2a: {  	[tilespmem:s18], [sflag:$0x2] =	stream.indirect.gather [hbm4b:s4+s16], $0x80, s28, s16, $0xb8;
	[tilespmem:$0x1F400] =	vst v63  }
0x2b: {  	_ =	swait.ge [sflag:s19], $0x4000  }
0x2c: {  	s24 =	sshra.s32 s23, $0x2;
	[sflag:s19] =	ssyncset.done $0x0  }
0x2d: {  	s26 =	sadd.s32 $0x1000, s24;
	[sflag:s19] =	ssyncadd.s32 $0xFFFFC000  }
0x2e: {  	[spmem:s2] =	stream.indirect.scatter.add.f32 [tilespmem:s17], [sflag:$0x4], $0x80, s26, s16, $0xb8;
	[tilespmem:$0x1F400] =	vst v63  }
0x2f: {  	_ =	swait.ge [sflag:s14], $0x4000  }
0x30: {  	[sflag:s14] =	ssyncset.done $0x0  }
0x31: {  	s29 =	sadd.s32 $0x100, s25;
	[sflag:s14] =	ssyncadd.s32 $0xFFFFC000  }
0x32: {  	[tilespmem:s17], [sflag:$0x1] =	stream.indirect.gather [hbm4b:s4+s16], $0x80, s29, s16, $0xb8;
	[tilespmem:$0x1F400] =	vst v63  }
0x33: {  	_ =	swait.ge [sflag:s20], $0x4000  }
0x34: {  	[sflag:s20] =	ssyncset.done $0x0  }
0x35: {  	s30 =	sadd.s32 $0x1080, s24;
	[sflag:s20] =	ssyncadd.s32 $0xFFFFC000  }
0x36: {  	[spmem:s2] =	stream.indirect.scatter.add.f32 [tilespmem:s18], [sflag:$0x4], $0x80, s30, s16, $0xb8;
	[tilespmem:$0x1F400] =	vst v63  }
0x37: {  	_ =	swait.ge [sflag:s14], $0x4000  }
0x38: {  	[sflag:s14] =	ssyncset.done $0x0  }
0x39: {  	s31 =	sadd.s32 $0x180, s25;
	[sflag:s14] =	ssyncadd.s32 $0xFFFFC000  }
0x3a: {  	[tilespmem:s18], [sflag:$0x2] =	stream.indirect.gather [hbm4b:s4+s16], $0x80, s31, s16, $0xb8;
	[tilespmem:$0x1F400] =	vst v63  }
0x3b: {  	_ =	swait.ge [sflag:s19], $0x4000  }
0x3c: {  	[sflag:s19] =	ssyncset.done $0x0  }
0x3d: {  	s28 =	sadd.s32 $0x1100, s24;
	[sflag:s19] =	ssyncadd.s32 $0xFFFFC000  }
0x3e: {  	[spmem:s2] =	stream.indirect.scatter.add.f32 [tilespmem:s17], [sflag:$0x4], $0x80, s28, s16, $0xb8;
	[tilespmem:$0x1F400] =	vst v63  }
0x3f: {  	_ =	swait.ge [sflag:s14], $0x4000  }
0x40: {  	[sflag:s14] =	ssyncset.done $0x0  }
0x41: {  	s29 =	sadd.s32 $0x200, s25;
	[sflag:s14] =	ssyncadd.s32 $0xFFFFC000  }
0x42: {  	[tilespmem:s17], [sflag:$0x1] =	stream.indirect.gather [hbm4b:s4+s16], $0x80, s29, s16, $0xb8;
	[tilespmem:$0x1F400] =	vst v63  }
0x43: {  	_ =	swait.ge [sflag:s20], $0x4000  }
0x44: {  	[sflag:s20] =	ssyncset.done $0x0  }
0x45: {  	s30 =	sadd.s32 $0x1180, s24;
	[sflag:s20] =	ssyncadd.s32 $0xFFFFC000  }
0x46: {  	[spmem:s2] =	stream.indirect.scatter.add.f32 [tilespmem:s18], [sflag:$0x4], $0x80, s30, s16, $0xb8;
	[tilespmem:$0x1F400] =	vst v63  }
0x47: {  	_ =	swait.ge [sflag:s14], $0x4000  }
0x48: {  	[sflag:s14] =	ssyncset.done $0x0  }
0x49: {  	s31 =	sadd.s32 $0x280, s25;
	[sflag:s14] =	ssyncadd.s32 $0xFFFFC000  }
0x4a: {  	[tilespmem:s18], [sflag:$0x2] =	stream.indirect.gather [hbm4b:s4+s16], $0x80, s31, s16, $0xb8;
	[tilespmem:$0x1F400] =	vst v63  }
0x4b: {  	_ =	swait.ge [sflag:s19], $0x4000  }
0x4c: {  	[sflag:s19] =	ssyncset.done $0x0  }
0x4d: {  	s28 =	sadd.s32 $0x1200, s24;
	[sflag:s19] =	ssyncadd.s32 $0xFFFFC000  }
0x4e: {  	[spmem:s2] =	stream.indirect.scatter.add.f32 [tilespmem:s17], [sflag:$0x4], $0x80, s28, s16, $0xb8;
	[tilespmem:$0x1F400] =	vst v63  }
0x4f: {  	_ =	swait.ge [sflag:s14], $0x4000  }
0x50: {  	[sflag:s14] =	ssyncset.done $0x0  }
0x51: {  	s29 =	sadd.s32 $0x300, s25;
	[sflag:s14] =	ssyncadd.s32 $0xFFFFC000  }
0x52: {  	[tilespmem:s17], [sflag:$0x1] =	stream.indirect.gather [hbm4b:s4+s16], $0x80, s29, s16, $0xb8;
	[tilespmem:$0x1F400] =	vst v63  }
0x53: {  	_ =	swait.ge [sflag:s20], $0x4000  }
0x54: {  	[sflag:s20] =	ssyncset.done $0x0  }
0x55: {  	s30 =	sadd.s32 $0x1280, s24;
	[sflag:s20] =	ssyncadd.s32 $0xFFFFC000  }
0x56: {  	[spmem:s2] =	stream.indirect.scatter.add.f32 [tilespmem:s18], [sflag:$0x4], $0x80, s30, s16, $0xb8;
	[tilespmem:$0x1F400] =	vst v63  }
0x57: {  	_ =	swait.ge [sflag:s14], $0x4000  }
0x58: {  	[sflag:s14] =	ssyncset.done $0x0  }
0x59: {  	s31 =	sadd.s32 $0x380, s25;
	[sflag:s14] =	ssyncadd.s32 $0xFFFFC000  }
0x5a: {  	[tilespmem:s18], [sflag:$0x2] =	stream.indirect.gather [hbm4b:s4+s16], $0x80, s31, s16, $0xb8;
	[tilespmem:$0x1F400] =	vst v63  }
0x5b: {  	_ =	swait.ge [sflag:s19], $0x4000  }
0x5c: {  	[sflag:s19] =	ssyncset.done $0x0  }
0x5d: {  	s28 =	sadd.s32 $0x1300, s24;
	[sflag:s19] =	ssyncadd.s32 $0xFFFFC000  }
0x5e: {  	[spmem:s2] =	stream.indirect.scatter.add.f32 [tilespmem:s17], [sflag:$0x4], $0x80, s28, s16, $0xb8;
	[tilespmem:$0x1F400] =	vst v63  }
0x5f: {  	_ =	swait.ge [sflag:s14], $0x4000  }
0x60: {  	[sflag:s14] =	ssyncset.done $0x0  }
0x61: {  	s29 =	sadd.s32 $0x400, s25;
	[sflag:s14] =	ssyncadd.s32 $0xFFFFC000  }
0x62: {  	[tilespmem:s17], [sflag:$0x1] =	stream.indirect.gather [hbm4b:s4+s16], $0x80, s29, s16, $0xb8;
	[tilespmem:$0x1F400] =	vst v63  }
0x63: {  	_ =	swait.ge [sflag:s20], $0x4000  }
0x64: {  	[sflag:s20] =	ssyncset.done $0x0  }
0x65: {  	s30 =	sadd.s32 $0x1380, s24;
	[sflag:s20] =	ssyncadd.s32 $0xFFFFC000  }
0x66: {  	[spmem:s2] =	stream.indirect.scatter.add.f32 [tilespmem:s18], [sflag:$0x4], $0x80, s30, s16, $0xb8;
	[tilespmem:$0x1F400] =	vst v63  }
0x67: {  	_ =	swait.ge [sflag:s14], $0x4000  }
0x68: {  	[sflag:s14] =	ssyncset.done $0x0  }
0x69: {  	s31 =	sadd.s32 $0x480, s25;
	[sflag:s14] =	ssyncadd.s32 $0xFFFFC000  }
0x6a: {  	[tilespmem:s18], [sflag:$0x2] =	stream.indirect.gather [hbm4b:s4+s16], $0x80, s31, s16, $0xb8;
	[tilespmem:$0x1F400] =	vst v63  }
0x6b: {  	_ =	swait.ge [sflag:s19], $0x4000  }
0x6c: {  	[sflag:s19] =	ssyncset.done $0x0  }
0x6d: {  	s28 =	sadd.s32 $0x1400, s24;
	[sflag:s19] =	ssyncadd.s32 $0xFFFFC000  }
0x6e: {  	[spmem:s2] =	stream.indirect.scatter.add.f32 [tilespmem:s17], [sflag:$0x4], $0x80, s28, s16, $0xb8;
	[tilespmem:$0x1F400] =	vst v63  }
0x6f: {  	_ =	swait.ge [sflag:s14], $0x4000  }
0x70: {  	[sflag:s14] =	ssyncset.done $0x0  }
0x71: {  	s29 =	sadd.s32 $0x500, s25;
	[sflag:s14] =	ssyncadd.s32 $0xFFFFC000  }
0x72: {  	[tilespmem:s17], [sflag:$0x1] =	stream.indirect.gather [hbm4b:s4+s16], $0x80, s29, s16, $0xb8;
	[tilespmem:$0x1F400] =	vst v63  }
0x73: {  	_ =	swait.ge [sflag:s20], $0x4000  }
0x74: {  	[sflag:s20] =	ssyncset.done $0x0  }
0x75: {  	s30 =	sadd.s32 $0x1480, s24;
	[sflag:s20] =	ssyncadd.s32 $0xFFFFC000  }
0x76: {  	[spmem:s2] =	stream.indirect.scatter.add.f32 [tilespmem:s18], [sflag:$0x4], $0x80, s30, s16, $0xb8;
	[tilespmem:$0x1F400] =	vst v63  }
0x77: {  	_ =	swait.ge [sflag:s14], $0x4000  }
0x78: {  	[sflag:s14] =	ssyncset.done $0x0  }
0x79: {  	s31 =	sadd.s32 $0x580, s25;
	[sflag:s14] =	ssyncadd.s32 $0xFFFFC000  }
0x7a: {  	[tilespmem:s18], [sflag:$0x2] =	stream.indirect.gather [hbm4b:s4+s16], $0x80, s31, s16, $0xb8;
	[tilespmem:$0x1F400] =	vst v63  }
0x7b: {  	_ =	swait.ge [sflag:s19], $0x4000  }
0x7c: {  	[sflag:s19] =	ssyncset.done $0x0  }
0x7d: {  	s28 =	sadd.s32 $0x1500, s24;
	[sflag:s19] =	ssyncadd.s32 $0xFFFFC000  }
0x7e: {  	[spmem:s2] =	stream.indirect.scatter.add.f32 [tilespmem:s17], [sflag:$0x4], $0x80, s28, s16, $0xb8;
	[tilespmem:$0x1F400] =	vst v63  }
0x7f: {  	_ =	swait.ge [sflag:s14], $0x4000  }
0x80: {  	[sflag:s14] =	ssyncset.done $0x0  }
0x81: {  	s29 =	sadd.s32 $0x600, s25;
	[sflag:s14] =	ssyncadd.s32 $0xFFFFC000  }
0x82: {  	[tilespmem:s17], [sflag:$0x1] =	stream.indirect.gather [hbm4b:s4+s16], $0x80, s29, s16, $0xb8;
	[tilespmem:$0x1F400] =	vst v63  }
0x83: {  	_ =	swait.ge [sflag:s20], $0x4000  }
0x84: {  	[sflag:s20] =	ssyncset.done $0x0  }
0x85: {  	s30 =	sadd.s32 $0x1580, s24;
	[sflag:s20] =	ssyncadd.s32 $0xFFFFC000  }
0x86: {  	[spmem:s2] =	stream.indirect.scatter.add.f32 [tilespmem:s18], [sflag:$0x4], $0x80, s30, s16, $0xb8;
	[tilespmem:$0x1F400] =	vst v63  }
0x87: {  	_ =	swait.ge [sflag:s14], $0x4000  }
0x88: {  	[sflag:s14] =	ssyncset.done $0x0  }
0x89: {  	s31 =	sadd.s32 $0x680, s25;
	[sflag:s14] =	ssyncadd.s32 $0xFFFFC000  }
0x8a: {  	[tilespmem:s18], [sflag:$0x2] =	stream.indirect.gather [hbm4b:s4+s16], $0x80, s31, s16, $0xb8;
	[tilespmem:$0x1F400] =	vst v63  }
0x8b: {  	_ =	swait.ge [sflag:s19], $0x4000  }
0x8c: {  	[sflag:s19] =	ssyncset.done $0x0  }
0x8d: {  	s28 =	sadd.s32 $0x1600, s24;
	[sflag:s19] =	ssyncadd.s32 $0xFFFFC000  }
0x8e: {  	[spmem:s2] =	stream.indirect.scatter.add.f32 [tilespmem:s17], [sflag:$0x4], $0x80, s28, s16, $0xb8;
	[tilespmem:$0x1F400] =	vst v63  }
0x8f: {  	_ =	swait.ge [sflag:s14], $0x4000  }
0x90: {  	[sflag:s14] =	ssyncset.done $0x0  }
0x91: {  	s29 =	sadd.s32 $0x700, s25;
	[sflag:s14] =	ssyncadd.s32 $0xFFFFC000  }
0x92: {  	[tilespmem:s17], [sflag:$0x1] =	stream.indirect.gather [hbm4b:s4+s16], $0x80, s29, s16, $0xb8;
	[tilespmem:$0x1F400] =	vst v63  }
0x93: {  	_ =	swait.ge [sflag:s20], $0x4000  }
0x94: {  	[sflag:s20] =	ssyncset.done $0x0  }
0x95: {  	s30 =	sadd.s32 $0x1680, s24;
	[sflag:s20] =	ssyncadd.s32 $0xFFFFC000  }
0x96: {  	[spmem:s2] =	stream.indirect.scatter.add.f32 [tilespmem:s18], [sflag:$0x4], $0x80, s30, s16, $0xb8;
	[tilespmem:$0x1F400] =	vst v63  }
0x97: {  	_ =	swait.ge [sflag:s14], $0x4000  }
0x98: {  	[sflag:s14] =	ssyncset.done $0x0  }
0x99: {  	s25 =	sadd.s32 $0x780, s25;
	[sflag:s14] =	ssyncadd.s32 $0xFFFFC000  }
0x9a: {  	[tilespmem:s18], [sflag:$0x2] =	stream.indirect.gather [hbm4b:s4+s16], $0x80, s25, s16, $0xb8;
	[tilespmem:$0x1F400] =	vst v63  }
0x9b: {  	_ =	swait.ge [sflag:s19], $0x4000  }
0x9c: {  	[sflag:s19] =	ssyncset.done $0x0  }
0x9d: {  	s31 =	sadd.s32 $0x1700, s24;
	[sflag:s19] =	ssyncadd.s32 $0xFFFFC000  }
0x9e: {  	[spmem:s2] =	stream.indirect.scatter.add.f32 [tilespmem:s17], [sflag:$0x4], $0x80, s31, s16, $0xb8;
	[tilespmem:$0x1F400] =	vst v63  }
0x9f: {  	_ =	swait.ge [sflag:s14], $0x4000  }
0xa0: {  	[sflag:s14] =	ssyncset.done $0x0  }
0xa1: {  	[sflag:s14] =	ssyncadd.s32 $0xFFFFC000  }
0xa2: {  	s23 =	sadd.s32 $0x2000, s23;
	_ =	swait.ge [sflag:s20], $0x4000  }
0xa3: {  	p0 =	sne.s32 s23, $0xA000;
	[sflag:s20] =	ssyncset.done $0x0  }
.Ltmp0:
0xa4: {  	s24 =	sadd.s32 $0x1780, s24;
	[sflag:s20] =	ssyncadd.s32 $0xFFFFC000;
	(pc) =	sbr.rel @p0 .LBB2_2-.Ltmp0, $4  }
0xa5: {  	[spmem:s2] =	stream.indirect.scatter.add.f32 [tilespmem:s18], [sflag:$0x4], $0x80, s24, s16, $0xb8;
	[tilespmem:$0x1F400] =	vst v63  }
0xa6: {  	_ =	swait.ge [sflag:s14], $0x4000  }
0xa7: {  	[sflag:s14] =	ssyncset.done $0x0  }
0xa8: {  	s22 =	sadd.s32 $0x800, s22;
	[sflag:s14] =	ssyncadd.s32 $0xFFFFC000  }
0xa9: {  	s21 =	sadd.s32 $0x1, s21  }
0xaa: {  	p0 =	sne.s32 s21, s11  }
.Ltmp1:
0xab: {  	[bflag:$0x0] =	sbarrier.arrive $0xFFFF;
	(pc) =	sbr.rel @p0 .LBB2_1-.Ltmp1, $4  }
0xac: {  	[hbm:s10], [sflag:s7] =	dma.local [spmem:s13], $0x2780  }
0xad: {  	_ =	swait.ge [sflag:s14], $0x2780  }
0xae: {  	[sflag:s14] =	ssyncset.done $0x0  }
0xaf: {  	[sflag:s14] =	ssyncadd.s32 $0xFFFFD880  }
0xb0: {  	_ =	sfence.sel $0x180000  }
0xb1: {  	[bflag:$0x0] =	sbarrier.arrive $0xFFFF  }
0xb2: {  	p0 =	sne.s32 s1, $0x0;
	_ =	strace $0x9000004A  }
0xb3: {  	s0 =	sadd.s32 @!p0 $0x100000, s0;
	[bflag:$0x2] =	sbarrier.arrive $0xFFFF  }
0xb4: {  	[sflag:s0] =	ssyncadd.tile.s32 @!p0 $0x1;
	_ =	shalt  }
.Lfunc_end2:
_tile_overlayer_lowered:
.L_overlay_start_2:
0xb5: {  	(tag) =	ssettag $0x2  }
0xb6: {  	s0 =	rddreg [dreg:$0x0];
	s2 =	stileid.u32  }
0xb7: {  	s1 =	rddreg [dreg:$0x1];
	p0 =	sne.s32 s2, $0x0  }
0xb8: {  	s3 =	rddreg [dreg:$0x2];
	[bflag:$0x3] =	sbarrier.arrive $0xFFFF;
	s2 =	simm.s32 @!p0 $0x1C04  }
0xb9: {  	[timem:s3], [sflag:s2] =	dma.local @!p0 [hbm:s0], s1  }
0xba: {  	s0 =	simm.s32 @!p0 $0x4  }
0xbb: {  	_ =	swait.ge @!p0 [sflag:s0], s1  }
0xbc: {  	s1 =	ssub.s32 @!p0 $0x0, s1;
	[sflag:s0] =	ssyncset.done @!p0 $0x0  }
0xbd: {  	[sflag:s0] =	ssyncadd.s32 @!p0 s1  }
0xbe: {  	[bflag:$0x3] =	sbarrier.arrive $0xFFFF  }
0xbf: {  	_ =	shalt  }

// kernel: kernel.27.cloned.1.call-start
scs
__scs_entry_jumppad:
0x0: {  	(pc) =	sbr.rel $0x88, $3  }
0x1: {  	(tag) =	ssettag $0x0;
	lr =	simm.s32 $0x1  }
0x2: {  	[smem:$0x3F91] =	sst lr;
	_ =	strace $0xD0000000  }
0x3: {  	_ = 	snop  }
0x4: {  	_ = 	snop  }
0x5: {  	_ = 	snop  }
0x6: {  	_ = 	snop  }
0x7: {  	_ = 	snop  }
__scs_overlays_trampoline_lowered:
0x8: {  	[smem:$0x3FA0] =	sst s0  }
0x9: {  	[smem:$0x3FA1] =	sst s1  }
0xa: {  	[smem:$0x3FA2] =	sst s2  }
0xb: {  	[smem:$0x3FA3] =	sst s3  }
0xc: {  	[smem:$0x3FA4] =	sst s4  }
0xd: {  	[smem:$0x3FA5] =	sst s5  }
0xe: {  	[smem:$0x3FA6] =	sst s6  }
0xf: {  	[smem:$0x3FA7] =	sst s7  }
0x10: {  	[smem:$0x3FA8] =	sst s8  }
0x11: {  	[smem:$0x3FA9] =	sst s9;
	s0 =	simm.s32 @!p0 $0x0  }
0x12: {  	s1 =	sld [smem:$0x3F8F];
	s0 =	simm.s32 @p0 $0x1  }
0x13: {  	[smem:$0x3FAA] =	sst s0;
	s0 =	simm.s32 @!p1 $0x0  }
0x14: {  	s2 =	sld [smem:$0x3F8E];
	s0 =	simm.s32 @p1 $0x1  }
0x15: {  	[smem:$0x3FAB] =	sst s0;
	s0 =	simm.s32 @!p2 $0x0  }
0x16: {  	s3 =	sld [smem:$0x3FDB];
	s0 =	simm.s32 @p2 $0x1  }
0x17: {  	s4 =	simm.s32 $0x1BF5;
	[smem:$0x3FAD] =	sst s0  }
0x18: {  	s0 =	sld [smem:$0x3F90];
	_ =	swait.ge [sflag:s4], $0x0  }
0x19: {  	s7 =	sld [smem:$0x3F91]  }
0x1a: {  	s8 =	sadd.s32 $0xFFFFE003, lr  }
0x1b: {  	s9 =	sadd.s32 $0xFFFFFEF7, lr;
	s5 =	simm.s32 $0xFFFFFFFF;
	p2 =	slt.u32 s8, $0xFFFFF086  }
0x1c: {  	p1 =	slt.u32 s9, $0xF7A;
	s5 =	simm.s32 @!p2 $0x0  }
0x1d: {  	s5 =	simm.s32 @p1 $0x1;
	p0 =	seq.s32 s7, s2  }
0x1e: {  	s7 =	smul.u32 @!p0 $0xF7A, s2;
	p2 =	seq.s32 @!p0 s5, $0x0  }
0x1f: {  	s9 =	smul.u32 $0xF7A, s1;
	s8 =	simm.s32 @!p0 $0x1BF5;
	p2 =	por !p2, p0  }
0x20: {  	[sflag:s8] =	ssyncset.s32 @!p0 $0xFFFFF086;
	s6 =	sadd.s32 @!p0 s3, s7;
	s7 =	simm.s32 @!p0 $0x108  }
0x21: {  	s3 =	sadd.s32 s3, s9;
	s6 =	sadd.s32 @!p0 $0x88, s6;
	s7 =	simm.s32 @p2 $0x1082  }
0x22: {  	[simem:s7], [sflag:s8] =	dma.local @!p0 [hbm:s6], $0xF7A  }
0x23: {  	s9 =	sor.u32 $0xD0000000, s2;
	s6 =	simm.s32 $0x108;
	_ =	swait.ge @!p0 [sflag:s8], $0x0  }
0x24: {  	s3 =	sadd.s32 $0x88, s3;
	s6 =	simm.s32 @!p1 $0x1082;
	[sflag:s4] =	ssyncset.s32 $0xFFFFF086  }
0x25: {  	[simem:s6], [sflag:s4] =	dma.local [hbm:s3], $0xF7A  }
0x26: {  	[smem:$0x3F91] =	sst s1;
	(tag) =	ssettag s2;
	_ =	strace s9  }
0x27: {  	s1 =	sld [smem:$0x3FA1]  }
0x28: {  	s2 =	sld [smem:$0x3FA2]  }
0x29: {  	s4 =	sld [smem:$0x3FA4]  }
0x2a: {  	p0 =	seq.s32 s5, $0x0;
	s5 =	sld [smem:$0x3FA5]  }
0x2b: {  	s6 =	sld [smem:$0x3FA6]  }
0x2c: {  	s7 =	sld [smem:$0x3FA7]  }
0x2d: {  	s3 =	simm.s32 $0x108;
	s8 =	sld [smem:$0x3FA8]  }
0x2e: {  	s3 =	simm.s32 @!p0 $0x1082;
	s9 =	sld [smem:$0x3FA9]  }
0x2f: {  	lr =	sadd.s32 s0, s3;
	s0 =	sld [smem:$0x3FA0]  }
0x30: {  	s3 =	sld [smem:$0x3FA3]  }
0x31: {  	[smem:$0x3FAC] =	sst s10  }
0x32: {  	s10 =	sld [smem:$0x3FAA];
	_ =	sdelay $0x3  }
0x33: {  	p0 =	seq.s32 s10, $0x1;
	s10 =	sld [smem:$0x3FAC];
	_ =	sdelay $0x3  }
0x34: {  	[smem:$0x3FAC] =	sst s10  }
0x35: {  	s10 =	sld [smem:$0x3FAB];
	_ =	sdelay $0x3  }
0x36: {  	p1 =	seq.s32 s10, $0x1;
	s10 =	sld [smem:$0x3FAC];
	_ =	sdelay $0x3  }
0x37: {  	[smem:$0x3FAC] =	sst s10  }
0x38: {  	s10 =	sld [smem:$0x3FAD]  }
0x39: {  	_ = 	snop;
	(pc) =	sbr.ind lr, $3  }
0x3a: {  	_ = 	snop  }
0x3b: {  	_ = 	snop  }
0x3c: {  	p2 =	seq.s32 s10, $0x1;
	s10 =	sld [smem:$0x3FAC]  }
0x3d: {  	_ =	shalt  }
0x3e: {  	_ =	shalt  }
0x3f: {  	_ =	shalt  }
0x40: {  	_ =	shalt  }
0x41: {  	_ =	shalt  }
0x42: {  	_ =	shalt  }
0x43: {  	_ =	shalt  }
0x44: {  	_ =	shalt  }
0x45: {  	_ =	shalt  }
0x46: {  	_ =	shalt  }
0x47: {  	_ =	shalt  }
0x48: {  	_ =	shalt  }
0x49: {  	_ =	shalt  }
0x4a: {  	_ =	shalt  }
0x4b: {  	_ =	shalt  }
0x4c: {  	_ =	shalt  }
0x4d: {  	_ =	shalt  }
0x4e: {  	_ =	shalt  }
0x4f: {  	_ =	shalt  }
0x50: {  	_ =	shalt  }
0x51: {  	_ =	shalt  }
0x52: {  	_ =	shalt  }
0x53: {  	_ =	shalt  }
0x54: {  	_ =	shalt  }
0x55: {  	_ =	shalt  }
0x56: {  	_ =	shalt  }
0x57: {  	_ =	shalt  }
0x58: {  	_ =	shalt  }
0x59: {  	_ =	shalt  }
0x5a: {  	_ =	shalt  }
0x5b: {  	_ =	shalt  }
0x5c: {  	_ =	shalt  }
0x5d: {  	_ =	shalt  }
0x5e: {  	_ =	shalt  }
0x5f: {  	_ =	shalt  }
0x60: {  	_ =	shalt  }
0x61: {  	_ =	shalt  }
0x62: {  	_ =	shalt  }
0x63: {  	_ =	shalt  }
0x64: {  	_ =	shalt  }
0x65: {  	_ =	shalt  }
0x66: {  	_ =	shalt  }
0x67: {  	_ =	shalt  }
0x68: {  	_ =	shalt  }
0x69: {  	_ =	shalt  }
0x6a: {  	_ =	shalt  }
0x6b: {  	_ =	shalt  }
0x6c: {  	_ =	shalt  }
0x6d: {  	_ =	shalt  }
0x6e: {  	_ =	shalt  }
0x6f: {  	_ =	shalt  }
0x70: {  	_ =	shalt  }
0x71: {  	_ =	shalt  }
0x72: {  	_ =	shalt  }
0x73: {  	_ =	shalt  }
0x74: {  	_ =	shalt  }
0x75: {  	_ =	shalt  }
0x76: {  	_ =	shalt  }
0x77: {  	_ =	shalt  }
0x78: {  	_ =	shalt  }
0x79: {  	_ =	shalt  }
0x7a: {  	_ =	shalt  }
0x7b: {  	_ =	shalt  }
0x7c: {  	_ =	shalt  }
0x7d: {  	_ =	shalt  }
0x7e: {  	_ =	shalt  }
0x7f: {  	_ =	shalt  }
0x80: {  	_ =	shalt  }
0x81: {  	_ =	shalt  }
0x82: {  	_ =	shalt  }
0x83: {  	_ =	shalt  }
0x84: {  	_ =	shalt  }
0x85: {  	_ =	shalt  }
0x86: {  	_ =	shalt  }
0x87: {  	_ =	shalt  }
.Lfunc_end0:
.L_simem_size_0:
called_computation.3_lowered:
.L_overlay_start_0:
0x88: {  	s2 =	sld [smem:$0x3FD9]  }
0x89: {  	s3 =	sld [smem:$0x3FFE];
	_ =	sdelay $0x1  }
0x8a: {  	s1 =	srdreg.scid  }
0x8b: {  	s0 =	sand.u32 $0x1, s1  }
0x8c: {  	s15 =	sshll.u32 s0, $0xA;
	s2 =	sadd.s32 s3, s2  }
0x8d: {  	s2 =	sadd.s32 s2, s15  }
0x8e: {  	[smem:$0x3FB8] =	sst s2  }
0x8f: {  	_ = 	snop  }
0x90: {  	s2 =	sld [smem:$0x3FD0];
	_ =	sdelay $0x2  }
0x91: {  	s16 =	simm.s32 $0xB;
	s4 =	simm.s32 $0x10  }
0x92: {  	[smem:s4], [sflag:s16] =	dma.local [hbm:s2], $0x1  }
0x93: {  	_ =	swait.eq [sflag:s16], $0x1  }
0x94: {  	[sflag:s16] =	ssyncset.done $0x0  }
0x95: {  	[sflag:s16] =	ssyncadd.s32 $0xFFFFFFFF  }
0x96: {  	s17 =	sld [smem:$0x10];
	(tm) =	ssettm $0x1  }
0x97: {  	s18 =	sld [smem:$0x3FFB];
	_ =	sdelay $0x3  }
0x98: {  	_ =	strace s18  }
0x99: {  	s2 =	sld [smem:$0x3FFC];
	_ =	sdelay $0x3  }
0x9a: {  	_ =	strace s2  }
0x9b: {  	s2 =	sld [smem:$0x3FFD];
	_ =	sdelay $0x3  }
0x9c: {  	_ =	strace s2  }
0x9d: {  	_ =	strace $0x8FFFFFFF  }
0x9e: {  	s19 =	sld [smem:$0x3FDB];
	_ =	sdelay $0x1  }
0x9f: {  	s20 =	simm.s32 $_scs_section_size  }
0xa0: {  	s5 =	simm.s32 $_size__tile_overlayer_lowered;
	s6 =	simm.s32 $_tile_overlayer_lowered  }
0xa1: {  	s7 =	simm.s32 $0x1BFF;
	s21 =	sshll.u32 s6, $0x1;
	s4 =	sadd.s32 s20, s19  }
0xa2: {  	s22 =	simm.s32 $0x0;
	s5 =	sshll.u32 s5, $0x1;
	s6 =	sadd.s32 s21, s4  }
0xa3: {  	[timem:s22], [sflag:s7] =	dma.local [hbm:s6], s5  }
0xa4: {  	_ =	swait.ge [sflag:s7], s5  }
0xa5: {  	s5 =	ssub.s32 $0x0, s5;
	[sflag:s7] =	ssyncset.done $0x0  }
0xa6: {  	[sflag:s7] =	ssyncadd.s32 s5;
	_ =	sdelay $0x1  }
0xa7: {  	s23 =	simm.s32 $0x1B8B  }
0xa8: {  	_ =	swait.ge [sflag:s23], $0x1  }
0xa9: {  	[sflag:s23] =	ssyncset.done $0x0  }
0xaa: {  	[sflag:s23] =	ssyncadd.s32 $0xFFFFFFFF  }
0xab: {  	s5 =	sld [smem:$0x0]  }
0xac: {  	s6 =	sand.u32 $0xFFFFFFFE, s1  }
0xad: {  	p0 =	sne.s32 s1, s6  }
0xae: {  	s6 =	sshll.u32 @p0 s6, $0xE  }
0xaf: {  	s6 =	sadd.s32 @p0 $0x11B8D, s6;
	s7 =	sshll.u32 @p0 s5, $0x11  }
0xb0: {  	s6 =	sor.u32 @p0 s7, s6  }
0xb1: {  	[sflag:s6] =	ssyncadd.remote.s32 @p0 $0x1;
	_ =	sdelay $0x1  }
0xb2: {  	s6 =	simm.s32 @p0 $0x1B8D  }
0xb3: {  	_ =	swait.eq @p0 [sflag:s6], $0x1  }
0xb4: {  	[sflag:s6] =	ssyncadd.s32 @p0 $0xFFFFFFFF  }
0xb5: {  	s7 =	sshll.u32 @!p0 s1, $0xE  }
0xb6: {  	s7 =	sor.u32 @!p0 $0x4000, s7;
	s6 =	simm.s32 @!p0 $0x1B8D  }
0xb7: {  	s5 =	sshll.u32 @!p0 s5, $0x11;
	s7 =	sadd.s32 @!p0 $0x11B8D, s7;
	_ =	swait.eq @!p0 [sflag:s6], $0x1  }
0xb8: {  	s5 =	sor.u32 @!p0 s5, s7;
	[sflag:s6] =	ssyncadd.s32 @!p0 $0xFFFFFFFF  }
0xb9: {  	s25 =	simm.s32 $0x1B8E;
	s24 =	sld [smem:$0x3FFE];
	[sflag:s5] =	ssyncadd.remote.s32 @!p0 $0x1  }
0xba: {  	s26 =	simm.s32 $execute0_lowered;
	[smem:$0x3FD2] =	sst s25  }
0xbb: {  	s6 =	sshll.u32 s26, $0x1;
	_ =	strace $0x80000052;
	[dreg:$0x1] =	wrdreg $0xFFFFFFFF  }
0xbc: {  	s28 =	simm.s32 $_size_execute0_lowered;
	s4 =	sadd.s32 s4, s6;
	[dreg:$0x0] =	wrdreg $0x0  }
0xbd: {  	s6 =	sshll.u32 s28, $0x1;
	[dreg:$0x2] =	wrdreg s4  }
0xbe: {  	[dreg:$0x3] =	wrdreg s6  }
0xbf: {  	[dreg:$0x4] =	wrdreg $0xC0  }
0xc0: {  	_ =	task [dreg:s22], $0x5FFFF  }
0xc1: {  	[dreg:$0x1] =	wrdreg $0xFFFFFFFF  }
0xc2: {  	[dreg:$0x0] =	wrdreg $0x60  }
0xc3: {  	[dreg:$0x2] =	wrdreg s24  }
0xc4: {  	[dreg:$0x3] =	wrdreg s17  }
0xc5: {  	[dreg:$0x4] =	wrdreg $0xB8000  }
0xc6: {  	[dreg:$0x5] =	wrdreg $0x9  }
0xc7: {  	_ =	task.clear_ibuf [dreg:s22], $0x6FFFF;
	_ =	strace $0x90000052  }
0xc8: {  	s29 =	simm.s32 $0x9;
	_ =	strace $0x80000054  }
0xc9: {  	_ =	swait.ge [sflag:s29], $0x1  }
0xca: {  	[sflag:s29] =	ssyncadd.s32 $0xFFFFFFFF  }
0xcb: {  	_ =	strace $0x90000054  }
0xcc: {  	_ =	sfence  }
0xcd: {  	s30 =	sld [smem:$0x0];
	_ =	sdelay $0x2  }
0xce: {  	s31 =	sshll.u32 s1, $0xD;
	s1 =	sshrl.u32 s1, $0x2  }
0xcf: {  	s4 =	sand.u32 $0x4000, s31;
	s1 =	sadd.s32 s1, s30  }
0xd0: {  	s0 =	sor.u32 s4, s0;
	s1 =	sshll.u32 s1, $0x11  }
0xd1: {  	s0 =	sor.u32 s1, s0  }
0xd2: {  	s0 =	sadd.s32 $0x8F2B, s0  }
0xd3: {  	[sflag:s0] =	ssyncadd.remote.s32 $0x1  }
0xd4: {  	_ =	sfence.sel $0xFFFF  }
0xd5: {  	[dreg:$0x0] =	wrdreg $0xFFFFFFFF;
	(pc) =	sbr.abs _section_cstart, $3  }
0xd6: {  	[dreg:$0x1] =	wrdreg $0xFFFFFFFF  }
0xd7: {  	_ =	task.clear_ibuf [dreg:s22], $0x2FFFF;
	_ =	strace $0x9FFFFFFF  }
0xd8: {  	(tm) =	ssettm $0x7FFFFFFF  }
0xd9: {  	_ =	shalt  }
tec
execute0_lowered:
.L_overlay_start_1:
0x0: {  	(tag) =	ssettag $0x1  }
0x1: {  	s6 =	rddreg [dreg:$0x0]  }
0x2: {  	s8 =	rddreg [dreg:$0x1]  }
0x3: {  	s2 =	rddreg [dreg:$0x2]  }
0x4: {  	s0 =	rddreg [dreg:$0x3]  }
0x5: {  	s1 =	stileid.u32;
	s4 =	srdreg.scid;
	s3 =	simm.s32 $0x0  }
0x6: {  	s17 =	simm.s32 $0x3800;
	s18 =	simm.s32 $0x7800;
	s19 =	simm.s32 $0x1  }
0x7: {  	s20 =	simm.s32 $0x2;
	s21 =	simm.s32 $0x0;
	s7 =	smul.u32 $0x13C00, s1  }
0x8: {  	s9 =	sand.u32 $0x1, s4;
	[smem:$0x7FF] =	sst s3;
	s13 =	smul.u32 $0x4F000, s1  }
0x9: {  	s4 =	sadd.s32 $0x113E00, s6;
	s5 =	sadd.s32 $0xE2C00, s6;
	s16 =	smul.u32 $0x2800, s1  }
0xa: {  	s30 =	sshll.u32 s1, $0x6;
	s10 =	smul.u32 $0x13C000, s9;
	_ =	strace $0x80000053  }
0xb: {  	s25 =	sshll.u32 s9, $0x4;
	s12 =	ssub.s32 $0x2, s9;
	s29 =	smul.u32 $0x28000, s9  }
0xc: {  	s11 =	sshrl.u32 s7, $0x3;
	s26 =	sshrl.u32 s12, $0x1;
	s28 =	sshrl.u32 s13, $0x2  }
0xd: {  	s7 =	sadd.s32 s7, s10;
	s24 =	sadd.s32 s11, s6;
	s11 =	sor.u32 s1, s25  }
0xe: {  	s12 =	ssub.s32 s12, s26;
	s15 =	sadd.s32 s28, s2;
	s13 =	sadd.s32 s16, s29  }
0xf: {  	s16 =	simm.s32 $0x80;
	s7 =	sshrl.u32 s7, $0x3;
	s11 =	smul.u32 $0x2800, s11  }
0x10: {  	s14 =	sadd.s32 s7, s6;
	s6 =	sadd.s32 $0x6C400, s24;
	s7 =	sor.u32 $0x1C04, s30  }
0x11: {  	s31 =	sshrl.u32 s11, $0x3;
	s10 =	sadd.s32 $0x13B000, s14;
	s11 =	smax.u32 s12, $0x1  }
0x12: {  	s12 =	sadd.s32 $0x800, s13;
	s13 =	sshrl.u32 s15, $0x3;
	s14 =	simm.s32 $0x4  }
0x13: {  	s15 =	simm.s32 $0x1000;
	s8 =	sadd.s32 s8, s31;
	s9 =	sadd.s32 s5, s31  }
.LBB2_1:
0x14: {  	[spmem:s13], [sflag:s7] =	dma.local [hbm:s6], $0x2780  }
0x15: {  	_ =	swait.ge [sflag:s14], $0x2780  }
0x16: {  	[sflag:s14] =	ssyncset.done $0x0  }
0x17: {  	[sflag:s14] =	ssyncadd.s32 $0xFFFFD880  }
0x18: {  	[tilespmem:s15], [sflag:$0x4] =	stream.linear.gather [hbm4b:s8+s3], $0x2800, $0x38;
	[tilespmem:$0x1F400] =	vst v63  }
0x19: {  	_ =	swait.ge [sflag:s14], $0x2800  }
0x1a: {  	[sflag:s14] =	ssyncset.done $0x0  }
0x1b: {  	[sflag:s14] =	ssyncadd.s32 $0xFFFFD800  }
0x1c: {  	[tilespmem:s3], [sflag:$0x4] =	stream.linear.gather [hbm4b:s9+s3], $0x800, $0x38;
	[tilespmem:$0x1F400] =	vst v63  }
0x1d: {  	_ =	swait.ge [sflag:s14], $0x800  }
0x1e: {  	[sflag:s14] =	ssyncset.done $0x0  }
0x1f: {  	[sflag:s14] =	ssyncadd.s32 $0xFFFFF800  }
0x20: {  	s22 =	simm.s32 $0x0;
	s23 =	simm.s32 $0x0;
	[bflag:$0x0] =	sbarrier.arrive $0xFFFF  }
.LBB2_2:
0x21: {  	p0 =	seq.s32 s23, $0x0  }
0x22: {  	s24 =	simm.s32 @!p0 $0x3  }
0x23: {  	p1 =	seq.s32 @!p0 s23, $0x8000;
	_ =	swait.ge @!p0 [sflag:s24], $0x800  }
0x24: {  	p1 =	por p0, !p1;
	[sflag:s24] =	ssyncset.done @!p0 $0x0  }
0x25: {  	s25 =	simm.s32 @!p0 $0x0;
	[sflag:s24] =	ssyncadd.s32 @!p0 $0xFFFFF800;
	s24 =	sadd.s32 @p1 s22, s12  }
0x26: {  	s25 =	sxor.u32 @p1 $0xFFFFFFFF, s22;
	s24 =	sshrl.u32 @p1 s24, $0x3  }
0x27: {  	s25 =	sand.u32 @p1 $0x800, s25;
	s24 =	sadd.s32 @p1 s5, s24  }
0x28: {  	[tilespmem:s25], [sflag:$0x3] =	stream.linear.gather @p1 [hbm4b:s24+s3], $0x800, $0x38;
	[tilespmem:$0x1F400] =	vst v63  }
0x29: {  	s25 =	sand.u32 @p1 $0x800, s22  }
0x2a: {  	[tilespmem:s17], [sflag:$0x1] =	stream.indirect.gather [hbm4b:s4+s16], $0x80, s25, s16, $0xb8;
	[tilespmem:$0x1F400] =	vst v63  }
0x2b: {  	s28 =	sadd.s32 $0x80, s25  }
0x2c: {  	[tilespmem:s18], [sflag:$0x2] =	stream.indirect.gather [hbm4b:s4+s16], $0x80, s28, s16, $0xb8;
	[tilespmem:$0x1F400] =	vst v63  }
0x2d: {  	_ =	swait.ge [sflag:s19], $0x4000  }
0x2e: {  	s24 =	sshra.s32 s23, $0x2;
	[sflag:s19] =	ssyncset.done $0x0  }
0x2f: {  	s26 =	sadd.s32 $0x1000, s24;
	[sflag:s19] =	ssyncadd.s32 $0xFFFFC000  }
0x30: {  	[spmem:s2] =	stream.indirect.scatter.add.f32 [tilespmem:s17], [sflag:$0x4], $0x80, s26, s16, $0xb8;
	[tilespmem:$0x1F400] =	vst v63  }
0x31: {  	_ =	swait.ge [sflag:s14], $0x4000  }
0x32: {  	[sflag:s14] =	ssyncset.done $0x0  }
0x33: {  	s29 =	sadd.s32 $0x100, s25;
	[sflag:s14] =	ssyncadd.s32 $0xFFFFC000  }
0x34: {  	[tilespmem:s17], [sflag:$0x1] =	stream.indirect.gather [hbm4b:s4+s16], $0x80, s29, s16, $0xb8;
	[tilespmem:$0x1F400] =	vst v63  }
0x35: {  	_ =	swait.ge [sflag:s20], $0x4000  }
0x36: {  	[sflag:s20] =	ssyncset.done $0x0  }
0x37: {  	s30 =	sadd.s32 $0x1080, s24;
	[sflag:s20] =	ssyncadd.s32 $0xFFFFC000  }
0x38: {  	[spmem:s2] =	stream.indirect.scatter.add.f32 [tilespmem:s18], [sflag:$0x4], $0x80, s30, s16, $0xb8;
	[tilespmem:$0x1F400] =	vst v63  }
0x39: {  	_ =	swait.ge [sflag:s14], $0x4000  }
0x3a: {  	[sflag:s14] =	ssyncset.done $0x0  }
0x3b: {  	s31 =	sadd.s32 $0x180, s25;
	[sflag:s14] =	ssyncadd.s32 $0xFFFFC000  }
0x3c: {  	[tilespmem:s18], [sflag:$0x2] =	stream.indirect.gather [hbm4b:s4+s16], $0x80, s31, s16, $0xb8;
	[tilespmem:$0x1F400] =	vst v63  }
0x3d: {  	_ =	swait.ge [sflag:s19], $0x4000  }
0x3e: {  	[sflag:s19] =	ssyncset.done $0x0  }
0x3f: {  	s28 =	sadd.s32 $0x1100, s24;
	[sflag:s19] =	ssyncadd.s32 $0xFFFFC000  }
0x40: {  	[spmem:s2] =	stream.indirect.scatter.add.f32 [tilespmem:s17], [sflag:$0x4], $0x80, s28, s16, $0xb8;
	[tilespmem:$0x1F400] =	vst v63  }
0x41: {  	_ =	swait.ge [sflag:s14], $0x4000  }
0x42: {  	[sflag:s14] =	ssyncset.done $0x0  }
0x43: {  	s29 =	sadd.s32 $0x200, s25;
	[sflag:s14] =	ssyncadd.s32 $0xFFFFC000  }
0x44: {  	[tilespmem:s17], [sflag:$0x1] =	stream.indirect.gather [hbm4b:s4+s16], $0x80, s29, s16, $0xb8;
	[tilespmem:$0x1F400] =	vst v63  }
0x45: {  	_ =	swait.ge [sflag:s20], $0x4000  }
0x46: {  	[sflag:s20] =	ssyncset.done $0x0  }
0x47: {  	s30 =	sadd.s32 $0x1180, s24;
	[sflag:s20] =	ssyncadd.s32 $0xFFFFC000  }
0x48: {  	[spmem:s2] =	stream.indirect.scatter.add.f32 [tilespmem:s18], [sflag:$0x4], $0x80, s30, s16, $0xb8;
	[tilespmem:$0x1F400] =	vst v63  }
0x49: {  	_ =	swait.ge [sflag:s14], $0x4000  }
0x4a: {  	[sflag:s14] =	ssyncset.done $0x0  }
0x4b: {  	s31 =	sadd.s32 $0x280, s25;
	[sflag:s14] =	ssyncadd.s32 $0xFFFFC000  }
0x4c: {  	[tilespmem:s18], [sflag:$0x2] =	stream.indirect.gather [hbm4b:s4+s16], $0x80, s31, s16, $0xb8;
	[tilespmem:$0x1F400] =	vst v63  }
0x4d: {  	_ =	swait.ge [sflag:s19], $0x4000  }
0x4e: {  	[sflag:s19] =	ssyncset.done $0x0  }
0x4f: {  	s28 =	sadd.s32 $0x1200, s24;
	[sflag:s19] =	ssyncadd.s32 $0xFFFFC000  }
0x50: {  	[spmem:s2] =	stream.indirect.scatter.add.f32 [tilespmem:s17], [sflag:$0x4], $0x80, s28, s16, $0xb8;
	[tilespmem:$0x1F400] =	vst v63  }
0x51: {  	_ =	swait.ge [sflag:s14], $0x4000  }
0x52: {  	[sflag:s14] =	ssyncset.done $0x0  }
0x53: {  	s29 =	sadd.s32 $0x300, s25;
	[sflag:s14] =	ssyncadd.s32 $0xFFFFC000  }
0x54: {  	[tilespmem:s17], [sflag:$0x1] =	stream.indirect.gather [hbm4b:s4+s16], $0x80, s29, s16, $0xb8;
	[tilespmem:$0x1F400] =	vst v63  }
0x55: {  	_ =	swait.ge [sflag:s20], $0x4000  }
0x56: {  	[sflag:s20] =	ssyncset.done $0x0  }
0x57: {  	s30 =	sadd.s32 $0x1280, s24;
	[sflag:s20] =	ssyncadd.s32 $0xFFFFC000  }
0x58: {  	[spmem:s2] =	stream.indirect.scatter.add.f32 [tilespmem:s18], [sflag:$0x4], $0x80, s30, s16, $0xb8;
	[tilespmem:$0x1F400] =	vst v63  }
0x59: {  	_ =	swait.ge [sflag:s14], $0x4000  }
0x5a: {  	[sflag:s14] =	ssyncset.done $0x0  }
0x5b: {  	s31 =	sadd.s32 $0x380, s25;
	[sflag:s14] =	ssyncadd.s32 $0xFFFFC000  }
0x5c: {  	[tilespmem:s18], [sflag:$0x2] =	stream.indirect.gather [hbm4b:s4+s16], $0x80, s31, s16, $0xb8;
	[tilespmem:$0x1F400] =	vst v63  }
0x5d: {  	_ =	swait.ge [sflag:s19], $0x4000  }
0x5e: {  	[sflag:s19] =	ssyncset.done $0x0  }
0x5f: {  	s28 =	sadd.s32 $0x1300, s24;
	[sflag:s19] =	ssyncadd.s32 $0xFFFFC000  }
0x60: {  	[spmem:s2] =	stream.indirect.scatter.add.f32 [tilespmem:s17], [sflag:$0x4], $0x80, s28, s16, $0xb8;
	[tilespmem:$0x1F400] =	vst v63  }
0x61: {  	_ =	swait.ge [sflag:s14], $0x4000  }
0x62: {  	[sflag:s14] =	ssyncset.done $0x0  }
0x63: {  	s29 =	sadd.s32 $0x400, s25;
	[sflag:s14] =	ssyncadd.s32 $0xFFFFC000  }
0x64: {  	[tilespmem:s17], [sflag:$0x1] =	stream.indirect.gather [hbm4b:s4+s16], $0x80, s29, s16, $0xb8;
	[tilespmem:$0x1F400] =	vst v63  }
0x65: {  	_ =	swait.ge [sflag:s20], $0x4000  }
0x66: {  	[sflag:s20] =	ssyncset.done $0x0  }
0x67: {  	s30 =	sadd.s32 $0x1380, s24;
	[sflag:s20] =	ssyncadd.s32 $0xFFFFC000  }
0x68: {  	[spmem:s2] =	stream.indirect.scatter.add.f32 [tilespmem:s18], [sflag:$0x4], $0x80, s30, s16, $0xb8;
	[tilespmem:$0x1F400] =	vst v63  }
0x69: {  	_ =	swait.ge [sflag:s14], $0x4000  }
0x6a: {  	[sflag:s14] =	ssyncset.done $0x0  }
0x6b: {  	s31 =	sadd.s32 $0x480, s25;
	[sflag:s14] =	ssyncadd.s32 $0xFFFFC000  }
0x6c: {  	[tilespmem:s18], [sflag:$0x2] =	stream.indirect.gather [hbm4b:s4+s16], $0x80, s31, s16, $0xb8;
	[tilespmem:$0x1F400] =	vst v63  }
0x6d: {  	_ =	swait.ge [sflag:s19], $0x4000  }
0x6e: {  	[sflag:s19] =	ssyncset.done $0x0  }
0x6f: {  	s28 =	sadd.s32 $0x1400, s24;
	[sflag:s19] =	ssyncadd.s32 $0xFFFFC000  }
0x70: {  	[spmem:s2] =	stream.indirect.scatter.add.f32 [tilespmem:s17], [sflag:$0x4], $0x80, s28, s16, $0xb8;
	[tilespmem:$0x1F400] =	vst v63  }
0x71: {  	_ =	swait.ge [sflag:s14], $0x4000  }
0x72: {  	[sflag:s14] =	ssyncset.done $0x0  }
0x73: {  	s29 =	sadd.s32 $0x500, s25;
	[sflag:s14] =	ssyncadd.s32 $0xFFFFC000  }
0x74: {  	[tilespmem:s17], [sflag:$0x1] =	stream.indirect.gather [hbm4b:s4+s16], $0x80, s29, s16, $0xb8;
	[tilespmem:$0x1F400] =	vst v63  }
0x75: {  	_ =	swait.ge [sflag:s20], $0x4000  }
0x76: {  	[sflag:s20] =	ssyncset.done $0x0  }
0x77: {  	s30 =	sadd.s32 $0x1480, s24;
	[sflag:s20] =	ssyncadd.s32 $0xFFFFC000  }
0x78: {  	[spmem:s2] =	stream.indirect.scatter.add.f32 [tilespmem:s18], [sflag:$0x4], $0x80, s30, s16, $0xb8;
	[tilespmem:$0x1F400] =	vst v63  }
0x79: {  	_ =	swait.ge [sflag:s14], $0x4000  }
0x7a: {  	[sflag:s14] =	ssyncset.done $0x0  }
0x7b: {  	s31 =	sadd.s32 $0x580, s25;
	[sflag:s14] =	ssyncadd.s32 $0xFFFFC000  }
0x7c: {  	[tilespmem:s18], [sflag:$0x2] =	stream.indirect.gather [hbm4b:s4+s16], $0x80, s31, s16, $0xb8;
	[tilespmem:$0x1F400] =	vst v63  }
0x7d: {  	_ =	swait.ge [sflag:s19], $0x4000  }
0x7e: {  	[sflag:s19] =	ssyncset.done $0x0  }
0x7f: {  	s28 =	sadd.s32 $0x1500, s24;
	[sflag:s19] =	ssyncadd.s32 $0xFFFFC000  }
0x80: {  	[spmem:s2] =	stream.indirect.scatter.add.f32 [tilespmem:s17], [sflag:$0x4], $0x80, s28, s16, $0xb8;
	[tilespmem:$0x1F400] =	vst v63  }
0x81: {  	_ =	swait.ge [sflag:s14], $0x4000  }
0x82: {  	[sflag:s14] =	ssyncset.done $0x0  }
0x83: {  	s29 =	sadd.s32 $0x600, s25;
	[sflag:s14] =	ssyncadd.s32 $0xFFFFC000  }
0x84: {  	[tilespmem:s17], [sflag:$0x1] =	stream.indirect.gather [hbm4b:s4+s16], $0x80, s29, s16, $0xb8;
	[tilespmem:$0x1F400] =	vst v63  }
0x85: {  	_ =	swait.ge [sflag:s20], $0x4000  }
0x86: {  	[sflag:s20] =	ssyncset.done $0x0  }
0x87: {  	s30 =	sadd.s32 $0x1580, s24;
	[sflag:s20] =	ssyncadd.s32 $0xFFFFC000  }
0x88: {  	[spmem:s2] =	stream.indirect.scatter.add.f32 [tilespmem:s18], [sflag:$0x4], $0x80, s30, s16, $0xb8;
	[tilespmem:$0x1F400] =	vst v63  }
0x89: {  	_ =	swait.ge [sflag:s14], $0x4000  }
0x8a: {  	[sflag:s14] =	ssyncset.done $0x0  }
0x8b: {  	s31 =	sadd.s32 $0x680, s25;
	[sflag:s14] =	ssyncadd.s32 $0xFFFFC000  }
0x8c: {  	[tilespmem:s18], [sflag:$0x2] =	stream.indirect.gather [hbm4b:s4+s16], $0x80, s31, s16, $0xb8;
	[tilespmem:$0x1F400] =	vst v63  }
0x8d: {  	_ =	swait.ge [sflag:s19], $0x4000  }
0x8e: {  	[sflag:s19] =	ssyncset.done $0x0  }
0x8f: {  	s28 =	sadd.s32 $0x1600, s24;
	[sflag:s19] =	ssyncadd.s32 $0xFFFFC000  }
0x90: {  	[spmem:s2] =	stream.indirect.scatter.add.f32 [tilespmem:s17], [sflag:$0x4], $0x80, s28, s16, $0xb8;
	[tilespmem:$0x1F400] =	vst v63  }
0x91: {  	_ =	swait.ge [sflag:s14], $0x4000  }
0x92: {  	[sflag:s14] =	ssyncset.done $0x0  }
0x93: {  	s29 =	sadd.s32 $0x700, s25;
	[sflag:s14] =	ssyncadd.s32 $0xFFFFC000  }
0x94: {  	[tilespmem:s17], [sflag:$0x1] =	stream.indirect.gather [hbm4b:s4+s16], $0x80, s29, s16, $0xb8;
	[tilespmem:$0x1F400] =	vst v63  }
0x95: {  	_ =	swait.ge [sflag:s20], $0x4000  }
0x96: {  	[sflag:s20] =	ssyncset.done $0x0  }
0x97: {  	s30 =	sadd.s32 $0x1680, s24;
	[sflag:s20] =	ssyncadd.s32 $0xFFFFC000  }
0x98: {  	[spmem:s2] =	stream.indirect.scatter.add.f32 [tilespmem:s18], [sflag:$0x4], $0x80, s30, s16, $0xb8;
	[tilespmem:$0x1F400] =	vst v63  }
0x99: {  	_ =	swait.ge [sflag:s14], $0x4000  }
0x9a: {  	[sflag:s14] =	ssyncset.done $0x0  }
0x9b: {  	s25 =	sadd.s32 $0x780, s25;
	[sflag:s14] =	ssyncadd.s32 $0xFFFFC000  }
0x9c: {  	[tilespmem:s18], [sflag:$0x2] =	stream.indirect.gather [hbm4b:s4+s16], $0x80, s25, s16, $0xb8;
	[tilespmem:$0x1F400] =	vst v63  }
0x9d: {  	_ =	swait.ge [sflag:s19], $0x4000  }
0x9e: {  	[sflag:s19] =	ssyncset.done $0x0  }
0x9f: {  	s31 =	sadd.s32 $0x1700, s24;
	[sflag:s19] =	ssyncadd.s32 $0xFFFFC000  }
0xa0: {  	[spmem:s2] =	stream.indirect.scatter.add.f32 [tilespmem:s17], [sflag:$0x4], $0x80, s31, s16, $0xb8;
	[tilespmem:$0x1F400] =	vst v63  }
0xa1: {  	_ =	swait.ge [sflag:s14], $0x4000  }
0xa2: {  	[sflag:s14] =	ssyncset.done $0x0  }
0xa3: {  	[sflag:s14] =	ssyncadd.s32 $0xFFFFC000  }
0xa4: {  	s23 =	sadd.s32 $0x2000, s23;
	_ =	swait.ge [sflag:s20], $0x4000  }
0xa5: {  	p0 =	sne.s32 s23, $0xA000;
	[sflag:s20] =	ssyncset.done $0x0  }
.Ltmp0:
0xa6: {  	s24 =	sadd.s32 $0x1780, s24;
	[sflag:s20] =	ssyncadd.s32 $0xFFFFC000;
	(pc) =	sbr.rel @p0 .LBB2_2-.Ltmp0, $4  }
0xa7: {  	[spmem:s2] =	stream.indirect.scatter.add.f32 [tilespmem:s18], [sflag:$0x4], $0x80, s24, s16, $0xb8;
	[tilespmem:$0x1F400] =	vst v63  }
0xa8: {  	_ =	swait.ge [sflag:s14], $0x4000  }
0xa9: {  	[sflag:s14] =	ssyncset.done $0x0  }
0xaa: {  	s22 =	sadd.s32 $0x800, s22;
	[sflag:s14] =	ssyncadd.s32 $0xFFFFC000  }
0xab: {  	s21 =	sadd.s32 $0x1, s21  }
0xac: {  	p0 =	sne.s32 s21, s11  }
.Ltmp1:
0xad: {  	[bflag:$0x0] =	sbarrier.arrive $0xFFFF;
	(pc) =	sbr.rel @p0 .LBB2_1-.Ltmp1, $4  }
0xae: {  	[hbm:s10], [sflag:s7] =	dma.local [spmem:s13], $0x2780  }
0xaf: {  	_ =	swait.ge [sflag:s14], $0x2780  }
0xb0: {  	[sflag:s14] =	ssyncset.done $0x0  }
0xb1: {  	[sflag:s14] =	ssyncadd.s32 $0xFFFFD880  }
0xb2: {  	_ =	sfence.sel $0x180000  }
0xb3: {  	[bflag:$0x0] =	sbarrier.arrive $0xFFFF  }
0xb4: {  	p0 =	sne.s32 s1, $0x0;
	_ =	strace $0x90000053  }
0xb5: {  	s0 =	sadd.s32 @!p0 $0x100000, s0;
	[bflag:$0x2] =	sbarrier.arrive $0xFFFF  }
0xb6: {  	[sflag:s0] =	ssyncadd.tile.s32 @!p0 $0x1;
	_ =	shalt  }
.Lfunc_end2:
_tile_overlayer_lowered:
.L_overlay_start_2:
0xb7: {  	(tag) =	ssettag $0x2  }
0xb8: {  	s0 =	rddreg [dreg:$0x0];
	s2 =	stileid.u32  }
0xb9: {  	s1 =	rddreg [dreg:$0x1];
	p0 =	sne.s32 s2, $0x0  }
0xba: {  	s3 =	rddreg [dreg:$0x2];
	[bflag:$0x3] =	sbarrier.arrive $0xFFFF;
	s2 =	simm.s32 @!p0 $0x1C04  }
0xbb: {  	[timem:s3], [sflag:s2] =	dma.local @!p0 [hbm:s0], s1  }
0xbc: {  	s0 =	simm.s32 @!p0 $0x4  }
0xbd: {  	_ =	swait.ge @!p0 [sflag:s0], s1  }
0xbe: {  	s1 =	ssub.s32 @!p0 $0x0, s1;
	[sflag:s0] =	ssyncset.done @!p0 $0x0  }
0xbf: {  	[sflag:s0] =	ssyncadd.s32 @!p0 s1  }
0xc0: {  	[bflag:$0x3] =	sbarrier.arrive $0xFFFF  }
0xc1: {  	_ =	shalt  }

// kernel: kernel.30.cloned.1.call-start
scs
__scs_entry_jumppad:
0x0: {  	(pc) =	sbr.rel $0x88, $3  }
0x1: {  	(tag) =	ssettag $0x0;
	lr =	simm.s32 $0x1  }
0x2: {  	[smem:$0x3F91] =	sst lr;
	_ =	strace $0xD0000000  }
0x3: {  	_ = 	snop  }
0x4: {  	_ = 	snop  }
0x5: {  	_ = 	snop  }
0x6: {  	_ = 	snop  }
0x7: {  	_ = 	snop  }
__scs_overlays_trampoline_lowered:
0x8: {  	[smem:$0x3FA0] =	sst s0  }
0x9: {  	[smem:$0x3FA1] =	sst s1  }
0xa: {  	[smem:$0x3FA2] =	sst s2  }
0xb: {  	[smem:$0x3FA3] =	sst s3  }
0xc: {  	[smem:$0x3FA4] =	sst s4  }
0xd: {  	[smem:$0x3FA5] =	sst s5  }
0xe: {  	[smem:$0x3FA6] =	sst s6  }
0xf: {  	[smem:$0x3FA7] =	sst s7  }
0x10: {  	[smem:$0x3FA8] =	sst s8  }
0x11: {  	[smem:$0x3FA9] =	sst s9;
	s0 =	simm.s32 @!p0 $0x0  }
0x12: {  	s1 =	sld [smem:$0x3F8F];
	s0 =	simm.s32 @p0 $0x1  }
0x13: {  	[smem:$0x3FAA] =	sst s0;
	s0 =	simm.s32 @!p1 $0x0  }
0x14: {  	s2 =	sld [smem:$0x3F8E];
	s0 =	simm.s32 @p1 $0x1  }
0x15: {  	[smem:$0x3FAB] =	sst s0;
	s0 =	simm.s32 @!p2 $0x0  }
0x16: {  	s3 =	sld [smem:$0x3FDB];
	s0 =	simm.s32 @p2 $0x1  }
0x17: {  	s4 =	simm.s32 $0x1BF5;
	[smem:$0x3FAD] =	sst s0  }
0x18: {  	s0 =	sld [smem:$0x3F90];
	_ =	swait.ge [sflag:s4], $0x0  }
0x19: {  	s7 =	sld [smem:$0x3F91]  }
0x1a: {  	s8 =	sadd.s32 $0xFFFFE003, lr  }
0x1b: {  	s9 =	sadd.s32 $0xFFFFFEF7, lr;
	s5 =	simm.s32 $0xFFFFFFFF;
	p2 =	slt.u32 s8, $0xFFFFF086  }
0x1c: {  	p1 =	slt.u32 s9, $0xF7A;
	s5 =	simm.s32 @!p2 $0x0  }
0x1d: {  	s5 =	simm.s32 @p1 $0x1;
	p0 =	seq.s32 s7, s2  }
0x1e: {  	s7 =	smul.u32 @!p0 $0xF7A, s2;
	p2 =	seq.s32 @!p0 s5, $0x0  }
0x1f: {  	s9 =	smul.u32 $0xF7A, s1;
	s8 =	simm.s32 @!p0 $0x1BF5;
	p2 =	por !p2, p0  }
0x20: {  	[sflag:s8] =	ssyncset.s32 @!p0 $0xFFFFF086;
	s6 =	sadd.s32 @!p0 s3, s7;
	s7 =	simm.s32 @!p0 $0x108  }
0x21: {  	s3 =	sadd.s32 s3, s9;
	s6 =	sadd.s32 @!p0 $0x88, s6;
	s7 =	simm.s32 @p2 $0x1082  }
0x22: {  	[simem:s7], [sflag:s8] =	dma.local @!p0 [hbm:s6], $0xF7A  }
0x23: {  	s9 =	sor.u32 $0xD0000000, s2;
	s6 =	simm.s32 $0x108;
	_ =	swait.ge @!p0 [sflag:s8], $0x0  }
0x24: {  	s3 =	sadd.s32 $0x88, s3;
	s6 =	simm.s32 @!p1 $0x1082;
	[sflag:s4] =	ssyncset.s32 $0xFFFFF086  }
0x25: {  	[simem:s6], [sflag:s4] =	dma.local [hbm:s3], $0xF7A  }
0x26: {  	[smem:$0x3F91] =	sst s1;
	(tag) =	ssettag s2;
	_ =	strace s9  }
0x27: {  	s1 =	sld [smem:$0x3FA1]  }
0x28: {  	s2 =	sld [smem:$0x3FA2]  }
0x29: {  	s4 =	sld [smem:$0x3FA4]  }
0x2a: {  	p0 =	seq.s32 s5, $0x0;
	s5 =	sld [smem:$0x3FA5]  }
0x2b: {  	s6 =	sld [smem:$0x3FA6]  }
0x2c: {  	s7 =	sld [smem:$0x3FA7]  }
0x2d: {  	s3 =	simm.s32 $0x108;
	s8 =	sld [smem:$0x3FA8]  }
0x2e: {  	s3 =	simm.s32 @!p0 $0x1082;
	s9 =	sld [smem:$0x3FA9]  }
0x2f: {  	lr =	sadd.s32 s0, s3;
	s0 =	sld [smem:$0x3FA0]  }
0x30: {  	s3 =	sld [smem:$0x3FA3]  }
0x31: {  	[smem:$0x3FAC] =	sst s10  }
0x32: {  	s10 =	sld [smem:$0x3FAA];
	_ =	sdelay $0x3  }
0x33: {  	p0 =	seq.s32 s10, $0x1;
	s10 =	sld [smem:$0x3FAC];
	_ =	sdelay $0x3  }
0x34: {  	[smem:$0x3FAC] =	sst s10  }
0x35: {  	s10 =	sld [smem:$0x3FAB];
	_ =	sdelay $0x3  }
0x36: {  	p1 =	seq.s32 s10, $0x1;
	s10 =	sld [smem:$0x3FAC];
	_ =	sdelay $0x3  }
0x37: {  	[smem:$0x3FAC] =	sst s10  }
0x38: {  	s10 =	sld [smem:$0x3FAD]  }
0x39: {  	_ = 	snop;
	(pc) =	sbr.ind lr, $3  }
0x3a: {  	_ = 	snop  }
0x3b: {  	_ = 	snop  }
0x3c: {  	p2 =	seq.s32 s10, $0x1;
	s10 =	sld [smem:$0x3FAC]  }
0x3d: {  	_ =	shalt  }
0x3e: {  	_ =	shalt  }
0x3f: {  	_ =	shalt  }
0x40: {  	_ =	shalt  }
0x41: {  	_ =	shalt  }
0x42: {  	_ =	shalt  }
0x43: {  	_ =	shalt  }
0x44: {  	_ =	shalt  }
0x45: {  	_ =	shalt  }
0x46: {  	_ =	shalt  }
0x47: {  	_ =	shalt  }
0x48: {  	_ =	shalt  }
0x49: {  	_ =	shalt  }
0x4a: {  	_ =	shalt  }
0x4b: {  	_ =	shalt  }
0x4c: {  	_ =	shalt  }
0x4d: {  	_ =	shalt  }
0x4e: {  	_ =	shalt  }
0x4f: {  	_ =	shalt  }
0x50: {  	_ =	shalt  }
0x51: {  	_ =	shalt  }
0x52: {  	_ =	shalt  }
0x53: {  	_ =	shalt  }
0x54: {  	_ =	shalt  }
0x55: {  	_ =	shalt  }
0x56: {  	_ =	shalt  }
0x57: {  	_ =	shalt  }
0x58: {  	_ =	shalt  }
0x59: {  	_ =	shalt  }
0x5a: {  	_ =	shalt  }
0x5b: {  	_ =	shalt  }
0x5c: {  	_ =	shalt  }
0x5d: {  	_ =	shalt  }
0x5e: {  	_ =	shalt  }
0x5f: {  	_ =	shalt  }
0x60: {  	_ =	shalt  }
0x61: {  	_ =	shalt  }
0x62: {  	_ =	shalt  }
0x63: {  	_ =	shalt  }
0x64: {  	_ =	shalt  }
0x65: {  	_ =	shalt  }
0x66: {  	_ =	shalt  }
0x67: {  	_ =	shalt  }
0x68: {  	_ =	shalt  }
0x69: {  	_ =	shalt  }
0x6a: {  	_ =	shalt  }
0x6b: {  	_ =	shalt  }
0x6c: {  	_ =	shalt  }
0x6d: {  	_ =	shalt  }
0x6e: {  	_ =	shalt  }
0x6f: {  	_ =	shalt  }
0x70: {  	_ =	shalt  }
0x71: {  	_ =	shalt  }
0x72: {  	_ =	shalt  }
0x73: {  	_ =	shalt  }
0x74: {  	_ =	shalt  }
0x75: {  	_ =	shalt  }
0x76: {  	_ =	shalt  }
0x77: {  	_ =	shalt  }
0x78: {  	_ =	shalt  }
0x79: {  	_ =	shalt  }
0x7a: {  	_ =	shalt  }
0x7b: {  	_ =	shalt  }
0x7c: {  	_ =	shalt  }
0x7d: {  	_ =	shalt  }
0x7e: {  	_ =	shalt  }
0x7f: {  	_ =	shalt  }
0x80: {  	_ =	shalt  }
0x81: {  	_ =	shalt  }
0x82: {  	_ =	shalt  }
0x83: {  	_ =	shalt  }
0x84: {  	_ =	shalt  }
0x85: {  	_ =	shalt  }
0x86: {  	_ =	shalt  }
0x87: {  	_ =	shalt  }
.Lfunc_end0:
.L_simem_size_0:
called_computation.4_lowered:
.L_overlay_start_0:
0x88: {  	s2 =	sld [smem:$0x3FD9]  }
0x89: {  	s3 =	sld [smem:$0x3FFE];
	_ =	sdelay $0x1  }
0x8a: {  	s1 =	srdreg.scid  }
0x8b: {  	s0 =	sand.u32 $0x1, s1  }
0x8c: {  	s17 =	sshll.u32 s0, $0xA;
	s2 =	sadd.s32 s3, s2  }
0x8d: {  	s2 =	sadd.s32 s2, s17  }
0x8e: {  	[smem:$0x3FB8] =	sst s2  }
0x8f: {  	_ = 	snop  }
0x90: {  	(tm) =	ssettm $0x1  }
0x91: {  	s18 =	sld [smem:$0x3FFB];
	_ =	sdelay $0x3  }
0x92: {  	_ =	strace s18  }
0x93: {  	s2 =	sld [smem:$0x3FFC];
	_ =	sdelay $0x3  }
0x94: {  	_ =	strace s2  }
0x95: {  	s2 =	sld [smem:$0x3FFD];
	_ =	sdelay $0x3  }
0x96: {  	_ =	strace s2  }
0x97: {  	_ =	strace $0x8FFFFFFF  }
0x98: {  	s19 =	sld [smem:$0x3FDB];
	_ =	sdelay $0x1  }
0x99: {  	s20 =	simm.s32 $_scs_section_size  }
0x9a: {  	s4 =	simm.s32 $_size__tile_overlayer_lowered;
	s5 =	simm.s32 $_tile_overlayer_lowered  }
0x9b: {  	s6 =	simm.s32 $0x1BFF;
	s21 =	sshll.u32 s5, $0x1;
	s3 =	sadd.s32 s20, s19  }
0x9c: {  	s22 =	simm.s32 $0x0;
	s4 =	sshll.u32 s4, $0x1;
	s5 =	sadd.s32 s21, s3  }
0x9d: {  	[timem:s22], [sflag:s6] =	dma.local [hbm:s5], s4  }
0x9e: {  	_ =	swait.ge [sflag:s6], s4  }
0x9f: {  	s4 =	ssub.s32 $0x0, s4;
	[sflag:s6] =	ssyncset.done $0x0  }
0xa0: {  	[sflag:s6] =	ssyncadd.s32 s4;
	_ =	sdelay $0x1  }
0xa1: {  	s23 =	simm.s32 $0x1B8B  }
0xa2: {  	_ =	swait.ge [sflag:s23], $0x1  }
0xa3: {  	[sflag:s23] =	ssyncset.done $0x0  }
0xa4: {  	[sflag:s23] =	ssyncadd.s32 $0xFFFFFFFF  }
0xa5: {  	s4 =	sld [smem:$0x0]  }
0xa6: {  	s5 =	sand.u32 $0xFFFFFFFE, s1  }
0xa7: {  	p0 =	sne.s32 s1, s5  }
0xa8: {  	s5 =	sshll.u32 @p0 s5, $0xE  }
0xa9: {  	s5 =	sadd.s32 @p0 $0x11B8D, s5;
	s6 =	sshll.u32 @p0 s4, $0x11  }
0xaa: {  	s5 =	sor.u32 @p0 s6, s5  }
0xab: {  	[sflag:s5] =	ssyncadd.remote.s32 @p0 $0x1;
	_ =	sdelay $0x1  }
0xac: {  	s5 =	simm.s32 @p0 $0x1B8D  }
0xad: {  	_ =	swait.eq @p0 [sflag:s5], $0x1  }
0xae: {  	[sflag:s5] =	ssyncadd.s32 @p0 $0xFFFFFFFF  }
0xaf: {  	s6 =	sshll.u32 @!p0 s1, $0xE  }
0xb0: {  	s6 =	sor.u32 @!p0 $0x4000, s6;
	s5 =	simm.s32 @!p0 $0x1B8D  }
0xb1: {  	s4 =	sshll.u32 @!p0 s4, $0x11;
	s6 =	sadd.s32 @!p0 $0x11B8D, s6;
	_ =	swait.eq @!p0 [sflag:s5], $0x1  }
0xb2: {  	s4 =	sor.u32 @!p0 s4, s6;
	[sflag:s5] =	ssyncadd.s32 @!p0 $0xFFFFFFFF  }
0xb3: {  	s25 =	simm.s32 $0x1B8E;
	s24 =	sld [smem:$0x3FFE];
	[sflag:s4] =	ssyncadd.remote.s32 @!p0 $0x1  }
0xb4: {  	s26 =	simm.s32 $execute0_lowered;
	[smem:$0x3FD2] =	sst s25  }
0xb5: {  	s5 =	sshll.u32 s26, $0x1;
	_ =	strace $0x8000004F;
	[dreg:$0x1] =	wrdreg $0xFFFFFFFF  }
0xb6: {  	s28 =	simm.s32 $_size_execute0_lowered;
	s3 =	sadd.s32 s3, s5;
	[dreg:$0x0] =	wrdreg $0x0  }
0xb7: {  	s5 =	sshll.u32 s28, $0x1;
	[dreg:$0x2] =	wrdreg s3  }
0xb8: {  	[dreg:$0x3] =	wrdreg s5  }
0xb9: {  	[dreg:$0x4] =	wrdreg $0xC0  }
0xba: {  	_ =	task [dreg:s22], $0x5FFFF  }
0xbb: {  	[dreg:$0x1] =	wrdreg $0xFFFFFFFF  }
0xbc: {  	[dreg:$0x0] =	wrdreg $0x60  }
0xbd: {  	[dreg:$0x2] =	wrdreg s24  }
0xbe: {  	[dreg:$0x3] =	wrdreg $0xB8000  }
0xbf: {  	[dreg:$0x4] =	wrdreg $0xA  }
0xc0: {  	_ =	task.clear_ibuf [dreg:s22], $0x5FFFF;
	_ =	strace $0x9000004F  }
0xc1: {  	s29 =	simm.s32 $0xA;
	_ =	strace $0x80000051  }
0xc2: {  	_ =	swait.ge [sflag:s29], $0x1  }
0xc3: {  	[sflag:s29] =	ssyncadd.s32 $0xFFFFFFFF  }
0xc4: {  	_ =	strace $0x90000051  }
0xc5: {  	_ =	sfence  }
0xc6: {  	s30 =	sld [smem:$0x0];
	_ =	sdelay $0x2  }
0xc7: {  	s31 =	sshll.u32 s1, $0xD;
	s1 =	sshrl.u32 s1, $0x2  }
0xc8: {  	s4 =	sand.u32 $0x4000, s31;
	s1 =	sadd.s32 s1, s30  }
0xc9: {  	s0 =	sor.u32 s4, s0;
	s1 =	sshll.u32 s1, $0x11  }
0xca: {  	s0 =	sor.u32 s1, s0  }
0xcb: {  	s0 =	sadd.s32 $0x8F2B, s0  }
0xcc: {  	[sflag:s0] =	ssyncadd.remote.s32 $0x1  }
0xcd: {  	_ =	sfence.sel $0xFFFF  }
0xce: {  	[dreg:$0x0] =	wrdreg $0xFFFFFFFF;
	(pc) =	sbr.abs _section_cstart, $3  }
0xcf: {  	[dreg:$0x1] =	wrdreg $0xFFFFFFFF  }
0xd0: {  	_ =	task.clear_ibuf [dreg:s22], $0x2FFFF;
	_ =	strace $0x9FFFFFFF  }
0xd1: {  	(tm) =	ssettm $0x7FFFFFFF  }
tec
execute0_lowered:
.L_overlay_start_1:
0x0: {  	(tag) =	ssettag $0x1  }
0x1: {  	s0 =	srdreg.scid;
	s6 =	rddreg [dreg:$0x0]  }
0x2: {  	s2 =	rddreg [dreg:$0x1];
	s1 =	stileid.u32  }
0x3: {  	s3 =	simm.s32 $0x0;
	s17 =	simm.s32 $0x3800;
	s18 =	simm.s32 $0x7800  }
0x4: {  	s19 =	simm.s32 $0x1;
	s20 =	simm.s32 $0x2;
	s8 =	smul.u32 $0x13C00, s1  }
0x5: {  	s7 =	sand.u32 $0x1, s0;
	s0 =	rddreg [dreg:$0x2];
	s14 =	smul.u32 $0x4F000, s1  }
0x6: {  	s21 =	simm.s32 $0x0;
	[smem:$0x7FF] =	sst s3;
	s30 =	smul.u32 $0x2800, s1  }
0x7: {  	s29 =	sshll.u32 s1, $0x6;
	s4 =	sshll.u32 s7, $0x4;
	s10 =	smul.u32 $0x13C000, s7  }
0x8: {  	_ =	strace $0x80000050;
	s25 =	ssub.s32 $0x2, s7;
	s26 =	smul.u32 $0x28000, s7  }
0x9: {  	s7 =	sor.u32 $0x1C04, s29;
	s4 =	sor.u32 s1, s4;
	s12 =	sshrl.u32 s8, $0x3  }
0xa: {  	s13 =	sshrl.u32 s25, $0x1;
	s28 =	sshrl.u32 s14, $0x2;
	s14 =	simm.s32 $0x4  }
0xb: {  	s5 =	smul.u32 $0x2800, s4;
	s4 =	sadd.s32 $0x45200, s6;
	s12 =	sadd.s32 s12, s6  }
0xc: {  	s8 =	sadd.s32 s8, s10;
	s13 =	ssub.s32 s25, s13;
	s16 =	sadd.s32 s28, s2  }
0xd: {  	s31 =	sadd.s32 s30, s26;
	s8 =	sshrl.u32 s8, $0x3;
	s9 =	sshrl.u32 s5, $0x3  }
0xe: {  	s5 =	sadd.s32 $0x14000, s6;
	s15 =	sadd.s32 s8, s6;
	s11 =	sadd.s32 s9, s6  }
0xf: {  	s6 =	sadd.s32 $0x6C400, s12;
	s9 =	sadd.s32 s5, s9;
	s10 =	sadd.s32 $0x93C00, s15  }
0x10: {  	s12 =	sadd.s32 $0x800, s31;
	s15 =	simm.s32 $0x1000;
	s8 =	sadd.s32 $0x8000, s11  }
0x11: {  	s11 =	smax.u32 s13, $0x1;
	s13 =	sshrl.u32 s16, $0x3;
	s16 =	simm.s32 $0x80  }
.LBB2_1:
0x12: {  	[spmem:s13], [sflag:s7] =	dma.local [hbm:s6], $0x2780  }
0x13: {  	_ =	swait.ge [sflag:s14], $0x2780  }
0x14: {  	[sflag:s14] =	ssyncset.done $0x0  }
0x15: {  	[sflag:s14] =	ssyncadd.s32 $0xFFFFD880  }
0x16: {  	[tilespmem:s15], [sflag:$0x4] =	stream.linear.gather [hbm4b:s8+s3], $0x2800, $0x38;
	[tilespmem:$0x1F400] =	vst v63  }
0x17: {  	_ =	swait.ge [sflag:s14], $0x2800  }
0x18: {  	[sflag:s14] =	ssyncset.done $0x0  }
0x19: {  	[sflag:s14] =	ssyncadd.s32 $0xFFFFD800  }
0x1a: {  	[tilespmem:s3], [sflag:$0x4] =	stream.linear.gather [hbm4b:s9+s3], $0x800, $0x38;
	[tilespmem:$0x1F400] =	vst v63  }
0x1b: {  	_ =	swait.ge [sflag:s14], $0x800  }
0x1c: {  	[sflag:s14] =	ssyncset.done $0x0  }
0x1d: {  	[sflag:s14] =	ssyncadd.s32 $0xFFFFF800  }
0x1e: {  	s22 =	simm.s32 $0x0;
	s23 =	simm.s32 $0x0;
	[bflag:$0x0] =	sbarrier.arrive $0xFFFF  }
.LBB2_2:
0x1f: {  	p0 =	seq.s32 s23, $0x0  }
0x20: {  	s24 =	simm.s32 @!p0 $0x3  }
0x21: {  	p1 =	seq.s32 @!p0 s23, $0x8000;
	_ =	swait.ge @!p0 [sflag:s24], $0x800  }
0x22: {  	p1 =	por p0, !p1;
	[sflag:s24] =	ssyncset.done @!p0 $0x0  }
0x23: {  	s25 =	simm.s32 @!p0 $0x0;
	[sflag:s24] =	ssyncadd.s32 @!p0 $0xFFFFF800;
	s24 =	sadd.s32 @p1 s22, s12  }
0x24: {  	s25 =	sxor.u32 @p1 $0xFFFFFFFF, s22;
	s24 =	sshrl.u32 @p1 s24, $0x3  }
0x25: {  	s25 =	sand.u32 @p1 $0x800, s25;
	s24 =	sadd.s32 @p1 s5, s24  }
0x26: {  	[tilespmem:s25], [sflag:$0x3] =	stream.linear.gather @p1 [hbm4b:s24+s3], $0x800, $0x38;
	[tilespmem:$0x1F400] =	vst v63  }
0x27: {  	s25 =	sand.u32 @p1 $0x800, s22  }
0x28: {  	[tilespmem:s17], [sflag:$0x1] =	stream.indirect.gather [hbm4b:s4+s16], $0x80, s25, s16, $0xb8;
	[tilespmem:$0x1F400] =	vst v63  }
0x29: {  	s28 =	sadd.s32 $0x80, s25  }
0x2a: {  	[tilespmem:s18], [sflag:$0x2] =	stream.indirect.gather [hbm4b:s4+s16], $0x80, s28, s16, $0xb8;
	[tilespmem:$0x1F400] =	vst v63  }
0x2b: {  	_ =	swait.ge [sflag:s19], $0x4000  }
0x2c: {  	s24 =	sshra.s32 s23, $0x2;
	[sflag:s19] =	ssyncset.done $0x0  }
0x2d: {  	s26 =	sadd.s32 $0x1000, s24;
	[sflag:s19] =	ssyncadd.s32 $0xFFFFC000  }
0x2e: {  	[spmem:s2] =	stream.indirect.scatter.add.f32 [tilespmem:s17], [sflag:$0x4], $0x80, s26, s16, $0xb8;
	[tilespmem:$0x1F400] =	vst v63  }
0x2f: {  	_ =	swait.ge [sflag:s14], $0x4000  }
0x30: {  	[sflag:s14] =	ssyncset.done $0x0  }
0x31: {  	s29 =	sadd.s32 $0x100, s25;
	[sflag:s14] =	ssyncadd.s32 $0xFFFFC000  }
0x32: {  	[tilespmem:s17], [sflag:$0x1] =	stream.indirect.gather [hbm4b:s4+s16], $0x80, s29, s16, $0xb8;
	[tilespmem:$0x1F400] =	vst v63  }
0x33: {  	_ =	swait.ge [sflag:s20], $0x4000  }
0x34: {  	[sflag:s20] =	ssyncset.done $0x0  }
0x35: {  	s30 =	sadd.s32 $0x1080, s24;
	[sflag:s20] =	ssyncadd.s32 $0xFFFFC000  }
0x36: {  	[spmem:s2] =	stream.indirect.scatter.add.f32 [tilespmem:s18], [sflag:$0x4], $0x80, s30, s16, $0xb8;
	[tilespmem:$0x1F400] =	vst v63  }
0x37: {  	_ =	swait.ge [sflag:s14], $0x4000  }
0x38: {  	[sflag:s14] =	ssyncset.done $0x0  }
0x39: {  	s31 =	sadd.s32 $0x180, s25;
	[sflag:s14] =	ssyncadd.s32 $0xFFFFC000  }
0x3a: {  	[tilespmem:s18], [sflag:$0x2] =	stream.indirect.gather [hbm4b:s4+s16], $0x80, s31, s16, $0xb8;
	[tilespmem:$0x1F400] =	vst v63  }
0x3b: {  	_ =	swait.ge [sflag:s19], $0x4000  }
0x3c: {  	[sflag:s19] =	ssyncset.done $0x0  }
0x3d: {  	s28 =	sadd.s32 $0x1100, s24;
	[sflag:s19] =	ssyncadd.s32 $0xFFFFC000  }
0x3e: {  	[spmem:s2] =	stream.indirect.scatter.add.f32 [tilespmem:s17], [sflag:$0x4], $0x80, s28, s16, $0xb8;
	[tilespmem:$0x1F400] =	vst v63  }
0x3f: {  	_ =	swait.ge [sflag:s14], $0x4000  }
0x40: {  	[sflag:s14] =	ssyncset.done $0x0  }
0x41: {  	s29 =	sadd.s32 $0x200, s25;
	[sflag:s14] =	ssyncadd.s32 $0xFFFFC000  }
0x42: {  	[tilespmem:s17], [sflag:$0x1] =	stream.indirect.gather [hbm4b:s4+s16], $0x80, s29, s16, $0xb8;
	[tilespmem:$0x1F400] =	vst v63  }
0x43: {  	_ =	swait.ge [sflag:s20], $0x4000  }
0x44: {  	[sflag:s20] =	ssyncset.done $0x0  }
0x45: {  	s30 =	sadd.s32 $0x1180, s24;
	[sflag:s20] =	ssyncadd.s32 $0xFFFFC000  }
0x46: {  	[spmem:s2] =	stream.indirect.scatter.add.f32 [tilespmem:s18], [sflag:$0x4], $0x80, s30, s16, $0xb8;
	[tilespmem:$0x1F400] =	vst v63  }
0x47: {  	_ =	swait.ge [sflag:s14], $0x4000  }
0x48: {  	[sflag:s14] =	ssyncset.done $0x0  }
0x49: {  	s31 =	sadd.s32 $0x280, s25;
	[sflag:s14] =	ssyncadd.s32 $0xFFFFC000  }
0x4a: {  	[tilespmem:s18], [sflag:$0x2] =	stream.indirect.gather [hbm4b:s4+s16], $0x80, s31, s16, $0xb8;
	[tilespmem:$0x1F400] =	vst v63  }
0x4b: {  	_ =	swait.ge [sflag:s19], $0x4000  }
0x4c: {  	[sflag:s19] =	ssyncset.done $0x0  }
0x4d: {  	s28 =	sadd.s32 $0x1200, s24;
	[sflag:s19] =	ssyncadd.s32 $0xFFFFC000  }
0x4e: {  	[spmem:s2] =	stream.indirect.scatter.add.f32 [tilespmem:s17], [sflag:$0x4], $0x80, s28, s16, $0xb8;
	[tilespmem:$0x1F400] =	vst v63  }
0x4f: {  	_ =	swait.ge [sflag:s14], $0x4000  }
0x50: {  	[sflag:s14] =	ssyncset.done $0x0  }
0x51: {  	s29 =	sadd.s32 $0x300, s25;
	[sflag:s14] =	ssyncadd.s32 $0xFFFFC000  }
0x52: {  	[tilespmem:s17], [sflag:$0x1] =	stream.indirect.gather [hbm4b:s4+s16], $0x80, s29, s16, $0xb8;
	[tilespmem:$0x1F400] =	vst v63  }
0x53: {  	_ =	swait.ge [sflag:s20], $0x4000  }
0x54: {  	[sflag:s20] =	ssyncset.done $0x0  }
0x55: {  	s30 =	sadd.s32 $0x1280, s24;
	[sflag:s20] =	ssyncadd.s32 $0xFFFFC000  }
0x56: {  	[spmem:s2] =	stream.indirect.scatter.add.f32 [tilespmem:s18], [sflag:$0x4], $0x80, s30, s16, $0xb8;
	[tilespmem:$0x1F400] =	vst v63  }
0x57: {  	_ =	swait.ge [sflag:s14], $0x4000  }
0x58: {  	[sflag:s14] =	ssyncset.done $0x0  }
0x59: {  	s31 =	sadd.s32 $0x380, s25;
	[sflag:s14] =	ssyncadd.s32 $0xFFFFC000  }
0x5a: {  	[tilespmem:s18], [sflag:$0x2] =	stream.indirect.gather [hbm4b:s4+s16], $0x80, s31, s16, $0xb8;
	[tilespmem:$0x1F400] =	vst v63  }
0x5b: {  	_ =	swait.ge [sflag:s19], $0x4000  }
0x5c: {  	[sflag:s19] =	ssyncset.done $0x0  }
0x5d: {  	s28 =	sadd.s32 $0x1300, s24;
	[sflag:s19] =	ssyncadd.s32 $0xFFFFC000  }
0x5e: {  	[spmem:s2] =	stream.indirect.scatter.add.f32 [tilespmem:s17], [sflag:$0x4], $0x80, s28, s16, $0xb8;
	[tilespmem:$0x1F400] =	vst v63  }
0x5f: {  	_ =	swait.ge [sflag:s14], $0x4000  }
0x60: {  	[sflag:s14] =	ssyncset.done $0x0  }
0x61: {  	s29 =	sadd.s32 $0x400, s25;
	[sflag:s14] =	ssyncadd.s32 $0xFFFFC000  }
0x62: {  	[tilespmem:s17], [sflag:$0x1] =	stream.indirect.gather [hbm4b:s4+s16], $0x80, s29, s16, $0xb8;
	[tilespmem:$0x1F400] =	vst v63  }
0x63: {  	_ =	swait.ge [sflag:s20], $0x4000  }
0x64: {  	[sflag:s20] =	ssyncset.done $0x0  }
0x65: {  	s30 =	sadd.s32 $0x1380, s24;
	[sflag:s20] =	ssyncadd.s32 $0xFFFFC000  }
0x66: {  	[spmem:s2] =	stream.indirect.scatter.add.f32 [tilespmem:s18], [sflag:$0x4], $0x80, s30, s16, $0xb8;
	[tilespmem:$0x1F400] =	vst v63  }
0x67: {  	_ =	swait.ge [sflag:s14], $0x4000  }
0x68: {  	[sflag:s14] =	ssyncset.done $0x0  }
0x69: {  	s31 =	sadd.s32 $0x480, s25;
	[sflag:s14] =	ssyncadd.s32 $0xFFFFC000  }
0x6a: {  	[tilespmem:s18], [sflag:$0x2] =	stream.indirect.gather [hbm4b:s4+s16], $0x80, s31, s16, $0xb8;
	[tilespmem:$0x1F400] =	vst v63  }
0x6b: {  	_ =	swait.ge [sflag:s19], $0x4000  }
0x6c: {  	[sflag:s19] =	ssyncset.done $0x0  }
0x6d: {  	s28 =	sadd.s32 $0x1400, s24;
	[sflag:s19] =	ssyncadd.s32 $0xFFFFC000  }
0x6e: {  	[spmem:s2] =	stream.indirect.scatter.add.f32 [tilespmem:s17], [sflag:$0x4], $0x80, s28, s16, $0xb8;
	[tilespmem:$0x1F400] =	vst v63  }
0x6f: {  	_ =	swait.ge [sflag:s14], $0x4000  }
0x70: {  	[sflag:s14] =	ssyncset.done $0x0  }
0x71: {  	s29 =	sadd.s32 $0x500, s25;
	[sflag:s14] =	ssyncadd.s32 $0xFFFFC000  }
0x72: {  	[tilespmem:s17], [sflag:$0x1] =	stream.indirect.gather [hbm4b:s4+s16], $0x80, s29, s16, $0xb8;
	[tilespmem:$0x1F400] =	vst v63  }
0x73: {  	_ =	swait.ge [sflag:s20], $0x4000  }
0x74: {  	[sflag:s20] =	ssyncset.done $0x0  }
0x75: {  	s30 =	sadd.s32 $0x1480, s24;
	[sflag:s20] =	ssyncadd.s32 $0xFFFFC000  }
0x76: {  	[spmem:s2] =	stream.indirect.scatter.add.f32 [tilespmem:s18], [sflag:$0x4], $0x80, s30, s16, $0xb8;
	[tilespmem:$0x1F400] =	vst v63  }
0x77: {  	_ =	swait.ge [sflag:s14], $0x4000  }
0x78: {  	[sflag:s14] =	ssyncset.done $0x0  }
0x79: {  	s31 =	sadd.s32 $0x580, s25;
	[sflag:s14] =	ssyncadd.s32 $0xFFFFC000  }
0x7a: {  	[tilespmem:s18], [sflag:$0x2] =	stream.indirect.gather [hbm4b:s4+s16], $0x80, s31, s16, $0xb8;
	[tilespmem:$0x1F400] =	vst v63  }
0x7b: {  	_ =	swait.ge [sflag:s19], $0x4000  }
0x7c: {  	[sflag:s19] =	ssyncset.done $0x0  }
0x7d: {  	s28 =	sadd.s32 $0x1500, s24;
	[sflag:s19] =	ssyncadd.s32 $0xFFFFC000  }
0x7e: {  	[spmem:s2] =	stream.indirect.scatter.add.f32 [tilespmem:s17], [sflag:$0x4], $0x80, s28, s16, $0xb8;
	[tilespmem:$0x1F400] =	vst v63  }
0x7f: {  	_ =	swait.ge [sflag:s14], $0x4000  }
0x80: {  	[sflag:s14] =	ssyncset.done $0x0  }
0x81: {  	s29 =	sadd.s32 $0x600, s25;
	[sflag:s14] =	ssyncadd.s32 $0xFFFFC000  }
0x82: {  	[tilespmem:s17], [sflag:$0x1] =	stream.indirect.gather [hbm4b:s4+s16], $0x80, s29, s16, $0xb8;
	[tilespmem:$0x1F400] =	vst v63  }
0x83: {  	_ =	swait.ge [sflag:s20], $0x4000  }
0x84: {  	[sflag:s20] =	ssyncset.done $0x0  }
0x85: {  	s30 =	sadd.s32 $0x1580, s24;
	[sflag:s20] =	ssyncadd.s32 $0xFFFFC000  }
0x86: {  	[spmem:s2] =	stream.indirect.scatter.add.f32 [tilespmem:s18], [sflag:$0x4], $0x80, s30, s16, $0xb8;
	[tilespmem:$0x1F400] =	vst v63  }
0x87: {  	_ =	swait.ge [sflag:s14], $0x4000  }
0x88: {  	[sflag:s14] =	ssyncset.done $0x0  }
0x89: {  	s31 =	sadd.s32 $0x680, s25;
	[sflag:s14] =	ssyncadd.s32 $0xFFFFC000  }
0x8a: {  	[tilespmem:s18], [sflag:$0x2] =	stream.indirect.gather [hbm4b:s4+s16], $0x80, s31, s16, $0xb8;
	[tilespmem:$0x1F400] =	vst v63  }
0x8b: {  	_ =	swait.ge [sflag:s19], $0x4000  }
0x8c: {  	[sflag:s19] =	ssyncset.done $0x0  }
0x8d: {  	s28 =	sadd.s32 $0x1600, s24;
	[sflag:s19] =	ssyncadd.s32 $0xFFFFC000  }
0x8e: {  	[spmem:s2] =	stream.indirect.scatter.add.f32 [tilespmem:s17], [sflag:$0x4], $0x80, s28, s16, $0xb8;
	[tilespmem:$0x1F400] =	vst v63  }
0x8f: {  	_ =	swait.ge [sflag:s14], $0x4000  }
0x90: {  	[sflag:s14] =	ssyncset.done $0x0  }
0x91: {  	s29 =	sadd.s32 $0x700, s25;
	[sflag:s14] =	ssyncadd.s32 $0xFFFFC000  }
0x92: {  	[tilespmem:s17], [sflag:$0x1] =	stream.indirect.gather [hbm4b:s4+s16], $0x80, s29, s16, $0xb8;
	[tilespmem:$0x1F400] =	vst v63  }
0x93: {  	_ =	swait.ge [sflag:s20], $0x4000  }
0x94: {  	[sflag:s20] =	ssyncset.done $0x0  }
0x95: {  	s30 =	sadd.s32 $0x1680, s24;
	[sflag:s20] =	ssyncadd.s32 $0xFFFFC000  }
0x96: {  	[spmem:s2] =	stream.indirect.scatter.add.f32 [tilespmem:s18], [sflag:$0x4], $0x80, s30, s16, $0xb8;
	[tilespmem:$0x1F400] =	vst v63  }
0x97: {  	_ =	swait.ge [sflag:s14], $0x4000  }
0x98: {  	[sflag:s14] =	ssyncset.done $0x0  }
0x99: {  	s25 =	sadd.s32 $0x780, s25;
	[sflag:s14] =	ssyncadd.s32 $0xFFFFC000  }
0x9a: {  	[tilespmem:s18], [sflag:$0x2] =	stream.indirect.gather [hbm4b:s4+s16], $0x80, s25, s16, $0xb8;
	[tilespmem:$0x1F400] =	vst v63  }
0x9b: {  	_ =	swait.ge [sflag:s19], $0x4000  }
0x9c: {  	[sflag:s19] =	ssyncset.done $0x0  }
0x9d: {  	s31 =	sadd.s32 $0x1700, s24;
	[sflag:s19] =	ssyncadd.s32 $0xFFFFC000  }
0x9e: {  	[spmem:s2] =	stream.indirect.scatter.add.f32 [tilespmem:s17], [sflag:$0x4], $0x80, s31, s16, $0xb8;
	[tilespmem:$0x1F400] =	vst v63  }
0x9f: {  	_ =	swait.ge [sflag:s14], $0x4000  }
0xa0: {  	[sflag:s14] =	ssyncset.done $0x0  }
0xa1: {  	[sflag:s14] =	ssyncadd.s32 $0xFFFFC000  }
0xa2: {  	s23 =	sadd.s32 $0x2000, s23;
	_ =	swait.ge [sflag:s20], $0x4000  }
0xa3: {  	p0 =	sne.s32 s23, $0xA000;
	[sflag:s20] =	ssyncset.done $0x0  }
.Ltmp0:
0xa4: {  	s24 =	sadd.s32 $0x1780, s24;
	[sflag:s20] =	ssyncadd.s32 $0xFFFFC000;
	(pc) =	sbr.rel @p0 .LBB2_2-.Ltmp0, $4  }
0xa5: {  	[spmem:s2] =	stream.indirect.scatter.add.f32 [tilespmem:s18], [sflag:$0x4], $0x80, s24, s16, $0xb8;
	[tilespmem:$0x1F400] =	vst v63  }
0xa6: {  	_ =	swait.ge [sflag:s14], $0x4000  }
0xa7: {  	[sflag:s14] =	ssyncset.done $0x0  }
0xa8: {  	s22 =	sadd.s32 $0x800, s22;
	[sflag:s14] =	ssyncadd.s32 $0xFFFFC000  }
0xa9: {  	s21 =	sadd.s32 $0x1, s21  }
0xaa: {  	p0 =	sne.s32 s21, s11  }
.Ltmp1:
0xab: {  	[bflag:$0x0] =	sbarrier.arrive $0xFFFF;
	(pc) =	sbr.rel @p0 .LBB2_1-.Ltmp1, $4  }
0xac: {  	[hbm:s10], [sflag:s7] =	dma.local [spmem:s13], $0x2780  }
0xad: {  	_ =	swait.ge [sflag:s14], $0x2780  }
0xae: {  	[sflag:s14] =	ssyncset.done $0x0  }
0xaf: {  	[sflag:s14] =	ssyncadd.s32 $0xFFFFD880  }
0xb0: {  	_ =	sfence.sel $0x180000  }
0xb1: {  	[bflag:$0x0] =	sbarrier.arrive $0xFFFF  }
0xb2: {  	p0 =	sne.s32 s1, $0x0;
	_ =	strace $0x90000050  }
0xb3: {  	s0 =	sadd.s32 @!p0 $0x100000, s0;
	[bflag:$0x2] =	sbarrier.arrive $0xFFFF  }
0xb4: {  	[sflag:s0] =	ssyncadd.tile.s32 @!p0 $0x1;
	_ =	shalt  }
.Lfunc_end2:
_tile_overlayer_lowered:
.L_overlay_start_2:
0xb5: {  	(tag) =	ssettag $0x2  }
0xb6: {  	s0 =	rddreg [dreg:$0x0];
	s2 =	stileid.u32  }
0xb7: {  	s1 =	rddreg [dreg:$0x1];
	p0 =	sne.s32 s2, $0x0  }
0xb8: {  	s3 =	rddreg [dreg:$0x2];
	[bflag:$0x3] =	sbarrier.arrive $0xFFFF;
	s2 =	simm.s32 @!p0 $0x1C04  }
0xb9: {  	[timem:s3], [sflag:s2] =	dma.local @!p0 [hbm:s0], s1  }
0xba: {  	s0 =	simm.s32 @!p0 $0x4  }
0xbb: {  	_ =	swait.ge @!p0 [sflag:s0], s1  }
0xbc: {  	s1 =	ssub.s32 @!p0 $0x0, s1;
	[sflag:s0] =	ssyncset.done @!p0 $0x0  }
0xbd: {  	[sflag:s0] =	ssyncadd.s32 @!p0 s1  }
0xbe: {  	[bflag:$0x3] =	sbarrier.arrive $0xFFFF  }
0xbf: {  	_ =	shalt  }

// kernel: kernel.33.cloned.1.call-start
scs
__scs_entry_jumppad:
0x0: {  	(pc) =	sbr.rel $0x88, $3  }
0x1: {  	(tag) =	ssettag $0x0;
	lr =	simm.s32 $0x1  }
0x2: {  	[smem:$0x3F91] =	sst lr;
	_ =	strace $0xD0000000  }
0x3: {  	_ = 	snop  }
0x4: {  	_ = 	snop  }
0x5: {  	_ = 	snop  }
0x6: {  	_ = 	snop  }
0x7: {  	_ = 	snop  }
__scs_overlays_trampoline_lowered:
0x8: {  	[smem:$0x3FA0] =	sst s0  }
0x9: {  	[smem:$0x3FA1] =	sst s1  }
0xa: {  	[smem:$0x3FA2] =	sst s2  }
0xb: {  	[smem:$0x3FA3] =	sst s3  }
0xc: {  	[smem:$0x3FA4] =	sst s4  }
0xd: {  	[smem:$0x3FA5] =	sst s5  }
0xe: {  	[smem:$0x3FA6] =	sst s6  }
0xf: {  	[smem:$0x3FA7] =	sst s7  }
0x10: {  	[smem:$0x3FA8] =	sst s8  }
0x11: {  	[smem:$0x3FA9] =	sst s9;
	s0 =	simm.s32 @!p0 $0x0  }
0x12: {  	s1 =	sld [smem:$0x3F8F];
	s0 =	simm.s32 @p0 $0x1  }
0x13: {  	[smem:$0x3FAA] =	sst s0;
	s0 =	simm.s32 @!p1 $0x0  }
0x14: {  	s2 =	sld [smem:$0x3F8E];
	s0 =	simm.s32 @p1 $0x1  }
0x15: {  	[smem:$0x3FAB] =	sst s0;
	s0 =	simm.s32 @!p2 $0x0  }
0x16: {  	s3 =	sld [smem:$0x3FDB];
	s0 =	simm.s32 @p2 $0x1  }
0x17: {  	s4 =	simm.s32 $0x1BF5;
	[smem:$0x3FAD] =	sst s0  }
0x18: {  	s0 =	sld [smem:$0x3F90];
	_ =	swait.ge [sflag:s4], $0x0  }
0x19: {  	s7 =	sld [smem:$0x3F91]  }
0x1a: {  	s8 =	sadd.s32 $0xFFFFE003, lr  }
0x1b: {  	s9 =	sadd.s32 $0xFFFFFEF7, lr;
	s5 =	simm.s32 $0xFFFFFFFF;
	p2 =	slt.u32 s8, $0xFFFFF086  }
0x1c: {  	p1 =	slt.u32 s9, $0xF7A;
	s5 =	simm.s32 @!p2 $0x0  }
0x1d: {  	s5 =	simm.s32 @p1 $0x1;
	p0 =	seq.s32 s7, s2  }
0x1e: {  	s7 =	smul.u32 @!p0 $0xF7A, s2;
	p2 =	seq.s32 @!p0 s5, $0x0  }
0x1f: {  	s9 =	smul.u32 $0xF7A, s1;
	s8 =	simm.s32 @!p0 $0x1BF5;
	p2 =	por !p2, p0  }
0x20: {  	[sflag:s8] =	ssyncset.s32 @!p0 $0xFFFFF086;
	s6 =	sadd.s32 @!p0 s3, s7;
	s7 =	simm.s32 @!p0 $0x108  }
0x21: {  	s3 =	sadd.s32 s3, s9;
	s6 =	sadd.s32 @!p0 $0x88, s6;
	s7 =	simm.s32 @p2 $0x1082  }
0x22: {  	[simem:s7], [sflag:s8] =	dma.local @!p0 [hbm:s6], $0xF7A  }
0x23: {  	s9 =	sor.u32 $0xD0000000, s2;
	s6 =	simm.s32 $0x108;
	_ =	swait.ge @!p0 [sflag:s8], $0x0  }
0x24: {  	s3 =	sadd.s32 $0x88, s3;
	s6 =	simm.s32 @!p1 $0x1082;
	[sflag:s4] =	ssyncset.s32 $0xFFFFF086  }
0x25: {  	[simem:s6], [sflag:s4] =	dma.local [hbm:s3], $0xF7A  }
0x26: {  	[smem:$0x3F91] =	sst s1;
	(tag) =	ssettag s2;
	_ =	strace s9  }
0x27: {  	s1 =	sld [smem:$0x3FA1]  }
0x28: {  	s2 =	sld [smem:$0x3FA2]  }
0x29: {  	s4 =	sld [smem:$0x3FA4]  }
0x2a: {  	p0 =	seq.s32 s5, $0x0;
	s5 =	sld [smem:$0x3FA5]  }
0x2b: {  	s6 =	sld [smem:$0x3FA6]  }
0x2c: {  	s7 =	sld [smem:$0x3FA7]  }
0x2d: {  	s3 =	simm.s32 $0x108;
	s8 =	sld [smem:$0x3FA8]  }
0x2e: {  	s3 =	simm.s32 @!p0 $0x1082;
	s9 =	sld [smem:$0x3FA9]  }
0x2f: {  	lr =	sadd.s32 s0, s3;
	s0 =	sld [smem:$0x3FA0]  }
0x30: {  	s3 =	sld [smem:$0x3FA3]  }
0x31: {  	[smem:$0x3FAC] =	sst s10  }
0x32: {  	s10 =	sld [smem:$0x3FAA];
	_ =	sdelay $0x3  }
0x33: {  	p0 =	seq.s32 s10, $0x1;
	s10 =	sld [smem:$0x3FAC];
	_ =	sdelay $0x3  }
0x34: {  	[smem:$0x3FAC] =	sst s10  }
0x35: {  	s10 =	sld [smem:$0x3FAB];
	_ =	sdelay $0x3  }
0x36: {  	p1 =	seq.s32 s10, $0x1;
	s10 =	sld [smem:$0x3FAC];
	_ =	sdelay $0x3  }
0x37: {  	[smem:$0x3FAC] =	sst s10  }
0x38: {  	s10 =	sld [smem:$0x3FAD]  }
0x39: {  	_ = 	snop;
	(pc) =	sbr.ind lr, $3  }
0x3a: {  	_ = 	snop  }
0x3b: {  	_ = 	snop  }
0x3c: {  	p2 =	seq.s32 s10, $0x1;
	s10 =	sld [smem:$0x3FAC]  }
0x3d: {  	_ =	shalt  }
0x3e: {  	_ =	shalt  }
0x3f: {  	_ =	shalt  }
0x40: {  	_ =	shalt  }
0x41: {  	_ =	shalt  }
0x42: {  	_ =	shalt  }
0x43: {  	_ =	shalt  }
0x44: {  	_ =	shalt  }
0x45: {  	_ =	shalt  }
0x46: {  	_ =	shalt  }
0x47: {  	_ =	shalt  }
0x48: {  	_ =	shalt  }
0x49: {  	_ =	shalt  }
0x4a: {  	_ =	shalt  }
0x4b: {  	_ =	shalt  }
0x4c: {  	_ =	shalt  }
0x4d: {  	_ =	shalt  }
0x4e: {  	_ =	shalt  }
0x4f: {  	_ =	shalt  }
0x50: {  	_ =	shalt  }
0x51: {  	_ =	shalt  }
0x52: {  	_ =	shalt  }
0x53: {  	_ =	shalt  }
0x54: {  	_ =	shalt  }
0x55: {  	_ =	shalt  }
0x56: {  	_ =	shalt  }
0x57: {  	_ =	shalt  }
0x58: {  	_ =	shalt  }
0x59: {  	_ =	shalt  }
0x5a: {  	_ =	shalt  }
0x5b: {  	_ =	shalt  }
0x5c: {  	_ =	shalt  }
0x5d: {  	_ =	shalt  }
0x5e: {  	_ =	shalt  }
0x5f: {  	_ =	shalt  }
0x60: {  	_ =	shalt  }
0x61: {  	_ =	shalt  }
0x62: {  	_ =	shalt  }
0x63: {  	_ =	shalt  }
0x64: {  	_ =	shalt  }
0x65: {  	_ =	shalt  }
0x66: {  	_ =	shalt  }
0x67: {  	_ =	shalt  }
0x68: {  	_ =	shalt  }
0x69: {  	_ =	shalt  }
0x6a: {  	_ =	shalt  }
0x6b: {  	_ =	shalt  }
0x6c: {  	_ =	shalt  }
0x6d: {  	_ =	shalt  }
0x6e: {  	_ =	shalt  }
0x6f: {  	_ =	shalt  }
0x70: {  	_ =	shalt  }
0x71: {  	_ =	shalt  }
0x72: {  	_ =	shalt  }
0x73: {  	_ =	shalt  }
0x74: {  	_ =	shalt  }
0x75: {  	_ =	shalt  }
0x76: {  	_ =	shalt  }
0x77: {  	_ =	shalt  }
0x78: {  	_ =	shalt  }
0x79: {  	_ =	shalt  }
0x7a: {  	_ =	shalt  }
0x7b: {  	_ =	shalt  }
0x7c: {  	_ =	shalt  }
0x7d: {  	_ =	shalt  }
0x7e: {  	_ =	shalt  }
0x7f: {  	_ =	shalt  }
0x80: {  	_ =	shalt  }
0x81: {  	_ =	shalt  }
0x82: {  	_ =	shalt  }
0x83: {  	_ =	shalt  }
0x84: {  	_ =	shalt  }
0x85: {  	_ =	shalt  }
0x86: {  	_ =	shalt  }
0x87: {  	_ =	shalt  }
.Lfunc_end0:
.L_simem_size_0:
called_computation.5_lowered:
.L_overlay_start_0:
0x88: {  	s2 =	sld [smem:$0x3FD9]  }
0x89: {  	s3 =	sld [smem:$0x3FFE];
	_ =	sdelay $0x1  }
0x8a: {  	s1 =	srdreg.scid  }
0x8b: {  	s0 =	sand.u32 $0x1, s1  }
0x8c: {  	s15 =	sshll.u32 s0, $0xA;
	s2 =	sadd.s32 s3, s2  }
0x8d: {  	s2 =	sadd.s32 s2, s15  }
0x8e: {  	[smem:$0x3FB8] =	sst s2  }
0x8f: {  	_ = 	snop  }
0x90: {  	s2 =	sld [smem:$0x3FD0];
	_ =	sdelay $0x2  }
0x91: {  	s16 =	simm.s32 $0xB;
	s4 =	simm.s32 $0x10  }
0x92: {  	[smem:s4], [sflag:s16] =	dma.local [hbm:s2], $0x1  }
0x93: {  	_ =	swait.eq [sflag:s16], $0x1  }
0x94: {  	[sflag:s16] =	ssyncset.done $0x0  }
0x95: {  	[sflag:s16] =	ssyncadd.s32 $0xFFFFFFFF  }
0x96: {  	s17 =	sld [smem:$0x10];
	(tm) =	ssettm $0x1  }
0x97: {  	s18 =	sld [smem:$0x3FFB];
	_ =	sdelay $0x3  }
0x98: {  	_ =	strace s18  }
0x99: {  	s2 =	sld [smem:$0x3FFC];
	_ =	sdelay $0x3  }
0x9a: {  	_ =	strace s2  }
0x9b: {  	s2 =	sld [smem:$0x3FFD];
	_ =	sdelay $0x3  }
0x9c: {  	_ =	strace s2  }
0x9d: {  	_ =	strace $0x8FFFFFFF  }
0x9e: {  	s19 =	sld [smem:$0x3FDB];
	_ =	sdelay $0x1  }
0x9f: {  	s20 =	simm.s32 $_scs_section_size  }
0xa0: {  	s5 =	simm.s32 $_size__tile_overlayer_lowered;
	s6 =	simm.s32 $_tile_overlayer_lowered  }
0xa1: {  	s7 =	simm.s32 $0x1BFF;
	s21 =	sshll.u32 s6, $0x1;
	s4 =	sadd.s32 s20, s19  }
0xa2: {  	s22 =	simm.s32 $0x0;
	s5 =	sshll.u32 s5, $0x1;
	s6 =	sadd.s32 s21, s4  }
0xa3: {  	[timem:s22], [sflag:s7] =	dma.local [hbm:s6], s5  }
0xa4: {  	_ =	swait.ge [sflag:s7], s5  }
0xa5: {  	s5 =	ssub.s32 $0x0, s5;
	[sflag:s7] =	ssyncset.done $0x0  }
0xa6: {  	[sflag:s7] =	ssyncadd.s32 s5;
	_ =	sdelay $0x1  }
0xa7: {  	s23 =	simm.s32 $0x1B8B  }
0xa8: {  	_ =	swait.ge [sflag:s23], $0x1  }
0xa9: {  	[sflag:s23] =	ssyncset.done $0x0  }
0xaa: {  	[sflag:s23] =	ssyncadd.s32 $0xFFFFFFFF  }
0xab: {  	s5 =	sld [smem:$0x0]  }
0xac: {  	s6 =	sand.u32 $0xFFFFFFFE, s1  }
0xad: {  	p0 =	sne.s32 s1, s6  }
0xae: {  	s6 =	sshll.u32 @p0 s6, $0xE  }
0xaf: {  	s6 =	sadd.s32 @p0 $0x11B8D, s6;
	s7 =	sshll.u32 @p0 s5, $0x11  }
0xb0: {  	s6 =	sor.u32 @p0 s7, s6  }
0xb1: {  	[sflag:s6] =	ssyncadd.remote.s32 @p0 $0x1;
	_ =	sdelay $0x1  }
0xb2: {  	s6 =	simm.s32 @p0 $0x1B8D  }
0xb3: {  	_ =	swait.eq @p0 [sflag:s6], $0x1  }
0xb4: {  	[sflag:s6] =	ssyncadd.s32 @p0 $0xFFFFFFFF  }
0xb5: {  	s7 =	sshll.u32 @!p0 s1, $0xE  }
0xb6: {  	s7 =	sor.u32 @!p0 $0x4000, s7;
	s6 =	simm.s32 @!p0 $0x1B8D  }
0xb7: {  	s5 =	sshll.u32 @!p0 s5, $0x11;
	s7 =	sadd.s32 @!p0 $0x11B8D, s7;
	_ =	swait.eq @!p0 [sflag:s6], $0x1  }
0xb8: {  	s5 =	sor.u32 @!p0 s5, s7;
	[sflag:s6] =	ssyncadd.s32 @!p0 $0xFFFFFFFF  }
0xb9: {  	s25 =	simm.s32 $0x1B8E;
	s24 =	sld [smem:$0x3FFE];
	[sflag:s5] =	ssyncadd.remote.s32 @!p0 $0x1  }
0xba: {  	s26 =	simm.s32 $execute0_lowered;
	[smem:$0x3FD2] =	sst s25  }
0xbb: {  	s6 =	sshll.u32 s26, $0x1;
	_ =	strace $0x80000058;
	[dreg:$0x1] =	wrdreg $0xFFFFFFFF  }
0xbc: {  	s28 =	simm.s32 $_size_execute0_lowered;
	s4 =	sadd.s32 s4, s6;
	[dreg:$0x0] =	wrdreg $0x0  }
0xbd: {  	s6 =	sshll.u32 s28, $0x1;
	[dreg:$0x2] =	wrdreg s4  }
0xbe: {  	[dreg:$0x3] =	wrdreg s6  }
0xbf: {  	[dreg:$0x4] =	wrdreg $0xC0  }
0xc0: {  	_ =	task [dreg:s22], $0x5FFFF  }
0xc1: {  	[dreg:$0x1] =	wrdreg $0xFFFFFFFF  }
0xc2: {  	[dreg:$0x0] =	wrdreg $0x60  }
0xc3: {  	[dreg:$0x2] =	wrdreg s24  }
0xc4: {  	[dreg:$0x3] =	wrdreg s17  }
0xc5: {  	[dreg:$0x4] =	wrdreg $0xB8000  }
0xc6: {  	[dreg:$0x5] =	wrdreg $0x9  }
0xc7: {  	_ =	task.clear_ibuf [dreg:s22], $0x6FFFF;
	_ =	strace $0x90000058  }
0xc8: {  	s29 =	simm.s32 $0x9;
	_ =	strace $0x8000005A  }
0xc9: {  	_ =	swait.ge [sflag:s29], $0x1  }
0xca: {  	[sflag:s29] =	ssyncadd.s32 $0xFFFFFFFF  }
0xcb: {  	_ =	strace $0x9000005A  }
0xcc: {  	_ =	sfence  }
0xcd: {  	s30 =	sld [smem:$0x0];
	_ =	sdelay $0x2  }
0xce: {  	s31 =	sshll.u32 s1, $0xD;
	s1 =	sshrl.u32 s1, $0x2  }
0xcf: {  	s4 =	sand.u32 $0x4000, s31;
	s1 =	sadd.s32 s1, s30  }
0xd0: {  	s0 =	sor.u32 s4, s0;
	s1 =	sshll.u32 s1, $0x11  }
0xd1: {  	s0 =	sor.u32 s1, s0  }
0xd2: {  	s0 =	sadd.s32 $0x8F2B, s0  }
0xd3: {  	[sflag:s0] =	ssyncadd.remote.s32 $0x1  }
0xd4: {  	_ =	sfence.sel $0xFFFF  }
0xd5: {  	[dreg:$0x0] =	wrdreg $0xFFFFFFFF;
	(pc) =	sbr.abs _section_cstart, $3  }
0xd6: {  	[dreg:$0x1] =	wrdreg $0xFFFFFFFF  }
0xd7: {  	_ =	task.clear_ibuf [dreg:s22], $0x2FFFF;
	_ =	strace $0x9FFFFFFF  }
0xd8: {  	(tm) =	ssettm $0x7FFFFFFF  }
0xd9: {  	_ =	shalt  }
tec
execute0_lowered:
.L_overlay_start_1:
0x0: {  	(tag) =	ssettag $0x1  }
0x1: {  	s6 =	rddreg [dreg:$0x0]  }
0x2: {  	s8 =	rddreg [dreg:$0x1]  }
0x3: {  	s2 =	rddreg [dreg:$0x2]  }
0x4: {  	s0 =	rddreg [dreg:$0x3]  }
0x5: {  	s1 =	stileid.u32;
	s4 =	srdreg.scid;
	s3 =	simm.s32 $0x0  }
0x6: {  	s17 =	simm.s32 $0x3800;
	s18 =	simm.s32 $0x7800;
	s19 =	simm.s32 $0x1  }
0x7: {  	s20 =	simm.s32 $0x2;
	s21 =	simm.s32 $0x0;
	s7 =	smul.u32 $0x13C00, s1  }
0x8: {  	s9 =	sand.u32 $0x1, s4;
	[smem:$0x7FF] =	sst s3;
	s13 =	smul.u32 $0x4F000, s1  }
0x9: {  	s4 =	sadd.s32 $0x113E00, s6;
	s5 =	sadd.s32 $0xE2C00, s6;
	s16 =	smul.u32 $0x2800, s1  }
0xa: {  	s30 =	sshll.u32 s1, $0x6;
	s10 =	smul.u32 $0x13C000, s9;
	_ =	strace $0x80000059  }
0xb: {  	s25 =	sshll.u32 s9, $0x4;
	s12 =	ssub.s32 $0x2, s9;
	s29 =	smul.u32 $0x28000, s9  }
0xc: {  	s11 =	sshrl.u32 s7, $0x3;
	s26 =	sshrl.u32 s12, $0x1;
	s28 =	sshrl.u32 s13, $0x2  }
0xd: {  	s7 =	sadd.s32 s7, s10;
	s24 =	sadd.s32 s11, s6;
	s11 =	sor.u32 s1, s25  }
0xe: {  	s12 =	ssub.s32 s12, s26;
	s15 =	sadd.s32 s28, s2;
	s13 =	sadd.s32 s16, s29  }
0xf: {  	s16 =	simm.s32 $0x80;
	s7 =	sshrl.u32 s7, $0x3;
	s11 =	smul.u32 $0x2800, s11  }
0x10: {  	s14 =	sadd.s32 s7, s6;
	s6 =	sadd.s32 $0x6C400, s24;
	s7 =	sor.u32 $0x1C04, s30  }
0x11: {  	s31 =	sshrl.u32 s11, $0x3;
	s10 =	sadd.s32 $0x13B000, s14;
	s11 =	smax.u32 s12, $0x1  }
0x12: {  	s12 =	sadd.s32 $0x800, s13;
	s13 =	sshrl.u32 s15, $0x3;
	s14 =	simm.s32 $0x4  }
0x13: {  	s15 =	simm.s32 $0x1000;
	s8 =	sadd.s32 s8, s31;
	s9 =	sadd.s32 s5, s31  }
.LBB2_1:
0x14: {  	[spmem:s13], [sflag:s7] =	dma.local [hbm:s6], $0x2780  }
0x15: {  	_ =	swait.ge [sflag:s14], $0x2780  }
0x16: {  	[sflag:s14] =	ssyncset.done $0x0  }
0x17: {  	[sflag:s14] =	ssyncadd.s32 $0xFFFFD880  }
0x18: {  	[tilespmem:s15], [sflag:$0x4] =	stream.linear.gather [hbm4b:s8+s3], $0x2800, $0x38;
	[tilespmem:$0x1F400] =	vst v63  }
0x19: {  	_ =	swait.ge [sflag:s14], $0x2800  }
0x1a: {  	[sflag:s14] =	ssyncset.done $0x0  }
0x1b: {  	[sflag:s14] =	ssyncadd.s32 $0xFFFFD800  }
0x1c: {  	[tilespmem:s3], [sflag:$0x4] =	stream.linear.gather [hbm4b:s9+s3], $0x800, $0x38;
	[tilespmem:$0x1F400] =	vst v63  }
0x1d: {  	_ =	swait.ge [sflag:s14], $0x800  }
0x1e: {  	[sflag:s14] =	ssyncset.done $0x0  }
0x1f: {  	[sflag:s14] =	ssyncadd.s32 $0xFFFFF800  }
0x20: {  	s22 =	simm.s32 $0x0;
	s23 =	simm.s32 $0x0;
	[bflag:$0x0] =	sbarrier.arrive $0xFFFF  }
.LBB2_2:
0x21: {  	p0 =	seq.s32 s23, $0x0  }
0x22: {  	s24 =	simm.s32 @!p0 $0x3  }
0x23: {  	p1 =	seq.s32 @!p0 s23, $0x8000;
	_ =	swait.ge @!p0 [sflag:s24], $0x800  }
0x24: {  	p1 =	por p0, !p1;
	[sflag:s24] =	ssyncset.done @!p0 $0x0  }
0x25: {  	s25 =	simm.s32 @!p0 $0x0;
	[sflag:s24] =	ssyncadd.s32 @!p0 $0xFFFFF800;
	s24 =	sadd.s32 @p1 s22, s12  }
0x26: {  	s25 =	sxor.u32 @p1 $0xFFFFFFFF, s22;
	s24 =	sshrl.u32 @p1 s24, $0x3  }
0x27: {  	s25 =	sand.u32 @p1 $0x800, s25;
	s24 =	sadd.s32 @p1 s5, s24  }
0x28: {  	[tilespmem:s25], [sflag:$0x3] =	stream.linear.gather @p1 [hbm4b:s24+s3], $0x800, $0x38;
	[tilespmem:$0x1F400] =	vst v63  }
0x29: {  	s25 =	sand.u32 @p1 $0x800, s22  }
0x2a: {  	[tilespmem:s17], [sflag:$0x1] =	stream.indirect.gather [hbm4b:s4+s16], $0x80, s25, s16, $0xb8;
	[tilespmem:$0x1F400] =	vst v63  }
0x2b: {  	s28 =	sadd.s32 $0x80, s25  }
0x2c: {  	[tilespmem:s18], [sflag:$0x2] =	stream.indirect.gather [hbm4b:s4+s16], $0x80, s28, s16, $0xb8;
	[tilespmem:$0x1F400] =	vst v63  }
0x2d: {  	_ =	swait.ge [sflag:s19], $0x4000  }
0x2e: {  	s24 =	sshra.s32 s23, $0x2;
	[sflag:s19] =	ssyncset.done $0x0  }
0x2f: {  	s26 =	sadd.s32 $0x1000, s24;
	[sflag:s19] =	ssyncadd.s32 $0xFFFFC000  }
0x30: {  	[spmem:s2] =	stream.indirect.scatter.add.f32 [tilespmem:s17], [sflag:$0x4], $0x80, s26, s16, $0xb8;
	[tilespmem:$0x1F400] =	vst v63  }
0x31: {  	_ =	swait.ge [sflag:s14], $0x4000  }
0x32: {  	[sflag:s14] =	ssyncset.done $0x0  }
0x33: {  	s29 =	sadd.s32 $0x100, s25;
	[sflag:s14] =	ssyncadd.s32 $0xFFFFC000  }
0x34: {  	[tilespmem:s17], [sflag:$0x1] =	stream.indirect.gather [hbm4b:s4+s16], $0x80, s29, s16, $0xb8;
	[tilespmem:$0x1F400] =	vst v63  }
0x35: {  	_ =	swait.ge [sflag:s20], $0x4000  }
0x36: {  	[sflag:s20] =	ssyncset.done $0x0  }
0x37: {  	s30 =	sadd.s32 $0x1080, s24;
	[sflag:s20] =	ssyncadd.s32 $0xFFFFC000  }
0x38: {  	[spmem:s2] =	stream.indirect.scatter.add.f32 [tilespmem:s18], [sflag:$0x4], $0x80, s30, s16, $0xb8;
	[tilespmem:$0x1F400] =	vst v63  }
0x39: {  	_ =	swait.ge [sflag:s14], $0x4000  }
0x3a: {  	[sflag:s14] =	ssyncset.done $0x0  }
0x3b: {  	s31 =	sadd.s32 $0x180, s25;
	[sflag:s14] =	ssyncadd.s32 $0xFFFFC000  }
0x3c: {  	[tilespmem:s18], [sflag:$0x2] =	stream.indirect.gather [hbm4b:s4+s16], $0x80, s31, s16, $0xb8;
	[tilespmem:$0x1F400] =	vst v63  }
0x3d: {  	_ =	swait.ge [sflag:s19], $0x4000  }
0x3e: {  	[sflag:s19] =	ssyncset.done $0x0  }
0x3f: {  	s28 =	sadd.s32 $0x1100, s24;
	[sflag:s19] =	ssyncadd.s32 $0xFFFFC000  }
0x40: {  	[spmem:s2] =	stream.indirect.scatter.add.f32 [tilespmem:s17], [sflag:$0x4], $0x80, s28, s16, $0xb8;
	[tilespmem:$0x1F400] =	vst v63  }
0x41: {  	_ =	swait.ge [sflag:s14], $0x4000  }
0x42: {  	[sflag:s14] =	ssyncset.done $0x0  }
0x43: {  	s29 =	sadd.s32 $0x200, s25;
	[sflag:s14] =	ssyncadd.s32 $0xFFFFC000  }
0x44: {  	[tilespmem:s17], [sflag:$0x1] =	stream.indirect.gather [hbm4b:s4+s16], $0x80, s29, s16, $0xb8;
	[tilespmem:$0x1F400] =	vst v63  }
0x45: {  	_ =	swait.ge [sflag:s20], $0x4000  }
0x46: {  	[sflag:s20] =	ssyncset.done $0x0  }
0x47: {  	s30 =	sadd.s32 $0x1180, s24;
	[sflag:s20] =	ssyncadd.s32 $0xFFFFC000  }
0x48: {  	[spmem:s2] =	stream.indirect.scatter.add.f32 [tilespmem:s18], [sflag:$0x4], $0x80, s30, s16, $0xb8;
	[tilespmem:$0x1F400] =	vst v63  }
0x49: {  	_ =	swait.ge [sflag:s14], $0x4000  }
0x4a: {  	[sflag:s14] =	ssyncset.done $0x0  }
0x4b: {  	s31 =	sadd.s32 $0x280, s25;
	[sflag:s14] =	ssyncadd.s32 $0xFFFFC000  }
0x4c: {  	[tilespmem:s18], [sflag:$0x2] =	stream.indirect.gather [hbm4b:s4+s16], $0x80, s31, s16, $0xb8;
	[tilespmem:$0x1F400] =	vst v63  }
0x4d: {  	_ =	swait.ge [sflag:s19], $0x4000  }
0x4e: {  	[sflag:s19] =	ssyncset.done $0x0  }
0x4f: {  	s28 =	sadd.s32 $0x1200, s24;
	[sflag:s19] =	ssyncadd.s32 $0xFFFFC000  }
0x50: {  	[spmem:s2] =	stream.indirect.scatter.add.f32 [tilespmem:s17], [sflag:$0x4], $0x80, s28, s16, $0xb8;
	[tilespmem:$0x1F400] =	vst v63  }
0x51: {  	_ =	swait.ge [sflag:s14], $0x4000  }
0x52: {  	[sflag:s14] =	ssyncset.done $0x0  }
0x53: {  	s29 =	sadd.s32 $0x300, s25;
	[sflag:s14] =	ssyncadd.s32 $0xFFFFC000  }
0x54: {  	[tilespmem:s17], [sflag:$0x1] =	stream.indirect.gather [hbm4b:s4+s16], $0x80, s29, s16, $0xb8;
	[tilespmem:$0x1F400] =	vst v63  }
0x55: {  	_ =	swait.ge [sflag:s20], $0x4000  }
0x56: {  	[sflag:s20] =	ssyncset.done $0x0  }
0x57: {  	s30 =	sadd.s32 $0x1280, s24;
	[sflag:s20] =	ssyncadd.s32 $0xFFFFC000  }
0x58: {  	[spmem:s2] =	stream.indirect.scatter.add.f32 [tilespmem:s18], [sflag:$0x4], $0x80, s30, s16, $0xb8;
	[tilespmem:$0x1F400] =	vst v63  }
0x59: {  	_ =	swait.ge [sflag:s14], $0x4000  }
0x5a: {  	[sflag:s14] =	ssyncset.done $0x0  }
0x5b: {  	s31 =	sadd.s32 $0x380, s25;
	[sflag:s14] =	ssyncadd.s32 $0xFFFFC000  }
0x5c: {  	[tilespmem:s18], [sflag:$0x2] =	stream.indirect.gather [hbm4b:s4+s16], $0x80, s31, s16, $0xb8;
	[tilespmem:$0x1F400] =	vst v63  }
0x5d: {  	_ =	swait.ge [sflag:s19], $0x4000  }
0x5e: {  	[sflag:s19] =	ssyncset.done $0x0  }
0x5f: {  	s28 =	sadd.s32 $0x1300, s24;
	[sflag:s19] =	ssyncadd.s32 $0xFFFFC000  }
0x60: {  	[spmem:s2] =	stream.indirect.scatter.add.f32 [tilespmem:s17], [sflag:$0x4], $0x80, s28, s16, $0xb8;
	[tilespmem:$0x1F400] =	vst v63  }
0x61: {  	_ =	swait.ge [sflag:s14], $0x4000  }
0x62: {  	[sflag:s14] =	ssyncset.done $0x0  }
0x63: {  	s29 =	sadd.s32 $0x400, s25;
	[sflag:s14] =	ssyncadd.s32 $0xFFFFC000  }
0x64: {  	[tilespmem:s17], [sflag:$0x1] =	stream.indirect.gather [hbm4b:s4+s16], $0x80, s29, s16, $0xb8;
	[tilespmem:$0x1F400] =	vst v63  }
0x65: {  	_ =	swait.ge [sflag:s20], $0x4000  }
0x66: {  	[sflag:s20] =	ssyncset.done $0x0  }
0x67: {  	s30 =	sadd.s32 $0x1380, s24;
	[sflag:s20] =	ssyncadd.s32 $0xFFFFC000  }
0x68: {  	[spmem:s2] =	stream.indirect.scatter.add.f32 [tilespmem:s18], [sflag:$0x4], $0x80, s30, s16, $0xb8;
	[tilespmem:$0x1F400] =	vst v63  }
0x69: {  	_ =	swait.ge [sflag:s14], $0x4000  }
0x6a: {  	[sflag:s14] =	ssyncset.done $0x0  }
0x6b: {  	s31 =	sadd.s32 $0x480, s25;
	[sflag:s14] =	ssyncadd.s32 $0xFFFFC000  }
0x6c: {  	[tilespmem:s18], [sflag:$0x2] =	stream.indirect.gather [hbm4b:s4+s16], $0x80, s31, s16, $0xb8;
	[tilespmem:$0x1F400] =	vst v63  }
0x6d: {  	_ =	swait.ge [sflag:s19], $0x4000  }
0x6e: {  	[sflag:s19] =	ssyncset.done $0x0  }
0x6f: {  	s28 =	sadd.s32 $0x1400, s24;
	[sflag:s19] =	ssyncadd.s32 $0xFFFFC000  }
0x70: {  	[spmem:s2] =	stream.indirect.scatter.add.f32 [tilespmem:s17], [sflag:$0x4], $0x80, s28, s16, $0xb8;
	[tilespmem:$0x1F400] =	vst v63  }
0x71: {  	_ =	swait.ge [sflag:s14], $0x4000  }
0x72: {  	[sflag:s14] =	ssyncset.done $0x0  }
0x73: {  	s29 =	sadd.s32 $0x500, s25;
	[sflag:s14] =	ssyncadd.s32 $0xFFFFC000  }
0x74: {  	[tilespmem:s17], [sflag:$0x1] =	stream.indirect.gather [hbm4b:s4+s16], $0x80, s29, s16, $0xb8;
	[tilespmem:$0x1F400] =	vst v63  }
0x75: {  	_ =	swait.ge [sflag:s20], $0x4000  }
0x76: {  	[sflag:s20] =	ssyncset.done $0x0  }
0x77: {  	s30 =	sadd.s32 $0x1480, s24;
	[sflag:s20] =	ssyncadd.s32 $0xFFFFC000  }
0x78: {  	[spmem:s2] =	stream.indirect.scatter.add.f32 [tilespmem:s18], [sflag:$0x4], $0x80, s30, s16, $0xb8;
	[tilespmem:$0x1F400] =	vst v63  }
0x79: {  	_ =	swait.ge [sflag:s14], $0x4000  }
0x7a: {  	[sflag:s14] =	ssyncset.done $0x0  }
0x7b: {  	s31 =	sadd.s32 $0x580, s25;
	[sflag:s14] =	ssyncadd.s32 $0xFFFFC000  }
0x7c: {  	[tilespmem:s18], [sflag:$0x2] =	stream.indirect.gather [hbm4b:s4+s16], $0x80, s31, s16, $0xb8;
	[tilespmem:$0x1F400] =	vst v63  }
0x7d: {  	_ =	swait.ge [sflag:s19], $0x4000  }
0x7e: {  	[sflag:s19] =	ssyncset.done $0x0  }
0x7f: {  	s28 =	sadd.s32 $0x1500, s24;
	[sflag:s19] =	ssyncadd.s32 $0xFFFFC000  }
0x80: {  	[spmem:s2] =	stream.indirect.scatter.add.f32 [tilespmem:s17], [sflag:$0x4], $0x80, s28, s16, $0xb8;
	[tilespmem:$0x1F400] =	vst v63  }
0x81: {  	_ =	swait.ge [sflag:s14], $0x4000  }
0x82: {  	[sflag:s14] =	ssyncset.done $0x0  }
0x83: {  	s29 =	sadd.s32 $0x600, s25;
	[sflag:s14] =	ssyncadd.s32 $0xFFFFC000  }
0x84: {  	[tilespmem:s17], [sflag:$0x1] =	stream.indirect.gather [hbm4b:s4+s16], $0x80, s29, s16, $0xb8;
	[tilespmem:$0x1F400] =	vst v63  }
0x85: {  	_ =	swait.ge [sflag:s20], $0x4000  }
0x86: {  	[sflag:s20] =	ssyncset.done $0x0  }
0x87: {  	s30 =	sadd.s32 $0x1580, s24;
	[sflag:s20] =	ssyncadd.s32 $0xFFFFC000  }
0x88: {  	[spmem:s2] =	stream.indirect.scatter.add.f32 [tilespmem:s18], [sflag:$0x4], $0x80, s30, s16, $0xb8;
	[tilespmem:$0x1F400] =	vst v63  }
0x89: {  	_ =	swait.ge [sflag:s14], $0x4000  }
0x8a: {  	[sflag:s14] =	ssyncset.done $0x0  }
0x8b: {  	s31 =	sadd.s32 $0x680, s25;
	[sflag:s14] =	ssyncadd.s32 $0xFFFFC000  }
0x8c: {  	[tilespmem:s18], [sflag:$0x2] =	stream.indirect.gather [hbm4b:s4+s16], $0x80, s31, s16, $0xb8;
	[tilespmem:$0x1F400] =	vst v63  }
0x8d: {  	_ =	swait.ge [sflag:s19], $0x4000  }
0x8e: {  	[sflag:s19] =	ssyncset.done $0x0  }
0x8f: {  	s28 =	sadd.s32 $0x1600, s24;
	[sflag:s19] =	ssyncadd.s32 $0xFFFFC000  }
0x90: {  	[spmem:s2] =	stream.indirect.scatter.add.f32 [tilespmem:s17], [sflag:$0x4], $0x80, s28, s16, $0xb8;
	[tilespmem:$0x1F400] =	vst v63  }
0x91: {  	_ =	swait.ge [sflag:s14], $0x4000  }
0x92: {  	[sflag:s14] =	ssyncset.done $0x0  }
0x93: {  	s29 =	sadd.s32 $0x700, s25;
	[sflag:s14] =	ssyncadd.s32 $0xFFFFC000  }
0x94: {  	[tilespmem:s17], [sflag:$0x1] =	stream.indirect.gather [hbm4b:s4+s16], $0x80, s29, s16, $0xb8;
	[tilespmem:$0x1F400] =	vst v63  }
0x95: {  	_ =	swait.ge [sflag:s20], $0x4000  }
0x96: {  	[sflag:s20] =	ssyncset.done $0x0  }
0x97: {  	s30 =	sadd.s32 $0x1680, s24;
	[sflag:s20] =	ssyncadd.s32 $0xFFFFC000  }
0x98: {  	[spmem:s2] =	stream.indirect.scatter.add.f32 [tilespmem:s18], [sflag:$0x4], $0x80, s30, s16, $0xb8;
	[tilespmem:$0x1F400] =	vst v63  }
0x99: {  	_ =	swait.ge [sflag:s14], $0x4000  }
0x9a: {  	[sflag:s14] =	ssyncset.done $0x0  }
0x9b: {  	s25 =	sadd.s32 $0x780, s25;
	[sflag:s14] =	ssyncadd.s32 $0xFFFFC000  }
0x9c: {  	[tilespmem:s18], [sflag:$0x2] =	stream.indirect.gather [hbm4b:s4+s16], $0x80, s25, s16, $0xb8;
	[tilespmem:$0x1F400] =	vst v63  }
0x9d: {  	_ =	swait.ge [sflag:s19], $0x4000  }
0x9e: {  	[sflag:s19] =	ssyncset.done $0x0  }
0x9f: {  	s31 =	sadd.s32 $0x1700, s24;
	[sflag:s19] =	ssyncadd.s32 $0xFFFFC000  }
0xa0: {  	[spmem:s2] =	stream.indirect.scatter.add.f32 [tilespmem:s17], [sflag:$0x4], $0x80, s31, s16, $0xb8;
	[tilespmem:$0x1F400] =	vst v63  }
0xa1: {  	_ =	swait.ge [sflag:s14], $0x4000  }
0xa2: {  	[sflag:s14] =	ssyncset.done $0x0  }
0xa3: {  	[sflag:s14] =	ssyncadd.s32 $0xFFFFC000  }
0xa4: {  	s23 =	sadd.s32 $0x2000, s23;
	_ =	swait.ge [sflag:s20], $0x4000  }
0xa5: {  	p0 =	sne.s32 s23, $0xA000;
	[sflag:s20] =	ssyncset.done $0x0  }
.Ltmp0:
0xa6: {  	s24 =	sadd.s32 $0x1780, s24;
	[sflag:s20] =	ssyncadd.s32 $0xFFFFC000;
	(pc) =	sbr.rel @p0 .LBB2_2-.Ltmp0, $4  }
0xa7: {  	[spmem:s2] =	stream.indirect.scatter.add.f32 [tilespmem:s18], [sflag:$0x4], $0x80, s24, s16, $0xb8;
	[tilespmem:$0x1F400] =	vst v63  }
0xa8: {  	_ =	swait.ge [sflag:s14], $0x4000  }
0xa9: {  	[sflag:s14] =	ssyncset.done $0x0  }
0xaa: {  	s22 =	sadd.s32 $0x800, s22;
	[sflag:s14] =	ssyncadd.s32 $0xFFFFC000  }
0xab: {  	s21 =	sadd.s32 $0x1, s21  }
0xac: {  	p0 =	sne.s32 s21, s11  }
.Ltmp1:
0xad: {  	[bflag:$0x0] =	sbarrier.arrive $0xFFFF;
	(pc) =	sbr.rel @p0 .LBB2_1-.Ltmp1, $4  }
0xae: {  	[hbm:s10], [sflag:s7] =	dma.local [spmem:s13], $0x2780  }
0xaf: {  	_ =	swait.ge [sflag:s14], $0x2780  }
0xb0: {  	[sflag:s14] =	ssyncset.done $0x0  }
0xb1: {  	[sflag:s14] =	ssyncadd.s32 $0xFFFFD880  }
0xb2: {  	_ =	sfence.sel $0x180000  }
0xb3: {  	[bflag:$0x0] =	sbarrier.arrive $0xFFFF  }
0xb4: {  	p0 =	sne.s32 s1, $0x0;
	_ =	strace $0x90000059  }
0xb5: {  	s0 =	sadd.s32 @!p0 $0x100000, s0;
	[bflag:$0x2] =	sbarrier.arrive $0xFFFF  }
0xb6: {  	[sflag:s0] =	ssyncadd.tile.s32 @!p0 $0x1;
	_ =	shalt  }
.Lfunc_end2:
_tile_overlayer_lowered:
.L_overlay_start_2:
0xb7: {  	(tag) =	ssettag $0x2  }
0xb8: {  	s0 =	rddreg [dreg:$0x0];
	s2 =	stileid.u32  }
0xb9: {  	s1 =	rddreg [dreg:$0x1];
	p0 =	sne.s32 s2, $0x0  }
0xba: {  	s3 =	rddreg [dreg:$0x2];
	[bflag:$0x3] =	sbarrier.arrive $0xFFFF;
	s2 =	simm.s32 @!p0 $0x1C04  }
0xbb: {  	[timem:s3], [sflag:s2] =	dma.local @!p0 [hbm:s0], s1  }
0xbc: {  	s0 =	simm.s32 @!p0 $0x4  }
0xbd: {  	_ =	swait.ge @!p0 [sflag:s0], s1  }
0xbe: {  	s1 =	ssub.s32 @!p0 $0x0, s1;
	[sflag:s0] =	ssyncset.done @!p0 $0x0  }
0xbf: {  	[sflag:s0] =	ssyncadd.s32 @!p0 s1  }
0xc0: {  	[bflag:$0x3] =	sbarrier.arrive $0xFFFF  }
0xc1: {  	_ =	shalt  }

// kernel: kernel.36.cloned.1.call-start
scs
__scs_entry_jumppad:
0x0: {  	(pc) =	sbr.rel $0x88, $3  }
0x1: {  	(tag) =	ssettag $0x0;
	lr =	simm.s32 $0x1  }
0x2: {  	[smem:$0x3F91] =	sst lr;
	_ =	strace $0xD0000000  }
0x3: {  	_ = 	snop  }
0x4: {  	_ = 	snop  }
0x5: {  	_ = 	snop  }
0x6: {  	_ = 	snop  }
0x7: {  	_ = 	snop  }
__scs_overlays_trampoline_lowered:
0x8: {  	[smem:$0x3FA0] =	sst s0  }
0x9: {  	[smem:$0x3FA1] =	sst s1  }
0xa: {  	[smem:$0x3FA2] =	sst s2  }
0xb: {  	[smem:$0x3FA3] =	sst s3  }
0xc: {  	[smem:$0x3FA4] =	sst s4  }
0xd: {  	[smem:$0x3FA5] =	sst s5  }
0xe: {  	[smem:$0x3FA6] =	sst s6  }
0xf: {  	[smem:$0x3FA7] =	sst s7  }
0x10: {  	[smem:$0x3FA8] =	sst s8  }
0x11: {  	[smem:$0x3FA9] =	sst s9;
	s0 =	simm.s32 @!p0 $0x0  }
0x12: {  	s1 =	sld [smem:$0x3F8F];
	s0 =	simm.s32 @p0 $0x1  }
0x13: {  	[smem:$0x3FAA] =	sst s0;
	s0 =	simm.s32 @!p1 $0x0  }
0x14: {  	s2 =	sld [smem:$0x3F8E];
	s0 =	simm.s32 @p1 $0x1  }
0x15: {  	[smem:$0x3FAB] =	sst s0;
	s0 =	simm.s32 @!p2 $0x0  }
0x16: {  	s3 =	sld [smem:$0x3FDB];
	s0 =	simm.s32 @p2 $0x1  }
0x17: {  	s4 =	simm.s32 $0x1BF5;
	[smem:$0x3FAD] =	sst s0  }
0x18: {  	s0 =	sld [smem:$0x3F90];
	_ =	swait.ge [sflag:s4], $0x0  }
0x19: {  	s7 =	sld [smem:$0x3F91]  }
0x1a: {  	s8 =	sadd.s32 $0xFFFFE003, lr  }
0x1b: {  	s9 =	sadd.s32 $0xFFFFFEF7, lr;
	s5 =	simm.s32 $0xFFFFFFFF;
	p2 =	slt.u32 s8, $0xFFFFF086  }
0x1c: {  	p1 =	slt.u32 s9, $0xF7A;
	s5 =	simm.s32 @!p2 $0x0  }
0x1d: {  	s5 =	simm.s32 @p1 $0x1;
	p0 =	seq.s32 s7, s2  }
0x1e: {  	s7 =	smul.u32 @!p0 $0xF7A, s2;
	p2 =	seq.s32 @!p0 s5, $0x0  }
0x1f: {  	s9 =	smul.u32 $0xF7A, s1;
	s8 =	simm.s32 @!p0 $0x1BF5;
	p2 =	por !p2, p0  }
0x20: {  	[sflag:s8] =	ssyncset.s32 @!p0 $0xFFFFF086;
	s6 =	sadd.s32 @!p0 s3, s7;
	s7 =	simm.s32 @!p0 $0x108  }
0x21: {  	s3 =	sadd.s32 s3, s9;
	s6 =	sadd.s32 @!p0 $0x88, s6;
	s7 =	simm.s32 @p2 $0x1082  }
0x22: {  	[simem:s7], [sflag:s8] =	dma.local @!p0 [hbm:s6], $0xF7A  }
0x23: {  	s9 =	sor.u32 $0xD0000000, s2;
	s6 =	simm.s32 $0x108;
	_ =	swait.ge @!p0 [sflag:s8], $0x0  }
0x24: {  	s3 =	sadd.s32 $0x88, s3;
	s6 =	simm.s32 @!p1 $0x1082;
	[sflag:s4] =	ssyncset.s32 $0xFFFFF086  }
0x25: {  	[simem:s6], [sflag:s4] =	dma.local [hbm:s3], $0xF7A  }
0x26: {  	[smem:$0x3F91] =	sst s1;
	(tag) =	ssettag s2;
	_ =	strace s9  }
0x27: {  	s1 =	sld [smem:$0x3FA1]  }
0x28: {  	s2 =	sld [smem:$0x3FA2]  }
0x29: {  	s4 =	sld [smem:$0x3FA4]  }
0x2a: {  	p0 =	seq.s32 s5, $0x0;
	s5 =	sld [smem:$0x3FA5]  }
0x2b: {  	s6 =	sld [smem:$0x3FA6]  }
0x2c: {  	s7 =	sld [smem:$0x3FA7]  }
0x2d: {  	s3 =	simm.s32 $0x108;
	s8 =	sld [smem:$0x3FA8]  }
0x2e: {  	s3 =	simm.s32 @!p0 $0x1082;
	s9 =	sld [smem:$0x3FA9]  }
0x2f: {  	lr =	sadd.s32 s0, s3;
	s0 =	sld [smem:$0x3FA0]  }
0x30: {  	s3 =	sld [smem:$0x3FA3]  }
0x31: {  	[smem:$0x3FAC] =	sst s10  }
0x32: {  	s10 =	sld [smem:$0x3FAA];
	_ =	sdelay $0x3  }
0x33: {  	p0 =	seq.s32 s10, $0x1;
	s10 =	sld [smem:$0x3FAC];
	_ =	sdelay $0x3  }
0x34: {  	[smem:$0x3FAC] =	sst s10  }
0x35: {  	s10 =	sld [smem:$0x3FAB];
	_ =	sdelay $0x3  }
0x36: {  	p1 =	seq.s32 s10, $0x1;
	s10 =	sld [smem:$0x3FAC];
	_ =	sdelay $0x3  }
0x37: {  	[smem:$0x3FAC] =	sst s10  }
0x38: {  	s10 =	sld [smem:$0x3FAD]  }
0x39: {  	_ = 	snop;
	(pc) =	sbr.ind lr, $3  }
0x3a: {  	_ = 	snop  }
0x3b: {  	_ = 	snop  }
0x3c: {  	p2 =	seq.s32 s10, $0x1;
	s10 =	sld [smem:$0x3FAC]  }
0x3d: {  	_ =	shalt  }
0x3e: {  	_ =	shalt  }
0x3f: {  	_ =	shalt  }
0x40: {  	_ =	shalt  }
0x41: {  	_ =	shalt  }
0x42: {  	_ =	shalt  }
0x43: {  	_ =	shalt  }
0x44: {  	_ =	shalt  }
0x45: {  	_ =	shalt  }
0x46: {  	_ =	shalt  }
0x47: {  	_ =	shalt  }
0x48: {  	_ =	shalt  }
0x49: {  	_ =	shalt  }
0x4a: {  	_ =	shalt  }
0x4b: {  	_ =	shalt  }
0x4c: {  	_ =	shalt  }
0x4d: {  	_ =	shalt  }
0x4e: {  	_ =	shalt  }
0x4f: {  	_ =	shalt  }
0x50: {  	_ =	shalt  }
0x51: {  	_ =	shalt  }
0x52: {  	_ =	shalt  }
0x53: {  	_ =	shalt  }
0x54: {  	_ =	shalt  }
0x55: {  	_ =	shalt  }
0x56: {  	_ =	shalt  }
0x57: {  	_ =	shalt  }
0x58: {  	_ =	shalt  }
0x59: {  	_ =	shalt  }
0x5a: {  	_ =	shalt  }
0x5b: {  	_ =	shalt  }
0x5c: {  	_ =	shalt  }
0x5d: {  	_ =	shalt  }
0x5e: {  	_ =	shalt  }
0x5f: {  	_ =	shalt  }
0x60: {  	_ =	shalt  }
0x61: {  	_ =	shalt  }
0x62: {  	_ =	shalt  }
0x63: {  	_ =	shalt  }
0x64: {  	_ =	shalt  }
0x65: {  	_ =	shalt  }
0x66: {  	_ =	shalt  }
0x67: {  	_ =	shalt  }
0x68: {  	_ =	shalt  }
0x69: {  	_ =	shalt  }
0x6a: {  	_ =	shalt  }
0x6b: {  	_ =	shalt  }
0x6c: {  	_ =	shalt  }
0x6d: {  	_ =	shalt  }
0x6e: {  	_ =	shalt  }
0x6f: {  	_ =	shalt  }
0x70: {  	_ =	shalt  }
0x71: {  	_ =	shalt  }
0x72: {  	_ =	shalt  }
0x73: {  	_ =	shalt  }
0x74: {  	_ =	shalt  }
0x75: {  	_ =	shalt  }
0x76: {  	_ =	shalt  }
0x77: {  	_ =	shalt  }
0x78: {  	_ =	shalt  }
0x79: {  	_ =	shalt  }
0x7a: {  	_ =	shalt  }
0x7b: {  	_ =	shalt  }
0x7c: {  	_ =	shalt  }
0x7d: {  	_ =	shalt  }
0x7e: {  	_ =	shalt  }
0x7f: {  	_ =	shalt  }
0x80: {  	_ =	shalt  }
0x81: {  	_ =	shalt  }
0x82: {  	_ =	shalt  }
0x83: {  	_ =	shalt  }
0x84: {  	_ =	shalt  }
0x85: {  	_ =	shalt  }
0x86: {  	_ =	shalt  }
0x87: {  	_ =	shalt  }
.Lfunc_end0:
.L_simem_size_0:
called_computation.6_lowered:
.L_overlay_start_0:
0x88: {  	s2 =	sld [smem:$0x3FD9]  }
0x89: {  	s3 =	sld [smem:$0x3FFE];
	_ =	sdelay $0x1  }
0x8a: {  	s1 =	srdreg.scid  }
0x8b: {  	s0 =	sand.u32 $0x1, s1  }
0x8c: {  	s17 =	sshll.u32 s0, $0xA;
	s2 =	sadd.s32 s3, s2  }
0x8d: {  	s2 =	sadd.s32 s2, s17  }
0x8e: {  	[smem:$0x3FB8] =	sst s2  }
0x8f: {  	_ = 	snop  }
0x90: {  	(tm) =	ssettm $0x1  }
0x91: {  	s18 =	sld [smem:$0x3FFB];
	_ =	sdelay $0x3  }
0x92: {  	_ =	strace s18  }
0x93: {  	s2 =	sld [smem:$0x3FFC];
	_ =	sdelay $0x3  }
0x94: {  	_ =	strace s2  }
0x95: {  	s2 =	sld [smem:$0x3FFD];
	_ =	sdelay $0x3  }
0x96: {  	_ =	strace s2  }
0x97: {  	_ =	strace $0x8FFFFFFF  }
0x98: {  	s19 =	sld [smem:$0x3FDB];
	_ =	sdelay $0x1  }
0x99: {  	s20 =	simm.s32 $_scs_section_size  }
0x9a: {  	s4 =	simm.s32 $_size__tile_overlayer_lowered;
	s5 =	simm.s32 $_tile_overlayer_lowered  }
0x9b: {  	s6 =	simm.s32 $0x1BFF;
	s21 =	sshll.u32 s5, $0x1;
	s3 =	sadd.s32 s20, s19  }
0x9c: {  	s22 =	simm.s32 $0x0;
	s4 =	sshll.u32 s4, $0x1;
	s5 =	sadd.s32 s21, s3  }
0x9d: {  	[timem:s22], [sflag:s6] =	dma.local [hbm:s5], s4  }
0x9e: {  	_ =	swait.ge [sflag:s6], s4  }
0x9f: {  	s4 =	ssub.s32 $0x0, s4;
	[sflag:s6] =	ssyncset.done $0x0  }
0xa0: {  	[sflag:s6] =	ssyncadd.s32 s4;
	_ =	sdelay $0x1  }
0xa1: {  	s23 =	simm.s32 $0x1B8B  }
0xa2: {  	_ =	swait.ge [sflag:s23], $0x1  }
0xa3: {  	[sflag:s23] =	ssyncset.done $0x0  }
0xa4: {  	[sflag:s23] =	ssyncadd.s32 $0xFFFFFFFF  }
0xa5: {  	s4 =	sld [smem:$0x0]  }
0xa6: {  	s5 =	sand.u32 $0xFFFFFFFE, s1  }
0xa7: {  	p0 =	sne.s32 s1, s5  }
0xa8: {  	s5 =	sshll.u32 @p0 s5, $0xE  }
0xa9: {  	s5 =	sadd.s32 @p0 $0x11B8D, s5;
	s6 =	sshll.u32 @p0 s4, $0x11  }
0xaa: {  	s5 =	sor.u32 @p0 s6, s5  }
0xab: {  	[sflag:s5] =	ssyncadd.remote.s32 @p0 $0x1;
	_ =	sdelay $0x1  }
0xac: {  	s5 =	simm.s32 @p0 $0x1B8D  }
0xad: {  	_ =	swait.eq @p0 [sflag:s5], $0x1  }
0xae: {  	[sflag:s5] =	ssyncadd.s32 @p0 $0xFFFFFFFF  }
0xaf: {  	s6 =	sshll.u32 @!p0 s1, $0xE  }
0xb0: {  	s6 =	sor.u32 @!p0 $0x4000, s6;
	s5 =	simm.s32 @!p0 $0x1B8D  }
0xb1: {  	s4 =	sshll.u32 @!p0 s4, $0x11;
	s6 =	sadd.s32 @!p0 $0x11B8D, s6;
	_ =	swait.eq @!p0 [sflag:s5], $0x1  }
0xb2: {  	s4 =	sor.u32 @!p0 s4, s6;
	[sflag:s5] =	ssyncadd.s32 @!p0 $0xFFFFFFFF  }
0xb3: {  	s25 =	simm.s32 $0x1B8E;
	s24 =	sld [smem:$0x3FFE];
	[sflag:s4] =	ssyncadd.remote.s32 @!p0 $0x1  }
0xb4: {  	s26 =	simm.s32 $execute0_lowered;
	[smem:$0x3FD2] =	sst s25  }
0xb5: {  	s5 =	sshll.u32 s26, $0x1;
	_ =	strace $0x80000055;
	[dreg:$0x1] =	wrdreg $0xFFFFFFFF  }
0xb6: {  	s28 =	simm.s32 $_size_execute0_lowered;
	s3 =	sadd.s32 s3, s5;
	[dreg:$0x0] =	wrdreg $0x0  }
0xb7: {  	s5 =	sshll.u32 s28, $0x1;
	[dreg:$0x2] =	wrdreg s3  }
0xb8: {  	[dreg:$0x3] =	wrdreg s5  }
0xb9: {  	[dreg:$0x4] =	wrdreg $0xC0  }
0xba: {  	_ =	task [dreg:s22], $0x5FFFF  }
0xbb: {  	[dreg:$0x1] =	wrdreg $0xFFFFFFFF  }
0xbc: {  	[dreg:$0x0] =	wrdreg $0x60  }
0xbd: {  	[dreg:$0x2] =	wrdreg s24  }
0xbe: {  	[dreg:$0x3] =	wrdreg $0xB8000  }
0xbf: {  	[dreg:$0x4] =	wrdreg $0xA  }
0xc0: {  	_ =	task.clear_ibuf [dreg:s22], $0x5FFFF;
	_ =	strace $0x90000055  }
0xc1: {  	s29 =	simm.s32 $0xA;
	_ =	strace $0x80000057  }
0xc2: {  	_ =	swait.ge [sflag:s29], $0x1  }
0xc3: {  	[sflag:s29] =	ssyncadd.s32 $0xFFFFFFFF  }
0xc4: {  	_ =	strace $0x90000057  }
0xc5: {  	_ =	sfence  }
0xc6: {  	s30 =	sld [smem:$0x0];
	_ =	sdelay $0x2  }
0xc7: {  	s31 =	sshll.u32 s1, $0xD;
	s1 =	sshrl.u32 s1, $0x2  }
0xc8: {  	s4 =	sand.u32 $0x4000, s31;
	s1 =	sadd.s32 s1, s30  }
0xc9: {  	s0 =	sor.u32 s4, s0;
	s1 =	sshll.u32 s1, $0x11  }
0xca: {  	s0 =	sor.u32 s1, s0  }
0xcb: {  	s0 =	sadd.s32 $0x8F2B, s0  }
0xcc: {  	[sflag:s0] =	ssyncadd.remote.s32 $0x1  }
0xcd: {  	_ =	sfence.sel $0xFFFF  }
0xce: {  	[dreg:$0x0] =	wrdreg $0xFFFFFFFF;
	(pc) =	sbr.abs _section_cstart, $3  }
0xcf: {  	[dreg:$0x1] =	wrdreg $0xFFFFFFFF  }
0xd0: {  	_ =	task.clear_ibuf [dreg:s22], $0x2FFFF;
	_ =	strace $0x9FFFFFFF  }
0xd1: {  	(tm) =	ssettm $0x7FFFFFFF  }
tec
execute0_lowered:
.L_overlay_start_1:
0x0: {  	(tag) =	ssettag $0x1  }
0x1: {  	s0 =	srdreg.scid;
	s6 =	rddreg [dreg:$0x0]  }
0x2: {  	s2 =	rddreg [dreg:$0x1];
	s1 =	stileid.u32  }
0x3: {  	s3 =	simm.s32 $0x0;
	s17 =	simm.s32 $0x3800;
	s18 =	simm.s32 $0x7800  }
0x4: {  	s19 =	simm.s32 $0x1;
	s20 =	simm.s32 $0x2;
	s8 =	smul.u32 $0x13C00, s1  }
0x5: {  	s7 =	sand.u32 $0x1, s0;
	s0 =	rddreg [dreg:$0x2];
	s14 =	smul.u32 $0x4F000, s1  }
0x6: {  	s21 =	simm.s32 $0x0;
	[smem:$0x7FF] =	sst s3;
	s30 =	smul.u32 $0x2800, s1  }
0x7: {  	s29 =	sshll.u32 s1, $0x6;
	s4 =	sshll.u32 s7, $0x4;
	s10 =	smul.u32 $0x13C000, s7  }
0x8: {  	_ =	strace $0x80000056;
	s25 =	ssub.s32 $0x2, s7;
	s26 =	smul.u32 $0x28000, s7  }
0x9: {  	s7 =	sor.u32 $0x1C04, s29;
	s4 =	sor.u32 s1, s4;
	s12 =	sshrl.u32 s8, $0x3  }
0xa: {  	s13 =	sshrl.u32 s25, $0x1;
	s28 =	sshrl.u32 s14, $0x2;
	s14 =	simm.s32 $0x4  }
0xb: {  	s5 =	smul.u32 $0x2800, s4;
	s4 =	sadd.s32 $0x45200, s6;
	s12 =	sadd.s32 s12, s6  }
0xc: {  	s8 =	sadd.s32 s8, s10;
	s13 =	ssub.s32 s25, s13;
	s16 =	sadd.s32 s28, s2  }
0xd: {  	s31 =	sadd.s32 s30, s26;
	s8 =	sshrl.u32 s8, $0x3;
	s9 =	sshrl.u32 s5, $0x3  }
0xe: {  	s5 =	sadd.s32 $0x14000, s6;
	s15 =	sadd.s32 s8, s6;
	s11 =	sadd.s32 s9, s6  }
0xf: {  	s6 =	sadd.s32 $0x6C400, s12;
	s9 =	sadd.s32 s5, s9;
	s10 =	sadd.s32 $0x93C00, s15  }
0x10: {  	s12 =	sadd.s32 $0x800, s31;
	s15 =	simm.s32 $0x1000;
	s8 =	sadd.s32 $0x8000, s11  }
0x11: {  	s11 =	smax.u32 s13, $0x1;
	s13 =	sshrl.u32 s16, $0x3;
	s16 =	simm.s32 $0x80  }
.LBB2_1:
0x12: {  	[spmem:s13], [sflag:s7] =	dma.local [hbm:s6], $0x2780  }
0x13: {  	_ =	swait.ge [sflag:s14], $0x2780  }
0x14: {  	[sflag:s14] =	ssyncset.done $0x0  }
0x15: {  	[sflag:s14] =	ssyncadd.s32 $0xFFFFD880  }
0x16: {  	[tilespmem:s15], [sflag:$0x4] =	stream.linear.gather [hbm4b:s8+s3], $0x2800, $0x38;
	[tilespmem:$0x1F400] =	vst v63  }
0x17: {  	_ =	swait.ge [sflag:s14], $0x2800  }
0x18: {  	[sflag:s14] =	ssyncset.done $0x0  }
0x19: {  	[sflag:s14] =	ssyncadd.s32 $0xFFFFD800  }
0x1a: {  	[tilespmem:s3], [sflag:$0x4] =	stream.linear.gather [hbm4b:s9+s3], $0x800, $0x38;
	[tilespmem:$0x1F400] =	vst v63  }
0x1b: {  	_ =	swait.ge [sflag:s14], $0x800  }
0x1c: {  	[sflag:s14] =	ssyncset.done $0x0  }
0x1d: {  	[sflag:s14] =	ssyncadd.s32 $0xFFFFF800  }
0x1e: {  	s22 =	simm.s32 $0x0;
	s23 =	simm.s32 $0x0;
	[bflag:$0x0] =	sbarrier.arrive $0xFFFF  }
.LBB2_2:
0x1f: {  	p0 =	seq.s32 s23, $0x0  }
0x20: {  	s24 =	simm.s32 @!p0 $0x3  }
0x21: {  	p1 =	seq.s32 @!p0 s23, $0x8000;
	_ =	swait.ge @!p0 [sflag:s24], $0x800  }
0x22: {  	p1 =	por p0, !p1;
	[sflag:s24] =	ssyncset.done @!p0 $0x0  }
0x23: {  	s25 =	simm.s32 @!p0 $0x0;
	[sflag:s24] =	ssyncadd.s32 @!p0 $0xFFFFF800;
	s24 =	sadd.s32 @p1 s22, s12  }
0x24: {  	s25 =	sxor.u32 @p1 $0xFFFFFFFF, s22;
	s24 =	sshrl.u32 @p1 s24, $0x3  }
0x25: {  	s25 =	sand.u32 @p1 $0x800, s25;
	s24 =	sadd.s32 @p1 s5, s24  }
0x26: {  	[tilespmem:s25], [sflag:$0x3] =	stream.linear.gather @p1 [hbm4b:s24+s3], $0x800, $0x38;
	[tilespmem:$0x1F400] =	vst v63  }
0x27: {  	s25 =	sand.u32 @p1 $0x800, s22  }
0x28: {  	[tilespmem:s17], [sflag:$0x1] =	stream.indirect.gather [hbm4b:s4+s16], $0x80, s25, s16, $0xb8;
	[tilespmem:$0x1F400] =	vst v63  }
0x29: {  	s28 =	sadd.s32 $0x80, s25  }
0x2a: {  	[tilespmem:s18], [sflag:$0x2] =	stream.indirect.gather [hbm4b:s4+s16], $0x80, s28, s16, $0xb8;
	[tilespmem:$0x1F400] =	vst v63  }
0x2b: {  	_ =	swait.ge [sflag:s19], $0x4000  }
0x2c: {  	s24 =	sshra.s32 s23, $0x2;
	[sflag:s19] =	ssyncset.done $0x0  }
0x2d: {  	s26 =	sadd.s32 $0x1000, s24;
	[sflag:s19] =	ssyncadd.s32 $0xFFFFC000  }
0x2e: {  	[spmem:s2] =	stream.indirect.scatter.add.f32 [tilespmem:s17], [sflag:$0x4], $0x80, s26, s16, $0xb8;
	[tilespmem:$0x1F400] =	vst v63  }
0x2f: {  	_ =	swait.ge [sflag:s14], $0x4000  }
0x30: {  	[sflag:s14] =	ssyncset.done $0x0  }
0x31: {  	s29 =	sadd.s32 $0x100, s25;
	[sflag:s14] =	ssyncadd.s32 $0xFFFFC000  }
0x32: {  	[tilespmem:s17], [sflag:$0x1] =	stream.indirect.gather [hbm4b:s4+s16], $0x80, s29, s16, $0xb8;
	[tilespmem:$0x1F400] =	vst v63  }
0x33: {  	_ =	swait.ge [sflag:s20], $0x4000  }
0x34: {  	[sflag:s20] =	ssyncset.done $0x0  }
0x35: {  	s30 =	sadd.s32 $0x1080, s24;
	[sflag:s20] =	ssyncadd.s32 $0xFFFFC000  }
0x36: {  	[spmem:s2] =	stream.indirect.scatter.add.f32 [tilespmem:s18], [sflag:$0x4], $0x80, s30, s16, $0xb8;
	[tilespmem:$0x1F400] =	vst v63  }
0x37: {  	_ =	swait.ge [sflag:s14], $0x4000  }
0x38: {  	[sflag:s14] =	ssyncset.done $0x0  }
0x39: {  	s31 =	sadd.s32 $0x180, s25;
	[sflag:s14] =	ssyncadd.s32 $0xFFFFC000  }
0x3a: {  	[tilespmem:s18], [sflag:$0x2] =	stream.indirect.gather [hbm4b:s4+s16], $0x80, s31, s16, $0xb8;
	[tilespmem:$0x1F400] =	vst v63  }
0x3b: {  	_ =	swait.ge [sflag:s19], $0x4000  }
0x3c: {  	[sflag:s19] =	ssyncset.done $0x0  }
0x3d: {  	s28 =	sadd.s32 $0x1100, s24;
	[sflag:s19] =	ssyncadd.s32 $0xFFFFC000  }
0x3e: {  	[spmem:s2] =	stream.indirect.scatter.add.f32 [tilespmem:s17], [sflag:$0x4], $0x80, s28, s16, $0xb8;
	[tilespmem:$0x1F400] =	vst v63  }
0x3f: {  	_ =	swait.ge [sflag:s14], $0x4000  }
0x40: {  	[sflag:s14] =	ssyncset.done $0x0  }
0x41: {  	s29 =	sadd.s32 $0x200, s25;
	[sflag:s14] =	ssyncadd.s32 $0xFFFFC000  }
0x42: {  	[tilespmem:s17], [sflag:$0x1] =	stream.indirect.gather [hbm4b:s4+s16], $0x80, s29, s16, $0xb8;
	[tilespmem:$0x1F400] =	vst v63  }
0x43: {  	_ =	swait.ge [sflag:s20], $0x4000  }
0x44: {  	[sflag:s20] =	ssyncset.done $0x0  }
0x45: {  	s30 =	sadd.s32 $0x1180, s24;
	[sflag:s20] =	ssyncadd.s32 $0xFFFFC000  }
0x46: {  	[spmem:s2] =	stream.indirect.scatter.add.f32 [tilespmem:s18], [sflag:$0x4], $0x80, s30, s16, $0xb8;
	[tilespmem:$0x1F400] =	vst v63  }
0x47: {  	_ =	swait.ge [sflag:s14], $0x4000  }
0x48: {  	[sflag:s14] =	ssyncset.done $0x0  }
0x49: {  	s31 =	sadd.s32 $0x280, s25;
	[sflag:s14] =	ssyncadd.s32 $0xFFFFC000  }
0x4a: {  	[tilespmem:s18], [sflag:$0x2] =	stream.indirect.gather [hbm4b:s4+s16], $0x80, s31, s16, $0xb8;
	[tilespmem:$0x1F400] =	vst v63  }
0x4b: {  	_ =	swait.ge [sflag:s19], $0x4000  }
0x4c: {  	[sflag:s19] =	ssyncset.done $0x0  }
0x4d: {  	s28 =	sadd.s32 $0x1200, s24;
	[sflag:s19] =	ssyncadd.s32 $0xFFFFC000  }
0x4e: {  	[spmem:s2] =	stream.indirect.scatter.add.f32 [tilespmem:s17], [sflag:$0x4], $0x80, s28, s16, $0xb8;
	[tilespmem:$0x1F400] =	vst v63  }
0x4f: {  	_ =	swait.ge [sflag:s14], $0x4000  }
0x50: {  	[sflag:s14] =	ssyncset.done $0x0  }
0x51: {  	s29 =	sadd.s32 $0x300, s25;
	[sflag:s14] =	ssyncadd.s32 $0xFFFFC000  }
0x52: {  	[tilespmem:s17], [sflag:$0x1] =	stream.indirect.gather [hbm4b:s4+s16], $0x80, s29, s16, $0xb8;
	[tilespmem:$0x1F400] =	vst v63  }
0x53: {  	_ =	swait.ge [sflag:s20], $0x4000  }
0x54: {  	[sflag:s20] =	ssyncset.done $0x0  }
0x55: {  	s30 =	sadd.s32 $0x1280, s24;
	[sflag:s20] =	ssyncadd.s32 $0xFFFFC000  }
0x56: {  	[spmem:s2] =	stream.indirect.scatter.add.f32 [tilespmem:s18], [sflag:$0x4], $0x80, s30, s16, $0xb8;
	[tilespmem:$0x1F400] =	vst v63  }
0x57: {  	_ =	swait.ge [sflag:s14], $0x4000  }
0x58: {  	[sflag:s14] =	ssyncset.done $0x0  }
0x59: {  	s31 =	sadd.s32 $0x380, s25;
	[sflag:s14] =	ssyncadd.s32 $0xFFFFC000  }
0x5a: {  	[tilespmem:s18], [sflag:$0x2] =	stream.indirect.gather [hbm4b:s4+s16], $0x80, s31, s16, $0xb8;
	[tilespmem:$0x1F400] =	vst v63  }
0x5b: {  	_ =	swait.ge [sflag:s19], $0x4000  }
0x5c: {  	[sflag:s19] =	ssyncset.done $0x0  }
0x5d: {  	s28 =	sadd.s32 $0x1300, s24;
	[sflag:s19] =	ssyncadd.s32 $0xFFFFC000  }
0x5e: {  	[spmem:s2] =	stream.indirect.scatter.add.f32 [tilespmem:s17], [sflag:$0x4], $0x80, s28, s16, $0xb8;
	[tilespmem:$0x1F400] =	vst v63  }
0x5f: {  	_ =	swait.ge [sflag:s14], $0x4000  }
0x60: {  	[sflag:s14] =	ssyncset.done $0x0  }
0x61: {  	s29 =	sadd.s32 $0x400, s25;
	[sflag:s14] =	ssyncadd.s32 $0xFFFFC000  }
0x62: {  	[tilespmem:s17], [sflag:$0x1] =	stream.indirect.gather [hbm4b:s4+s16], $0x80, s29, s16, $0xb8;
	[tilespmem:$0x1F400] =	vst v63  }
0x63: {  	_ =	swait.ge [sflag:s20], $0x4000  }
0x64: {  	[sflag:s20] =	ssyncset.done $0x0  }
0x65: {  	s30 =	sadd.s32 $0x1380, s24;
	[sflag:s20] =	ssyncadd.s32 $0xFFFFC000  }
0x66: {  	[spmem:s2] =	stream.indirect.scatter.add.f32 [tilespmem:s18], [sflag:$0x4], $0x80, s30, s16, $0xb8;
	[tilespmem:$0x1F400] =	vst v63  }
0x67: {  	_ =	swait.ge [sflag:s14], $0x4000  }
0x68: {  	[sflag:s14] =	ssyncset.done $0x0  }
0x69: {  	s31 =	sadd.s32 $0x480, s25;
	[sflag:s14] =	ssyncadd.s32 $0xFFFFC000  }
0x6a: {  	[tilespmem:s18], [sflag:$0x2] =	stream.indirect.gather [hbm4b:s4+s16], $0x80, s31, s16, $0xb8;
	[tilespmem:$0x1F400] =	vst v63  }
0x6b: {  	_ =	swait.ge [sflag:s19], $0x4000  }
0x6c: {  	[sflag:s19] =	ssyncset.done $0x0  }
0x6d: {  	s28 =	sadd.s32 $0x1400, s24;
	[sflag:s19] =	ssyncadd.s32 $0xFFFFC000  }
0x6e: {  	[spmem:s2] =	stream.indirect.scatter.add.f32 [tilespmem:s17], [sflag:$0x4], $0x80, s28, s16, $0xb8;
	[tilespmem:$0x1F400] =	vst v63  }
0x6f: {  	_ =	swait.ge [sflag:s14], $0x4000  }
0x70: {  	[sflag:s14] =	ssyncset.done $0x0  }
0x71: {  	s29 =	sadd.s32 $0x500, s25;
	[sflag:s14] =	ssyncadd.s32 $0xFFFFC000  }
0x72: {  	[tilespmem:s17], [sflag:$0x1] =	stream.indirect.gather [hbm4b:s4+s16], $0x80, s29, s16, $0xb8;
	[tilespmem:$0x1F400] =	vst v63  }
0x73: {  	_ =	swait.ge [sflag:s20], $0x4000  }
0x74: {  	[sflag:s20] =	ssyncset.done $0x0  }
0x75: {  	s30 =	sadd.s32 $0x1480, s24;
	[sflag:s20] =	ssyncadd.s32 $0xFFFFC000  }
0x76: {  	[spmem:s2] =	stream.indirect.scatter.add.f32 [tilespmem:s18], [sflag:$0x4], $0x80, s30, s16, $0xb8;
	[tilespmem:$0x1F400] =	vst v63  }
0x77: {  	_ =	swait.ge [sflag:s14], $0x4000  }
0x78: {  	[sflag:s14] =	ssyncset.done $0x0  }
0x79: {  	s31 =	sadd.s32 $0x580, s25;
	[sflag:s14] =	ssyncadd.s32 $0xFFFFC000  }
0x7a: {  	[tilespmem:s18], [sflag:$0x2] =	stream.indirect.gather [hbm4b:s4+s16], $0x80, s31, s16, $0xb8;
	[tilespmem:$0x1F400] =	vst v63  }
0x7b: {  	_ =	swait.ge [sflag:s19], $0x4000  }
0x7c: {  	[sflag:s19] =	ssyncset.done $0x0  }
0x7d: {  	s28 =	sadd.s32 $0x1500, s24;
	[sflag:s19] =	ssyncadd.s32 $0xFFFFC000  }
0x7e: {  	[spmem:s2] =	stream.indirect.scatter.add.f32 [tilespmem:s17], [sflag:$0x4], $0x80, s28, s16, $0xb8;
	[tilespmem:$0x1F400] =	vst v63  }
0x7f: {  	_ =	swait.ge [sflag:s14], $0x4000  }
0x80: {  	[sflag:s14] =	ssyncset.done $0x0  }
0x81: {  	s29 =	sadd.s32 $0x600, s25;
	[sflag:s14] =	ssyncadd.s32 $0xFFFFC000  }
0x82: {  	[tilespmem:s17], [sflag:$0x1] =	stream.indirect.gather [hbm4b:s4+s16], $0x80, s29, s16, $0xb8;
	[tilespmem:$0x1F400] =	vst v63  }
0x83: {  	_ =	swait.ge [sflag:s20], $0x4000  }
0x84: {  	[sflag:s20] =	ssyncset.done $0x0  }
0x85: {  	s30 =	sadd.s32 $0x1580, s24;
	[sflag:s20] =	ssyncadd.s32 $0xFFFFC000  }
0x86: {  	[spmem:s2] =	stream.indirect.scatter.add.f32 [tilespmem:s18], [sflag:$0x4], $0x80, s30, s16, $0xb8;
	[tilespmem:$0x1F400] =	vst v63  }
0x87: {  	_ =	swait.ge [sflag:s14], $0x4000  }
0x88: {  	[sflag:s14] =	ssyncset.done $0x0  }
0x89: {  	s31 =	sadd.s32 $0x680, s25;
	[sflag:s14] =	ssyncadd.s32 $0xFFFFC000  }
0x8a: {  	[tilespmem:s18], [sflag:$0x2] =	stream.indirect.gather [hbm4b:s4+s16], $0x80, s31, s16, $0xb8;
	[tilespmem:$0x1F400] =	vst v63  }
0x8b: {  	_ =	swait.ge [sflag:s19], $0x4000  }
0x8c: {  	[sflag:s19] =	ssyncset.done $0x0  }
0x8d: {  	s28 =	sadd.s32 $0x1600, s24;
	[sflag:s19] =	ssyncadd.s32 $0xFFFFC000  }
0x8e: {  	[spmem:s2] =	stream.indirect.scatter.add.f32 [tilespmem:s17], [sflag:$0x4], $0x80, s28, s16, $0xb8;
	[tilespmem:$0x1F400] =	vst v63  }
0x8f: {  	_ =	swait.ge [sflag:s14], $0x4000  }
0x90: {  	[sflag:s14] =	ssyncset.done $0x0  }
0x91: {  	s29 =	sadd.s32 $0x700, s25;
	[sflag:s14] =	ssyncadd.s32 $0xFFFFC000  }
0x92: {  	[tilespmem:s17], [sflag:$0x1] =	stream.indirect.gather [hbm4b:s4+s16], $0x80, s29, s16, $0xb8;
	[tilespmem:$0x1F400] =	vst v63  }
0x93: {  	_ =	swait.ge [sflag:s20], $0x4000  }
0x94: {  	[sflag:s20] =	ssyncset.done $0x0  }
0x95: {  	s30 =	sadd.s32 $0x1680, s24;
	[sflag:s20] =	ssyncadd.s32 $0xFFFFC000  }
0x96: {  	[spmem:s2] =	stream.indirect.scatter.add.f32 [tilespmem:s18], [sflag:$0x4], $0x80, s30, s16, $0xb8;
	[tilespmem:$0x1F400] =	vst v63  }
0x97: {  	_ =	swait.ge [sflag:s14], $0x4000  }
0x98: {  	[sflag:s14] =	ssyncset.done $0x0  }
0x99: {  	s25 =	sadd.s32 $0x780, s25;
	[sflag:s14] =	ssyncadd.s32 $0xFFFFC000  }
0x9a: {  	[tilespmem:s18], [sflag:$0x2] =	stream.indirect.gather [hbm4b:s4+s16], $0x80, s25, s16, $0xb8;
	[tilespmem:$0x1F400] =	vst v63  }
0x9b: {  	_ =	swait.ge [sflag:s19], $0x4000  }
0x9c: {  	[sflag:s19] =	ssyncset.done $0x0  }
0x9d: {  	s31 =	sadd.s32 $0x1700, s24;
	[sflag:s19] =	ssyncadd.s32 $0xFFFFC000  }
0x9e: {  	[spmem:s2] =	stream.indirect.scatter.add.f32 [tilespmem:s17], [sflag:$0x4], $0x80, s31, s16, $0xb8;
	[tilespmem:$0x1F400] =	vst v63  }
0x9f: {  	_ =	swait.ge [sflag:s14], $0x4000  }
0xa0: {  	[sflag:s14] =	ssyncset.done $0x0  }
0xa1: {  	[sflag:s14] =	ssyncadd.s32 $0xFFFFC000  }
0xa2: {  	s23 =	sadd.s32 $0x2000, s23;
	_ =	swait.ge [sflag:s20], $0x4000  }
0xa3: {  	p0 =	sne.s32 s23, $0xA000;
	[sflag:s20] =	ssyncset.done $0x0  }
.Ltmp0:
0xa4: {  	s24 =	sadd.s32 $0x1780, s24;
	[sflag:s20] =	ssyncadd.s32 $0xFFFFC000;
	(pc) =	sbr.rel @p0 .LBB2_2-.Ltmp0, $4  }
0xa5: {  	[spmem:s2] =	stream.indirect.scatter.add.f32 [tilespmem:s18], [sflag:$0x4], $0x80, s24, s16, $0xb8;
	[tilespmem:$0x1F400] =	vst v63  }
0xa6: {  	_ =	swait.ge [sflag:s14], $0x4000  }
0xa7: {  	[sflag:s14] =	ssyncset.done $0x0  }
0xa8: {  	s22 =	sadd.s32 $0x800, s22;
	[sflag:s14] =	ssyncadd.s32 $0xFFFFC000  }
0xa9: {  	s21 =	sadd.s32 $0x1, s21  }
0xaa: {  	p0 =	sne.s32 s21, s11  }
.Ltmp1:
0xab: {  	[bflag:$0x0] =	sbarrier.arrive $0xFFFF;
	(pc) =	sbr.rel @p0 .LBB2_1-.Ltmp1, $4  }
0xac: {  	[hbm:s10], [sflag:s7] =	dma.local [spmem:s13], $0x2780  }
0xad: {  	_ =	swait.ge [sflag:s14], $0x2780  }
0xae: {  	[sflag:s14] =	ssyncset.done $0x0  }
0xaf: {  	[sflag:s14] =	ssyncadd.s32 $0xFFFFD880  }
0xb0: {  	_ =	sfence.sel $0x180000  }
0xb1: {  	[bflag:$0x0] =	sbarrier.arrive $0xFFFF  }
0xb2: {  	p0 =	sne.s32 s1, $0x0;
	_ =	strace $0x90000056  }
0xb3: {  	s0 =	sadd.s32 @!p0 $0x100000, s0;
	[bflag:$0x2] =	sbarrier.arrive $0xFFFF  }
0xb4: {  	[sflag:s0] =	ssyncadd.tile.s32 @!p0 $0x1;
	_ =	shalt  }
.Lfunc_end2:
_tile_overlayer_lowered:
.L_overlay_start_2:
0xb5: {  	(tag) =	ssettag $0x2  }
0xb6: {  	s0 =	rddreg [dreg:$0x0];
	s2 =	stileid.u32  }
0xb7: {  	s1 =	rddreg [dreg:$0x1];
	p0 =	sne.s32 s2, $0x0  }
0xb8: {  	s3 =	rddreg [dreg:$0x2];
	[bflag:$0x3] =	sbarrier.arrive $0xFFFF;
	s2 =	simm.s32 @!p0 $0x1C04  }
0xb9: {  	[timem:s3], [sflag:s2] =	dma.local @!p0 [hbm:s0], s1  }
0xba: {  	s0 =	simm.s32 @!p0 $0x4  }
0xbb: {  	_ =	swait.ge @!p0 [sflag:s0], s1  }
0xbc: {  	s1 =	ssub.s32 @!p0 $0x0, s1;
	[sflag:s0] =	ssyncset.done @!p0 $0x0  }
0xbd: {  	[sflag:s0] =	ssyncadd.s32 @!p0 s1  }
0xbe: {  	[bflag:$0x3] =	sbarrier.arrive $0xFFFF  }
0xbf: {  	_ =	shalt  }

</sc_bundles>
